<compile_context>
chip_gen: v7x
topology: tpu7x:2x2x1
jax: 0.10.2.dev20260603
libtpu: 0.0.44.dev20260713+nightly
codegen_flags: <defaults>
</compile_context>

<pallas_src>
import jax
import jax.numpy as jnp
from jax import lax
from jax.experimental import pallas as pl
from jax.experimental.pallas import tpu as pltpu
from jax.experimental.pallas import tpu_sc as plsc

NN = 10000
EE = 160000
DD = 256
HH = 4
CH = 256
FF = HH * CH
GG = 64
LRS = 0.2

NCORE = 2
NSUB = 16
NPASS = 20
RROWS = 512
HALF = RROWS // 2
NPAD = NPASS * RROWS
GROW = HALF
AROWS = HALF + 8
EPT = EE // NSUB
BATCH = 64
ESEG = 2000
NSEG = EPT // ESEG
SCHUNK = ESEG // 16
MCAP = 2192
MDUMP = 2144
BR = 1000



def _attn_outputs(h, amap_ref, as_ref, ad_ref, el_ref):
    sa = jnp.dot(h, amap_ref[...], preferred_element_type=jnp.float32)
    as_ref[...] = sa[:, 0:4]
    ad_ref[...] = sa[:, 4:8]
    e = sa[:, 0:4] + sa[:, 4:8]
    el_ref[...] = jnp.exp(jnp.maximum(e, LRS * e))


def _tc_a1_body(x_ref, w_ref, amap_ref, h_ref, as_ref, ad_ref, el_ref):
    h = jnp.dot(x_ref[...], w_ref[...], preferred_element_type=jnp.float32)
    h_ref[...] = h
    _attn_outputs(h, amap_ref, as_ref, ad_ref, el_ref)


def _tc_a1(x, W, amap):
    return pl.pallas_call(
        _tc_a1_body,
        grid=(NN // BR,),
        in_specs=[
            pl.BlockSpec((BR, DD), lambda i: (i, 0)),
            pl.BlockSpec((DD, FF), lambda i: (0, 0)),
            pl.BlockSpec((FF, 8), lambda i: (0, 0)),
        ],
        out_specs=[
            pl.BlockSpec((BR, FF), lambda i: (i, 0)),
            pl.BlockSpec((BR, 4), lambda i: (i, 0)),
            pl.BlockSpec((BR, 4), lambda i: (i, 0)),
            pl.BlockSpec((BR, 4), lambda i: (i, 0)),
        ],
        out_shape=[
            jax.ShapeDtypeStruct((NN, FF), jnp.float32),
            jax.ShapeDtypeStruct((NPAD, 4), jnp.float32),
            jax.ShapeDtypeStruct((NPAD, 4), jnp.float32),
            jax.ShapeDtypeStruct((NN, 4), jnp.float32),
        ],
    )(x, W, amap)


def _combine(acc3, den8, el, h, b):
    sel = (lax.broadcasted_iota(jnp.int32, (8, 4), 0) ==
           2 * lax.broadcasted_iota(jnp.int32, (8, 4), 1))
    den4 = jnp.dot(den8, sel.astype(jnp.float32),
                   preferred_element_type=jnp.float32)
    ones128 = jnp.ones((1, 128), jnp.float32)
    outs = []
    for blk in range(8):
        hh = blk // 2
        el_h = el[:, hh:hh + 1]
        num = acc3[blk] + jnp.dot(el_h, ones128,
                                  preferred_element_type=jnp.float32) \
            * h[:, blk * 128:(blk + 1) * 128]
        dsum = den4[:, hh:hh + 1] + el_h + 1e-16
        outs.append(num / jnp.dot(dsum, ones128,
                                  preferred_element_type=jnp.float32))
    out = jnp.concatenate(outs, axis=1)
    return jnp.maximum(out + b, 0.0)


def _tc_a2_body(acc_ref, den_ref, el_ref, h_ref, b_ref, w_ref,
                amap_ref, h2_ref, as_ref, ad_ref, el2_ref):
    out1 = _combine(acc_ref[...], den_ref[...], el_ref[...], h_ref[...],
                    b_ref[...])
    h2 = jnp.dot(out1, w_ref[...], preferred_element_type=jnp.float32)
    h2_ref[...] = h2
    _attn_outputs(h2, amap_ref, as_ref, ad_ref, el2_ref)


def _tc_a2(acc3, den8, el, h, b, W, amap):
    return pl.pallas_call(
        _tc_a2_body,
        grid=(NN // BR,),
        in_specs=[
            pl.BlockSpec((8, BR, 128), lambda i: (0, i, 0)),
            pl.BlockSpec((BR, 8), lambda i: (i, 0)),
            pl.BlockSpec((BR, 4), lambda i: (i, 0)),
            pl.BlockSpec((BR, FF), lambda i: (i, 0)),
            pl.BlockSpec((1, FF), lambda i: (0, 0)),
            pl.BlockSpec((FF, FF), lambda i: (0, 0)),
            pl.BlockSpec((FF, 8), lambda i: (0, 0)),
        ],
        out_specs=[
            pl.BlockSpec((BR, FF), lambda i: (i, 0)),
            pl.BlockSpec((BR, 4), lambda i: (i, 0)),
            pl.BlockSpec((BR, 4), lambda i: (i, 0)),
            pl.BlockSpec((BR, 4), lambda i: (i, 0)),
        ],
        out_shape=[
            jax.ShapeDtypeStruct((NN, FF), jnp.float32),
            jax.ShapeDtypeStruct((NPAD, 4), jnp.float32),
            jax.ShapeDtypeStruct((NPAD, 4), jnp.float32),
            jax.ShapeDtypeStruct((NN, 4), jnp.float32),
        ],
    )(acc3, den8, el, h, b, W, amap)



def _tc_d_body(acc_ref, den_ref, el_ref, h_ref, b_ref, batch_ref,
               fc1w_ref, fc1b_ref, fc2w_ref, fc2b_ref, out_ref,
               sums_ref, cnt_ref):
    j = pl.program_id(0)
    out2 = _combine(acc_ref[...], den_ref[...], el_ref[...], h_ref[...],
                    b_ref[...])
    gids = lax.broadcasted_iota(jnp.int32, (GG, BR), 0)
    m = (gids == batch_ref[0]).astype(jnp.float32)
    psum = jnp.dot(m, out2, preferred_element_type=jnp.float32)
    pcnt = jnp.dot(m, jnp.ones((BR, 128), jnp.float32),
                   preferred_element_type=jnp.float32)

    @pl.when(j == 0)
    def _():
        sums_ref[...] = psum
        cnt_ref[...] = pcnt

    @pl.when(j > 0)
    def _():
        sums_ref[...] = sums_ref[...] + psum
        cnt_ref[...] = cnt_ref[...] + pcnt

    @pl.when(j == NN // BR - 1)
    def _():
        cnt = jnp.maximum(cnt_ref[:, 0:1], 1.0)
        cntb = jnp.dot(cnt, jnp.ones((1, FF), jnp.float32),
                       preferred_element_type=jnp.float32)
        pooled = sums_ref[...] / cntb
        z = jnp.dot(pooled, fc1w_ref[...], preferred_element_type=jnp.float32)
        z = jnp.maximum(z + fc1b_ref[...], 0.0)
        logits = jnp.dot(z, fc2w_ref[...], preferred_element_type=jnp.float32)
        logits = logits + fc2b_ref[...]
        mx = jnp.max(logits, axis=1, keepdims=True)
        s = logits - mx
        out_ref[...] = s - jnp.log(jnp.sum(jnp.exp(s), axis=1, keepdims=True))


def _tc_d(acc3, den8, el, h, b, batch3d, fc1_W, fc1_b, fc2_W, fc2_b):
    return pl.pallas_call(
        _tc_d_body,
        grid=(NN // BR,),
        in_specs=[
            pl.BlockSpec((8, BR, 128), lambda i: (0, i, 0)),
            pl.BlockSpec((BR, 8), lambda i: (i, 0)),
            pl.BlockSpec((BR, 4), lambda i: (i, 0)),
            pl.BlockSpec((BR, FF), lambda i: (i, 0)),
            pl.BlockSpec((1, FF), lambda i: (0, 0)),
            pl.BlockSpec((1, 1, BR), lambda i: (i, 0, 0)),
            pl.BlockSpec((FF, CH), lambda i: (0, 0)),
            pl.BlockSpec((1, CH), lambda i: (0, 0)),
            pl.BlockSpec((CH, 10), lambda i: (0, 0)),
            pl.BlockSpec((1, 10), lambda i: (0, 0)),
        ],
        out_specs=pl.BlockSpec((GG, 10), lambda i: (0, 0)),
        out_shape=jax.ShapeDtypeStruct((GG, 10), jnp.float32),
        scratch_shapes=[
            pltpu.VMEM((GG, FF), jnp.float32),
            pltpu.VMEM((GG, 128), jnp.float32),
        ],
    )(acc3, den8, el, h, b, batch3d, fc1_W, fc1_b, fc2_W, fc2_b)



def _sc_edge_body(src_hbm, dst_hbm, as_hbm, ad_hbm, h2d_hbm, acc_hbm, den_hbm,
                  esrc, edst, srcma, dstma, srcmb, dstmb, astab, adtab,
                  cntv, cbuf, srcs32, dsts32, srcs32b, dsts32b, eebuf,
                  rows, rowsb, acc_v, den_v,
                  wsrc_s, wdst_s, cnt_s, sem0, sem1):
    cid = lax.axis_index("c")
    sid = lax.axis_index("s")
    blk = lax.bitwise_and(sid, 7)
    par = lax.shift_right_logical(sid, 3)
    hh = lax.shift_right_logical(blk, 1)
    iota = lax.iota(jnp.int32, 16)
    zeros16 = jnp.zeros((16,), jnp.float32)
    zeros16i = jnp.zeros((16,), jnp.int32)
    grow16 = jnp.full((16,), GROW, jnp.int32)

    ebase = sid * EPT
    pltpu.sync_copy(as_hbm.at[pl.ds(0, NN * 4)], astab)

    def process_lists():
        pltpu.sync_copy(cnt_s, cbuf)

        def body_for(k, carry):
            ck = plsc.load_gather(
                cbuf, [jnp.full((16,), k * 16 + par, jnp.int32)])[0]
            lofs = (par * 16 + k) * MCAP
            ra = pltpu.async_copy(wsrc_s.at[pl.ds(lofs, MCAP)],
                                  esrc.at[pl.ds(0, MCAP)], sem0)
            rb = pltpu.async_copy(wdst_s.at[pl.ds(lofs, MCAP)],
                                  edst.at[pl.ds(0, MCAP)], sem1)
            ra.wait()
            rb.wait()

            def build(b, srcsX, dstsX):
                boff = b * BATCH
                for j in range(BATCH // 16):
                    sv = esrc[pl.ds(boff + j * 16, 16)]
                    dl = edst[pl.ds(boff + j * 16, 16)]
                    srcsX[pl.ds(j * 16, 16)] = sv * 8 + blk
                    dstsX[pl.ds(j * 16, 16)] = dl
                return None

            def compute(b, dstsX, rowsX):
                boff = b * BATCH
                for j in range(BATCH // 16):
                    sv = esrc[pl.ds(boff + j * 16, 16)]
                    dl = edst[pl.ds(boff + j * 16, 16)]
                    a = plsc.load_gather(astab, [sv * 4 + hh])
                    d = plsc.load_gather(
                        adtab, [(par * HALF + dl) * 4 + hh])
                    e = a + d
                    eebuf[pl.ds(j * 16, 16)] = jnp.exp(
                        jnp.maximum(e, LRS * e))

                def _edge(r, carry3):
                    sp = plsc.load_gather(eebuf,
                                          [jnp.full((16,), r, jnp.int32)])
                    dl = plsc.load_gather(dstsX,
                                          [jnp.full((16,), r, jnp.int32)])
                    rbase = dl * 128
                    rfull = jnp.full((16,), r, jnp.int32)
                    for c in range(8):
                        colv = c * 16 + iota
                        hv = plsc.load_gather(rowsX, [rfull, colv])
                        g = plsc.load_gather(acc_v, [rbase + colv])
                        plsc.store_scatter(acc_v, [rbase + colv],
                                           g + sp * hv)
                    dv = plsc.load_gather(den_v, [dl])
                    plsc.store_scatter(den_v, [dl], dv + sp)
                    return carry3
                lax.fori_loop(0, BATCH, _edge, 0)

            nb = (ck + BATCH - 1) // BATCH

            def _sub(b, carry2):
                build(b, srcs32, dsts32)
                pltpu.async_copy(h2d_hbm.at[srcs32], rows, sem0).wait()
                compute(b, dsts32, rows)
                return carry2
            lax.fori_loop(0, nb, _sub, 0)
            return carry
        lax.fori_loop(0, 16, body_for, 0)

    def run_pass(p):
        lo = p * RROWS

        def _zacc(j, carry):
            acc_v[pl.ds(j * 16, 16)] = zeros16
            return carry
        lax.fori_loop(0, AROWS * 8, _zacc, 0)
        for j in range(AROWS // 16 + 1):
            den_v[pl.ds(j * 16, 16)] = zeros16

        pltpu.sync_copy(ad_hbm.at[pl.ds(lo * 4, RROWS * 4)],
                        adtab.at[pl.ds(0, RROWS * 4)])

        def scan_chunk(c, cnts):
            cnta, cntb = cnts
            s16 = esrc[pl.ds(c * 16, 16)]
            d16 = edst[pl.ds(c * 16, 16)]
            dl = d16 - lo
            for half in range(2):
                msk = (dl >= half * HALF) & (dl < (half + 1) * HALF)
                cnt = cnta if half == 0 else cntb
                pref = jnp.where(msk, 1, 0)
                for k in (1, 2, 4, 8):
                    shifted = pref.at[jnp.maximum(iota - k, 0)].get(
                        mode="promise_in_bounds")
                    pref = pref + jnp.where(iota >= k, shifted, 0)
                pos = jnp.where(msk, cnt + pref - 1, MDUMP)
                if half == 0:
                    plsc.store_scatter(srcma, [pos], s16)
                    plsc.store_scatter(dstma, [pos], dl)
                    cnta = cnt + pref[15]
                else:
                    plsc.store_scatter(srcmb, [pos], s16)
                    plsc.store_scatter(dstmb, [pos], dl - HALF)
                    cntb = cnt + pref[15]
            return (cnta, cntb)

        def _segment(seg, carry):
            pltpu.sync_copy(
                src_hbm.at[pl.ds(ebase + seg * ESEG, ESEG)],
                esrc.at[pl.ds(0, ESEG)])
            pltpu.sync_copy(
                dst_hbm.at[pl.ds(ebase + seg * ESEG, ESEG)],
                edst.at[pl.ds(0, ESEG)])
            cnta, cntb = lax.fori_loop(
                0, SCHUNK, scan_chunk, (jnp.int32(0), jnp.int32(0)))
            for j in range(2 * BATCH // 16):
                srcma[pl.ds(cnta + j * 16, 16)] = zeros16i
                dstma[pl.ds(cnta + j * 16, 16)] = grow16
                srcmb[pl.ds(cntb + j * 16, 16)] = zeros16i
                dstmb[pl.ds(cntb + j * 16, 16)] = grow16
            pltpu.sync_copy(srcma, wsrc_s.at[pl.ds(sid * MCAP, MCAP)])
            pltpu.sync_copy(dstma, wdst_s.at[pl.ds(sid * MCAP, MCAP)])
            pltpu.sync_copy(srcmb,
                            wsrc_s.at[pl.ds((16 + sid) * MCAP, MCAP)])
            pltpu.sync_copy(dstmb,
                            wdst_s.at[pl.ds((16 + sid) * MCAP, MCAP)])
            cntv[...] = jnp.where(iota == 0, cnta,
                                  jnp.where(iota == 1, cntb, 0))
            pltpu.sync_copy(cntv, cnt_s.at[pl.ds(sid * 16, 16)])
            plsc.subcore_barrier()
            process_lists()
            plsc.subcore_barrier()
            return carry
        lax.fori_loop(0, NSEG, _segment, 0)

        rbase = blk * (NPAD * 128) + (lo + par * HALF) * 128
        pltpu.sync_copy(acc_v.at[pl.ds(0, HALF * 128)],
                        acc_hbm.at[pl.ds(rbase, HALF * 128)])
        pltpu.sync_copy(den_v.at[pl.ds(0, HALF)],
                        den_hbm.at[pl.ds(blk * NPAD + lo + par * HALF,
                                         HALF)])

    def _pass(p3, carry):
        run_pass(p3 * NCORE + cid)
        return carry
    lax.fori_loop(0, NPASS // NCORE, _pass, 0)


def _sc_edge(src, dst, asf, adf, h2d):
    mesh = plsc.VectorSubcoreMesh(core_axis_name="c", subcore_axis_name="s")
    return pl.kernel(
        _sc_edge_body,
        out_type=[
            jax.ShapeDtypeStruct((8 * NPAD * 128,), jnp.float32),
            jax.ShapeDtypeStruct((8 * NPAD,), jnp.float32),
        ],
        mesh=mesh,
        compiler_params=pltpu.CompilerParams(needs_layout_passes=False),
        scratch_types=[
            pltpu.VMEM((MCAP + 16,), jnp.int32),
            pltpu.VMEM((MCAP + 16,), jnp.int32),
            pltpu.VMEM((MCAP,), jnp.int32),
            pltpu.VMEM((MCAP,), jnp.int32),
            pltpu.VMEM((MCAP,), jnp.int32),
            pltpu.VMEM((MCAP,), jnp.int32),
            pltpu.VMEM((NN * 4,), jnp.float32),
            pltpu.VMEM((RROWS * 4 + 48,), jnp.float32),
            pltpu.VMEM((16,), jnp.int32),
            pltpu.VMEM((256,), jnp.int32),
            pltpu.VMEM((BATCH,), jnp.int32),
            pltpu.VMEM((BATCH,), jnp.int32),
            pltpu.VMEM((BATCH,), jnp.int32),
            pltpu.VMEM((BATCH,), jnp.int32),
            pltpu.VMEM((BATCH,), jnp.float32),
            pltpu.VMEM((BATCH, 128), jnp.float32),
            pltpu.VMEM((BATCH, 128), jnp.float32),
            pltpu.VMEM((AROWS * 128,), jnp.float32),
            pltpu.VMEM((AROWS + 8,), jnp.float32),
            pltpu.VMEM_SHARED((32 * MCAP,), jnp.int32),
            pltpu.VMEM_SHARED((32 * MCAP,), jnp.int32),
            pltpu.VMEM_SHARED((256,), jnp.int32),
            pltpu.SemaphoreType.DMA,
            pltpu.SemaphoreType.DMA,
        ],
    )(src, dst, asf, adf, h2d)



def kernel(x, edge_index, batch, W1, a_src1, a_dst1, b1, W2, a_src2, a_dst2,
           b2, fc1_W, fc1_b, fc2_W, fc2_b):
    src = edge_index[0]
    dst = edge_index[1]

    def _amap(a_src, a_dst):
        eye = jnp.eye(HH, dtype=jnp.float32)
        blk = jnp.repeat(eye, CH, axis=0)
        asrc_col = a_src.reshape(FF, 1) * blk
        adst_col = a_dst.reshape(FF, 1) * blk
        return jnp.concatenate([asrc_col, adst_col], axis=1)

    amap1 = _amap(a_src1, a_dst1)
    amap2 = _amap(a_src2, a_dst2)

    h1, as1, ad1, el1 = _tc_a1(x, W1, amap1)
    acc1, den1 = _sc_edge(src, dst, as1.reshape(NPAD * 4),
                          ad1.reshape(NPAD * 4), h1.reshape(NN * 8, 128))
    h2, as2, ad2, el2 = _tc_a2(acc1.reshape(8, NPAD, 128),
                               den1.reshape(8, NPAD).T, el1, h1,
                               b1.reshape(1, FF), W2, amap2)
    acc2, den2 = _sc_edge(src, dst, as2.reshape(NPAD * 4),
                          ad2.reshape(NPAD * 4), h2.reshape(NN * 8, 128))
    out = _tc_d(acc2.reshape(8, NPAD, 128), den2.reshape(8, NPAD).T, el2,
                h2,
                b2.reshape(1, FF), batch.reshape(NN // BR, 1, BR),
                fc1_W, fc1_b.reshape(1, CH), fc2_W, fc2_b.reshape(1, 10))
    return out

# --- scband reference (transcript-rebuilt; emitter-appended) ---
"""Pipeline reference for scband-gatclassifier-89318139887685 (READ-ONLY COPY).

The authoritative reference and input builder live on the scoring server;
editing this copy changes nothing except your own understanding.
"""

import jax, jax.numpy as jnp
import numpy as np

N = 10000
E = 160000
D = 256
H = 4
HID = 256
OUT = 10
G = 64


def setup_inputs(seed: int = 0) -> dict:
    key = jax.random.key(seed)
    ks = jax.random.split(key, 16)
    x = jax.random.normal(ks[0], (N, D), dtype=jnp.float32)
    edge_index = jax.random.randint(ks[1], (2, E), 0, N, dtype=jnp.int32)
    batch = jnp.sort(jax.random.randint(ks[2], (N,), 0, G, dtype=jnp.int32))
    s = 0.05
    W1 = jax.random.normal(ks[3], (D, H * HID), dtype=jnp.float32) * s
    a_src1 = jax.random.normal(ks[4], (H, HID), dtype=jnp.float32) * s
    a_dst1 = jax.random.normal(ks[5], (H, HID), dtype=jnp.float32) * s
    b1 = jnp.zeros((H * HID,), dtype=jnp.float32)
    W2 = jax.random.normal(ks[6], (H * HID, H * HID), dtype=jnp.float32) * s
    a_src2 = jax.random.normal(ks[7], (H, HID), dtype=jnp.float32) * s
    a_dst2 = jax.random.normal(ks[8], (H, HID), dtype=jnp.float32) * s
    b2 = jnp.zeros((H * HID,), dtype=jnp.float32)
    fc1_W = jax.random.normal(ks[9], (H * HID, HID), dtype=jnp.float32) * s
    fc1_b = jnp.zeros((HID,), dtype=jnp.float32)
    fc2_W = jax.random.normal(ks[10], (HID, OUT), dtype=jnp.float32) * s
    fc2_b = jnp.zeros((OUT,), dtype=jnp.float32)
    return {"x": x, "edge_index": edge_index, "batch": batch,
            "W1": W1, "a_src1": a_src1, "a_dst1": a_dst1, "b1": b1,
            "W2": W2, "a_src2": a_src2, "a_dst2": a_dst2, "b2": b2,
            "fc1_W": fc1_W, "fc1_b": fc1_b, "fc2_W": fc2_W, "fc2_b": fc2_b}


def _gat_conv(x, src, dst, W, a_src, a_dst, b, heads, ch, n_nodes):
    h = (x @ W).reshape(n_nodes, heads, ch)
    alpha_src = (h * a_src[None, :, :]).sum(-1)  # [N, H]
    alpha_dst = (h * a_dst[None, :, :]).sum(-1)  # [N, H]
    e = jax.nn.leaky_relu(alpha_src[src] + alpha_dst[dst], 0.2)  # [E, H]
    e_max = jax.ops.segment_max(e, dst, num_segments=n_nodes)
    ee = jnp.exp(e - e_max[dst])
    denom = jax.ops.segment_sum(ee, dst, num_segments=n_nodes)
    alpha = ee / (denom[dst] + 1e-16)
    msg = h[src] * alpha[..., None]
    out = jax.ops.segment_sum(msg, dst, num_segments=n_nodes)
    return out.reshape(n_nodes, heads * ch) + b


def reference(x, edge_index, batch, W1, a_src1, a_dst1, b1, W2, a_src2, a_dst2, b2, fc1_W, fc1_b, fc2_W, fc2_b):
    n_nodes = x.shape[0]
    loop = jnp.arange(n_nodes, dtype=edge_index.dtype)
    src = jnp.concatenate([edge_index[0], loop])
    dst = jnp.concatenate([edge_index[1], loop])
    h = _gat_conv(x, src, dst, W1, a_src1, a_dst1, b1, H, HID, n_nodes)
    h = jax.nn.relu(h)
    h = _gat_conv(h, src, dst, W2, a_src2, a_dst2, b2, H, HID, n_nodes)
    h = jax.nn.relu(h)
    sums = jax.ops.segment_sum(h, batch, num_segments=G)
    counts = jax.ops.segment_sum(jnp.ones((n_nodes, 1), dtype=h.dtype), batch, num_segments=G)
    pooled = sums / jnp.maximum(counts, 1.0)
    z = jax.nn.relu(pooled @ fc1_W + fc1_b)
    logits = z @ fc2_W + fc2_b
    return jax.nn.log_softmax(logits, axis=1)

if __name__ == "__main__":
    import jax
    _d = setup_inputs()
    print(jax.jit(kernel)(*tuple(_d.values())))

</pallas_src>

<mosaic_0001>
#map = affine_map<(d0, d1) -> (0)>
#map1 = affine_map<(d0, d1) -> (0, 0)>
module attributes {stable_mosaic.version = 14 : i64} {
  func.func @_sc_edge_body(%arg0: i32, %arg1: i32, %arg2: memref<160000xi32, #tpu.memory_space<hbm>>, %arg3: memref<160000xi32, #tpu.memory_space<hbm>>, %arg4: memref<40960xf32, #tpu.memory_space<hbm>>, %arg5: memref<40960xf32, #tpu.memory_space<hbm>>, %arg6: memref<80000x128xf32, #tpu.memory_space<hbm>>, %arg7: memref<10485760xf32, #tpu.memory_space<hbm>>, %arg8: memref<81920xf32, #tpu.memory_space<hbm>>, %arg9: memref<2208xi32, #tpu.memory_space<vmem>>, %arg10: memref<2208xi32, #tpu.memory_space<vmem>>, %arg11: memref<2192xi32, #tpu.memory_space<vmem>>, %arg12: memref<2192xi32, #tpu.memory_space<vmem>>, %arg13: memref<2192xi32, #tpu.memory_space<vmem>>, %arg14: memref<2192xi32, #tpu.memory_space<vmem>>, %arg15: memref<40000xf32, #tpu.memory_space<vmem>>, %arg16: memref<2096xf32, #tpu.memory_space<vmem>>, %arg17: memref<16xi32, #tpu.memory_space<vmem>>, %arg18: memref<256xi32, #tpu.memory_space<vmem>>, %arg19: memref<64xi32, #tpu.memory_space<vmem>>, %arg20: memref<64xi32, #tpu.memory_space<vmem>>, %arg21: memref<64xi32, #tpu.memory_space<vmem>>, %arg22: memref<64xi32, #tpu.memory_space<vmem>>, %arg23: memref<64xf32, #tpu.memory_space<vmem>>, %arg24: memref<64x128xf32, #tpu.memory_space<vmem>>, %arg25: memref<64x128xf32, #tpu.memory_space<vmem>>, %arg26: memref<33792xf32, #tpu.memory_space<vmem>>, %arg27: memref<272xf32, #tpu.memory_space<vmem>>, %arg28: memref<70144xi32, #tpu.memory_space<vmem_shared>>, %arg29: memref<70144xi32, #tpu.memory_space<vmem_shared>>, %arg30: memref<256xi32, #tpu.memory_space<vmem_shared>>, %arg31: memref<!tpu.dma_semaphore, #tpu.memory_space<semaphore_mem>>, %arg32: memref<!tpu.dma_semaphore, #tpu.memory_space<semaphore_mem>>) attributes {dimension_semantics = [#tpu.dimension_semantics<core_parallel>, #tpu.dimension_semantics<subcore_parallel>], iteration_bounds = array<i64: 2, 16>, scalar_prefetch = 0 : i64, scratch_operands = 24 : i64, tpu.core_type = #tpu.core_type<sc_vector_subcore>, window_params = [{transform_indices = #map}, {transform_indices = #map}, {transform_indices = #map}, {transform_indices = #map}, {transform_indices = #map1}, {transform_indices = #map}, {transform_indices = #map}]} {
    %and3A = arith.constant 7 : i32
    %and3A_0 = arith.andi %arg1, %and3A : i32
    %shift_right_logical3A = arith.constant 3 : i32
    %shift_right_logical3A_1 = arith.shrui %arg1, %shift_right_logical3A : i32
    %shift_right_logical3A_2 = arith.constant 1 : i32
    %shift_right_logical3A_3 = arith.shrui %and3A_0, %shift_right_logical3A_2 : i32
    %iota3A = tpu.iota {dimensions = array<i32: 0>} : vector<16xi32>
    %broadcast_in_dim3A = arith.constant 0.000000e+00 : f32
    %broadcast_in_dim3A_4 = vector.broadcast %broadcast_in_dim3A : f32 to vector<16xf32>
    %broadcast_in_dim3A_5 = arith.constant 0 : i32
    %broadcast_in_dim3A_6 = vector.broadcast %broadcast_in_dim3A_5 : i32 to vector<16xi32>
    %broadcast_in_dim3A_7 = arith.constant 256 : i32
    %broadcast_in_dim3A_8 = vector.broadcast %broadcast_in_dim3A_7 : i32 to vector<16xi32>
    %mul3A = arith.constant 10000 : i32
    %mul3A_9 = arith.muli %arg1, %mul3A : i32
    "tpu.region"() ({
      %run_scoped3A = tpu.sem_alloc : memref<!tpu.dma_semaphore, #tpu.memory_space<semaphore_mem>>
      %dma_start3A = arith.constant 0 : i32
      %dma_start3A_15 = tpu.memref_slice %arg4[%dma_start3A] : memref<40960xf32, #tpu.memory_space<hbm>> -> memref<40000xf32, #tpu.memory_space<hbm>>
      %dma_start3A_16 = arith.constant 0 : i32
      %dma_start3A_17 = tpu.memref_slice %arg4[%dma_start3A_16] : memref<40960xf32, #tpu.memory_space<hbm>> -> memref<40000xf32, #tpu.memory_space<hbm>>
      tpu.enqueue_dma source(%dma_start3A_17 : memref<40000xf32, #tpu.memory_space<hbm>>) target(%arg15 : memref<40000xf32, #tpu.memory_space<vmem>>) target_semaphore(%run_scoped3A : memref<!tpu.dma_semaphore, #tpu.memory_space<semaphore_mem>>)
      %dma_wait3A = arith.constant 0 : i32
      %dma_wait3A_18 = tpu.memref_slice %arg4[%dma_wait3A] : memref<40960xf32, #tpu.memory_space<hbm>> -> memref<40000xf32, #tpu.memory_space<hbm>>
      %dma_wait3A_19 = arith.constant 0 : i32
      %dma_wait3A_20 = tpu.memref_slice %arg4[%dma_wait3A_19] : memref<40960xf32, #tpu.memory_space<hbm>> -> memref<40000xf32, #tpu.memory_space<hbm>>
      tpu.wait_dma2 semaphore(%run_scoped3A : memref<!tpu.dma_semaphore, #tpu.memory_space<semaphore_mem>>) src(%dma_wait3A_20 : memref<40000xf32, #tpu.memory_space<hbm>>) dst(%arg15 : memref<40000xf32, #tpu.memory_space<vmem>>)
      tpu.yield
    }) : () -> ()
    %scan3A = arith.constant 0 : i32
    %scan3A_10 = arith.constant 0 : i32
    %scan3A_11 = arith.constant 10 : i32
    %scan3A_12 = arith.addi %scan3A_10, %scan3A_11 : i32
    %scan3A_13 = arith.constant 1 : i32
    scf.for %scan3A_15 = %scan3A_10 to %scan3A_12 step %scan3A_13  : i32 {
      %mul3A_16 = arith.constant 2 : i32
      %mul3A_17 = arith.muli %scan3A_15, %mul3A_16 : i32
      %add3A = arith.addi %mul3A_17, %arg0 : i32
      %mul3A_18 = arith.constant 512 : i32
      %mul3A_19 = arith.muli %add3A, %mul3A_18 : i32
      %scan3A_20 = arith.constant 0 : i32
      %scan3A_21 = arith.constant 0 : i32
      %scan3A_22 = arith.constant 2112 : i32
      %scan3A_23 = arith.addi %scan3A_21, %scan3A_22 : i32
      %scan3A_24 = arith.constant 1 : i32
      scf.for %scan3A_81 = %scan3A_21 to %scan3A_23 step %scan3A_24  : i32 {
        %mul3A_82 = arith.constant 16 : i32
        %mul3A_83 = arith.muli %scan3A_81, %mul3A_82 : i32
        %swap3A_84 = arith.index_cast %mul3A_83 : i32 to index
        %swap3A_85 = tpu.vector_load %arg26[%swap3A_84] {strides = array<i32>} : memref<33792xf32, #tpu.memory_space<vmem>>, vector<16xf32>,
        tpu.vector_store %arg26[%swap3A_84], %broadcast_in_dim3A_4 {strides = array<i32>} : memref<33792xf32, #tpu.memory_space<vmem>>, vector<16xf32>,
      }
      %scan3A_25 = arith.constant 2112 : i32
      %swap3A = arith.constant 0 : index
      %swap3A_26 = tpu.vector_load %arg27[%swap3A] {strides = array<i32>} : memref<272xf32, #tpu.memory_space<vmem>>, vector<16xf32>,
      tpu.vector_store %arg27[%swap3A], %broadcast_in_dim3A_4 {strides = array<i32>} : memref<272xf32, #tpu.memory_space<vmem>>, vector<16xf32>,
      %swap3A_27 = arith.constant 16 : index
      %swap3A_28 = tpu.vector_load %arg27[%swap3A_27] {strides = array<i32>} : memref<272xf32, #tpu.memory_space<vmem>>, vector<16xf32>,
      tpu.vector_store %arg27[%swap3A_27], %broadcast_in_dim3A_4 {strides = array<i32>} : memref<272xf32, #tpu.memory_space<vmem>>, vector<16xf32>,
      %swap3A_29 = arith.constant 32 : index
      %swap3A_30 = tpu.vector_load %arg27[%swap3A_29] {strides = array<i32>} : memref<272xf32, #tpu.memory_space<vmem>>, vector<16xf32>,
      tpu.vector_store %arg27[%swap3A_29], %broadcast_in_dim3A_4 {strides = array<i32>} : memref<272xf32, #tpu.memory_space<vmem>>, vector<16xf32>,
      %swap3A_31 = arith.constant 48 : index
      %swap3A_32 = tpu.vector_load %arg27[%swap3A_31] {strides = array<i32>} : memref<272xf32, #tpu.memory_space<vmem>>, vector<16xf32>,
      tpu.vector_store %arg27[%swap3A_31], %broadcast_in_dim3A_4 {strides = array<i32>} : memref<272xf32, #tpu.memory_space<vmem>>, vector<16xf32>,
      %swap3A_33 = arith.constant 64 : index
      %swap3A_34 = tpu.vector_load %arg27[%swap3A_33] {strides = array<i32>} : memref<272xf32, #tpu.memory_space<vmem>>, vector<16xf32>,
      tpu.vector_store %arg27[%swap3A_33], %broadcast_in_dim3A_4 {strides = array<i32>} : memref<272xf32, #tpu.memory_space<vmem>>, vector<16xf32>,
      %swap3A_35 = arith.constant 80 : index
      %swap3A_36 = tpu.vector_load %arg27[%swap3A_35] {strides = array<i32>} : memref<272xf32, #tpu.memory_space<vmem>>, vector<16xf32>,
      tpu.vector_store %arg27[%swap3A_35], %broadcast_in_dim3A_4 {strides = array<i32>} : memref<272xf32, #tpu.memory_space<vmem>>, vector<16xf32>,
      %swap3A_37 = arith.constant 96 : index
      %swap3A_38 = tpu.vector_load %arg27[%swap3A_37] {strides = array<i32>} : memref<272xf32, #tpu.memory_space<vmem>>, vector<16xf32>,
      tpu.vector_store %arg27[%swap3A_37], %broadcast_in_dim3A_4 {strides = array<i32>} : memref<272xf32, #tpu.memory_space<vmem>>, vector<16xf32>,
      %swap3A_39 = arith.constant 112 : index
      %swap3A_40 = tpu.vector_load %arg27[%swap3A_39] {strides = array<i32>} : memref<272xf32, #tpu.memory_space<vmem>>, vector<16xf32>,
      tpu.vector_store %arg27[%swap3A_39], %broadcast_in_dim3A_4 {strides = array<i32>} : memref<272xf32, #tpu.memory_space<vmem>>, vector<16xf32>,
      %swap3A_41 = arith.constant 128 : index
      %swap3A_42 = tpu.vector_load %arg27[%swap3A_41] {strides = array<i32>} : memref<272xf32, #tpu.memory_space<vmem>>, vector<16xf32>,
      tpu.vector_store %arg27[%swap3A_41], %broadcast_in_dim3A_4 {strides = array<i32>} : memref<272xf32, #tpu.memory_space<vmem>>, vector<16xf32>,
      %swap3A_43 = arith.constant 144 : index
      %swap3A_44 = tpu.vector_load %arg27[%swap3A_43] {strides = array<i32>} : memref<272xf32, #tpu.memory_space<vmem>>, vector<16xf32>,
      tpu.vector_store %arg27[%swap3A_43], %broadcast_in_dim3A_4 {strides = array<i32>} : memref<272xf32, #tpu.memory_space<vmem>>, vector<16xf32>,
      %swap3A_45 = arith.constant 160 : index
      %swap3A_46 = tpu.vector_load %arg27[%swap3A_45] {strides = array<i32>} : memref<272xf32, #tpu.memory_space<vmem>>, vector<16xf32>,
      tpu.vector_store %arg27[%swap3A_45], %broadcast_in_dim3A_4 {strides = array<i32>} : memref<272xf32, #tpu.memory_space<vmem>>, vector<16xf32>,
      %swap3A_47 = arith.constant 176 : index
      %swap3A_48 = tpu.vector_load %arg27[%swap3A_47] {strides = array<i32>} : memref<272xf32, #tpu.memory_space<vmem>>, vector<16xf32>,
      tpu.vector_store %arg27[%swap3A_47], %broadcast_in_dim3A_4 {strides = array<i32>} : memref<272xf32, #tpu.memory_space<vmem>>, vector<16xf32>,
      %swap3A_49 = arith.constant 192 : index
      %swap3A_50 = tpu.vector_load %arg27[%swap3A_49] {strides = array<i32>} : memref<272xf32, #tpu.memory_space<vmem>>, vector<16xf32>,
      tpu.vector_store %arg27[%swap3A_49], %broadcast_in_dim3A_4 {strides = array<i32>} : memref<272xf32, #tpu.memory_space<vmem>>, vector<16xf32>,
      %swap3A_51 = arith.constant 208 : index
      %swap3A_52 = tpu.vector_load %arg27[%swap3A_51] {strides = array<i32>} : memref<272xf32, #tpu.memory_space<vmem>>, vector<16xf32>,
      tpu.vector_store %arg27[%swap3A_51], %broadcast_in_dim3A_4 {strides = array<i32>} : memref<272xf32, #tpu.memory_space<vmem>>, vector<16xf32>,
      %swap3A_53 = arith.constant 224 : index
      %swap3A_54 = tpu.vector_load %arg27[%swap3A_53] {strides = array<i32>} : memref<272xf32, #tpu.memory_space<vmem>>, vector<16xf32>,
      tpu.vector_store %arg27[%swap3A_53], %broadcast_in_dim3A_4 {strides = array<i32>} : memref<272xf32, #tpu.memory_space<vmem>>, vector<16xf32>,
      %swap3A_55 = arith.constant 240 : index
      %swap3A_56 = tpu.vector_load %arg27[%swap3A_55] {strides = array<i32>} : memref<272xf32, #tpu.memory_space<vmem>>, vector<16xf32>,
      tpu.vector_store %arg27[%swap3A_55], %broadcast_in_dim3A_4 {strides = array<i32>} : memref<272xf32, #tpu.memory_space<vmem>>, vector<16xf32>,
      %swap3A_57 = arith.constant 256 : index
      %swap3A_58 = tpu.vector_load %arg27[%swap3A_57] {strides = array<i32>} : memref<272xf32, #tpu.memory_space<vmem>>, vector<16xf32>,
      tpu.vector_store %arg27[%swap3A_57], %broadcast_in_dim3A_4 {strides = array<i32>} : memref<272xf32, #tpu.memory_space<vmem>>, vector<16xf32>,
      %mul3A_59 = arith.constant 4 : i32
      %mul3A_60 = arith.muli %mul3A_19, %mul3A_59 : i32
      "tpu.region"() ({
        %run_scoped3A = tpu.sem_alloc : memref<!tpu.dma_semaphore, #tpu.memory_space<semaphore_mem>>
        %dma_start3A = arith.constant 0 : i32
        %dma_start3A_81 = tpu.memref_slice %arg16[%dma_start3A] : memref<2096xf32, #tpu.memory_space<vmem>> -> memref<2048xf32, #tpu.memory_space<vmem>>
        %dma_start3A_82 = tpu.memref_slice %arg5[%mul3A_60] : memref<40960xf32, #tpu.memory_space<hbm>> -> memref<2048xf32, #tpu.memory_space<hbm>>
        %dma_start3A_83 = arith.constant 0 : i32
        %dma_start3A_84 = tpu.memref_slice %arg16[%dma_start3A_83] : memref<2096xf32, #tpu.memory_space<vmem>> -> memref<2048xf32, #tpu.memory_space<vmem>>
        %dma_start3A_85 = tpu.memref_slice %arg5[%mul3A_60] : memref<40960xf32, #tpu.memory_space<hbm>> -> memref<2048xf32, #tpu.memory_space<hbm>>
        tpu.enqueue_dma source(%dma_start3A_85 : memref<2048xf32, #tpu.memory_space<hbm>>) target(%dma_start3A_84 : memref<2048xf32, #tpu.memory_space<vmem>>) target_semaphore(%run_scoped3A : memref<!tpu.dma_semaphore, #tpu.memory_space<semaphore_mem>>)
        %dma_wait3A = arith.constant 0 : i32
        %dma_wait3A_86 = tpu.memref_slice %arg16[%dma_wait3A] : memref<2096xf32, #tpu.memory_space<vmem>> -> memref<2048xf32, #tpu.memory_space<vmem>>
        %dma_wait3A_87 = tpu.memref_slice %arg5[%mul3A_60] : memref<40960xf32, #tpu.memory_space<hbm>> -> memref<2048xf32, #tpu.memory_space<hbm>>
        %dma_wait3A_88 = arith.constant 0 : i32
        %dma_wait3A_89 = tpu.memref_slice %arg16[%dma_wait3A_88] : memref<2096xf32, #tpu.memory_space<vmem>> -> memref<2048xf32, #tpu.memory_space<vmem>>
        %dma_wait3A_90 = tpu.memref_slice %arg5[%mul3A_60] : memref<40960xf32, #tpu.memory_space<hbm>> -> memref<2048xf32, #tpu.memory_space<hbm>>
        tpu.wait_dma2 semaphore(%run_scoped3A : memref<!tpu.dma_semaphore, #tpu.memory_space<semaphore_mem>>) src(%dma_wait3A_90 : memref<2048xf32, #tpu.memory_space<hbm>>) dst(%dma_wait3A_89 : memref<2048xf32, #tpu.memory_space<vmem>>)
        tpu.yield
      }) : () -> ()
      %scan3A_61 = arith.constant 0 : i32
      %scan3A_62 = arith.constant 0 : i32
      %scan3A_63 = arith.constant 5 : i32
      %scan3A_64 = arith.addi %scan3A_62, %scan3A_63 : i32
      %scan3A_65 = arith.constant 1 : i32
      scf.for %scan3A_81 = %scan3A_62 to %scan3A_64 step %scan3A_65  : i32 {
        %mul3A_82 = arith.constant 2000 : i32
        %mul3A_83 = arith.muli %scan3A_81, %mul3A_82 : i32
        %add3A_84 = arith.addi %mul3A_9, %mul3A_83 : i32
        "tpu.region"() ({
          %run_scoped3A = tpu.sem_alloc : memref<!tpu.dma_semaphore, #tpu.memory_space<semaphore_mem>>
          %dma_start3A = arith.constant 0 : i32
          %dma_start3A_256 = tpu.memref_slice %arg9[%dma_start3A] : memref<2208xi32, #tpu.memory_space<vmem>> -> memref<2000xi32, #tpu.memory_space<vmem>>
          %dma_start3A_257 = tpu.memref_slice %arg2[%add3A_84] : memref<160000xi32, #tpu.memory_space<hbm>> -> memref<2000xi32, #tpu.memory_space<hbm>>
          %dma_start3A_258 = arith.constant 0 : i32
          %dma_start3A_259 = tpu.memref_slice %arg9[%dma_start3A_258] : memref<2208xi32, #tpu.memory_space<vmem>> -> memref<2000xi32, #tpu.memory_space<vmem>>
          %dma_start3A_260 = tpu.memref_slice %arg2[%add3A_84] : memref<160000xi32, #tpu.memory_space<hbm>> -> memref<2000xi32, #tpu.memory_space<hbm>>
          tpu.enqueue_dma source(%dma_start3A_260 : memref<2000xi32, #tpu.memory_space<hbm>>) target(%dma_start3A_259 : memref<2000xi32, #tpu.memory_space<vmem>>) target_semaphore(%run_scoped3A : memref<!tpu.dma_semaphore, #tpu.memory_space<semaphore_mem>>)
          %dma_wait3A = arith.constant 0 : i32
          %dma_wait3A_261 = tpu.memref_slice %arg9[%dma_wait3A] : memref<2208xi32, #tpu.memory_space<vmem>> -> memref<2000xi32, #tpu.memory_space<vmem>>
          %dma_wait3A_262 = tpu.memref_slice %arg2[%add3A_84] : memref<160000xi32, #tpu.memory_space<hbm>> -> memref<2000xi32, #tpu.memory_space<hbm>>
          %dma_wait3A_263 = arith.constant 0 : i32
          %dma_wait3A_264 = tpu.memref_slice %arg9[%dma_wait3A_263] : memref<2208xi32, #tpu.memory_space<vmem>> -> memref<2000xi32, #tpu.memory_space<vmem>>
          %dma_wait3A_265 = tpu.memref_slice %arg2[%add3A_84] : memref<160000xi32, #tpu.memory_space<hbm>> -> memref<2000xi32, #tpu.memory_space<hbm>>
          tpu.wait_dma2 semaphore(%run_scoped3A : memref<!tpu.dma_semaphore, #tpu.memory_space<semaphore_mem>>) src(%dma_wait3A_265 : memref<2000xi32, #tpu.memory_space<hbm>>) dst(%dma_wait3A_264 : memref<2000xi32, #tpu.memory_space<vmem>>)
          tpu.yield
        }) : () -> ()
        %mul3A_85 = arith.constant 2000 : i32
        %mul3A_86 = arith.muli %scan3A_81, %mul3A_85 : i32
        %add3A_87 = arith.addi %mul3A_9, %mul3A_86 : i32
        "tpu.region"() ({
          %run_scoped3A = tpu.sem_alloc : memref<!tpu.dma_semaphore, #tpu.memory_space<semaphore_mem>>
          %dma_start3A = arith.constant 0 : i32
          %dma_start3A_256 = tpu.memref_slice %arg10[%dma_start3A] : memref<2208xi32, #tpu.memory_space<vmem>> -> memref<2000xi32, #tpu.memory_space<vmem>>
          %dma_start3A_257 = tpu.memref_slice %arg3[%add3A_87] : memref<160000xi32, #tpu.memory_space<hbm>> -> memref<2000xi32, #tpu.memory_space<hbm>>
          %dma_start3A_258 = arith.constant 0 : i32
          %dma_start3A_259 = tpu.memref_slice %arg10[%dma_start3A_258] : memref<2208xi32, #tpu.memory_space<vmem>> -> memref<2000xi32, #tpu.memory_space<vmem>>
          %dma_start3A_260 = tpu.memref_slice %arg3[%add3A_87] : memref<160000xi32, #tpu.memory_space<hbm>> -> memref<2000xi32, #tpu.memory_space<hbm>>
          tpu.enqueue_dma source(%dma_start3A_260 : memref<2000xi32, #tpu.memory_space<hbm>>) target(%dma_start3A_259 : memref<2000xi32, #tpu.memory_space<vmem>>) target_semaphore(%run_scoped3A : memref<!tpu.dma_semaphore, #tpu.memory_space<semaphore_mem>>)
          %dma_wait3A = arith.constant 0 : i32
          %dma_wait3A_261 = tpu.memref_slice %arg10[%dma_wait3A] : memref<2208xi32, #tpu.memory_space<vmem>> -> memref<2000xi32, #tpu.memory_space<vmem>>
          %dma_wait3A_262 = tpu.memref_slice %arg3[%add3A_87] : memref<160000xi32, #tpu.memory_space<hbm>> -> memref<2000xi32, #tpu.memory_space<hbm>>
          %dma_wait3A_263 = arith.constant 0 : i32
          %dma_wait3A_264 = tpu.memref_slice %arg10[%dma_wait3A_263] : memref<2208xi32, #tpu.memory_space<vmem>> -> memref<2000xi32, #tpu.memory_space<vmem>>
          %dma_wait3A_265 = tpu.memref_slice %arg3[%add3A_87] : memref<160000xi32, #tpu.memory_space<hbm>> -> memref<2000xi32, #tpu.memory_space<hbm>>
          tpu.wait_dma2 semaphore(%run_scoped3A : memref<!tpu.dma_semaphore, #tpu.memory_space<semaphore_mem>>) src(%dma_wait3A_265 : memref<2000xi32, #tpu.memory_space<hbm>>) dst(%dma_wait3A_264 : memref<2000xi32, #tpu.memory_space<vmem>>)
          tpu.yield
        }) : () -> ()
        %scan3A_88 = arith.constant 0 : i32
        %scan3A_89 = arith.constant 0 : i32
        %scan3A_90 = arith.constant 0 : i32
        %scan3A_91 = arith.constant 125 : i32
        %scan3A_92 = arith.addi %scan3A_90, %scan3A_91 : i32
        %scan3A_93 = arith.constant 1 : i32
        %scan3A_94:2 = scf.for %scan3A_256 = %scan3A_90 to %scan3A_92 step %scan3A_93 iter_args(%scan3A_257 = %scan3A_88, %scan3A_258 = %scan3A_89) -> (i32, i32)  : i32 {
          %mul3A_259 = arith.constant 16 : i32
          %mul3A_260 = arith.muli %scan3A_256, %mul3A_259 : i32
          %get3A = arith.index_cast %mul3A_260 : i32 to index
          %get3A_261 = tpu.vector_load %arg9[%get3A] {strides = array<i32>} : memref<2208xi32, #tpu.memory_space<vmem>>, vector<16xi32>,
          %mul3A_262 = arith.constant 16 : i32
          %mul3A_263 = arith.muli %scan3A_256, %mul3A_262 : i32
          %get3A_264 = arith.index_cast %mul3A_263 : i32 to index
          %get3A_265 = tpu.vector_load %arg10[%get3A_264] {strides = array<i32>} : memref<2208xi32, #tpu.memory_space<vmem>>, vector<16xi32>,
          %sub3A = vector.broadcast %mul3A_19 : i32 to vector<16xi32>
          %sub3A_266 = arith.subi %get3A_265, %sub3A : vector<16xi32>
          %ge3A = arith.constant 0 : i32
          %ge3A_267 = vector.broadcast %ge3A : i32 to vector<16xi32>
          %ge3A_268 = arith.cmpi sge, %sub3A_266, %ge3A_267 : vector<16xi32>
          %lt3A = arith.constant 256 : i32
          %lt3A_269 = vector.broadcast %lt3A : i32 to vector<16xi32>
          %lt3A_270 = arith.cmpi slt, %sub3A_266, %lt3A_269 : vector<16xi32>
          %and3A_271 = arith.andi %ge3A_268, %lt3A_270 : vector<16xi1>
          %jit3A_272 = arith.constant 1 : i32
          %jit3A_273 = arith.constant 0 : i32
          %broadcast_in_dim3A_274 = vector.broadcast %jit3A_272 : i32 to vector<16xi32>
          %broadcast_in_dim3A_275 = vector.broadcast %jit3A_273 : i32 to vector<16xi32>
          %select_n3A_276 = arith.select %and3A_271, %broadcast_in_dim3A_274, %broadcast_in_dim3A_275 : vector<16xi1>, vector<16xi32>
          %sub3A_277 = arith.constant 1 : i32
          %sub3A_278 = vector.broadcast %sub3A_277 : i32 to vector<16xi32>
          %sub3A_279 = arith.subi %iota3A, %sub3A_278 : vector<16xi32>
          %max3A = arith.constant 0 : i32
          %max3A_280 = vector.broadcast %max3A : i32 to vector<16xi32>
          %max3A_281 = arith.maxsi %sub3A_279, %max3A_280 : vector<16xi32>
          %lt3A_282 = arith.constant 0 : i32
          %lt3A_283 = vector.broadcast %lt3A_282 : i32 to vector<16xi32>
          %lt3A_284 = arith.cmpi slt, %max3A_281, %lt3A_283 : vector<16xi32>
          %add3A_285 = arith.constant 16 : i32
          %add3A_286 = vector.broadcast %add3A_285 : i32 to vector<16xi32>
          %add3A_287 = arith.addi %max3A_281, %add3A_286 : vector<16xi32>
          %select_n3A_288 = arith.select %lt3A_284, %add3A_287, %max3A_281 : vector<16xi1>, vector<16xi32>
          %broadcast_in_dim3A_289 = vector.shape_cast %select_n3A_288 : vector<16xi32> to vector<16x1xi32>
          %gather3A = vector.shape_cast %broadcast_in_dim3A_289 : vector<16x1xi32> to vector<16xi32>
          %gather3A_290 = tpu.dynamic_gather %select_n3A_276[%gather3A] in [0] : vector<16xi32>, vector<16xi32> -> vector<16xi32>
          %ge3A_291 = arith.constant 1 : i32
          %ge3A_292 = vector.broadcast %ge3A_291 : i32 to vector<16xi32>
          %ge3A_293 = arith.cmpi sge, %iota3A, %ge3A_292 : vector<16xi32>
          %jit3A_294 = arith.constant 0 : i32
          %broadcast_in_dim3A_295 = vector.broadcast %jit3A_294 : i32 to vector<16xi32>
          %select_n3A_296 = arith.select %ge3A_293, %gather3A_290, %broadcast_in_dim3A_295 : vector<16xi1>, vector<16xi32>
          %add3A_297 = arith.addi %select_n3A_276, %select_n3A_296 : vector<16xi32>
          %sub3A_298 = arith.constant 2 : i32
          %sub3A_299 = vector.broadcast %sub3A_298 : i32 to vector<16xi32>
          %sub3A_300 = arith.subi %iota3A, %sub3A_299 : vector<16xi32>
          %max3A_301 = arith.constant 0 : i32
          %max3A_302 = vector.broadcast %max3A_301 : i32 to vector<16xi32>
          %max3A_303 = arith.maxsi %sub3A_300, %max3A_302 : vector<16xi32>
          %lt3A_304 = arith.constant 0 : i32
          %lt3A_305 = vector.broadcast %lt3A_304 : i32 to vector<16xi32>
          %lt3A_306 = arith.cmpi slt, %max3A_303, %lt3A_305 : vector<16xi32>
          %add3A_307 = arith.constant 16 : i32
          %add3A_308 = vector.broadcast %add3A_307 : i32 to vector<16xi32>
          %add3A_309 = arith.addi %max3A_303, %add3A_308 : vector<16xi32>
          %select_n3A_310 = arith.select %lt3A_306, %add3A_309, %max3A_303 : vector<16xi1>, vector<16xi32>
          %broadcast_in_dim3A_311 = vector.shape_cast %select_n3A_310 : vector<16xi32> to vector<16x1xi32>
          %gather3A_312 = vector.shape_cast %broadcast_in_dim3A_311 : vector<16x1xi32> to vector<16xi32>
          %gather3A_313 = tpu.dynamic_gather %add3A_297[%gather3A_312] in [0] : vector<16xi32>, vector<16xi32> -> vector<16xi32>
          %ge3A_314 = arith.constant 2 : i32
          %ge3A_315 = vector.broadcast %ge3A_314 : i32 to vector<16xi32>
          %ge3A_316 = arith.cmpi sge, %iota3A, %ge3A_315 : vector<16xi32>
          %jit3A_317 = arith.constant 0 : i32
          %broadcast_in_dim3A_318 = vector.broadcast %jit3A_317 : i32 to vector<16xi32>
          %select_n3A_319 = arith.select %ge3A_316, %gather3A_313, %broadcast_in_dim3A_318 : vector<16xi1>, vector<16xi32>
          %add3A_320 = arith.addi %add3A_297, %select_n3A_319 : vector<16xi32>
          %sub3A_321 = arith.constant 4 : i32
          %sub3A_322 = vector.broadcast %sub3A_321 : i32 to vector<16xi32>
          %sub3A_323 = arith.subi %iota3A, %sub3A_322 : vector<16xi32>
          %max3A_324 = arith.constant 0 : i32
          %max3A_325 = vector.broadcast %max3A_324 : i32 to vector<16xi32>
          %max3A_326 = arith.maxsi %sub3A_323, %max3A_325 : vector<16xi32>
          %lt3A_327 = arith.constant 0 : i32
          %lt3A_328 = vector.broadcast %lt3A_327 : i32 to vector<16xi32>
          %lt3A_329 = arith.cmpi slt, %max3A_326, %lt3A_328 : vector<16xi32>
          %add3A_330 = arith.constant 16 : i32
          %add3A_331 = vector.broadcast %add3A_330 : i32 to vector<16xi32>
          %add3A_332 = arith.addi %max3A_326, %add3A_331 : vector<16xi32>
          %select_n3A_333 = arith.select %lt3A_329, %add3A_332, %max3A_326 : vector<16xi1>, vector<16xi32>
          %broadcast_in_dim3A_334 = vector.shape_cast %select_n3A_333 : vector<16xi32> to vector<16x1xi32>
          %gather3A_335 = vector.shape_cast %broadcast_in_dim3A_334 : vector<16x1xi32> to vector<16xi32>
          %gather3A_336 = tpu.dynamic_gather %add3A_320[%gather3A_335] in [0] : vector<16xi32>, vector<16xi32> -> vector<16xi32>
          %ge3A_337 = arith.constant 4 : i32
          %ge3A_338 = vector.broadcast %ge3A_337 : i32 to vector<16xi32>
          %ge3A_339 = arith.cmpi sge, %iota3A, %ge3A_338 : vector<16xi32>
          %jit3A_340 = arith.constant 0 : i32
          %broadcast_in_dim3A_341 = vector.broadcast %jit3A_340 : i32 to vector<16xi32>
          %select_n3A_342 = arith.select %ge3A_339, %gather3A_336, %broadcast_in_dim3A_341 : vector<16xi1>, vector<16xi32>
          %add3A_343 = arith.addi %add3A_320, %select_n3A_342 : vector<16xi32>
          %sub3A_344 = arith.constant 8 : i32
          %sub3A_345 = vector.broadcast %sub3A_344 : i32 to vector<16xi32>
          %sub3A_346 = arith.subi %iota3A, %sub3A_345 : vector<16xi32>
          %max3A_347 = arith.constant 0 : i32
          %max3A_348 = vector.broadcast %max3A_347 : i32 to vector<16xi32>
          %max3A_349 = arith.maxsi %sub3A_346, %max3A_348 : vector<16xi32>
          %lt3A_350 = arith.constant 0 : i32
          %lt3A_351 = vector.broadcast %lt3A_350 : i32 to vector<16xi32>
          %lt3A_352 = arith.cmpi slt, %max3A_349, %lt3A_351 : vector<16xi32>
          %add3A_353 = arith.constant 16 : i32
          %add3A_354 = vector.broadcast %add3A_353 : i32 to vector<16xi32>
          %add3A_355 = arith.addi %max3A_349, %add3A_354 : vector<16xi32>
          %select_n3A_356 = arith.select %lt3A_352, %add3A_355, %max3A_349 : vector<16xi1>, vector<16xi32>
          %broadcast_in_dim3A_357 = vector.shape_cast %select_n3A_356 : vector<16xi32> to vector<16x1xi32>
          %gather3A_358 = vector.shape_cast %broadcast_in_dim3A_357 : vector<16x1xi32> to vector<16xi32>
          %gather3A_359 = tpu.dynamic_gather %add3A_343[%gather3A_358] in [0] : vector<16xi32>, vector<16xi32> -> vector<16xi32>
          %ge3A_360 = arith.constant 8 : i32
          %ge3A_361 = vector.broadcast %ge3A_360 : i32 to vector<16xi32>
          %ge3A_362 = arith.cmpi sge, %iota3A, %ge3A_361 : vector<16xi32>
          %jit3A_363 = arith.constant 0 : i32
          %broadcast_in_dim3A_364 = vector.broadcast %jit3A_363 : i32 to vector<16xi32>
          %select_n3A_365 = arith.select %ge3A_362, %gather3A_359, %broadcast_in_dim3A_364 : vector<16xi1>, vector<16xi32>
          %add3A_366 = arith.addi %add3A_343, %select_n3A_365 : vector<16xi32>
          %add3A_367 = vector.broadcast %scan3A_257 : i32 to vector<16xi32>
          %add3A_368 = arith.addi %add3A_367, %add3A_366 : vector<16xi32>
          %sub3A_369 = arith.constant 1 : i32
          %sub3A_370 = vector.broadcast %sub3A_369 : i32 to vector<16xi32>
          %sub3A_371 = arith.subi %add3A_368, %sub3A_370 : vector<16xi32>
          %jit3A_372 = arith.constant 2144 : i32
          %broadcast_in_dim3A_373 = vector.broadcast %jit3A_372 : i32 to vector<16xi32>
          %select_n3A_374 = arith.select %and3A_271, %sub3A_371, %broadcast_in_dim3A_373 : vector<16xi1>, vector<16xi32>
          tpu.vector_store_idx %arg11[%select_n3A_374], %get3A_261 : memref<2192xi32, #tpu.memory_space<vmem>>[vector<16xi32>], vector<16xi32>,
          tpu.vector_store_idx %arg12[%select_n3A_374], %sub3A_266 : memref<2192xi32, #tpu.memory_space<vmem>>[vector<16xi32>], vector<16xi32>,
          %slice3A = vector.extract_strided_slice %add3A_366 {offsets = [15], sizes = [1], strides = [1]} : vector<16xi32> to vector<1xi32>
          %squeeze3A = vector.extract %slice3A[0] : i32 from vector<1xi32>
          %add3A_375 = arith.addi %scan3A_257, %squeeze3A : i32
          %ge3A_376 = arith.constant 256 : i32
          %ge3A_377 = vector.broadcast %ge3A_376 : i32 to vector<16xi32>
          %ge3A_378 = arith.cmpi sge, %sub3A_266, %ge3A_377 : vector<16xi32>
          %lt3A_379 = arith.constant 512 : i32
          %lt3A_380 = vector.broadcast %lt3A_379 : i32 to vector<16xi32>
          %lt3A_381 = arith.cmpi slt, %sub3A_266, %lt3A_380 : vector<16xi32>
          %and3A_382 = arith.andi %ge3A_378, %lt3A_381 : vector<16xi1>
          %jit3A_383 = arith.constant 1 : i32
          %jit3A_384 = arith.constant 0 : i32
          %broadcast_in_dim3A_385 = vector.broadcast %jit3A_383 : i32 to vector<16xi32>
          %broadcast_in_dim3A_386 = vector.broadcast %jit3A_384 : i32 to vector<16xi32>
          %select_n3A_387 = arith.select %and3A_382, %broadcast_in_dim3A_385, %broadcast_in_dim3A_386 : vector<16xi1>, vector<16xi32>
          %sub3A_388 = arith.constant 1 : i32
          %sub3A_389 = vector.broadcast %sub3A_388 : i32 to vector<16xi32>
          %sub3A_390 = arith.subi %iota3A, %sub3A_389 : vector<16xi32>
          %max3A_391 = arith.constant 0 : i32
          %max3A_392 = vector.broadcast %max3A_391 : i32 to vector<16xi32>
          %max3A_393 = arith.maxsi %sub3A_390, %max3A_392 : vector<16xi32>
          %lt3A_394 = arith.constant 0 : i32
          %lt3A_395 = vector.broadcast %lt3A_394 : i32 to vector<16xi32>
          %lt3A_396 = arith.cmpi slt, %max3A_393, %lt3A_395 : vector<16xi32>
          %add3A_397 = arith.constant 16 : i32
          %add3A_398 = vector.broadcast %add3A_397 : i32 to vector<16xi32>
          %add3A_399 = arith.addi %max3A_393, %add3A_398 : vector<16xi32>
          %select_n3A_400 = arith.select %lt3A_396, %add3A_399, %max3A_393 : vector<16xi1>, vector<16xi32>
          %broadcast_in_dim3A_401 = vector.shape_cast %select_n3A_400 : vector<16xi32> to vector<16x1xi32>
          %gather3A_402 = vector.shape_cast %broadcast_in_dim3A_401 : vector<16x1xi32> to vector<16xi32>
          %gather3A_403 = tpu.dynamic_gather %select_n3A_387[%gather3A_402] in [0] : vector<16xi32>, vector<16xi32> -> vector<16xi32>
          %ge3A_404 = arith.constant 1 : i32
          %ge3A_405 = vector.broadcast %ge3A_404 : i32 to vector<16xi32>
          %ge3A_406 = arith.cmpi sge, %iota3A, %ge3A_405 : vector<16xi32>
          %jit3A_407 = arith.constant 0 : i32
          %broadcast_in_dim3A_408 = vector.broadcast %jit3A_407 : i32 to vector<16xi32>
          %select_n3A_409 = arith.select %ge3A_406, %gather3A_403, %broadcast_in_dim3A_408 : vector<16xi1>, vector<16xi32>
          %add3A_410 = arith.addi %select_n3A_387, %select_n3A_409 : vector<16xi32>
          %sub3A_411 = arith.constant 2 : i32
          %sub3A_412 = vector.broadcast %sub3A_411 : i32 to vector<16xi32>
          %sub3A_413 = arith.subi %iota3A, %sub3A_412 : vector<16xi32>
          %max3A_414 = arith.constant 0 : i32
          %max3A_415 = vector.broadcast %max3A_414 : i32 to vector<16xi32>
          %max3A_416 = arith.maxsi %sub3A_413, %max3A_415 : vector<16xi32>
          %lt3A_417 = arith.constant 0 : i32
          %lt3A_418 = vector.broadcast %lt3A_417 : i32 to vector<16xi32>
          %lt3A_419 = arith.cmpi slt, %max3A_416, %lt3A_418 : vector<16xi32>
          %add3A_420 = arith.constant 16 : i32
          %add3A_421 = vector.broadcast %add3A_420 : i32 to vector<16xi32>
          %add3A_422 = arith.addi %max3A_416, %add3A_421 : vector<16xi32>
          %select_n3A_423 = arith.select %lt3A_419, %add3A_422, %max3A_416 : vector<16xi1>, vector<16xi32>
          %broadcast_in_dim3A_424 = vector.shape_cast %select_n3A_423 : vector<16xi32> to vector<16x1xi32>
          %gather3A_425 = vector.shape_cast %broadcast_in_dim3A_424 : vector<16x1xi32> to vector<16xi32>
          %gather3A_426 = tpu.dynamic_gather %add3A_410[%gather3A_425] in [0] : vector<16xi32>, vector<16xi32> -> vector<16xi32>
          %ge3A_427 = arith.constant 2 : i32
          %ge3A_428 = vector.broadcast %ge3A_427 : i32 to vector<16xi32>
          %ge3A_429 = arith.cmpi sge, %iota3A, %ge3A_428 : vector<16xi32>
          %jit3A_430 = arith.constant 0 : i32
          %broadcast_in_dim3A_431 = vector.broadcast %jit3A_430 : i32 to vector<16xi32>
          %select_n3A_432 = arith.select %ge3A_429, %gather3A_426, %broadcast_in_dim3A_431 : vector<16xi1>, vector<16xi32>
          %add3A_433 = arith.addi %add3A_410, %select_n3A_432 : vector<16xi32>
          %sub3A_434 = arith.constant 4 : i32
          %sub3A_435 = vector.broadcast %sub3A_434 : i32 to vector<16xi32>
          %sub3A_436 = arith.subi %iota3A, %sub3A_435 : vector<16xi32>
          %max3A_437 = arith.constant 0 : i32
          %max3A_438 = vector.broadcast %max3A_437 : i32 to vector<16xi32>
          %max3A_439 = arith.maxsi %sub3A_436, %max3A_438 : vector<16xi32>
          %lt3A_440 = arith.constant 0 : i32
          %lt3A_441 = vector.broadcast %lt3A_440 : i32 to vector<16xi32>
          %lt3A_442 = arith.cmpi slt, %max3A_439, %lt3A_441 : vector<16xi32>
          %add3A_443 = arith.constant 16 : i32
          %add3A_444 = vector.broadcast %add3A_443 : i32 to vector<16xi32>
          %add3A_445 = arith.addi %max3A_439, %add3A_444 : vector<16xi32>
          %select_n3A_446 = arith.select %lt3A_442, %add3A_445, %max3A_439 : vector<16xi1>, vector<16xi32>
          %broadcast_in_dim3A_447 = vector.shape_cast %select_n3A_446 : vector<16xi32> to vector<16x1xi32>
          %gather3A_448 = vector.shape_cast %broadcast_in_dim3A_447 : vector<16x1xi32> to vector<16xi32>
          %gather3A_449 = tpu.dynamic_gather %add3A_433[%gather3A_448] in [0] : vector<16xi32>, vector<16xi32> -> vector<16xi32>
          %ge3A_450 = arith.constant 4 : i32
          %ge3A_451 = vector.broadcast %ge3A_450 : i32 to vector<16xi32>
          %ge3A_452 = arith.cmpi sge, %iota3A, %ge3A_451 : vector<16xi32>
          %jit3A_453 = arith.constant 0 : i32
          %broadcast_in_dim3A_454 = vector.broadcast %jit3A_453 : i32 to vector<16xi32>
          %select_n3A_455 = arith.select %ge3A_452, %gather3A_449, %broadcast_in_dim3A_454 : vector<16xi1>, vector<16xi32>
          %add3A_456 = arith.addi %add3A_433, %select_n3A_455 : vector<16xi32>
          %sub3A_457 = arith.constant 8 : i32
          %sub3A_458 = vector.broadcast %sub3A_457 : i32 to vector<16xi32>
          %sub3A_459 = arith.subi %iota3A, %sub3A_458 : vector<16xi32>
          %max3A_460 = arith.constant 0 : i32
          %max3A_461 = vector.broadcast %max3A_460 : i32 to vector<16xi32>
          %max3A_462 = arith.maxsi %sub3A_459, %max3A_461 : vector<16xi32>
          %lt3A_463 = arith.constant 0 : i32
          %lt3A_464 = vector.broadcast %lt3A_463 : i32 to vector<16xi32>
          %lt3A_465 = arith.cmpi slt, %max3A_462, %lt3A_464 : vector<16xi32>
          %add3A_466 = arith.constant 16 : i32
          %add3A_467 = vector.broadcast %add3A_466 : i32 to vector<16xi32>
          %add3A_468 = arith.addi %max3A_462, %add3A_467 : vector<16xi32>
          %select_n3A_469 = arith.select %lt3A_465, %add3A_468, %max3A_462 : vector<16xi1>, vector<16xi32>
          %broadcast_in_dim3A_470 = vector.shape_cast %select_n3A_469 : vector<16xi32> to vector<16x1xi32>
          %gather3A_471 = vector.shape_cast %broadcast_in_dim3A_470 : vector<16x1xi32> to vector<16xi32>
          %gather3A_472 = tpu.dynamic_gather %add3A_456[%gather3A_471] in [0] : vector<16xi32>, vector<16xi32> -> vector<16xi32>
          %ge3A_473 = arith.constant 8 : i32
          %ge3A_474 = vector.broadcast %ge3A_473 : i32 to vector<16xi32>
          %ge3A_475 = arith.cmpi sge, %iota3A, %ge3A_474 : vector<16xi32>
          %jit3A_476 = arith.constant 0 : i32
          %broadcast_in_dim3A_477 = vector.broadcast %jit3A_476 : i32 to vector<16xi32>
          %select_n3A_478 = arith.select %ge3A_475, %gather3A_472, %broadcast_in_dim3A_477 : vector<16xi1>, vector<16xi32>
          %add3A_479 = arith.addi %add3A_456, %select_n3A_478 : vector<16xi32>
          %add3A_480 = vector.broadcast %scan3A_258 : i32 to vector<16xi32>
          %add3A_481 = arith.addi %add3A_480, %add3A_479 : vector<16xi32>
          %sub3A_482 = arith.constant 1 : i32
          %sub3A_483 = vector.broadcast %sub3A_482 : i32 to vector<16xi32>
          %sub3A_484 = arith.subi %add3A_481, %sub3A_483 : vector<16xi32>
          %jit3A_485 = arith.constant 2144 : i32
          %broadcast_in_dim3A_486 = vector.broadcast %jit3A_485 : i32 to vector<16xi32>
          %select_n3A_487 = arith.select %and3A_382, %sub3A_484, %broadcast_in_dim3A_486 : vector<16xi1>, vector<16xi32>
          tpu.vector_store_idx %arg13[%select_n3A_487], %get3A_261 : memref<2192xi32, #tpu.memory_space<vmem>>[vector<16xi32>], vector<16xi32>,
          %sub3A_488 = arith.constant 256 : i32
          %sub3A_489 = vector.broadcast %sub3A_488 : i32 to vector<16xi32>
          %sub3A_490 = arith.subi %sub3A_266, %sub3A_489 : vector<16xi32>
          tpu.vector_store_idx %arg14[%select_n3A_487], %sub3A_490 : memref<2192xi32, #tpu.memory_space<vmem>>[vector<16xi32>], vector<16xi32>,
          %slice3A_491 = vector.extract_strided_slice %add3A_479 {offsets = [15], sizes = [1], strides = [1]} : vector<16xi32> to vector<1xi32>
          %squeeze3A_492 = vector.extract %slice3A_491[0] : i32 from vector<1xi32>
          %add3A_493 = arith.addi %scan3A_258, %squeeze3A_492 : i32
          scf.yield %add3A_375, %add3A_493 : i32, i32
        }
        %scan3A_95 = arith.constant 125 : i32
        %add3A_96 = arith.constant 0 : i32
        %add3A_97 = arith.addi %scan3A_94#0, %add3A_96 : i32
        %swap3A_98 = arith.index_cast %add3A_97 : i32 to index
        %swap3A_99 = tpu.vector_load %arg11[%swap3A_98] {strides = array<i32>} : memref<2192xi32, #tpu.memory_space<vmem>>, vector<16xi32>,
        tpu.vector_store %arg11[%swap3A_98], %broadcast_in_dim3A_6 {strides = array<i32>} : memref<2192xi32, #tpu.memory_space<vmem>>, vector<16xi32>,
        %add3A_100 = arith.constant 0 : i32
        %add3A_101 = arith.addi %scan3A_94#0, %add3A_100 : i32
        %swap3A_102 = arith.index_cast %add3A_101 : i32 to index
        %swap3A_103 = tpu.vector_load %arg12[%swap3A_102] {strides = array<i32>} : memref<2192xi32, #tpu.memory_space<vmem>>, vector<16xi32>,
        tpu.vector_store %arg12[%swap3A_102], %broadcast_in_dim3A_8 {strides = array<i32>} : memref<2192xi32, #tpu.memory_space<vmem>>, vector<16xi32>,
        %add3A_104 = arith.constant 0 : i32
        %add3A_105 = arith.addi %scan3A_94#1, %add3A_104 : i32
        %swap3A_106 = arith.index_cast %add3A_105 : i32 to index
        %swap3A_107 = tpu.vector_load %arg13[%swap3A_106] {strides = array<i32>} : memref<2192xi32, #tpu.memory_space<vmem>>, vector<16xi32>,
        tpu.vector_store %arg13[%swap3A_106], %broadcast_in_dim3A_6 {strides = array<i32>} : memref<2192xi32, #tpu.memory_space<vmem>>, vector<16xi32>,
        %add3A_108 = arith.constant 0 : i32
        %add3A_109 = arith.addi %scan3A_94#1, %add3A_108 : i32
        %swap3A_110 = arith.index_cast %add3A_109 : i32 to index
        %swap3A_111 = tpu.vector_load %arg14[%swap3A_110] {strides = array<i32>} : memref<2192xi32, #tpu.memory_space<vmem>>, vector<16xi32>,
        tpu.vector_store %arg14[%swap3A_110], %broadcast_in_dim3A_8 {strides = array<i32>} : memref<2192xi32, #tpu.memory_space<vmem>>, vector<16xi32>,
        %add3A_112 = arith.constant 16 : i32
        %add3A_113 = arith.addi %scan3A_94#0, %add3A_112 : i32
        %swap3A_114 = arith.index_cast %add3A_113 : i32 to index
        %swap3A_115 = tpu.vector_load %arg11[%swap3A_114] {strides = array<i32>} : memref<2192xi32, #tpu.memory_space<vmem>>, vector<16xi32>,
        tpu.vector_store %arg11[%swap3A_114], %broadcast_in_dim3A_6 {strides = array<i32>} : memref<2192xi32, #tpu.memory_space<vmem>>, vector<16xi32>,
        %add3A_116 = arith.constant 16 : i32
        %add3A_117 = arith.addi %scan3A_94#0, %add3A_116 : i32
        %swap3A_118 = arith.index_cast %add3A_117 : i32 to index
        %swap3A_119 = tpu.vector_load %arg12[%swap3A_118] {strides = array<i32>} : memref<2192xi32, #tpu.memory_space<vmem>>, vector<16xi32>,
        tpu.vector_store %arg12[%swap3A_118], %broadcast_in_dim3A_8 {strides = array<i32>} : memref<2192xi32, #tpu.memory_space<vmem>>, vector<16xi32>,
        %add3A_120 = arith.constant 16 : i32
        %add3A_121 = arith.addi %scan3A_94#1, %add3A_120 : i32
        %swap3A_122 = arith.index_cast %add3A_121 : i32 to index
        %swap3A_123 = tpu.vector_load %arg13[%swap3A_122] {strides = array<i32>} : memref<2192xi32, #tpu.memory_space<vmem>>, vector<16xi32>,
        tpu.vector_store %arg13[%swap3A_122], %broadcast_in_dim3A_6 {strides = array<i32>} : memref<2192xi32, #tpu.memory_space<vmem>>, vector<16xi32>,
        %add3A_124 = arith.constant 16 : i32
        %add3A_125 = arith.addi %scan3A_94#1, %add3A_124 : i32
        %swap3A_126 = arith.index_cast %add3A_125 : i32 to index
        %swap3A_127 = tpu.vector_load %arg14[%swap3A_126] {strides = array<i32>} : memref<2192xi32, #tpu.memory_space<vmem>>, vector<16xi32>,
        tpu.vector_store %arg14[%swap3A_126], %broadcast_in_dim3A_8 {strides = array<i32>} : memref<2192xi32, #tpu.memory_space<vmem>>, vector<16xi32>,
        %add3A_128 = arith.constant 32 : i32
        %add3A_129 = arith.addi %scan3A_94#0, %add3A_128 : i32
        %swap3A_130 = arith.index_cast %add3A_129 : i32 to index
        %swap3A_131 = tpu.vector_load %arg11[%swap3A_130] {strides = array<i32>} : memref<2192xi32, #tpu.memory_space<vmem>>, vector<16xi32>,
        tpu.vector_store %arg11[%swap3A_130], %broadcast_in_dim3A_6 {strides = array<i32>} : memref<2192xi32, #tpu.memory_space<vmem>>, vector<16xi32>,
        %add3A_132 = arith.constant 32 : i32
        %add3A_133 = arith.addi %scan3A_94#0, %add3A_132 : i32
        %swap3A_134 = arith.index_cast %add3A_133 : i32 to index
        %swap3A_135 = tpu.vector_load %arg12[%swap3A_134] {strides = array<i32>} : memref<2192xi32, #tpu.memory_space<vmem>>, vector<16xi32>,
        tpu.vector_store %arg12[%swap3A_134], %broadcast_in_dim3A_8 {strides = array<i32>} : memref<2192xi32, #tpu.memory_space<vmem>>, vector<16xi32>,
        %add3A_136 = arith.constant 32 : i32
        %add3A_137 = arith.addi %scan3A_94#1, %add3A_136 : i32
        %swap3A_138 = arith.index_cast %add3A_137 : i32 to index
        %swap3A_139 = tpu.vector_load %arg13[%swap3A_138] {strides = array<i32>} : memref<2192xi32, #tpu.memory_space<vmem>>, vector<16xi32>,
        tpu.vector_store %arg13[%swap3A_138], %broadcast_in_dim3A_6 {strides = array<i32>} : memref<2192xi32, #tpu.memory_space<vmem>>, vector<16xi32>,
        %add3A_140 = arith.constant 32 : i32
        %add3A_141 = arith.addi %scan3A_94#1, %add3A_140 : i32
        %swap3A_142 = arith.index_cast %add3A_141 : i32 to index
        %swap3A_143 = tpu.vector_load %arg14[%swap3A_142] {strides = array<i32>} : memref<2192xi32, #tpu.memory_space<vmem>>, vector<16xi32>,
        tpu.vector_store %arg14[%swap3A_142], %broadcast_in_dim3A_8 {strides = array<i32>} : memref<2192xi32, #tpu.memory_space<vmem>>, vector<16xi32>,
        %add3A_144 = arith.constant 48 : i32
        %add3A_145 = arith.addi %scan3A_94#0, %add3A_144 : i32
        %swap3A_146 = arith.index_cast %add3A_145 : i32 to index
        %swap3A_147 = tpu.vector_load %arg11[%swap3A_146] {strides = array<i32>} : memref<2192xi32, #tpu.memory_space<vmem>>, vector<16xi32>,
        tpu.vector_store %arg11[%swap3A_146], %broadcast_in_dim3A_6 {strides = array<i32>} : memref<2192xi32, #tpu.memory_space<vmem>>, vector<16xi32>,
        %add3A_148 = arith.constant 48 : i32
        %add3A_149 = arith.addi %scan3A_94#0, %add3A_148 : i32
        %swap3A_150 = arith.index_cast %add3A_149 : i32 to index
        %swap3A_151 = tpu.vector_load %arg12[%swap3A_150] {strides = array<i32>} : memref<2192xi32, #tpu.memory_space<vmem>>, vector<16xi32>,
        tpu.vector_store %arg12[%swap3A_150], %broadcast_in_dim3A_8 {strides = array<i32>} : memref<2192xi32, #tpu.memory_space<vmem>>, vector<16xi32>,
        %add3A_152 = arith.constant 48 : i32
        %add3A_153 = arith.addi %scan3A_94#1, %add3A_152 : i32
        %swap3A_154 = arith.index_cast %add3A_153 : i32 to index
        %swap3A_155 = tpu.vector_load %arg13[%swap3A_154] {strides = array<i32>} : memref<2192xi32, #tpu.memory_space<vmem>>, vector<16xi32>,
        tpu.vector_store %arg13[%swap3A_154], %broadcast_in_dim3A_6 {strides = array<i32>} : memref<2192xi32, #tpu.memory_space<vmem>>, vector<16xi32>,
        %add3A_156 = arith.constant 48 : i32
        %add3A_157 = arith.addi %scan3A_94#1, %add3A_156 : i32
        %swap3A_158 = arith.index_cast %add3A_157 : i32 to index
        %swap3A_159 = tpu.vector_load %arg14[%swap3A_158] {strides = array<i32>} : memref<2192xi32, #tpu.memory_space<vmem>>, vector<16xi32>,
        tpu.vector_store %arg14[%swap3A_158], %broadcast_in_dim3A_8 {strides = array<i32>} : memref<2192xi32, #tpu.memory_space<vmem>>, vector<16xi32>,
        %add3A_160 = arith.constant 64 : i32
        %add3A_161 = arith.addi %scan3A_94#0, %add3A_160 : i32
        %swap3A_162 = arith.index_cast %add3A_161 : i32 to index
        %swap3A_163 = tpu.vector_load %arg11[%swap3A_162] {strides = array<i32>} : memref<2192xi32, #tpu.memory_space<vmem>>, vector<16xi32>,
        tpu.vector_store %arg11[%swap3A_162], %broadcast_in_dim3A_6 {strides = array<i32>} : memref<2192xi32, #tpu.memory_space<vmem>>, vector<16xi32>,
        %add3A_164 = arith.constant 64 : i32
        %add3A_165 = arith.addi %scan3A_94#0, %add3A_164 : i32
        %swap3A_166 = arith.index_cast %add3A_165 : i32 to index
        %swap3A_167 = tpu.vector_load %arg12[%swap3A_166] {strides = array<i32>} : memref<2192xi32, #tpu.memory_space<vmem>>, vector<16xi32>,
        tpu.vector_store %arg12[%swap3A_166], %broadcast_in_dim3A_8 {strides = array<i32>} : memref<2192xi32, #tpu.memory_space<vmem>>, vector<16xi32>,
        %add3A_168 = arith.constant 64 : i32
        %add3A_169 = arith.addi %scan3A_94#1, %add3A_168 : i32
        %swap3A_170 = arith.index_cast %add3A_169 : i32 to index
        %swap3A_171 = tpu.vector_load %arg13[%swap3A_170] {strides = array<i32>} : memref<2192xi32, #tpu.memory_space<vmem>>, vector<16xi32>,
        tpu.vector_store %arg13[%swap3A_170], %broadcast_in_dim3A_6 {strides = array<i32>} : memref<2192xi32, #tpu.memory_space<vmem>>, vector<16xi32>,
        %add3A_172 = arith.constant 64 : i32
        %add3A_173 = arith.addi %scan3A_94#1, %add3A_172 : i32
        %swap3A_174 = arith.index_cast %add3A_173 : i32 to index
        %swap3A_175 = tpu.vector_load %arg14[%swap3A_174] {strides = array<i32>} : memref<2192xi32, #tpu.memory_space<vmem>>, vector<16xi32>,
        tpu.vector_store %arg14[%swap3A_174], %broadcast_in_dim3A_8 {strides = array<i32>} : memref<2192xi32, #tpu.memory_space<vmem>>, vector<16xi32>,
        %add3A_176 = arith.constant 80 : i32
        %add3A_177 = arith.addi %scan3A_94#0, %add3A_176 : i32
        %swap3A_178 = arith.index_cast %add3A_177 : i32 to index
        %swap3A_179 = tpu.vector_load %arg11[%swap3A_178] {strides = array<i32>} : memref<2192xi32, #tpu.memory_space<vmem>>, vector<16xi32>,
        tpu.vector_store %arg11[%swap3A_178], %broadcast_in_dim3A_6 {strides = array<i32>} : memref<2192xi32, #tpu.memory_space<vmem>>, vector<16xi32>,
        %add3A_180 = arith.constant 80 : i32
        %add3A_181 = arith.addi %scan3A_94#0, %add3A_180 : i32
        %swap3A_182 = arith.index_cast %add3A_181 : i32 to index
        %swap3A_183 = tpu.vector_load %arg12[%swap3A_182] {strides = array<i32>} : memref<2192xi32, #tpu.memory_space<vmem>>, vector<16xi32>,
        tpu.vector_store %arg12[%swap3A_182], %broadcast_in_dim3A_8 {strides = array<i32>} : memref<2192xi32, #tpu.memory_space<vmem>>, vector<16xi32>,
        %add3A_184 = arith.constant 80 : i32
        %add3A_185 = arith.addi %scan3A_94#1, %add3A_184 : i32
        %swap3A_186 = arith.index_cast %add3A_185 : i32 to index
        %swap3A_187 = tpu.vector_load %arg13[%swap3A_186] {strides = array<i32>} : memref<2192xi32, #tpu.memory_space<vmem>>, vector<16xi32>,
        tpu.vector_store %arg13[%swap3A_186], %broadcast_in_dim3A_6 {strides = array<i32>} : memref<2192xi32, #tpu.memory_space<vmem>>, vector<16xi32>,
        %add3A_188 = arith.constant 80 : i32
        %add3A_189 = arith.addi %scan3A_94#1, %add3A_188 : i32
        %swap3A_190 = arith.index_cast %add3A_189 : i32 to index
        %swap3A_191 = tpu.vector_load %arg14[%swap3A_190] {strides = array<i32>} : memref<2192xi32, #tpu.memory_space<vmem>>, vector<16xi32>,
        tpu.vector_store %arg14[%swap3A_190], %broadcast_in_dim3A_8 {strides = array<i32>} : memref<2192xi32, #tpu.memory_space<vmem>>, vector<16xi32>,
        %add3A_192 = arith.constant 96 : i32
        %add3A_193 = arith.addi %scan3A_94#0, %add3A_192 : i32
        %swap3A_194 = arith.index_cast %add3A_193 : i32 to index
        %swap3A_195 = tpu.vector_load %arg11[%swap3A_194] {strides = array<i32>} : memref<2192xi32, #tpu.memory_space<vmem>>, vector<16xi32>,
        tpu.vector_store %arg11[%swap3A_194], %broadcast_in_dim3A_6 {strides = array<i32>} : memref<2192xi32, #tpu.memory_space<vmem>>, vector<16xi32>,
        %add3A_196 = arith.constant 96 : i32
        %add3A_197 = arith.addi %scan3A_94#0, %add3A_196 : i32
        %swap3A_198 = arith.index_cast %add3A_197 : i32 to index
        %swap3A_199 = tpu.vector_load %arg12[%swap3A_198] {strides = array<i32>} : memref<2192xi32, #tpu.memory_space<vmem>>, vector<16xi32>,
        tpu.vector_store %arg12[%swap3A_198], %broadcast_in_dim3A_8 {strides = array<i32>} : memref<2192xi32, #tpu.memory_space<vmem>>, vector<16xi32>,
        %add3A_200 = arith.constant 96 : i32
        %add3A_201 = arith.addi %scan3A_94#1, %add3A_200 : i32
        %swap3A_202 = arith.index_cast %add3A_201 : i32 to index
        %swap3A_203 = tpu.vector_load %arg13[%swap3A_202] {strides = array<i32>} : memref<2192xi32, #tpu.memory_space<vmem>>, vector<16xi32>,
        tpu.vector_store %arg13[%swap3A_202], %broadcast_in_dim3A_6 {strides = array<i32>} : memref<2192xi32, #tpu.memory_space<vmem>>, vector<16xi32>,
        %add3A_204 = arith.constant 96 : i32
        %add3A_205 = arith.addi %scan3A_94#1, %add3A_204 : i32
        %swap3A_206 = arith.index_cast %add3A_205 : i32 to index
        %swap3A_207 = tpu.vector_load %arg14[%swap3A_206] {strides = array<i32>} : memref<2192xi32, #tpu.memory_space<vmem>>, vector<16xi32>,
        tpu.vector_store %arg14[%swap3A_206], %broadcast_in_dim3A_8 {strides = array<i32>} : memref<2192xi32, #tpu.memory_space<vmem>>, vector<16xi32>,
        %add3A_208 = arith.constant 112 : i32
        %add3A_209 = arith.addi %scan3A_94#0, %add3A_208 : i32
        %swap3A_210 = arith.index_cast %add3A_209 : i32 to index
        %swap3A_211 = tpu.vector_load %arg11[%swap3A_210] {strides = array<i32>} : memref<2192xi32, #tpu.memory_space<vmem>>, vector<16xi32>,
        tpu.vector_store %arg11[%swap3A_210], %broadcast_in_dim3A_6 {strides = array<i32>} : memref<2192xi32, #tpu.memory_space<vmem>>, vector<16xi32>,
        %add3A_212 = arith.constant 112 : i32
        %add3A_213 = arith.addi %scan3A_94#0, %add3A_212 : i32
        %swap3A_214 = arith.index_cast %add3A_213 : i32 to index
        %swap3A_215 = tpu.vector_load %arg12[%swap3A_214] {strides = array<i32>} : memref<2192xi32, #tpu.memory_space<vmem>>, vector<16xi32>,
        tpu.vector_store %arg12[%swap3A_214], %broadcast_in_dim3A_8 {strides = array<i32>} : memref<2192xi32, #tpu.memory_space<vmem>>, vector<16xi32>,
        %add3A_216 = arith.constant 112 : i32
        %add3A_217 = arith.addi %scan3A_94#1, %add3A_216 : i32
        %swap3A_218 = arith.index_cast %add3A_217 : i32 to index
        %swap3A_219 = tpu.vector_load %arg13[%swap3A_218] {strides = array<i32>} : memref<2192xi32, #tpu.memory_space<vmem>>, vector<16xi32>,
        tpu.vector_store %arg13[%swap3A_218], %broadcast_in_dim3A_6 {strides = array<i32>} : memref<2192xi32, #tpu.memory_space<vmem>>, vector<16xi32>,
        %add3A_220 = arith.constant 112 : i32
        %add3A_221 = arith.addi %scan3A_94#1, %add3A_220 : i32
        %swap3A_222 = arith.index_cast %add3A_221 : i32 to index
        %swap3A_223 = tpu.vector_load %arg14[%swap3A_222] {strides = array<i32>} : memref<2192xi32, #tpu.memory_space<vmem>>, vector<16xi32>,
        tpu.vector_store %arg14[%swap3A_222], %broadcast_in_dim3A_8 {strides = array<i32>} : memref<2192xi32, #tpu.memory_space<vmem>>, vector<16xi32>,
        %mul3A_224 = arith.constant 2192 : i32
        %mul3A_225 = arith.muli %arg1, %mul3A_224 : i32
        "tpu.region"() ({
          %run_scoped3A = tpu.sem_alloc : memref<!tpu.dma_semaphore, #tpu.memory_space<semaphore_mem>>
          %dma_start3A = tpu.memref_slice %arg28[%mul3A_225] : memref<70144xi32, #tpu.memory_space<vmem_shared>> -> memref<2192xi32, #tpu.memory_space<vmem_shared>>
          %dma_start3A_256 = tpu.memref_slice %arg28[%mul3A_225] : memref<70144xi32, #tpu.memory_space<vmem_shared>> -> memref<2192xi32, #tpu.memory_space<vmem_shared>>
          tpu.enqueue_dma source(%arg11 : memref<2192xi32, #tpu.memory_space<vmem>>) target(%dma_start3A_256 : memref<2192xi32, #tpu.memory_space<vmem_shared>>) target_semaphore(%run_scoped3A : memref<!tpu.dma_semaphore, #tpu.memory_space<semaphore_mem>>)
          %dma_wait3A = tpu.memref_slice %arg28[%mul3A_225] : memref<70144xi32, #tpu.memory_space<vmem_shared>> -> memref<2192xi32, #tpu.memory_space<vmem_shared>>
          %dma_wait3A_257 = tpu.memref_slice %arg28[%mul3A_225] : memref<70144xi32, #tpu.memory_space<vmem_shared>> -> memref<2192xi32, #tpu.memory_space<vmem_shared>>
          tpu.wait_dma2 semaphore(%run_scoped3A : memref<!tpu.dma_semaphore, #tpu.memory_space<semaphore_mem>>) src(%arg11 : memref<2192xi32, #tpu.memory_space<vmem>>) dst(%dma_wait3A_257 : memref<2192xi32, #tpu.memory_space<vmem_shared>>)
          tpu.yield
        }) : () -> ()
        %mul3A_226 = arith.constant 2192 : i32
        %mul3A_227 = arith.muli %arg1, %mul3A_226 : i32
        "tpu.region"() ({
          %run_scoped3A = tpu.sem_alloc : memref<!tpu.dma_semaphore, #tpu.memory_space<semaphore_mem>>
          %dma_start3A = tpu.memref_slice %arg29[%mul3A_227] : memref<70144xi32, #tpu.memory_space<vmem_shared>> -> memref<2192xi32, #tpu.memory_space<vmem_shared>>
          %dma_start3A_256 = tpu.memref_slice %arg29[%mul3A_227] : memref<70144xi32, #tpu.memory_space<vmem_shared>> -> memref<2192xi32, #tpu.memory_space<vmem_shared>>
          tpu.enqueue_dma source(%arg12 : memref<2192xi32, #tpu.memory_space<vmem>>) target(%dma_start3A_256 : memref<2192xi32, #tpu.memory_space<vmem_shared>>) target_semaphore(%run_scoped3A : memref<!tpu.dma_semaphore, #tpu.memory_space<semaphore_mem>>)
          %dma_wait3A = tpu.memref_slice %arg29[%mul3A_227] : memref<70144xi32, #tpu.memory_space<vmem_shared>> -> memref<2192xi32, #tpu.memory_space<vmem_shared>>
          %dma_wait3A_257 = tpu.memref_slice %arg29[%mul3A_227] : memref<70144xi32, #tpu.memory_space<vmem_shared>> -> memref<2192xi32, #tpu.memory_space<vmem_shared>>
          tpu.wait_dma2 semaphore(%run_scoped3A : memref<!tpu.dma_semaphore, #tpu.memory_space<semaphore_mem>>) src(%arg12 : memref<2192xi32, #tpu.memory_space<vmem>>) dst(%dma_wait3A_257 : memref<2192xi32, #tpu.memory_space<vmem_shared>>)
          tpu.yield
        }) : () -> ()
        %add3A_228 = arith.constant 16 : i32
        %add3A_229 = arith.addi %add3A_228, %arg1 : i32
        %mul3A_230 = arith.constant 2192 : i32
        %mul3A_231 = arith.muli %add3A_229, %mul3A_230 : i32
        "tpu.region"() ({
          %run_scoped3A = tpu.sem_alloc : memref<!tpu.dma_semaphore, #tpu.memory_space<semaphore_mem>>
          %dma_start3A = tpu.memref_slice %arg28[%mul3A_231] : memref<70144xi32, #tpu.memory_space<vmem_shared>> -> memref<2192xi32, #tpu.memory_space<vmem_shared>>
          %dma_start3A_256 = tpu.memref_slice %arg28[%mul3A_231] : memref<70144xi32, #tpu.memory_space<vmem_shared>> -> memref<2192xi32, #tpu.memory_space<vmem_shared>>
          tpu.enqueue_dma source(%arg13 : memref<2192xi32, #tpu.memory_space<vmem>>) target(%dma_start3A_256 : memref<2192xi32, #tpu.memory_space<vmem_shared>>) target_semaphore(%run_scoped3A : memref<!tpu.dma_semaphore, #tpu.memory_space<semaphore_mem>>)
          %dma_wait3A = tpu.memref_slice %arg28[%mul3A_231] : memref<70144xi32, #tpu.memory_space<vmem_shared>> -> memref<2192xi32, #tpu.memory_space<vmem_shared>>
          %dma_wait3A_257 = tpu.memref_slice %arg28[%mul3A_231] : memref<70144xi32, #tpu.memory_space<vmem_shared>> -> memref<2192xi32, #tpu.memory_space<vmem_shared>>
          tpu.wait_dma2 semaphore(%run_scoped3A : memref<!tpu.dma_semaphore, #tpu.memory_space<semaphore_mem>>) src(%arg13 : memref<2192xi32, #tpu.memory_space<vmem>>) dst(%dma_wait3A_257 : memref<2192xi32, #tpu.memory_space<vmem_shared>>)
          tpu.yield
        }) : () -> ()
        %add3A_232 = arith.constant 16 : i32
        %add3A_233 = arith.addi %add3A_232, %arg1 : i32
        %mul3A_234 = arith.constant 2192 : i32
        %mul3A_235 = arith.muli %add3A_233, %mul3A_234 : i32
        "tpu.region"() ({
          %run_scoped3A = tpu.sem_alloc : memref<!tpu.dma_semaphore, #tpu.memory_space<semaphore_mem>>
          %dma_start3A = tpu.memref_slice %arg29[%mul3A_235] : memref<70144xi32, #tpu.memory_space<vmem_shared>> -> memref<2192xi32, #tpu.memory_space<vmem_shared>>
          %dma_start3A_256 = tpu.memref_slice %arg29[%mul3A_235] : memref<70144xi32, #tpu.memory_space<vmem_shared>> -> memref<2192xi32, #tpu.memory_space<vmem_shared>>
          tpu.enqueue_dma source(%arg14 : memref<2192xi32, #tpu.memory_space<vmem>>) target(%dma_start3A_256 : memref<2192xi32, #tpu.memory_space<vmem_shared>>) target_semaphore(%run_scoped3A : memref<!tpu.dma_semaphore, #tpu.memory_space<semaphore_mem>>)
          %dma_wait3A = tpu.memref_slice %arg29[%mul3A_235] : memref<70144xi32, #tpu.memory_space<vmem_shared>> -> memref<2192xi32, #tpu.memory_space<vmem_shared>>
          %dma_wait3A_257 = tpu.memref_slice %arg29[%mul3A_235] : memref<70144xi32, #tpu.memory_space<vmem_shared>> -> memref<2192xi32, #tpu.memory_space<vmem_shared>>
          tpu.wait_dma2 semaphore(%run_scoped3A : memref<!tpu.dma_semaphore, #tpu.memory_space<semaphore_mem>>) src(%arg14 : memref<2192xi32, #tpu.memory_space<vmem>>) dst(%dma_wait3A_257 : memref<2192xi32, #tpu.memory_space<vmem_shared>>)
          tpu.yield
        }) : () -> ()
        %eq3A = arith.constant 0 : i32
        %eq3A_236 = vector.broadcast %eq3A : i32 to vector<16xi32>
        %eq3A_237 = arith.cmpi eq, %iota3A, %eq3A_236 : vector<16xi32>
        %eq3A_238 = arith.constant 1 : i32
        %eq3A_239 = vector.broadcast %eq3A_238 : i32 to vector<16xi32>
        %eq3A_240 = arith.cmpi eq, %iota3A, %eq3A_239 : vector<16xi32>
        %jit3A = arith.constant 0 : i32
        %broadcast_in_dim3A_241 = vector.broadcast %scan3A_94#1 : i32 to vector<16xi32>
        %broadcast_in_dim3A_242 = vector.broadcast %jit3A : i32 to vector<16xi32>
        %select_n3A = arith.select %eq3A_240, %broadcast_in_dim3A_241, %broadcast_in_dim3A_242 : vector<16xi1>, vector<16xi32>
        %broadcast_in_dim3A_243 = vector.broadcast %scan3A_94#0 : i32 to vector<16xi32>
        %select_n3A_244 = arith.select %eq3A_237, %broadcast_in_dim3A_243, %select_n3A : vector<16xi1>, vector<16xi32>
        %swap3A_245 = arith.constant 0 : index
        %swap3A_246 = tpu.vector_load %arg17[%swap3A_245] {strides = array<i32>} : memref<16xi32, #tpu.memory_space<vmem>>, vector<16xi32>,
        tpu.vector_store %arg17[%swap3A_245], %select_n3A_244 {strides = array<i32>} : memref<16xi32, #tpu.memory_space<vmem>>, vector<16xi32>,
        %mul3A_247 = arith.constant 16 : i32
        %mul3A_248 = arith.muli %arg1, %mul3A_247 : i32
        "tpu.region"() ({
          %run_scoped3A = tpu.sem_alloc : memref<!tpu.dma_semaphore, #tpu.memory_space<semaphore_mem>>
          %dma_start3A = tpu.memref_slice %arg30[%mul3A_248] : memref<256xi32, #tpu.memory_space<vmem_shared>> -> memref<16xi32, #tpu.memory_space<vmem_shared>>
          %dma_start3A_256 = tpu.memref_slice %arg30[%mul3A_248] : memref<256xi32, #tpu.memory_space<vmem_shared>> -> memref<16xi32, #tpu.memory_space<vmem_shared>>
          tpu.enqueue_dma source(%arg17 : memref<16xi32, #tpu.memory_space<vmem>>) target(%dma_start3A_256 : memref<16xi32, #tpu.memory_space<vmem_shared>>) target_semaphore(%run_scoped3A : memref<!tpu.dma_semaphore, #tpu.memory_space<semaphore_mem>>)
          %dma_wait3A = tpu.memref_slice %arg30[%mul3A_248] : memref<256xi32, #tpu.memory_space<vmem_shared>> -> memref<16xi32, #tpu.memory_space<vmem_shared>>
          %dma_wait3A_257 = tpu.memref_slice %arg30[%mul3A_248] : memref<256xi32, #tpu.memory_space<vmem_shared>> -> memref<16xi32, #tpu.memory_space<vmem_shared>>
          tpu.wait_dma2 semaphore(%run_scoped3A : memref<!tpu.dma_semaphore, #tpu.memory_space<semaphore_mem>>) src(%arg17 : memref<16xi32, #tpu.memory_space<vmem>>) dst(%dma_wait3A_257 : memref<16xi32, #tpu.memory_space<vmem_shared>>)
          tpu.yield
        }) : () -> ()
        %barrier3A = arith.constant 0 : index
        tpu.barrier barrier_id(%barrier3A)
        "tpu.region"() ({
          %run_scoped3A = tpu.sem_alloc : memref<!tpu.dma_semaphore, #tpu.memory_space<semaphore_mem>>
          tpu.enqueue_dma source(%arg30 : memref<256xi32, #tpu.memory_space<vmem_shared>>) target(%arg18 : memref<256xi32, #tpu.memory_space<vmem>>) target_semaphore(%run_scoped3A : memref<!tpu.dma_semaphore, #tpu.memory_space<semaphore_mem>>)
          tpu.wait_dma2 semaphore(%run_scoped3A : memref<!tpu.dma_semaphore, #tpu.memory_space<semaphore_mem>>) src(%arg30 : memref<256xi32, #tpu.memory_space<vmem_shared>>) dst(%arg18 : memref<256xi32, #tpu.memory_space<vmem>>)
          tpu.yield
        }) : () -> ()
        %scan3A_249 = arith.constant 0 : i32
        %scan3A_250 = arith.constant 0 : i32
        %scan3A_251 = arith.constant 16 : i32
        %scan3A_252 = arith.addi %scan3A_250, %scan3A_251 : i32
        %scan3A_253 = arith.constant 1 : i32
        scf.for %scan3A_256 = %scan3A_250 to %scan3A_252 step %scan3A_253  : i32 {
          %mul3A_257 = arith.constant 16 : i32
          %mul3A_258 = arith.muli %scan3A_256, %mul3A_257 : i32
          %add3A_259 = arith.addi %mul3A_258, %shift_right_logical3A_1 : i32
          %broadcast_in_dim3A_260 = vector.broadcast %add3A_259 : i32 to vector<16xi32>
          %gather3A = tpu.vector_load_idx %arg18[%broadcast_in_dim3A_260] : memref<256xi32, #tpu.memory_space<vmem>>[vector<16xi32>], vector<16xi32>,
          %slice3A = vector.extract_strided_slice %gather3A {offsets = [0], sizes = [1], strides = [1]} : vector<16xi32> to vector<1xi32>
          %squeeze3A = vector.extract %slice3A[0] : i32 from vector<1xi32>
          %mul3A_261 = arith.constant 16 : i32
          %mul3A_262 = arith.muli %shift_right_logical3A_1, %mul3A_261 : i32
          %add3A_263 = arith.addi %mul3A_262, %scan3A_256 : i32
          %mul3A_264 = arith.constant 2192 : i32
          %mul3A_265 = arith.muli %add3A_263, %mul3A_264 : i32
          %dma_start3A = arith.constant 0 : i32
          %dma_start3A_266 = tpu.memref_slice %arg9[%dma_start3A] : memref<2208xi32, #tpu.memory_space<vmem>> -> memref<2192xi32, #tpu.memory_space<vmem>>
          %dma_start3A_267 = tpu.memref_slice %arg28[%mul3A_265] : memref<70144xi32, #tpu.memory_space<vmem_shared>> -> memref<2192xi32, #tpu.memory_space<vmem_shared>>
          %dma_start3A_268 = arith.constant 0 : i32
          %dma_start3A_269 = tpu.memref_slice %arg9[%dma_start3A_268] : memref<2208xi32, #tpu.memory_space<vmem>> -> memref<2192xi32, #tpu.memory_space<vmem>>
          %dma_start3A_270 = tpu.memref_slice %arg28[%mul3A_265] : memref<70144xi32, #tpu.memory_space<vmem_shared>> -> memref<2192xi32, #tpu.memory_space<vmem_shared>>
          tpu.enqueue_dma source(%dma_start3A_270 : memref<2192xi32, #tpu.memory_space<vmem_shared>>) target(%dma_start3A_269 : memref<2192xi32, #tpu.memory_space<vmem>>) target_semaphore(%arg31 : memref<!tpu.dma_semaphore, #tpu.memory_space<semaphore_mem>>)
          %dma_start3A_271 = arith.constant 0 : i32
          %dma_start3A_272 = tpu.memref_slice %arg10[%dma_start3A_271] : memref<2208xi32, #tpu.memory_space<vmem>> -> memref<2192xi32, #tpu.memory_space<vmem>>
          %dma_start3A_273 = tpu.memref_slice %arg29[%mul3A_265] : memref<70144xi32, #tpu.memory_space<vmem_shared>> -> memref<2192xi32, #tpu.memory_space<vmem_shared>>
          %dma_start3A_274 = arith.constant 0 : i32
          %dma_start3A_275 = tpu.memref_slice %arg10[%dma_start3A_274] : memref<2208xi32, #tpu.memory_space<vmem>> -> memref<2192xi32, #tpu.memory_space<vmem>>
          %dma_start3A_276 = tpu.memref_slice %arg29[%mul3A_265] : memref<70144xi32, #tpu.memory_space<vmem_shared>> -> memref<2192xi32, #tpu.memory_space<vmem_shared>>
          tpu.enqueue_dma source(%dma_start3A_276 : memref<2192xi32, #tpu.memory_space<vmem_shared>>) target(%dma_start3A_275 : memref<2192xi32, #tpu.memory_space<vmem>>) target_semaphore(%arg32 : memref<!tpu.dma_semaphore, #tpu.memory_space<semaphore_mem>>)
          %dma_wait3A = arith.constant 0 : i32
          %dma_wait3A_277 = tpu.memref_slice %arg9[%dma_wait3A] : memref<2208xi32, #tpu.memory_space<vmem>> -> memref<2192xi32, #tpu.memory_space<vmem>>
          %dma_wait3A_278 = tpu.memref_slice %arg28[%mul3A_265] : memref<70144xi32, #tpu.memory_space<vmem_shared>> -> memref<2192xi32, #tpu.memory_space<vmem_shared>>
          %dma_wait3A_279 = arith.constant 0 : i32
          %dma_wait3A_280 = tpu.memref_slice %arg9[%dma_wait3A_279] : memref<2208xi32, #tpu.memory_space<vmem>> -> memref<2192xi32, #tpu.memory_space<vmem>>
          %dma_wait3A_281 = tpu.memref_slice %arg28[%mul3A_265] : memref<70144xi32, #tpu.memory_space<vmem_shared>> -> memref<2192xi32, #tpu.memory_space<vmem_shared>>
          tpu.wait_dma2 semaphore(%arg31 : memref<!tpu.dma_semaphore, #tpu.memory_space<semaphore_mem>>) src(%dma_wait3A_281 : memref<2192xi32, #tpu.memory_space<vmem_shared>>) dst(%dma_wait3A_280 : memref<2192xi32, #tpu.memory_space<vmem>>)
          %dma_wait3A_282 = arith.constant 0 : i32
          %dma_wait3A_283 = tpu.memref_slice %arg10[%dma_wait3A_282] : memref<2208xi32, #tpu.memory_space<vmem>> -> memref<2192xi32, #tpu.memory_space<vmem>>
          %dma_wait3A_284 = tpu.memref_slice %arg29[%mul3A_265] : memref<70144xi32, #tpu.memory_space<vmem_shared>> -> memref<2192xi32, #tpu.memory_space<vmem_shared>>
          %dma_wait3A_285 = arith.constant 0 : i32
          %dma_wait3A_286 = tpu.memref_slice %arg10[%dma_wait3A_285] : memref<2208xi32, #tpu.memory_space<vmem>> -> memref<2192xi32, #tpu.memory_space<vmem>>
          %dma_wait3A_287 = tpu.memref_slice %arg29[%mul3A_265] : memref<70144xi32, #tpu.memory_space<vmem_shared>> -> memref<2192xi32, #tpu.memory_space<vmem_shared>>
          tpu.wait_dma2 semaphore(%arg32 : memref<!tpu.dma_semaphore, #tpu.memory_space<semaphore_mem>>) src(%dma_wait3A_287 : memref<2192xi32, #tpu.memory_space<vmem_shared>>) dst(%dma_wait3A_286 : memref<2192xi32, #tpu.memory_space<vmem>>)
          %add3A_288 = arith.constant 64 : i32
          %add3A_289 = arith.addi %squeeze3A, %add3A_288 : i32
          %sub3A = arith.constant 1 : i32
          %sub3A_290 = arith.subi %add3A_289, %sub3A : i32
          %jit3A_291 = arith.constant 64 : i32
          %div3A = arith.divsi %sub3A_290, %jit3A_291 : i32
          %sign3A = arith.constant 0 : i32
          %sign3A_292 = arith.cmpi sgt, %sub3A_290, %sign3A : i32
          %sign3A_293 = arith.extui %sign3A_292 : i1 to i32
          %sign3A_294 = arith.constant 0 : i32
          %sign3A_295 = arith.cmpi slt, %sub3A_290, %sign3A_294 : i32
          %sign3A_296 = arith.extui %sign3A_295 : i1 to i32
          %sign3A_297 = arith.subi %sign3A_293, %sign3A_296 : i32
          %sign3A_298 = arith.constant 0 : i32
          %sign3A_299 = arith.cmpi sgt, %jit3A_291, %sign3A_298 : i32
          %sign3A_300 = arith.extui %sign3A_299 : i1 to i32
          %sign3A_301 = arith.constant 0 : i32
          %sign3A_302 = arith.cmpi slt, %jit3A_291, %sign3A_301 : i32
          %sign3A_303 = arith.extui %sign3A_302 : i1 to i32
          %sign3A_304 = arith.subi %sign3A_300, %sign3A_303 : i32
          %ne3A = arith.cmpi ne, %sign3A_297, %sign3A_304 : i32
          %rem3A = arith.remsi %sub3A_290, %jit3A_291 : i32
          %ne3A_305 = arith.constant 0 : i32
          %ne3A_306 = arith.cmpi ne, %rem3A, %ne3A_305 : i32
          %and3A_307 = arith.andi %ne3A, %ne3A_306 : i1
          %sub3A_308 = arith.constant 1 : i32
          %sub3A_309 = arith.subi %div3A, %sub3A_308 : i32
          %select_n3A_310 = arith.select %and3A_307, %sub3A_309, %div3A : i32
          %while3A = arith.constant 0 : i32
          %while3A_311 = arith.constant 0 : i32
          %while3A_312 = arith.subi %select_n3A_310, %while3A_311 : i32
          %while3A_313 = arith.addi %while3A_311, %while3A_312 : i32
          %while3A_314 = arith.constant 1 : i32
          %while3A_315 = arith.divsi %while3A_312, %while3A_314 : i32
          %while3A_316 = arith.muli %while3A_315, %while3A_314 : i32
          %while3A_317 = arith.addi %while3A_311, %while3A_316 : i32
          %while3A_318 = arith.constant 1 : i32
          scf.for %while3A_320 = %while3A_311 to %while3A_317 step %while3A_318  : i32 {
            %mul3A_321 = arith.constant 64 : i32
            %mul3A_322 = arith.muli %while3A_320, %mul3A_321 : i32
            %add3A_323 = arith.constant 0 : i32
            %add3A_324 = arith.addi %mul3A_322, %add3A_323 : i32
            %get3A = arith.index_cast %add3A_324 : i32 to index
            %get3A_325 = tpu.vector_load %arg9[%get3A] {strides = array<i32>} : memref<2208xi32, #tpu.memory_space<vmem>>, vector<16xi32>,
            %add3A_326 = arith.constant 0 : i32
            %add3A_327 = arith.addi %mul3A_322, %add3A_326 : i32
            %get3A_328 = arith.index_cast %add3A_327 : i32 to index
            %get3A_329 = tpu.vector_load %arg10[%get3A_328] {strides = array<i32>} : memref<2208xi32, #tpu.memory_space<vmem>>, vector<16xi32>,
            %mul3A_330 = arith.constant 8 : i32
            %mul3A_331 = vector.broadcast %mul3A_330 : i32 to vector<16xi32>
            %mul3A_332 = arith.muli %get3A_325, %mul3A_331 : vector<16xi32>
            %add3A_333 = vector.broadcast %and3A_0 : i32 to vector<16xi32>
            %add3A_334 = arith.addi %mul3A_332, %add3A_333 : vector<16xi32>
            %swap3A_335 = arith.constant 0 : index
            %swap3A_336 = tpu.vector_load %arg19[%swap3A_335] {strides = array<i32>} : memref<64xi32, #tpu.memory_space<vmem>>, vector<16xi32>,
            tpu.vector_store %arg19[%swap3A_335], %add3A_334 {strides = array<i32>} : memref<64xi32, #tpu.memory_space<vmem>>, vector<16xi32>,
            %swap3A_337 = arith.constant 0 : index
            %swap3A_338 = tpu.vector_load %arg20[%swap3A_337] {strides = array<i32>} : memref<64xi32, #tpu.memory_space<vmem>>, vector<16xi32>,
            tpu.vector_store %arg20[%swap3A_337], %get3A_329 {strides = array<i32>} : memref<64xi32, #tpu.memory_space<vmem>>, vector<16xi32>,
            %add3A_339 = arith.constant 16 : i32
            %add3A_340 = arith.addi %mul3A_322, %add3A_339 : i32
            %get3A_341 = arith.index_cast %add3A_340 : i32 to index
            %get3A_342 = tpu.vector_load %arg9[%get3A_341] {strides = array<i32>} : memref<2208xi32, #tpu.memory_space<vmem>>, vector<16xi32>,
            %add3A_343 = arith.constant 16 : i32
            %add3A_344 = arith.addi %mul3A_322, %add3A_343 : i32
            %get3A_345 = arith.index_cast %add3A_344 : i32 to index
            %get3A_346 = tpu.vector_load %arg10[%get3A_345] {strides = array<i32>} : memref<2208xi32, #tpu.memory_space<vmem>>, vector<16xi32>,
            %mul3A_347 = arith.constant 8 : i32
            %mul3A_348 = vector.broadcast %mul3A_347 : i32 to vector<16xi32>
            %mul3A_349 = arith.muli %get3A_342, %mul3A_348 : vector<16xi32>
            %add3A_350 = vector.broadcast %and3A_0 : i32 to vector<16xi32>
            %add3A_351 = arith.addi %mul3A_349, %add3A_350 : vector<16xi32>
            %swap3A_352 = arith.constant 16 : index
            %swap3A_353 = tpu.vector_load %arg19[%swap3A_352] {strides = array<i32>} : memref<64xi32, #tpu.memory_space<vmem>>, vector<16xi32>,
            tpu.vector_store %arg19[%swap3A_352], %add3A_351 {strides = array<i32>} : memref<64xi32, #tpu.memory_space<vmem>>, vector<16xi32>,
            %swap3A_354 = arith.constant 16 : index
            %swap3A_355 = tpu.vector_load %arg20[%swap3A_354] {strides = array<i32>} : memref<64xi32, #tpu.memory_space<vmem>>, vector<16xi32>,
            tpu.vector_store %arg20[%swap3A_354], %get3A_346 {strides = array<i32>} : memref<64xi32, #tpu.memory_space<vmem>>, vector<16xi32>,
            %add3A_356 = arith.constant 32 : i32
            %add3A_357 = arith.addi %mul3A_322, %add3A_356 : i32
            %get3A_358 = arith.index_cast %add3A_357 : i32 to index
            %get3A_359 = tpu.vector_load %arg9[%get3A_358] {strides = array<i32>} : memref<2208xi32, #tpu.memory_space<vmem>>, vector<16xi32>,
            %add3A_360 = arith.constant 32 : i32
            %add3A_361 = arith.addi %mul3A_322, %add3A_360 : i32
            %get3A_362 = arith.index_cast %add3A_361 : i32 to index
            %get3A_363 = tpu.vector_load %arg10[%get3A_362] {strides = array<i32>} : memref<2208xi32, #tpu.memory_space<vmem>>, vector<16xi32>,
            %mul3A_364 = arith.constant 8 : i32
            %mul3A_365 = vector.broadcast %mul3A_364 : i32 to vector<16xi32>
            %mul3A_366 = arith.muli %get3A_359, %mul3A_365 : vector<16xi32>
            %add3A_367 = vector.broadcast %and3A_0 : i32 to vector<16xi32>
            %add3A_368 = arith.addi %mul3A_366, %add3A_367 : vector<16xi32>
            %swap3A_369 = arith.constant 32 : index
            %swap3A_370 = tpu.vector_load %arg19[%swap3A_369] {strides = array<i32>} : memref<64xi32, #tpu.memory_space<vmem>>, vector<16xi32>,
            tpu.vector_store %arg19[%swap3A_369], %add3A_368 {strides = array<i32>} : memref<64xi32, #tpu.memory_space<vmem>>, vector<16xi32>,
            %swap3A_371 = arith.constant 32 : index
            %swap3A_372 = tpu.vector_load %arg20[%swap3A_371] {strides = array<i32>} : memref<64xi32, #tpu.memory_space<vmem>>, vector<16xi32>,
            tpu.vector_store %arg20[%swap3A_371], %get3A_363 {strides = array<i32>} : memref<64xi32, #tpu.memory_space<vmem>>, vector<16xi32>,
            %add3A_373 = arith.constant 48 : i32
            %add3A_374 = arith.addi %mul3A_322, %add3A_373 : i32
            %get3A_375 = arith.index_cast %add3A_374 : i32 to index
            %get3A_376 = tpu.vector_load %arg9[%get3A_375] {strides = array<i32>} : memref<2208xi32, #tpu.memory_space<vmem>>, vector<16xi32>,
            %add3A_377 = arith.constant 48 : i32
            %add3A_378 = arith.addi %mul3A_322, %add3A_377 : i32
            %get3A_379 = arith.index_cast %add3A_378 : i32 to index
            %get3A_380 = tpu.vector_load %arg10[%get3A_379] {strides = array<i32>} : memref<2208xi32, #tpu.memory_space<vmem>>, vector<16xi32>,
            %mul3A_381 = arith.constant 8 : i32
            %mul3A_382 = vector.broadcast %mul3A_381 : i32 to vector<16xi32>
            %mul3A_383 = arith.muli %get3A_376, %mul3A_382 : vector<16xi32>
            %add3A_384 = vector.broadcast %and3A_0 : i32 to vector<16xi32>
            %add3A_385 = arith.addi %mul3A_383, %add3A_384 : vector<16xi32>
            %swap3A_386 = arith.constant 48 : index
            %swap3A_387 = tpu.vector_load %arg19[%swap3A_386] {strides = array<i32>} : memref<64xi32, #tpu.memory_space<vmem>>, vector<16xi32>,
            tpu.vector_store %arg19[%swap3A_386], %add3A_385 {strides = array<i32>} : memref<64xi32, #tpu.memory_space<vmem>>, vector<16xi32>,
            %swap3A_388 = arith.constant 48 : index
            %swap3A_389 = tpu.vector_load %arg20[%swap3A_388] {strides = array<i32>} : memref<64xi32, #tpu.memory_space<vmem>>, vector<16xi32>,
            tpu.vector_store %arg20[%swap3A_388], %get3A_380 {strides = array<i32>} : memref<64xi32, #tpu.memory_space<vmem>>, vector<16xi32>,
            %dma_start3A_390 = arith.constant 0 : i32
            %dma_start3A_391 = arith.constant 0 : i32
            %dma_start3A_392 = tpu.memref_slice %arg6[%dma_start3A_390, %dma_start3A_391] : memref<80000x128xf32, #tpu.memory_space<hbm>> -> memref<80000x128xf32, #tpu.memory_space<hbm>>
            tpu.enqueue_indirect_dma source(%dma_start3A_392 : memref<80000x128xf32, #tpu.memory_space<hbm>>) target(%arg24 : memref<64x128xf32, #tpu.memory_space<vmem>>) offsets(%arg19 : memref<64xi32, #tpu.memory_space<vmem>>) semaphore(%arg31 : memref<!tpu.dma_semaphore, #tpu.memory_space<semaphore_mem>>)
            %dma_wait3A_393 = arith.constant 0 : i32
            %dma_wait3A_394 = arith.constant 0 : i32
            %dma_wait3A_395 = tpu.memref_slice %arg6[%dma_wait3A_393, %dma_wait3A_394] : memref<80000x128xf32, #tpu.memory_space<hbm>> -> memref<80000x128xf32, #tpu.memory_space<hbm>>
            tpu.wait_indirect_dma semaphore(%arg31 : memref<!tpu.dma_semaphore, #tpu.memory_space<semaphore_mem>>) src(%dma_wait3A_395 : memref<80000x128xf32, #tpu.memory_space<hbm>>) dst(%arg24 : memref<64x128xf32, #tpu.memory_space<vmem>>)
            %mul3A_396 = arith.constant 64 : i32
            %mul3A_397 = arith.muli %while3A_320, %mul3A_396 : i32
            %add3A_398 = arith.constant 0 : i32
            %add3A_399 = arith.addi %mul3A_397, %add3A_398 : i32
            %get3A_400 = arith.index_cast %add3A_399 : i32 to index
            %get3A_401 = tpu.vector_load %arg9[%get3A_400] {strides = array<i32>} : memref<2208xi32, #tpu.memory_space<vmem>>, vector<16xi32>,
            %add3A_402 = arith.constant 0 : i32
            %add3A_403 = arith.addi %mul3A_397, %add3A_402 : i32
            %get3A_404 = arith.index_cast %add3A_403 : i32 to index
            %get3A_405 = tpu.vector_load %arg10[%get3A_404] {strides = array<i32>} : memref<2208xi32, #tpu.memory_space<vmem>>, vector<16xi32>,
            %mul3A_406 = arith.constant 4 : i32
            %mul3A_407 = vector.broadcast %mul3A_406 : i32 to vector<16xi32>
            %mul3A_408 = arith.muli %get3A_401, %mul3A_407 : vector<16xi32>
            %add3A_409 = vector.broadcast %shift_right_logical3A_3 : i32 to vector<16xi32>
            %add3A_410 = arith.addi %mul3A_408, %add3A_409 : vector<16xi32>
            %gather3A_411 = tpu.vector_load_idx %arg15[%add3A_410] : memref<40000xf32, #tpu.memory_space<vmem>>[vector<16xi32>], vector<16xf32>,
            %mul3A_412 = arith.constant 256 : i32
            %mul3A_413 = arith.muli %shift_right_logical3A_1, %mul3A_412 : i32
            %add3A_414 = vector.broadcast %mul3A_413 : i32 to vector<16xi32>
            %add3A_415 = arith.addi %add3A_414, %get3A_405 : vector<16xi32>
            %mul3A_416 = arith.constant 4 : i32
            %mul3A_417 = vector.broadcast %mul3A_416 : i32 to vector<16xi32>
            %mul3A_418 = arith.muli %add3A_415, %mul3A_417 : vector<16xi32>
            %add3A_419 = vector.broadcast %shift_right_logical3A_3 : i32 to vector<16xi32>
            %add3A_420 = arith.addi %mul3A_418, %add3A_419 : vector<16xi32>
            %gather3A_421 = tpu.vector_load_idx %arg16[%add3A_420] : memref<2096xf32, #tpu.memory_space<vmem>>[vector<16xi32>], vector<16xf32>,
            %add3A_422 = arith.addf %gather3A_411, %gather3A_421 : vector<16xf32>
            %mul3A_423 = arith.constant 2.000000e-01 : f32
            %mul3A_424 = vector.broadcast %mul3A_423 : f32 to vector<16xf32>
            %mul3A_425 = arith.mulf %mul3A_424, %add3A_422 : vector<16xf32>
            %max3A = arith.maximumf %add3A_422, %mul3A_425 : vector<16xf32>
            %exp3A = math.exp %max3A : vector<16xf32>
            %swap3A_426 = arith.constant 0 : index
            %swap3A_427 = tpu.vector_load %arg23[%swap3A_426] {strides = array<i32>} : memref<64xf32, #tpu.memory_space<vmem>>, vector<16xf32>,
            tpu.vector_store %arg23[%swap3A_426], %exp3A {strides = array<i32>} : memref<64xf32, #tpu.memory_space<vmem>>, vector<16xf32>,
            %add3A_428 = arith.constant 16 : i32
            %add3A_429 = arith.addi %mul3A_397, %add3A_428 : i32
            %get3A_430 = arith.index_cast %add3A_429 : i32 to index
            %get3A_431 = tpu.vector_load %arg9[%get3A_430] {strides = array<i32>} : memref<2208xi32, #tpu.memory_space<vmem>>, vector<16xi32>,
            %add3A_432 = arith.constant 16 : i32
            %add3A_433 = arith.addi %mul3A_397, %add3A_432 : i32
            %get3A_434 = arith.index_cast %add3A_433 : i32 to index
            %get3A_435 = tpu.vector_load %arg10[%get3A_434] {strides = array<i32>} : memref<2208xi32, #tpu.memory_space<vmem>>, vector<16xi32>,
            %mul3A_436 = arith.constant 4 : i32
            %mul3A_437 = vector.broadcast %mul3A_436 : i32 to vector<16xi32>
            %mul3A_438 = arith.muli %get3A_431, %mul3A_437 : vector<16xi32>
            %add3A_439 = vector.broadcast %shift_right_logical3A_3 : i32 to vector<16xi32>
            %add3A_440 = arith.addi %mul3A_438, %add3A_439 : vector<16xi32>
            %gather3A_441 = tpu.vector_load_idx %arg15[%add3A_440] : memref<40000xf32, #tpu.memory_space<vmem>>[vector<16xi32>], vector<16xf32>,
            %mul3A_442 = arith.constant 256 : i32
            %mul3A_443 = arith.muli %shift_right_logical3A_1, %mul3A_442 : i32
            %add3A_444 = vector.broadcast %mul3A_443 : i32 to vector<16xi32>
            %add3A_445 = arith.addi %add3A_444, %get3A_435 : vector<16xi32>
            %mul3A_446 = arith.constant 4 : i32
            %mul3A_447 = vector.broadcast %mul3A_446 : i32 to vector<16xi32>
            %mul3A_448 = arith.muli %add3A_445, %mul3A_447 : vector<16xi32>
            %add3A_449 = vector.broadcast %shift_right_logical3A_3 : i32 to vector<16xi32>
            %add3A_450 = arith.addi %mul3A_448, %add3A_449 : vector<16xi32>
            %gather3A_451 = tpu.vector_load_idx %arg16[%add3A_450] : memref<2096xf32, #tpu.memory_space<vmem>>[vector<16xi32>], vector<16xf32>,
            %add3A_452 = arith.addf %gather3A_441, %gather3A_451 : vector<16xf32>
            %mul3A_453 = arith.constant 2.000000e-01 : f32
            %mul3A_454 = vector.broadcast %mul3A_453 : f32 to vector<16xf32>
            %mul3A_455 = arith.mulf %mul3A_454, %add3A_452 : vector<16xf32>
            %max3A_456 = arith.maximumf %add3A_452, %mul3A_455 : vector<16xf32>
            %exp3A_457 = math.exp %max3A_456 : vector<16xf32>
            %swap3A_458 = arith.constant 16 : index
            %swap3A_459 = tpu.vector_load %arg23[%swap3A_458] {strides = array<i32>} : memref<64xf32, #tpu.memory_space<vmem>>, vector<16xf32>,
            tpu.vector_store %arg23[%swap3A_458], %exp3A_457 {strides = array<i32>} : memref<64xf32, #tpu.memory_space<vmem>>, vector<16xf32>,
            %add3A_460 = arith.constant 32 : i32
            %add3A_461 = arith.addi %mul3A_397, %add3A_460 : i32
            %get3A_462 = arith.index_cast %add3A_461 : i32 to index
            %get3A_463 = tpu.vector_load %arg9[%get3A_462] {strides = array<i32>} : memref<2208xi32, #tpu.memory_space<vmem>>, vector<16xi32>,
            %add3A_464 = arith.constant 32 : i32
            %add3A_465 = arith.addi %mul3A_397, %add3A_464 : i32
            %get3A_466 = arith.index_cast %add3A_465 : i32 to index
            %get3A_467 = tpu.vector_load %arg10[%get3A_466] {strides = array<i32>} : memref<2208xi32, #tpu.memory_space<vmem>>, vector<16xi32>,
            %mul3A_468 = arith.constant 4 : i32
            %mul3A_469 = vector.broadcast %mul3A_468 : i32 to vector<16xi32>
            %mul3A_470 = arith.muli %get3A_463, %mul3A_469 : vector<16xi32>
            %add3A_471 = vector.broadcast %shift_right_logical3A_3 : i32 to vector<16xi32>
            %add3A_472 = arith.addi %mul3A_470, %add3A_471 : vector<16xi32>
            %gather3A_473 = tpu.vector_load_idx %arg15[%add3A_472] : memref<40000xf32, #tpu.memory_space<vmem>>[vector<16xi32>], vector<16xf32>,
            %mul3A_474 = arith.constant 256 : i32
            %mul3A_475 = arith.muli %shift_right_logical3A_1, %mul3A_474 : i32
            %add3A_476 = vector.broadcast %mul3A_475 : i32 to vector<16xi32>
            %add3A_477 = arith.addi %add3A_476, %get3A_467 : vector<16xi32>
            %mul3A_478 = arith.constant 4 : i32
            %mul3A_479 = vector.broadcast %mul3A_478 : i32 to vector<16xi32>
            %mul3A_480 = arith.muli %add3A_477, %mul3A_479 : vector<16xi32>
            %add3A_481 = vector.broadcast %shift_right_logical3A_3 : i32 to vector<16xi32>
            %add3A_482 = arith.addi %mul3A_480, %add3A_481 : vector<16xi32>
            %gather3A_483 = tpu.vector_load_idx %arg16[%add3A_482] : memref<2096xf32, #tpu.memory_space<vmem>>[vector<16xi32>], vector<16xf32>,
            %add3A_484 = arith.addf %gather3A_473, %gather3A_483 : vector<16xf32>
            %mul3A_485 = arith.constant 2.000000e-01 : f32
            %mul3A_486 = vector.broadcast %mul3A_485 : f32 to vector<16xf32>
            %mul3A_487 = arith.mulf %mul3A_486, %add3A_484 : vector<16xf32>
            %max3A_488 = arith.maximumf %add3A_484, %mul3A_487 : vector<16xf32>
            %exp3A_489 = math.exp %max3A_488 : vector<16xf32>
            %swap3A_490 = arith.constant 32 : index
            %swap3A_491 = tpu.vector_load %arg23[%swap3A_490] {strides = array<i32>} : memref<64xf32, #tpu.memory_space<vmem>>, vector<16xf32>,
            tpu.vector_store %arg23[%swap3A_490], %exp3A_489 {strides = array<i32>} : memref<64xf32, #tpu.memory_space<vmem>>, vector<16xf32>,
            %add3A_492 = arith.constant 48 : i32
            %add3A_493 = arith.addi %mul3A_397, %add3A_492 : i32
            %get3A_494 = arith.index_cast %add3A_493 : i32 to index
            %get3A_495 = tpu.vector_load %arg9[%get3A_494] {strides = array<i32>} : memref<2208xi32, #tpu.memory_space<vmem>>, vector<16xi32>,
            %add3A_496 = arith.constant 48 : i32
            %add3A_497 = arith.addi %mul3A_397, %add3A_496 : i32
            %get3A_498 = arith.index_cast %add3A_497 : i32 to index
            %get3A_499 = tpu.vector_load %arg10[%get3A_498] {strides = array<i32>} : memref<2208xi32, #tpu.memory_space<vmem>>, vector<16xi32>,
            %mul3A_500 = arith.constant 4 : i32
            %mul3A_501 = vector.broadcast %mul3A_500 : i32 to vector<16xi32>
            %mul3A_502 = arith.muli %get3A_495, %mul3A_501 : vector<16xi32>
            %add3A_503 = vector.broadcast %shift_right_logical3A_3 : i32 to vector<16xi32>
            %add3A_504 = arith.addi %mul3A_502, %add3A_503 : vector<16xi32>
            %gather3A_505 = tpu.vector_load_idx %arg15[%add3A_504] : memref<40000xf32, #tpu.memory_space<vmem>>[vector<16xi32>], vector<16xf32>,
            %mul3A_506 = arith.constant 256 : i32
            %mul3A_507 = arith.muli %shift_right_logical3A_1, %mul3A_506 : i32
            %add3A_508 = vector.broadcast %mul3A_507 : i32 to vector<16xi32>
            %add3A_509 = arith.addi %add3A_508, %get3A_499 : vector<16xi32>
            %mul3A_510 = arith.constant 4 : i32
            %mul3A_511 = vector.broadcast %mul3A_510 : i32 to vector<16xi32>
            %mul3A_512 = arith.muli %add3A_509, %mul3A_511 : vector<16xi32>
            %add3A_513 = vector.broadcast %shift_right_logical3A_3 : i32 to vector<16xi32>
            %add3A_514 = arith.addi %mul3A_512, %add3A_513 : vector<16xi32>
            %gather3A_515 = tpu.vector_load_idx %arg16[%add3A_514] : memref<2096xf32, #tpu.memory_space<vmem>>[vector<16xi32>], vector<16xf32>,
            %add3A_516 = arith.addf %gather3A_505, %gather3A_515 : vector<16xf32>
            %mul3A_517 = arith.constant 2.000000e-01 : f32
            %mul3A_518 = vector.broadcast %mul3A_517 : f32 to vector<16xf32>
            %mul3A_519 = arith.mulf %mul3A_518, %add3A_516 : vector<16xf32>
            %max3A_520 = arith.maximumf %add3A_516, %mul3A_519 : vector<16xf32>
            %exp3A_521 = math.exp %max3A_520 : vector<16xf32>
            %swap3A_522 = arith.constant 48 : index
            %swap3A_523 = tpu.vector_load %arg23[%swap3A_522] {strides = array<i32>} : memref<64xf32, #tpu.memory_space<vmem>>, vector<16xf32>,
            tpu.vector_store %arg23[%swap3A_522], %exp3A_521 {strides = array<i32>} : memref<64xf32, #tpu.memory_space<vmem>>, vector<16xf32>,
            %scan3A_524 = arith.constant 0 : i32
            %scan3A_525 = arith.constant 0 : i32
            %scan3A_526 = arith.constant 64 : i32
            %scan3A_527 = arith.addi %scan3A_525, %scan3A_526 : i32
            %scan3A_528 = arith.constant 1 : i32
            scf.for %scan3A_530 = %scan3A_525 to %scan3A_527 step %scan3A_528  : i32 {
              %broadcast_in_dim3A_531 = vector.broadcast %scan3A_530 : i32 to vector<16xi32>
              %gather3A_532 = tpu.vector_load_idx %arg23[%broadcast_in_dim3A_531] : memref<64xf32, #tpu.memory_space<vmem>>[vector<16xi32>], vector<16xf32>,
              %broadcast_in_dim3A_533 = vector.broadcast %scan3A_530 : i32 to vector<16xi32>
              %gather3A_534 = tpu.vector_load_idx %arg20[%broadcast_in_dim3A_533] : memref<64xi32, #tpu.memory_space<vmem>>[vector<16xi32>], vector<16xi32>,
              %mul3A_535 = arith.constant 128 : i32
              %mul3A_536 = vector.broadcast %mul3A_535 : i32 to vector<16xi32>
              %mul3A_537 = arith.muli %gather3A_534, %mul3A_536 : vector<16xi32>
              %broadcast_in_dim3A_538 = vector.broadcast %scan3A_530 : i32 to vector<16xi32>
              %add3A_539 = arith.constant 0 : i32
              %add3A_540 = vector.broadcast %add3A_539 : i32 to vector<16xi32>
              %add3A_541 = arith.addi %add3A_540, %iota3A : vector<16xi32>
              %gather3A_542 = tpu.vector_load_idx %arg24[%broadcast_in_dim3A_538, %add3A_541] : memref<64x128xf32, #tpu.memory_space<vmem>>[vector<16xi32>, vector<16xi32>], vector<16xf32>,
              %add3A_543 = arith.addi %mul3A_537, %add3A_541 : vector<16xi32>
              %gather3A_544 = tpu.vector_load_idx %arg26[%add3A_543] : memref<33792xf32, #tpu.memory_space<vmem>>[vector<16xi32>], vector<16xf32>,
              %add3A_545 = arith.addi %mul3A_537, %add3A_541 : vector<16xi32>
              %mul3A_546 = arith.mulf %gather3A_532, %gather3A_542 : vector<16xf32>
              %add3A_547 = arith.addf %gather3A_544, %mul3A_546 : vector<16xf32>
              tpu.vector_store_idx %arg26[%add3A_545], %add3A_547 : memref<33792xf32, #tpu.memory_space<vmem>>[vector<16xi32>], vector<16xf32>,
              %add3A_548 = arith.constant 16 : i32
              %add3A_549 = vector.broadcast %add3A_548 : i32 to vector<16xi32>
              %add3A_550 = arith.addi %add3A_549, %iota3A : vector<16xi32>
              %gather3A_551 = tpu.vector_load_idx %arg24[%broadcast_in_dim3A_538, %add3A_550] : memref<64x128xf32, #tpu.memory_space<vmem>>[vector<16xi32>, vector<16xi32>], vector<16xf32>,
              %add3A_552 = arith.addi %mul3A_537, %add3A_550 : vector<16xi32>
              %gather3A_553 = tpu.vector_load_idx %arg26[%add3A_552] : memref<33792xf32, #tpu.memory_space<vmem>>[vector<16xi32>], vector<16xf32>,
              %add3A_554 = arith.addi %mul3A_537, %add3A_550 : vector<16xi32>
              %mul3A_555 = arith.mulf %gather3A_532, %gather3A_551 : vector<16xf32>
              %add3A_556 = arith.addf %gather3A_553, %mul3A_555 : vector<16xf32>
              tpu.vector_store_idx %arg26[%add3A_554], %add3A_556 : memref<33792xf32, #tpu.memory_space<vmem>>[vector<16xi32>], vector<16xf32>,
              %add3A_557 = arith.constant 32 : i32
              %add3A_558 = vector.broadcast %add3A_557 : i32 to vector<16xi32>
              %add3A_559 = arith.addi %add3A_558, %iota3A : vector<16xi32>
              %gather3A_560 = tpu.vector_load_idx %arg24[%broadcast_in_dim3A_538, %add3A_559] : memref<64x128xf32, #tpu.memory_space<vmem>>[vector<16xi32>, vector<16xi32>], vector<16xf32>,
              %add3A_561 = arith.addi %mul3A_537, %add3A_559 : vector<16xi32>
              %gather3A_562 = tpu.vector_load_idx %arg26[%add3A_561] : memref<33792xf32, #tpu.memory_space<vmem>>[vector<16xi32>], vector<16xf32>,
              %add3A_563 = arith.addi %mul3A_537, %add3A_559 : vector<16xi32>
              %mul3A_564 = arith.mulf %gather3A_532, %gather3A_560 : vector<16xf32>
              %add3A_565 = arith.addf %gather3A_562, %mul3A_564 : vector<16xf32>
              tpu.vector_store_idx %arg26[%add3A_563], %add3A_565 : memref<33792xf32, #tpu.memory_space<vmem>>[vector<16xi32>], vector<16xf32>,
              %add3A_566 = arith.constant 48 : i32
              %add3A_567 = vector.broadcast %add3A_566 : i32 to vector<16xi32>
              %add3A_568 = arith.addi %add3A_567, %iota3A : vector<16xi32>
              %gather3A_569 = tpu.vector_load_idx %arg24[%broadcast_in_dim3A_538, %add3A_568] : memref<64x128xf32, #tpu.memory_space<vmem>>[vector<16xi32>, vector<16xi32>], vector<16xf32>,
              %add3A_570 = arith.addi %mul3A_537, %add3A_568 : vector<16xi32>
              %gather3A_571 = tpu.vector_load_idx %arg26[%add3A_570] : memref<33792xf32, #tpu.memory_space<vmem>>[vector<16xi32>], vector<16xf32>,
              %add3A_572 = arith.addi %mul3A_537, %add3A_568 : vector<16xi32>
              %mul3A_573 = arith.mulf %gather3A_532, %gather3A_569 : vector<16xf32>
              %add3A_574 = arith.addf %gather3A_571, %mul3A_573 : vector<16xf32>
              tpu.vector_store_idx %arg26[%add3A_572], %add3A_574 : memref<33792xf32, #tpu.memory_space<vmem>>[vector<16xi32>], vector<16xf32>,
              %add3A_575 = arith.constant 64 : i32
              %add3A_576 = vector.broadcast %add3A_575 : i32 to vector<16xi32>
              %add3A_577 = arith.addi %add3A_576, %iota3A : vector<16xi32>
              %gather3A_578 = tpu.vector_load_idx %arg24[%broadcast_in_dim3A_538, %add3A_577] : memref<64x128xf32, #tpu.memory_space<vmem>>[vector<16xi32>, vector<16xi32>], vector<16xf32>,
              %add3A_579 = arith.addi %mul3A_537, %add3A_577 : vector<16xi32>
              %gather3A_580 = tpu.vector_load_idx %arg26[%add3A_579] : memref<33792xf32, #tpu.memory_space<vmem>>[vector<16xi32>], vector<16xf32>,
              %add3A_581 = arith.addi %mul3A_537, %add3A_577 : vector<16xi32>
              %mul3A_582 = arith.mulf %gather3A_532, %gather3A_578 : vector<16xf32>
              %add3A_583 = arith.addf %gather3A_580, %mul3A_582 : vector<16xf32>
              tpu.vector_store_idx %arg26[%add3A_581], %add3A_583 : memref<33792xf32, #tpu.memory_space<vmem>>[vector<16xi32>], vector<16xf32>,
              %add3A_584 = arith.constant 80 : i32
              %add3A_585 = vector.broadcast %add3A_584 : i32 to vector<16xi32>
              %add3A_586 = arith.addi %add3A_585, %iota3A : vector<16xi32>
              %gather3A_587 = tpu.vector_load_idx %arg24[%broadcast_in_dim3A_538, %add3A_586] : memref<64x128xf32, #tpu.memory_space<vmem>>[vector<16xi32>, vector<16xi32>], vector<16xf32>,
              %add3A_588 = arith.addi %mul3A_537, %add3A_586 : vector<16xi32>
              %gather3A_589 = tpu.vector_load_idx %arg26[%add3A_588] : memref<33792xf32, #tpu.memory_space<vmem>>[vector<16xi32>], vector<16xf32>,
              %add3A_590 = arith.addi %mul3A_537, %add3A_586 : vector<16xi32>
              %mul3A_591 = arith.mulf %gather3A_532, %gather3A_587 : vector<16xf32>
              %add3A_592 = arith.addf %gather3A_589, %mul3A_591 : vector<16xf32>
              tpu.vector_store_idx %arg26[%add3A_590], %add3A_592 : memref<33792xf32, #tpu.memory_space<vmem>>[vector<16xi32>], vector<16xf32>,
              %add3A_593 = arith.constant 96 : i32
              %add3A_594 = vector.broadcast %add3A_593 : i32 to vector<16xi32>
              %add3A_595 = arith.addi %add3A_594, %iota3A : vector<16xi32>
              %gather3A_596 = tpu.vector_load_idx %arg24[%broadcast_in_dim3A_538, %add3A_595] : memref<64x128xf32, #tpu.memory_space<vmem>>[vector<16xi32>, vector<16xi32>], vector<16xf32>,
              %add3A_597 = arith.addi %mul3A_537, %add3A_595 : vector<16xi32>
              %gather3A_598 = tpu.vector_load_idx %arg26[%add3A_597] : memref<33792xf32, #tpu.memory_space<vmem>>[vector<16xi32>], vector<16xf32>,
              %add3A_599 = arith.addi %mul3A_537, %add3A_595 : vector<16xi32>
              %mul3A_600 = arith.mulf %gather3A_532, %gather3A_596 : vector<16xf32>
              %add3A_601 = arith.addf %gather3A_598, %mul3A_600 : vector<16xf32>
              tpu.vector_store_idx %arg26[%add3A_599], %add3A_601 : memref<33792xf32, #tpu.memory_space<vmem>>[vector<16xi32>], vector<16xf32>,
              %add3A_602 = arith.constant 112 : i32
              %add3A_603 = vector.broadcast %add3A_602 : i32 to vector<16xi32>
              %add3A_604 = arith.addi %add3A_603, %iota3A : vector<16xi32>
              %gather3A_605 = tpu.vector_load_idx %arg24[%broadcast_in_dim3A_538, %add3A_604] : memref<64x128xf32, #tpu.memory_space<vmem>>[vector<16xi32>, vector<16xi32>], vector<16xf32>,
              %add3A_606 = arith.addi %mul3A_537, %add3A_604 : vector<16xi32>
              %gather3A_607 = tpu.vector_load_idx %arg26[%add3A_606] : memref<33792xf32, #tpu.memory_space<vmem>>[vector<16xi32>], vector<16xf32>,
              %add3A_608 = arith.addi %mul3A_537, %add3A_604 : vector<16xi32>
              %mul3A_609 = arith.mulf %gather3A_532, %gather3A_605 : vector<16xf32>
              %add3A_610 = arith.addf %gather3A_607, %mul3A_609 : vector<16xf32>
              tpu.vector_store_idx %arg26[%add3A_608], %add3A_610 : memref<33792xf32, #tpu.memory_space<vmem>>[vector<16xi32>], vector<16xf32>,
              %gather3A_611 = tpu.vector_load_idx %arg27[%gather3A_534] : memref<272xf32, #tpu.memory_space<vmem>>[vector<16xi32>], vector<16xf32>,
              %add3A_612 = arith.addf %gather3A_611, %gather3A_532 : vector<16xf32>
              tpu.vector_store_idx %arg27[%gather3A_534], %add3A_612 : memref<272xf32, #tpu.memory_space<vmem>>[vector<16xi32>], vector<16xf32>,
            }
            %scan3A_529 = arith.constant 64 : i32
          }
          %while3A_319 = arith.constant 1 : i32
          scf.for %while3A_320 = %while3A_317 to %while3A_313 step %while3A_319  : i32 {
            %mul3A_321 = arith.constant 64 : i32
            %mul3A_322 = arith.muli %while3A_320, %mul3A_321 : i32
            %add3A_323 = arith.constant 0 : i32
            %add3A_324 = arith.addi %mul3A_322, %add3A_323 : i32
            %get3A = arith.index_cast %add3A_324 : i32 to index
            %get3A_325 = tpu.vector_load %arg9[%get3A] {strides = array<i32>} : memref<2208xi32, #tpu.memory_space<vmem>>, vector<16xi32>,
            %add3A_326 = arith.constant 0 : i32
            %add3A_327 = arith.addi %mul3A_322, %add3A_326 : i32
            %get3A_328 = arith.index_cast %add3A_327 : i32 to index
            %get3A_329 = tpu.vector_load %arg10[%get3A_328] {strides = array<i32>} : memref<2208xi32, #tpu.memory_space<vmem>>, vector<16xi32>,
            %mul3A_330 = arith.constant 8 : i32
            %mul3A_331 = vector.broadcast %mul3A_330 : i32 to vector<16xi32>
            %mul3A_332 = arith.muli %get3A_325, %mul3A_331 : vector<16xi32>
            %add3A_333 = vector.broadcast %and3A_0 : i32 to vector<16xi32>
            %add3A_334 = arith.addi %mul3A_332, %add3A_333 : vector<16xi32>
            %swap3A_335 = arith.constant 0 : index
            %swap3A_336 = tpu.vector_load %arg19[%swap3A_335] {strides = array<i32>} : memref<64xi32, #tpu.memory_space<vmem>>, vector<16xi32>,
            tpu.vector_store %arg19[%swap3A_335], %add3A_334 {strides = array<i32>} : memref<64xi32, #tpu.memory_space<vmem>>, vector<16xi32>,
            %swap3A_337 = arith.constant 0 : index
            %swap3A_338 = tpu.vector_load %arg20[%swap3A_337] {strides = array<i32>} : memref<64xi32, #tpu.memory_space<vmem>>, vector<16xi32>,
            tpu.vector_store %arg20[%swap3A_337], %get3A_329 {strides = array<i32>} : memref<64xi32, #tpu.memory_space<vmem>>, vector<16xi32>,
            %add3A_339 = arith.constant 16 : i32
            %add3A_340 = arith.addi %mul3A_322, %add3A_339 : i32
            %get3A_341 = arith.index_cast %add3A_340 : i32 to index
            %get3A_342 = tpu.vector_load %arg9[%get3A_341] {strides = array<i32>} : memref<2208xi32, #tpu.memory_space<vmem>>, vector<16xi32>,
            %add3A_343 = arith.constant 16 : i32
            %add3A_344 = arith.addi %mul3A_322, %add3A_343 : i32
            %get3A_345 = arith.index_cast %add3A_344 : i32 to index
            %get3A_346 = tpu.vector_load %arg10[%get3A_345] {strides = array<i32>} : memref<2208xi32, #tpu.memory_space<vmem>>, vector<16xi32>,
            %mul3A_347 = arith.constant 8 : i32
            %mul3A_348 = vector.broadcast %mul3A_347 : i32 to vector<16xi32>
            %mul3A_349 = arith.muli %get3A_342, %mul3A_348 : vector<16xi32>
            %add3A_350 = vector.broadcast %and3A_0 : i32 to vector<16xi32>
            %add3A_351 = arith.addi %mul3A_349, %add3A_350 : vector<16xi32>
            %swap3A_352 = arith.constant 16 : index
            %swap3A_353 = tpu.vector_load %arg19[%swap3A_352] {strides = array<i32>} : memref<64xi32, #tpu.memory_space<vmem>>, vector<16xi32>,
            tpu.vector_store %arg19[%swap3A_352], %add3A_351 {strides = array<i32>} : memref<64xi32, #tpu.memory_space<vmem>>, vector<16xi32>,
            %swap3A_354 = arith.constant 16 : index
            %swap3A_355 = tpu.vector_load %arg20[%swap3A_354] {strides = array<i32>} : memref<64xi32, #tpu.memory_space<vmem>>, vector<16xi32>,
            tpu.vector_store %arg20[%swap3A_354], %get3A_346 {strides = array<i32>} : memref<64xi32, #tpu.memory_space<vmem>>, vector<16xi32>,
            %add3A_356 = arith.constant 32 : i32
            %add3A_357 = arith.addi %mul3A_322, %add3A_356 : i32
            %get3A_358 = arith.index_cast %add3A_357 : i32 to index
            %get3A_359 = tpu.vector_load %arg9[%get3A_358] {strides = array<i32>} : memref<2208xi32, #tpu.memory_space<vmem>>, vector<16xi32>,
            %add3A_360 = arith.constant 32 : i32
            %add3A_361 = arith.addi %mul3A_322, %add3A_360 : i32
            %get3A_362 = arith.index_cast %add3A_361 : i32 to index
            %get3A_363 = tpu.vector_load %arg10[%get3A_362] {strides = array<i32>} : memref<2208xi32, #tpu.memory_space<vmem>>, vector<16xi32>,
            %mul3A_364 = arith.constant 8 : i32
            %mul3A_365 = vector.broadcast %mul3A_364 : i32 to vector<16xi32>
            %mul3A_366 = arith.muli %get3A_359, %mul3A_365 : vector<16xi32>
            %add3A_367 = vector.broadcast %and3A_0 : i32 to vector<16xi32>
            %add3A_368 = arith.addi %mul3A_366, %add3A_367 : vector<16xi32>
            %swap3A_369 = arith.constant 32 : index
            %swap3A_370 = tpu.vector_load %arg19[%swap3A_369] {strides = array<i32>} : memref<64xi32, #tpu.memory_space<vmem>>, vector<16xi32>,
            tpu.vector_store %arg19[%swap3A_369], %add3A_368 {strides = array<i32>} : memref<64xi32, #tpu.memory_space<vmem>>, vector<16xi32>,
            %swap3A_371 = arith.constant 32 : index
            %swap3A_372 = tpu.vector_load %arg20[%swap3A_371] {strides = array<i32>} : memref<64xi32, #tpu.memory_space<vmem>>, vector<16xi32>,
            tpu.vector_store %arg20[%swap3A_371], %get3A_363 {strides = array<i32>} : memref<64xi32, #tpu.memory_space<vmem>>, vector<16xi32>,
            %add3A_373 = arith.constant 48 : i32
            %add3A_374 = arith.addi %mul3A_322, %add3A_373 : i32
            %get3A_375 = arith.index_cast %add3A_374 : i32 to index
            %get3A_376 = tpu.vector_load %arg9[%get3A_375] {strides = array<i32>} : memref<2208xi32, #tpu.memory_space<vmem>>, vector<16xi32>,
            %add3A_377 = arith.constant 48 : i32
            %add3A_378 = arith.addi %mul3A_322, %add3A_377 : i32
            %get3A_379 = arith.index_cast %add3A_378 : i32 to index
            %get3A_380 = tpu.vector_load %arg10[%get3A_379] {strides = array<i32>} : memref<2208xi32, #tpu.memory_space<vmem>>, vector<16xi32>,
            %mul3A_381 = arith.constant 8 : i32
            %mul3A_382 = vector.broadcast %mul3A_381 : i32 to vector<16xi32>
            %mul3A_383 = arith.muli %get3A_376, %mul3A_382 : vector<16xi32>
            %add3A_384 = vector.broadcast %and3A_0 : i32 to vector<16xi32>
            %add3A_385 = arith.addi %mul3A_383, %add3A_384 : vector<16xi32>
            %swap3A_386 = arith.constant 48 : index
            %swap3A_387 = tpu.vector_load %arg19[%swap3A_386] {strides = array<i32>} : memref<64xi32, #tpu.memory_space<vmem>>, vector<16xi32>,
            tpu.vector_store %arg19[%swap3A_386], %add3A_385 {strides = array<i32>} : memref<64xi32, #tpu.memory_space<vmem>>, vector<16xi32>,
            %swap3A_388 = arith.constant 48 : index
            %swap3A_389 = tpu.vector_load %arg20[%swap3A_388] {strides = array<i32>} : memref<64xi32, #tpu.memory_space<vmem>>, vector<16xi32>,
            tpu.vector_store %arg20[%swap3A_388], %get3A_380 {strides = array<i32>} : memref<64xi32, #tpu.memory_space<vmem>>, vector<16xi32>,
            %dma_start3A_390 = arith.constant 0 : i32
            %dma_start3A_391 = arith.constant 0 : i32
            %dma_start3A_392 = tpu.memref_slice %arg6[%dma_start3A_390, %dma_start3A_391] : memref<80000x128xf32, #tpu.memory_space<hbm>> -> memref<80000x128xf32, #tpu.memory_space<hbm>>
            tpu.enqueue_indirect_dma source(%dma_start3A_392 : memref<80000x128xf32, #tpu.memory_space<hbm>>) target(%arg24 : memref<64x128xf32, #tpu.memory_space<vmem>>) offsets(%arg19 : memref<64xi32, #tpu.memory_space<vmem>>) semaphore(%arg31 : memref<!tpu.dma_semaphore, #tpu.memory_space<semaphore_mem>>)
            %dma_wait3A_393 = arith.constant 0 : i32
            %dma_wait3A_394 = arith.constant 0 : i32
            %dma_wait3A_395 = tpu.memref_slice %arg6[%dma_wait3A_393, %dma_wait3A_394] : memref<80000x128xf32, #tpu.memory_space<hbm>> -> memref<80000x128xf32, #tpu.memory_space<hbm>>
            tpu.wait_indirect_dma semaphore(%arg31 : memref<!tpu.dma_semaphore, #tpu.memory_space<semaphore_mem>>) src(%dma_wait3A_395 : memref<80000x128xf32, #tpu.memory_space<hbm>>) dst(%arg24 : memref<64x128xf32, #tpu.memory_space<vmem>>)
            %mul3A_396 = arith.constant 64 : i32
            %mul3A_397 = arith.muli %while3A_320, %mul3A_396 : i32
            %add3A_398 = arith.constant 0 : i32
            %add3A_399 = arith.addi %mul3A_397, %add3A_398 : i32
            %get3A_400 = arith.index_cast %add3A_399 : i32 to index
            %get3A_401 = tpu.vector_load %arg9[%get3A_400] {strides = array<i32>} : memref<2208xi32, #tpu.memory_space<vmem>>, vector<16xi32>,
            %add3A_402 = arith.constant 0 : i32
            %add3A_403 = arith.addi %mul3A_397, %add3A_402 : i32
            %get3A_404 = arith.index_cast %add3A_403 : i32 to index
            %get3A_405 = tpu.vector_load %arg10[%get3A_404] {strides = array<i32>} : memref<2208xi32, #tpu.memory_space<vmem>>, vector<16xi32>,
            %mul3A_406 = arith.constant 4 : i32
            %mul3A_407 = vector.broadcast %mul3A_406 : i32 to vector<16xi32>
            %mul3A_408 = arith.muli %get3A_401, %mul3A_407 : vector<16xi32>
            %add3A_409 = vector.broadcast %shift_right_logical3A_3 : i32 to vector<16xi32>
            %add3A_410 = arith.addi %mul3A_408, %add3A_409 : vector<16xi32>
            %gather3A_411 = tpu.vector_load_idx %arg15[%add3A_410] : memref<40000xf32, #tpu.memory_space<vmem>>[vector<16xi32>], vector<16xf32>,
            %mul3A_412 = arith.constant 256 : i32
            %mul3A_413 = arith.muli %shift_right_logical3A_1, %mul3A_412 : i32
            %add3A_414 = vector.broadcast %mul3A_413 : i32 to vector<16xi32>
            %add3A_415 = arith.addi %add3A_414, %get3A_405 : vector<16xi32>
            %mul3A_416 = arith.constant 4 : i32
            %mul3A_417 = vector.broadcast %mul3A_416 : i32 to vector<16xi32>
            %mul3A_418 = arith.muli %add3A_415, %mul3A_417 : vector<16xi32>
            %add3A_419 = vector.broadcast %shift_right_logical3A_3 : i32 to vector<16xi32>
            %add3A_420 = arith.addi %mul3A_418, %add3A_419 : vector<16xi32>
            %gather3A_421 = tpu.vector_load_idx %arg16[%add3A_420] : memref<2096xf32, #tpu.memory_space<vmem>>[vector<16xi32>], vector<16xf32>,
            %add3A_422 = arith.addf %gather3A_411, %gather3A_421 : vector<16xf32>
            %mul3A_423 = arith.constant 2.000000e-01 : f32
            %mul3A_424 = vector.broadcast %mul3A_423 : f32 to vector<16xf32>
            %mul3A_425 = arith.mulf %mul3A_424, %add3A_422 : vector<16xf32>
            %max3A = arith.maximumf %add3A_422, %mul3A_425 : vector<16xf32>
            %exp3A = math.exp %max3A : vector<16xf32>
            %swap3A_426 = arith.constant 0 : index
            %swap3A_427 = tpu.vector_load %arg23[%swap3A_426] {strides = array<i32>} : memref<64xf32, #tpu.memory_space<vmem>>, vector<16xf32>,
            tpu.vector_store %arg23[%swap3A_426], %exp3A {strides = array<i32>} : memref<64xf32, #tpu.memory_space<vmem>>, vector<16xf32>,
            %add3A_428 = arith.constant 16 : i32
            %add3A_429 = arith.addi %mul3A_397, %add3A_428 : i32
            %get3A_430 = arith.index_cast %add3A_429 : i32 to index
            %get3A_431 = tpu.vector_load %arg9[%get3A_430] {strides = array<i32>} : memref<2208xi32, #tpu.memory_space<vmem>>, vector<16xi32>,
            %add3A_432 = arith.constant 16 : i32
            %add3A_433 = arith.addi %mul3A_397, %add3A_432 : i32
            %get3A_434 = arith.index_cast %add3A_433 : i32 to index
            %get3A_435 = tpu.vector_load %arg10[%get3A_434] {strides = array<i32>} : memref<2208xi32, #tpu.memory_space<vmem>>, vector<16xi32>,
            %mul3A_436 = arith.constant 4 : i32
            %mul3A_437 = vector.broadcast %mul3A_436 : i32 to vector<16xi32>
            %mul3A_438 = arith.muli %get3A_431, %mul3A_437 : vector<16xi32>
            %add3A_439 = vector.broadcast %shift_right_logical3A_3 : i32 to vector<16xi32>
            %add3A_440 = arith.addi %mul3A_438, %add3A_439 : vector<16xi32>
            %gather3A_441 = tpu.vector_load_idx %arg15[%add3A_440] : memref<40000xf32, #tpu.memory_space<vmem>>[vector<16xi32>], vector<16xf32>,
            %mul3A_442 = arith.constant 256 : i32
            %mul3A_443 = arith.muli %shift_right_logical3A_1, %mul3A_442 : i32
            %add3A_444 = vector.broadcast %mul3A_443 : i32 to vector<16xi32>
            %add3A_445 = arith.addi %add3A_444, %get3A_435 : vector<16xi32>
            %mul3A_446 = arith.constant 4 : i32
            %mul3A_447 = vector.broadcast %mul3A_446 : i32 to vector<16xi32>
            %mul3A_448 = arith.muli %add3A_445, %mul3A_447 : vector<16xi32>
            %add3A_449 = vector.broadcast %shift_right_logical3A_3 : i32 to vector<16xi32>
            %add3A_450 = arith.addi %mul3A_448, %add3A_449 : vector<16xi32>
            %gather3A_451 = tpu.vector_load_idx %arg16[%add3A_450] : memref<2096xf32, #tpu.memory_space<vmem>>[vector<16xi32>], vector<16xf32>,
            %add3A_452 = arith.addf %gather3A_441, %gather3A_451 : vector<16xf32>
            %mul3A_453 = arith.constant 2.000000e-01 : f32
            %mul3A_454 = vector.broadcast %mul3A_453 : f32 to vector<16xf32>
            %mul3A_455 = arith.mulf %mul3A_454, %add3A_452 : vector<16xf32>
            %max3A_456 = arith.maximumf %add3A_452, %mul3A_455 : vector<16xf32>
            %exp3A_457 = math.exp %max3A_456 : vector<16xf32>
            %swap3A_458 = arith.constant 16 : index
            %swap3A_459 = tpu.vector_load %arg23[%swap3A_458] {strides = array<i32>} : memref<64xf32, #tpu.memory_space<vmem>>, vector<16xf32>,
            tpu.vector_store %arg23[%swap3A_458], %exp3A_457 {strides = array<i32>} : memref<64xf32, #tpu.memory_space<vmem>>, vector<16xf32>,
            %add3A_460 = arith.constant 32 : i32
            %add3A_461 = arith.addi %mul3A_397, %add3A_460 : i32
            %get3A_462 = arith.index_cast %add3A_461 : i32 to index
            %get3A_463 = tpu.vector_load %arg9[%get3A_462] {strides = array<i32>} : memref<2208xi32, #tpu.memory_space<vmem>>, vector<16xi32>,
            %add3A_464 = arith.constant 32 : i32
            %add3A_465 = arith.addi %mul3A_397, %add3A_464 : i32
            %get3A_466 = arith.index_cast %add3A_465 : i32 to index
            %get3A_467 = tpu.vector_load %arg10[%get3A_466] {strides = array<i32>} : memref<2208xi32, #tpu.memory_space<vmem>>, vector<16xi32>,
            %mul3A_468 = arith.constant 4 : i32
            %mul3A_469 = vector.broadcast %mul3A_468 : i32 to vector<16xi32>
            %mul3A_470 = arith.muli %get3A_463, %mul3A_469 : vector<16xi32>
            %add3A_471 = vector.broadcast %shift_right_logical3A_3 : i32 to vector<16xi32>
            %add3A_472 = arith.addi %mul3A_470, %add3A_471 : vector<16xi32>
            %gather3A_473 = tpu.vector_load_idx %arg15[%add3A_472] : memref<40000xf32, #tpu.memory_space<vmem>>[vector<16xi32>], vector<16xf32>,
            %mul3A_474 = arith.constant 256 : i32
            %mul3A_475 = arith.muli %shift_right_logical3A_1, %mul3A_474 : i32
            %add3A_476 = vector.broadcast %mul3A_475 : i32 to vector<16xi32>
            %add3A_477 = arith.addi %add3A_476, %get3A_467 : vector<16xi32>
            %mul3A_478 = arith.constant 4 : i32
            %mul3A_479 = vector.broadcast %mul3A_478 : i32 to vector<16xi32>
            %mul3A_480 = arith.muli %add3A_477, %mul3A_479 : vector<16xi32>
            %add3A_481 = vector.broadcast %shift_right_logical3A_3 : i32 to vector<16xi32>
            %add3A_482 = arith.addi %mul3A_480, %add3A_481 : vector<16xi32>
            %gather3A_483 = tpu.vector_load_idx %arg16[%add3A_482] : memref<2096xf32, #tpu.memory_space<vmem>>[vector<16xi32>], vector<16xf32>,
            %add3A_484 = arith.addf %gather3A_473, %gather3A_483 : vector<16xf32>
            %mul3A_485 = arith.constant 2.000000e-01 : f32
            %mul3A_486 = vector.broadcast %mul3A_485 : f32 to vector<16xf32>
            %mul3A_487 = arith.mulf %mul3A_486, %add3A_484 : vector<16xf32>
            %max3A_488 = arith.maximumf %add3A_484, %mul3A_487 : vector<16xf32>
            %exp3A_489 = math.exp %max3A_488 : vector<16xf32>
            %swap3A_490 = arith.constant 32 : index
            %swap3A_491 = tpu.vector_load %arg23[%swap3A_490] {strides = array<i32>} : memref<64xf32, #tpu.memory_space<vmem>>, vector<16xf32>,
            tpu.vector_store %arg23[%swap3A_490], %exp3A_489 {strides = array<i32>} : memref<64xf32, #tpu.memory_space<vmem>>, vector<16xf32>,
            %add3A_492 = arith.constant 48 : i32
            %add3A_493 = arith.addi %mul3A_397, %add3A_492 : i32
            %get3A_494 = arith.index_cast %add3A_493 : i32 to index
            %get3A_495 = tpu.vector_load %arg9[%get3A_494] {strides = array<i32>} : memref<2208xi32, #tpu.memory_space<vmem>>, vector<16xi32>,
            %add3A_496 = arith.constant 48 : i32
            %add3A_497 = arith.addi %mul3A_397, %add3A_496 : i32
            %get3A_498 = arith.index_cast %add3A_497 : i32 to index
            %get3A_499 = tpu.vector_load %arg10[%get3A_498] {strides = array<i32>} : memref<2208xi32, #tpu.memory_space<vmem>>, vector<16xi32>,
            %mul3A_500 = arith.constant 4 : i32
            %mul3A_501 = vector.broadcast %mul3A_500 : i32 to vector<16xi32>
            %mul3A_502 = arith.muli %get3A_495, %mul3A_501 : vector<16xi32>
            %add3A_503 = vector.broadcast %shift_right_logical3A_3 : i32 to vector<16xi32>
            %add3A_504 = arith.addi %mul3A_502, %add3A_503 : vector<16xi32>
            %gather3A_505 = tpu.vector_load_idx %arg15[%add3A_504] : memref<40000xf32, #tpu.memory_space<vmem>>[vector<16xi32>], vector<16xf32>,
            %mul3A_506 = arith.constant 256 : i32
            %mul3A_507 = arith.muli %shift_right_logical3A_1, %mul3A_506 : i32
            %add3A_508 = vector.broadcast %mul3A_507 : i32 to vector<16xi32>
            %add3A_509 = arith.addi %add3A_508, %get3A_499 : vector<16xi32>
            %mul3A_510 = arith.constant 4 : i32
            %mul3A_511 = vector.broadcast %mul3A_510 : i32 to vector<16xi32>
            %mul3A_512 = arith.muli %add3A_509, %mul3A_511 : vector<16xi32>
            %add3A_513 = vector.broadcast %shift_right_logical3A_3 : i32 to vector<16xi32>
            %add3A_514 = arith.addi %mul3A_512, %add3A_513 : vector<16xi32>
            %gather3A_515 = tpu.vector_load_idx %arg16[%add3A_514] : memref<2096xf32, #tpu.memory_space<vmem>>[vector<16xi32>], vector<16xf32>,
            %add3A_516 = arith.addf %gather3A_505, %gather3A_515 : vector<16xf32>
            %mul3A_517 = arith.constant 2.000000e-01 : f32
            %mul3A_518 = vector.broadcast %mul3A_517 : f32 to vector<16xf32>
            %mul3A_519 = arith.mulf %mul3A_518, %add3A_516 : vector<16xf32>
            %max3A_520 = arith.maximumf %add3A_516, %mul3A_519 : vector<16xf32>
            %exp3A_521 = math.exp %max3A_520 : vector<16xf32>
            %swap3A_522 = arith.constant 48 : index
            %swap3A_523 = tpu.vector_load %arg23[%swap3A_522] {strides = array<i32>} : memref<64xf32, #tpu.memory_space<vmem>>, vector<16xf32>,
            tpu.vector_store %arg23[%swap3A_522], %exp3A_521 {strides = array<i32>} : memref<64xf32, #tpu.memory_space<vmem>>, vector<16xf32>,
            %scan3A_524 = arith.constant 0 : i32
            %scan3A_525 = arith.constant 0 : i32
            %scan3A_526 = arith.constant 64 : i32
            %scan3A_527 = arith.addi %scan3A_525, %scan3A_526 : i32
            %scan3A_528 = arith.constant 1 : i32
            scf.for %scan3A_530 = %scan3A_525 to %scan3A_527 step %scan3A_528  : i32 {
              %broadcast_in_dim3A_531 = vector.broadcast %scan3A_530 : i32 to vector<16xi32>
              %gather3A_532 = tpu.vector_load_idx %arg23[%broadcast_in_dim3A_531] : memref<64xf32, #tpu.memory_space<vmem>>[vector<16xi32>], vector<16xf32>,
              %broadcast_in_dim3A_533 = vector.broadcast %scan3A_530 : i32 to vector<16xi32>
              %gather3A_534 = tpu.vector_load_idx %arg20[%broadcast_in_dim3A_533] : memref<64xi32, #tpu.memory_space<vmem>>[vector<16xi32>], vector<16xi32>,
              %mul3A_535 = arith.constant 128 : i32
              %mul3A_536 = vector.broadcast %mul3A_535 : i32 to vector<16xi32>
              %mul3A_537 = arith.muli %gather3A_534, %mul3A_536 : vector<16xi32>
              %broadcast_in_dim3A_538 = vector.broadcast %scan3A_530 : i32 to vector<16xi32>
              %add3A_539 = arith.constant 0 : i32
              %add3A_540 = vector.broadcast %add3A_539 : i32 to vector<16xi32>
              %add3A_541 = arith.addi %add3A_540, %iota3A : vector<16xi32>
              %gather3A_542 = tpu.vector_load_idx %arg24[%broadcast_in_dim3A_538, %add3A_541] : memref<64x128xf32, #tpu.memory_space<vmem>>[vector<16xi32>, vector<16xi32>], vector<16xf32>,
              %add3A_543 = arith.addi %mul3A_537, %add3A_541 : vector<16xi32>
              %gather3A_544 = tpu.vector_load_idx %arg26[%add3A_543] : memref<33792xf32, #tpu.memory_space<vmem>>[vector<16xi32>], vector<16xf32>,
              %add3A_545 = arith.addi %mul3A_537, %add3A_541 : vector<16xi32>
              %mul3A_546 = arith.mulf %gather3A_532, %gather3A_542 : vector<16xf32>
              %add3A_547 = arith.addf %gather3A_544, %mul3A_546 : vector<16xf32>
              tpu.vector_store_idx %arg26[%add3A_545], %add3A_547 : memref<33792xf32, #tpu.memory_space<vmem>>[vector<16xi32>], vector<16xf32>,
              %add3A_548 = arith.constant 16 : i32
              %add3A_549 = vector.broadcast %add3A_548 : i32 to vector<16xi32>
              %add3A_550 = arith.addi %add3A_549, %iota3A : vector<16xi32>
              %gather3A_551 = tpu.vector_load_idx %arg24[%broadcast_in_dim3A_538, %add3A_550] : memref<64x128xf32, #tpu.memory_space<vmem>>[vector<16xi32>, vector<16xi32>], vector<16xf32>,
              %add3A_552 = arith.addi %mul3A_537, %add3A_550 : vector<16xi32>
              %gather3A_553 = tpu.vector_load_idx %arg26[%add3A_552] : memref<33792xf32, #tpu.memory_space<vmem>>[vector<16xi32>], vector<16xf32>,
              %add3A_554 = arith.addi %mul3A_537, %add3A_550 : vector<16xi32>
              %mul3A_555 = arith.mulf %gather3A_532, %gather3A_551 : vector<16xf32>
              %add3A_556 = arith.addf %gather3A_553, %mul3A_555 : vector<16xf32>
              tpu.vector_store_idx %arg26[%add3A_554], %add3A_556 : memref<33792xf32, #tpu.memory_space<vmem>>[vector<16xi32>], vector<16xf32>,
              %add3A_557 = arith.constant 32 : i32
              %add3A_558 = vector.broadcast %add3A_557 : i32 to vector<16xi32>
              %add3A_559 = arith.addi %add3A_558, %iota3A : vector<16xi32>
              %gather3A_560 = tpu.vector_load_idx %arg24[%broadcast_in_dim3A_538, %add3A_559] : memref<64x128xf32, #tpu.memory_space<vmem>>[vector<16xi32>, vector<16xi32>], vector<16xf32>,
              %add3A_561 = arith.addi %mul3A_537, %add3A_559 : vector<16xi32>
              %gather3A_562 = tpu.vector_load_idx %arg26[%add3A_561] : memref<33792xf32, #tpu.memory_space<vmem>>[vector<16xi32>], vector<16xf32>,
              %add3A_563 = arith.addi %mul3A_537, %add3A_559 : vector<16xi32>
              %mul3A_564 = arith.mulf %gather3A_532, %gather3A_560 : vector<16xf32>
              %add3A_565 = arith.addf %gather3A_562, %mul3A_564 : vector<16xf32>
              tpu.vector_store_idx %arg26[%add3A_563], %add3A_565 : memref<33792xf32, #tpu.memory_space<vmem>>[vector<16xi32>], vector<16xf32>,
              %add3A_566 = arith.constant 48 : i32
              %add3A_567 = vector.broadcast %add3A_566 : i32 to vector<16xi32>
              %add3A_568 = arith.addi %add3A_567, %iota3A : vector<16xi32>
              %gather3A_569 = tpu.vector_load_idx %arg24[%broadcast_in_dim3A_538, %add3A_568] : memref<64x128xf32, #tpu.memory_space<vmem>>[vector<16xi32>, vector<16xi32>], vector<16xf32>,
              %add3A_570 = arith.addi %mul3A_537, %add3A_568 : vector<16xi32>
              %gather3A_571 = tpu.vector_load_idx %arg26[%add3A_570] : memref<33792xf32, #tpu.memory_space<vmem>>[vector<16xi32>], vector<16xf32>,
              %add3A_572 = arith.addi %mul3A_537, %add3A_568 : vector<16xi32>
              %mul3A_573 = arith.mulf %gather3A_532, %gather3A_569 : vector<16xf32>
              %add3A_574 = arith.addf %gather3A_571, %mul3A_573 : vector<16xf32>
              tpu.vector_store_idx %arg26[%add3A_572], %add3A_574 : memref<33792xf32, #tpu.memory_space<vmem>>[vector<16xi32>], vector<16xf32>,
              %add3A_575 = arith.constant 64 : i32
              %add3A_576 = vector.broadcast %add3A_575 : i32 to vector<16xi32>
              %add3A_577 = arith.addi %add3A_576, %iota3A : vector<16xi32>
              %gather3A_578 = tpu.vector_load_idx %arg24[%broadcast_in_dim3A_538, %add3A_577] : memref<64x128xf32, #tpu.memory_space<vmem>>[vector<16xi32>, vector<16xi32>], vector<16xf32>,
              %add3A_579 = arith.addi %mul3A_537, %add3A_577 : vector<16xi32>
              %gather3A_580 = tpu.vector_load_idx %arg26[%add3A_579] : memref<33792xf32, #tpu.memory_space<vmem>>[vector<16xi32>], vector<16xf32>,
              %add3A_581 = arith.addi %mul3A_537, %add3A_577 : vector<16xi32>
              %mul3A_582 = arith.mulf %gather3A_532, %gather3A_578 : vector<16xf32>
              %add3A_583 = arith.addf %gather3A_580, %mul3A_582 : vector<16xf32>
              tpu.vector_store_idx %arg26[%add3A_581], %add3A_583 : memref<33792xf32, #tpu.memory_space<vmem>>[vector<16xi32>], vector<16xf32>,
              %add3A_584 = arith.constant 80 : i32
              %add3A_585 = vector.broadcast %add3A_584 : i32 to vector<16xi32>
              %add3A_586 = arith.addi %add3A_585, %iota3A : vector<16xi32>
              %gather3A_587 = tpu.vector_load_idx %arg24[%broadcast_in_dim3A_538, %add3A_586] : memref<64x128xf32, #tpu.memory_space<vmem>>[vector<16xi32>, vector<16xi32>], vector<16xf32>,
              %add3A_588 = arith.addi %mul3A_537, %add3A_586 : vector<16xi32>
              %gather3A_589 = tpu.vector_load_idx %arg26[%add3A_588] : memref<33792xf32, #tpu.memory_space<vmem>>[vector<16xi32>], vector<16xf32>,
              %add3A_590 = arith.addi %mul3A_537, %add3A_586 : vector<16xi32>
              %mul3A_591 = arith.mulf %gather3A_532, %gather3A_587 : vector<16xf32>
              %add3A_592 = arith.addf %gather3A_589, %mul3A_591 : vector<16xf32>
              tpu.vector_store_idx %arg26[%add3A_590], %add3A_592 : memref<33792xf32, #tpu.memory_space<vmem>>[vector<16xi32>], vector<16xf32>,
              %add3A_593 = arith.constant 96 : i32
              %add3A_594 = vector.broadcast %add3A_593 : i32 to vector<16xi32>
              %add3A_595 = arith.addi %add3A_594, %iota3A : vector<16xi32>
              %gather3A_596 = tpu.vector_load_idx %arg24[%broadcast_in_dim3A_538, %add3A_595] : memref<64x128xf32, #tpu.memory_space<vmem>>[vector<16xi32>, vector<16xi32>], vector<16xf32>,
              %add3A_597 = arith.addi %mul3A_537, %add3A_595 : vector<16xi32>
              %gather3A_598 = tpu.vector_load_idx %arg26[%add3A_597] : memref<33792xf32, #tpu.memory_space<vmem>>[vector<16xi32>], vector<16xf32>,
              %add3A_599 = arith.addi %mul3A_537, %add3A_595 : vector<16xi32>
              %mul3A_600 = arith.mulf %gather3A_532, %gather3A_596 : vector<16xf32>
              %add3A_601 = arith.addf %gather3A_598, %mul3A_600 : vector<16xf32>
              tpu.vector_store_idx %arg26[%add3A_599], %add3A_601 : memref<33792xf32, #tpu.memory_space<vmem>>[vector<16xi32>], vector<16xf32>,
              %add3A_602 = arith.constant 112 : i32
              %add3A_603 = vector.broadcast %add3A_602 : i32 to vector<16xi32>
              %add3A_604 = arith.addi %add3A_603, %iota3A : vector<16xi32>
              %gather3A_605 = tpu.vector_load_idx %arg24[%broadcast_in_dim3A_538, %add3A_604] : memref<64x128xf32, #tpu.memory_space<vmem>>[vector<16xi32>, vector<16xi32>], vector<16xf32>,
              %add3A_606 = arith.addi %mul3A_537, %add3A_604 : vector<16xi32>
              %gather3A_607 = tpu.vector_load_idx %arg26[%add3A_606] : memref<33792xf32, #tpu.memory_space<vmem>>[vector<16xi32>], vector<16xf32>,
              %add3A_608 = arith.addi %mul3A_537, %add3A_604 : vector<16xi32>
              %mul3A_609 = arith.mulf %gather3A_532, %gather3A_605 : vector<16xf32>
              %add3A_610 = arith.addf %gather3A_607, %mul3A_609 : vector<16xf32>
              tpu.vector_store_idx %arg26[%add3A_608], %add3A_610 : memref<33792xf32, #tpu.memory_space<vmem>>[vector<16xi32>], vector<16xf32>,
              %gather3A_611 = tpu.vector_load_idx %arg27[%gather3A_534] : memref<272xf32, #tpu.memory_space<vmem>>[vector<16xi32>], vector<16xf32>,
              %add3A_612 = arith.addf %gather3A_611, %gather3A_532 : vector<16xf32>
              tpu.vector_store_idx %arg27[%gather3A_534], %add3A_612 : memref<272xf32, #tpu.memory_space<vmem>>[vector<16xi32>], vector<16xf32>,
            }
            %scan3A_529 = arith.constant 64 : i32
          }
        }
        %scan3A_254 = arith.constant 16 : i32
        %barrier3A_255 = arith.constant 0 : index
        tpu.barrier barrier_id(%barrier3A_255)
      }
      %scan3A_66 = arith.constant 5 : i32
      %mul3A_67 = arith.constant 1310720 : i32
      %mul3A_68 = arith.muli %and3A_0, %mul3A_67 : i32
      %mul3A_69 = arith.constant 256 : i32
      %mul3A_70 = arith.muli %shift_right_logical3A_1, %mul3A_69 : i32
      %add3A_71 = arith.addi %mul3A_19, %mul3A_70 : i32
      %mul3A_72 = arith.constant 128 : i32
      %mul3A_73 = arith.muli %add3A_71, %mul3A_72 : i32
      %add3A_74 = arith.addi %mul3A_68, %mul3A_73 : i32
      "tpu.region"() ({
        %run_scoped3A = tpu.sem_alloc : memref<!tpu.dma_semaphore, #tpu.memory_space<semaphore_mem>>
        %dma_start3A = arith.constant 0 : i32
        %dma_start3A_81 = tpu.memref_slice %arg26[%dma_start3A] : memref<33792xf32, #tpu.memory_space<vmem>> -> memref<32768xf32, #tpu.memory_space<vmem>>
        %dma_start3A_82 = tpu.memref_slice %arg7[%add3A_74] : memref<10485760xf32, #tpu.memory_space<hbm>> -> memref<32768xf32, #tpu.memory_space<hbm>>
        %dma_start3A_83 = tpu.memref_slice %arg7[%add3A_74] : memref<10485760xf32, #tpu.memory_space<hbm>> -> memref<32768xf32, #tpu.memory_space<hbm>>
        %dma_start3A_84 = arith.constant 0 : i32
        %dma_start3A_85 = tpu.memref_slice %arg26[%dma_start3A_84] : memref<33792xf32, #tpu.memory_space<vmem>> -> memref<32768xf32, #tpu.memory_space<vmem>>
        tpu.enqueue_dma source(%dma_start3A_85 : memref<32768xf32, #tpu.memory_space<vmem>>) target(%dma_start3A_83 : memref<32768xf32, #tpu.memory_space<hbm>>) target_semaphore(%run_scoped3A : memref<!tpu.dma_semaphore, #tpu.memory_space<semaphore_mem>>)
        %dma_wait3A = arith.constant 0 : i32
        %dma_wait3A_86 = tpu.memref_slice %arg26[%dma_wait3A] : memref<33792xf32, #tpu.memory_space<vmem>> -> memref<32768xf32, #tpu.memory_space<vmem>>
        %dma_wait3A_87 = tpu.memref_slice %arg7[%add3A_74] : memref<10485760xf32, #tpu.memory_space<hbm>> -> memref<32768xf32, #tpu.memory_space<hbm>>
        %dma_wait3A_88 = tpu.memref_slice %arg7[%add3A_74] : memref<10485760xf32, #tpu.memory_space<hbm>> -> memref<32768xf32, #tpu.memory_space<hbm>>
        %dma_wait3A_89 = arith.constant 0 : i32
        %dma_wait3A_90 = tpu.memref_slice %arg26[%dma_wait3A_89] : memref<33792xf32, #tpu.memory_space<vmem>> -> memref<32768xf32, #tpu.memory_space<vmem>>
        tpu.wait_dma2 semaphore(%run_scoped3A : memref<!tpu.dma_semaphore, #tpu.memory_space<semaphore_mem>>) src(%dma_wait3A_90 : memref<32768xf32, #tpu.memory_space<vmem>>) dst(%dma_wait3A_88 : memref<32768xf32, #tpu.memory_space<hbm>>)
        tpu.yield
      }) : () -> ()
      %mul3A_75 = arith.constant 10240 : i32
      %mul3A_76 = arith.muli %and3A_0, %mul3A_75 : i32
      %add3A_77 = arith.addi %mul3A_76, %mul3A_19 : i32
      %mul3A_78 = arith.constant 256 : i32
      %mul3A_79 = arith.muli %shift_right_logical3A_1, %mul3A_78 : i32
      %add3A_80 = arith.addi %add3A_77, %mul3A_79 : i32
      "tpu.region"() ({
        %run_scoped3A = tpu.sem_alloc : memref<!tpu.dma_semaphore, #tpu.memory_space<semaphore_mem>>
        %dma_start3A = arith.constant 0 : i32
        %dma_start3A_81 = tpu.memref_slice %arg27[%dma_start3A] : memref<272xf32, #tpu.memory_space<vmem>> -> memref<256xf32, #tpu.memory_space<vmem>>
        %dma_start3A_82 = tpu.memref_slice %arg8[%add3A_80] : memref<81920xf32, #tpu.memory_space<hbm>> -> memref<256xf32, #tpu.memory_space<hbm>>
        %dma_start3A_83 = tpu.memref_slice %arg8[%add3A_80] : memref<81920xf32, #tpu.memory_space<hbm>> -> memref<256xf32, #tpu.memory_space<hbm>>
        %dma_start3A_84 = arith.constant 0 : i32
        %dma_start3A_85 = tpu.memref_slice %arg27[%dma_start3A_84] : memref<272xf32, #tpu.memory_space<vmem>> -> memref<256xf32, #tpu.memory_space<vmem>>
        tpu.enqueue_dma source(%dma_start3A_85 : memref<256xf32, #tpu.memory_space<vmem>>) target(%dma_start3A_83 : memref<256xf32, #tpu.memory_space<hbm>>) target_semaphore(%run_scoped3A : memref<!tpu.dma_semaphore, #tpu.memory_space<semaphore_mem>>)
        %dma_wait3A = arith.constant 0 : i32
        %dma_wait3A_86 = tpu.memref_slice %arg27[%dma_wait3A] : memref<272xf32, #tpu.memory_space<vmem>> -> memref<256xf32, #tpu.memory_space<vmem>>
        %dma_wait3A_87 = tpu.memref_slice %arg8[%add3A_80] : memref<81920xf32, #tpu.memory_space<hbm>> -> memref<256xf32, #tpu.memory_space<hbm>>
        %dma_wait3A_88 = tpu.memref_slice %arg8[%add3A_80] : memref<81920xf32, #tpu.memory_space<hbm>> -> memref<256xf32, #tpu.memory_space<hbm>>
        %dma_wait3A_89 = arith.constant 0 : i32
        %dma_wait3A_90 = tpu.memref_slice %arg27[%dma_wait3A_89] : memref<272xf32, #tpu.memory_space<vmem>> -> memref<256xf32, #tpu.memory_space<vmem>>
        tpu.wait_dma2 semaphore(%run_scoped3A : memref<!tpu.dma_semaphore, #tpu.memory_space<semaphore_mem>>) src(%dma_wait3A_90 : memref<256xf32, #tpu.memory_space<vmem>>) dst(%dma_wait3A_88 : memref<256xf32, #tpu.memory_space<hbm>>)
        tpu.yield
      }) : () -> ()
    }
    %scan3A_14 = arith.constant 10 : i32
    return
  }
}

#map = affine_map<(d0, d1) -> (0)>
#map1 = affine_map<(d0, d1) -> (0, 0)>
module attributes {stable_mosaic.version = 14 : i64} {
  func.func @_sc_edge_body(%arg0: i32, %arg1: i32, %arg2: memref<160000xi32, #tpu.memory_space<hbm>>, %arg3: memref<160000xi32, #tpu.memory_space<hbm>>, %arg4: memref<40960xf32, #tpu.memory_space<hbm>>, %arg5: memref<40960xf32, #tpu.memory_space<hbm>>, %arg6: memref<80000x128xf32, #tpu.memory_space<hbm>>, %arg7: memref<10485760xf32, #tpu.memory_space<hbm>>, %arg8: memref<81920xf32, #tpu.memory_space<hbm>>, %arg9: memref<2208xi32, #tpu.memory_space<vmem>>, %arg10: memref<2208xi32, #tpu.memory_space<vmem>>, %arg11: memref<2192xi32, #tpu.memory_space<vmem>>, %arg12: memref<2192xi32, #tpu.memory_space<vmem>>, %arg13: memref<2192xi32, #tpu.memory_space<vmem>>, %arg14: memref<2192xi32, #tpu.memory_space<vmem>>, %arg15: memref<40000xf32, #tpu.memory_space<vmem>>, %arg16: memref<2096xf32, #tpu.memory_space<vmem>>, %arg17: memref<16xi32, #tpu.memory_space<vmem>>, %arg18: memref<256xi32, #tpu.memory_space<vmem>>, %arg19: memref<64xi32, #tpu.memory_space<vmem>>, %arg20: memref<64xi32, #tpu.memory_space<vmem>>, %arg21: memref<64xi32, #tpu.memory_space<vmem>>, %arg22: memref<64xi32, #tpu.memory_space<vmem>>, %arg23: memref<64xf32, #tpu.memory_space<vmem>>, %arg24: memref<64x128xf32, #tpu.memory_space<vmem>>, %arg25: memref<64x128xf32, #tpu.memory_space<vmem>>, %arg26: memref<33792xf32, #tpu.memory_space<vmem>>, %arg27: memref<272xf32, #tpu.memory_space<vmem>>, %arg28: memref<70144xi32, #tpu.memory_space<vmem_shared>>, %arg29: memref<70144xi32, #tpu.memory_space<vmem_shared>>, %arg30: memref<256xi32, #tpu.memory_space<vmem_shared>>, %arg31: memref<!tpu.dma_semaphore, #tpu.memory_space<semaphore_mem>>, %arg32: memref<!tpu.dma_semaphore, #tpu.memory_space<semaphore_mem>>) attributes {dimension_semantics = [#tpu.dimension_semantics<core_parallel>, #tpu.dimension_semantics<subcore_parallel>], iteration_bounds = array<i64: 2, 16>, scalar_prefetch = 0 : i64, scratch_operands = 24 : i64, tpu.core_type = #tpu.core_type<sc_vector_subcore>, window_params = [{transform_indices = #map}, {transform_indices = #map}, {transform_indices = #map}, {transform_indices = #map}, {transform_indices = #map1}, {transform_indices = #map}, {transform_indices = #map}]} {
    %and3A = arith.constant 7 : i32
    %and3A_0 = arith.andi %arg1, %and3A : i32
    %shift_right_logical3A = arith.constant 3 : i32
    %shift_right_logical3A_1 = arith.shrui %arg1, %shift_right_logical3A : i32
    %shift_right_logical3A_2 = arith.constant 1 : i32
    %shift_right_logical3A_3 = arith.shrui %and3A_0, %shift_right_logical3A_2 : i32
    %iota3A = tpu.iota {dimensions = array<i32: 0>} : vector<16xi32>
    %broadcast_in_dim3A = arith.constant 0.000000e+00 : f32
    %broadcast_in_dim3A_4 = vector.broadcast %broadcast_in_dim3A : f32 to vector<16xf32>
    %broadcast_in_dim3A_5 = arith.constant 0 : i32
    %broadcast_in_dim3A_6 = vector.broadcast %broadcast_in_dim3A_5 : i32 to vector<16xi32>
    %broadcast_in_dim3A_7 = arith.constant 256 : i32
    %broadcast_in_dim3A_8 = vector.broadcast %broadcast_in_dim3A_7 : i32 to vector<16xi32>
    %mul3A = arith.constant 10000 : i32
    %mul3A_9 = arith.muli %arg1, %mul3A : i32
    "tpu.region"() ({
      %run_scoped3A = tpu.sem_alloc : memref<!tpu.dma_semaphore, #tpu.memory_space<semaphore_mem>>
      %dma_start3A = arith.constant 0 : i32
      %dma_start3A_15 = tpu.memref_slice %arg4[%dma_start3A] : memref<40960xf32, #tpu.memory_space<hbm>> -> memref<40000xf32, #tpu.memory_space<hbm>>
      %dma_start3A_16 = arith.constant 0 : i32
      %dma_start3A_17 = tpu.memref_slice %arg4[%dma_start3A_16] : memref<40960xf32, #tpu.memory_space<hbm>> -> memref<40000xf32, #tpu.memory_space<hbm>>
      tpu.enqueue_dma source(%dma_start3A_17 : memref<40000xf32, #tpu.memory_space<hbm>>) target(%arg15 : memref<40000xf32, #tpu.memory_space<vmem>>) target_semaphore(%run_scoped3A : memref<!tpu.dma_semaphore, #tpu.memory_space<semaphore_mem>>)
      %dma_wait3A = arith.constant 0 : i32
      %dma_wait3A_18 = tpu.memref_slice %arg4[%dma_wait3A] : memref<40960xf32, #tpu.memory_space<hbm>> -> memref<40000xf32, #tpu.memory_space<hbm>>
      %dma_wait3A_19 = arith.constant 0 : i32
      %dma_wait3A_20 = tpu.memref_slice %arg4[%dma_wait3A_19] : memref<40960xf32, #tpu.memory_space<hbm>> -> memref<40000xf32, #tpu.memory_space<hbm>>
      tpu.wait_dma2 semaphore(%run_scoped3A : memref<!tpu.dma_semaphore, #tpu.memory_space<semaphore_mem>>) src(%dma_wait3A_20 : memref<40000xf32, #tpu.memory_space<hbm>>) dst(%arg15 : memref<40000xf32, #tpu.memory_space<vmem>>)
      tpu.yield
    }) : () -> ()
    %scan3A = arith.constant 0 : i32
    %scan3A_10 = arith.constant 0 : i32
    %scan3A_11 = arith.constant 10 : i32
    %scan3A_12 = arith.addi %scan3A_10, %scan3A_11 : i32
    %scan3A_13 = arith.constant 1 : i32
    scf.for %scan3A_15 = %scan3A_10 to %scan3A_12 step %scan3A_13  : i32 {
      %mul3A_16 = arith.constant 2 : i32
      %mul3A_17 = arith.muli %scan3A_15, %mul3A_16 : i32
      %add3A = arith.addi %mul3A_17, %arg0 : i32
      %mul3A_18 = arith.constant 512 : i32
      %mul3A_19 = arith.muli %add3A, %mul3A_18 : i32
      %scan3A_20 = arith.constant 0 : i32
      %scan3A_21 = arith.constant 0 : i32
      %scan3A_22 = arith.constant 2112 : i32
      %scan3A_23 = arith.addi %scan3A_21, %scan3A_22 : i32
      %scan3A_24 = arith.constant 1 : i32
      scf.for %scan3A_81 = %scan3A_21 to %scan3A_23 step %scan3A_24  : i32 {
        %mul3A_82 = arith.constant 16 : i32
        %mul3A_83 = arith.muli %scan3A_81, %mul3A_82 : i32
        %swap3A_84 = arith.index_cast %mul3A_83 : i32 to index
        %swap3A_85 = tpu.vector_load %arg26[%swap3A_84] {strides = array<i32>} : memref<33792xf32, #tpu.memory_space<vmem>>, vector<16xf32>,
        tpu.vector_store %arg26[%swap3A_84], %broadcast_in_dim3A_4 {strides = array<i32>} : memref<33792xf32, #tpu.memory_space<vmem>>, vector<16xf32>,
      }
      %scan3A_25 = arith.constant 2112 : i32
      %swap3A = arith.constant 0 : index
      %swap3A_26 = tpu.vector_load %arg27[%swap3A] {strides = array<i32>} : memref<272xf32, #tpu.memory_space<vmem>>, vector<16xf32>,
      tpu.vector_store %arg27[%swap3A], %broadcast_in_dim3A_4 {strides = array<i32>} : memref<272xf32, #tpu.memory_space<vmem>>, vector<16xf32>,
      %swap3A_27 = arith.constant 16 : index
      %swap3A_28 = tpu.vector_load %arg27[%swap3A_27] {strides = array<i32>} : memref<272xf32, #tpu.memory_space<vmem>>, vector<16xf32>,
      tpu.vector_store %arg27[%swap3A_27], %broadcast_in_dim3A_4 {strides = array<i32>} : memref<272xf32, #tpu.memory_space<vmem>>, vector<16xf32>,
      %swap3A_29 = arith.constant 32 : index
      %swap3A_30 = tpu.vector_load %arg27[%swap3A_29] {strides = array<i32>} : memref<272xf32, #tpu.memory_space<vmem>>, vector<16xf32>,
      tpu.vector_store %arg27[%swap3A_29], %broadcast_in_dim3A_4 {strides = array<i32>} : memref<272xf32, #tpu.memory_space<vmem>>, vector<16xf32>,
      %swap3A_31 = arith.constant 48 : index
      %swap3A_32 = tpu.vector_load %arg27[%swap3A_31] {strides = array<i32>} : memref<272xf32, #tpu.memory_space<vmem>>, vector<16xf32>,
      tpu.vector_store %arg27[%swap3A_31], %broadcast_in_dim3A_4 {strides = array<i32>} : memref<272xf32, #tpu.memory_space<vmem>>, vector<16xf32>,
      %swap3A_33 = arith.constant 64 : index
      %swap3A_34 = tpu.vector_load %arg27[%swap3A_33] {strides = array<i32>} : memref<272xf32, #tpu.memory_space<vmem>>, vector<16xf32>,
      tpu.vector_store %arg27[%swap3A_33], %broadcast_in_dim3A_4 {strides = array<i32>} : memref<272xf32, #tpu.memory_space<vmem>>, vector<16xf32>,
      %swap3A_35 = arith.constant 80 : index
      %swap3A_36 = tpu.vector_load %arg27[%swap3A_35] {strides = array<i32>} : memref<272xf32, #tpu.memory_space<vmem>>, vector<16xf32>,
      tpu.vector_store %arg27[%swap3A_35], %broadcast_in_dim3A_4 {strides = array<i32>} : memref<272xf32, #tpu.memory_space<vmem>>, vector<16xf32>,
      %swap3A_37 = arith.constant 96 : index
      %swap3A_38 = tpu.vector_load %arg27[%swap3A_37] {strides = array<i32>} : memref<272xf32, #tpu.memory_space<vmem>>, vector<16xf32>,
      tpu.vector_store %arg27[%swap3A_37], %broadcast_in_dim3A_4 {strides = array<i32>} : memref<272xf32, #tpu.memory_space<vmem>>, vector<16xf32>,
      %swap3A_39 = arith.constant 112 : index
      %swap3A_40 = tpu.vector_load %arg27[%swap3A_39] {strides = array<i32>} : memref<272xf32, #tpu.memory_space<vmem>>, vector<16xf32>,
      tpu.vector_store %arg27[%swap3A_39], %broadcast_in_dim3A_4 {strides = array<i32>} : memref<272xf32, #tpu.memory_space<vmem>>, vector<16xf32>,
      %swap3A_41 = arith.constant 128 : index
      %swap3A_42 = tpu.vector_load %arg27[%swap3A_41] {strides = array<i32>} : memref<272xf32, #tpu.memory_space<vmem>>, vector<16xf32>,
      tpu.vector_store %arg27[%swap3A_41], %broadcast_in_dim3A_4 {strides = array<i32>} : memref<272xf32, #tpu.memory_space<vmem>>, vector<16xf32>,
      %swap3A_43 = arith.constant 144 : index
      %swap3A_44 = tpu.vector_load %arg27[%swap3A_43] {strides = array<i32>} : memref<272xf32, #tpu.memory_space<vmem>>, vector<16xf32>,
      tpu.vector_store %arg27[%swap3A_43], %broadcast_in_dim3A_4 {strides = array<i32>} : memref<272xf32, #tpu.memory_space<vmem>>, vector<16xf32>,
      %swap3A_45 = arith.constant 160 : index
      %swap3A_46 = tpu.vector_load %arg27[%swap3A_45] {strides = array<i32>} : memref<272xf32, #tpu.memory_space<vmem>>, vector<16xf32>,
      tpu.vector_store %arg27[%swap3A_45], %broadcast_in_dim3A_4 {strides = array<i32>} : memref<272xf32, #tpu.memory_space<vmem>>, vector<16xf32>,
      %swap3A_47 = arith.constant 176 : index
      %swap3A_48 = tpu.vector_load %arg27[%swap3A_47] {strides = array<i32>} : memref<272xf32, #tpu.memory_space<vmem>>, vector<16xf32>,
      tpu.vector_store %arg27[%swap3A_47], %broadcast_in_dim3A_4 {strides = array<i32>} : memref<272xf32, #tpu.memory_space<vmem>>, vector<16xf32>,
      %swap3A_49 = arith.constant 192 : index
      %swap3A_50 = tpu.vector_load %arg27[%swap3A_49] {strides = array<i32>} : memref<272xf32, #tpu.memory_space<vmem>>, vector<16xf32>,
      tpu.vector_store %arg27[%swap3A_49], %broadcast_in_dim3A_4 {strides = array<i32>} : memref<272xf32, #tpu.memory_space<vmem>>, vector<16xf32>,
      %swap3A_51 = arith.constant 208 : index
      %swap3A_52 = tpu.vector_load %arg27[%swap3A_51] {strides = array<i32>} : memref<272xf32, #tpu.memory_space<vmem>>, vector<16xf32>,
      tpu.vector_store %arg27[%swap3A_51], %broadcast_in_dim3A_4 {strides = array<i32>} : memref<272xf32, #tpu.memory_space<vmem>>, vector<16xf32>,
      %swap3A_53 = arith.constant 224 : index
      %swap3A_54 = tpu.vector_load %arg27[%swap3A_53] {strides = array<i32>} : memref<272xf32, #tpu.memory_space<vmem>>, vector<16xf32>,
      tpu.vector_store %arg27[%swap3A_53], %broadcast_in_dim3A_4 {strides = array<i32>} : memref<272xf32, #tpu.memory_space<vmem>>, vector<16xf32>,
      %swap3A_55 = arith.constant 240 : index
      %swap3A_56 = tpu.vector_load %arg27[%swap3A_55] {strides = array<i32>} : memref<272xf32, #tpu.memory_space<vmem>>, vector<16xf32>,
      tpu.vector_store %arg27[%swap3A_55], %broadcast_in_dim3A_4 {strides = array<i32>} : memref<272xf32, #tpu.memory_space<vmem>>, vector<16xf32>,
      %swap3A_57 = arith.constant 256 : index
      %swap3A_58 = tpu.vector_load %arg27[%swap3A_57] {strides = array<i32>} : memref<272xf32, #tpu.memory_space<vmem>>, vector<16xf32>,
      tpu.vector_store %arg27[%swap3A_57], %broadcast_in_dim3A_4 {strides = array<i32>} : memref<272xf32, #tpu.memory_space<vmem>>, vector<16xf32>,
      %mul3A_59 = arith.constant 4 : i32
      %mul3A_60 = arith.muli %mul3A_19, %mul3A_59 : i32
      "tpu.region"() ({
        %run_scoped3A = tpu.sem_alloc : memref<!tpu.dma_semaphore, #tpu.memory_space<semaphore_mem>>
        %dma_start3A = arith.constant 0 : i32
        %dma_start3A_81 = tpu.memref_slice %arg16[%dma_start3A] : memref<2096xf32, #tpu.memory_space<vmem>> -> memref<2048xf32, #tpu.memory_space<vmem>>
        %dma_start3A_82 = tpu.memref_slice %arg5[%mul3A_60] : memref<40960xf32, #tpu.memory_space<hbm>> -> memref<2048xf32, #tpu.memory_space<hbm>>
        %dma_start3A_83 = arith.constant 0 : i32
        %dma_start3A_84 = tpu.memref_slice %arg16[%dma_start3A_83] : memref<2096xf32, #tpu.memory_space<vmem>> -> memref<2048xf32, #tpu.memory_space<vmem>>
        %dma_start3A_85 = tpu.memref_slice %arg5[%mul3A_60] : memref<40960xf32, #tpu.memory_space<hbm>> -> memref<2048xf32, #tpu.memory_space<hbm>>
        tpu.enqueue_dma source(%dma_start3A_85 : memref<2048xf32, #tpu.memory_space<hbm>>) target(%dma_start3A_84 : memref<2048xf32, #tpu.memory_space<vmem>>) target_semaphore(%run_scoped3A : memref<!tpu.dma_semaphore, #tpu.memory_space<semaphore_mem>>)
        %dma_wait3A = arith.constant 0 : i32
        %dma_wait3A_86 = tpu.memref_slice %arg16[%dma_wait3A] : memref<2096xf32, #tpu.memory_space<vmem>> -> memref<2048xf32, #tpu.memory_space<vmem>>
        %dma_wait3A_87 = tpu.memref_slice %arg5[%mul3A_60] : memref<40960xf32, #tpu.memory_space<hbm>> -> memref<2048xf32, #tpu.memory_space<hbm>>
        %dma_wait3A_88 = arith.constant 0 : i32
        %dma_wait3A_89 = tpu.memref_slice %arg16[%dma_wait3A_88] : memref<2096xf32, #tpu.memory_space<vmem>> -> memref<2048xf32, #tpu.memory_space<vmem>>
        %dma_wait3A_90 = tpu.memref_slice %arg5[%mul3A_60] : memref<40960xf32, #tpu.memory_space<hbm>> -> memref<2048xf32, #tpu.memory_space<hbm>>
        tpu.wait_dma2 semaphore(%run_scoped3A : memref<!tpu.dma_semaphore, #tpu.memory_space<semaphore_mem>>) src(%dma_wait3A_90 : memref<2048xf32, #tpu.memory_space<hbm>>) dst(%dma_wait3A_89 : memref<2048xf32, #tpu.memory_space<vmem>>)
        tpu.yield
      }) : () -> ()
      %scan3A_61 = arith.constant 0 : i32
      %scan3A_62 = arith.constant 0 : i32
      %scan3A_63 = arith.constant 5 : i32
      %scan3A_64 = arith.addi %scan3A_62, %scan3A_63 : i32
      %scan3A_65 = arith.constant 1 : i32
      scf.for %scan3A_81 = %scan3A_62 to %scan3A_64 step %scan3A_65  : i32 {
        %mul3A_82 = arith.constant 2000 : i32
        %mul3A_83 = arith.muli %scan3A_81, %mul3A_82 : i32
        %add3A_84 = arith.addi %mul3A_9, %mul3A_83 : i32
        "tpu.region"() ({
          %run_scoped3A = tpu.sem_alloc : memref<!tpu.dma_semaphore, #tpu.memory_space<semaphore_mem>>
          %dma_start3A = arith.constant 0 : i32
          %dma_start3A_256 = tpu.memref_slice %arg9[%dma_start3A] : memref<2208xi32, #tpu.memory_space<vmem>> -> memref<2000xi32, #tpu.memory_space<vmem>>
          %dma_start3A_257 = tpu.memref_slice %arg2[%add3A_84] : memref<160000xi32, #tpu.memory_space<hbm>> -> memref<2000xi32, #tpu.memory_space<hbm>>
          %dma_start3A_258 = arith.constant 0 : i32
          %dma_start3A_259 = tpu.memref_slice %arg9[%dma_start3A_258] : memref<2208xi32, #tpu.memory_space<vmem>> -> memref<2000xi32, #tpu.memory_space<vmem>>
          %dma_start3A_260 = tpu.memref_slice %arg2[%add3A_84] : memref<160000xi32, #tpu.memory_space<hbm>> -> memref<2000xi32, #tpu.memory_space<hbm>>
          tpu.enqueue_dma source(%dma_start3A_260 : memref<2000xi32, #tpu.memory_space<hbm>>) target(%dma_start3A_259 : memref<2000xi32, #tpu.memory_space<vmem>>) target_semaphore(%run_scoped3A : memref<!tpu.dma_semaphore, #tpu.memory_space<semaphore_mem>>)
          %dma_wait3A = arith.constant 0 : i32
          %dma_wait3A_261 = tpu.memref_slice %arg9[%dma_wait3A] : memref<2208xi32, #tpu.memory_space<vmem>> -> memref<2000xi32, #tpu.memory_space<vmem>>
          %dma_wait3A_262 = tpu.memref_slice %arg2[%add3A_84] : memref<160000xi32, #tpu.memory_space<hbm>> -> memref<2000xi32, #tpu.memory_space<hbm>>
          %dma_wait3A_263 = arith.constant 0 : i32
          %dma_wait3A_264 = tpu.memref_slice %arg9[%dma_wait3A_263] : memref<2208xi32, #tpu.memory_space<vmem>> -> memref<2000xi32, #tpu.memory_space<vmem>>
          %dma_wait3A_265 = tpu.memref_slice %arg2[%add3A_84] : memref<160000xi32, #tpu.memory_space<hbm>> -> memref<2000xi32, #tpu.memory_space<hbm>>
          tpu.wait_dma2 semaphore(%run_scoped3A : memref<!tpu.dma_semaphore, #tpu.memory_space<semaphore_mem>>) src(%dma_wait3A_265 : memref<2000xi32, #tpu.memory_space<hbm>>) dst(%dma_wait3A_264 : memref<2000xi32, #tpu.memory_space<vmem>>)
          tpu.yield
        }) : () -> ()
        %mul3A_85 = arith.constant 2000 : i32
        %mul3A_86 = arith.muli %scan3A_81, %mul3A_85 : i32
        %add3A_87 = arith.addi %mul3A_9, %mul3A_86 : i32
        "tpu.region"() ({
          %run_scoped3A = tpu.sem_alloc : memref<!tpu.dma_semaphore, #tpu.memory_space<semaphore_mem>>
          %dma_start3A = arith.constant 0 : i32
          %dma_start3A_256 = tpu.memref_slice %arg10[%dma_start3A] : memref<2208xi32, #tpu.memory_space<vmem>> -> memref<2000xi32, #tpu.memory_space<vmem>>
          %dma_start3A_257 = tpu.memref_slice %arg3[%add3A_87] : memref<160000xi32, #tpu.memory_space<hbm>> -> memref<2000xi32, #tpu.memory_space<hbm>>
          %dma_start3A_258 = arith.constant 0 : i32
          %dma_start3A_259 = tpu.memref_slice %arg10[%dma_start3A_258] : memref<2208xi32, #tpu.memory_space<vmem>> -> memref<2000xi32, #tpu.memory_space<vmem>>
          %dma_start3A_260 = tpu.memref_slice %arg3[%add3A_87] : memref<160000xi32, #tpu.memory_space<hbm>> -> memref<2000xi32, #tpu.memory_space<hbm>>
          tpu.enqueue_dma source(%dma_start3A_260 : memref<2000xi32, #tpu.memory_space<hbm>>) target(%dma_start3A_259 : memref<2000xi32, #tpu.memory_space<vmem>>) target_semaphore(%run_scoped3A : memref<!tpu.dma_semaphore, #tpu.memory_space<semaphore_mem>>)
          %dma_wait3A = arith.constant 0 : i32
          %dma_wait3A_261 = tpu.memref_slice %arg10[%dma_wait3A] : memref<2208xi32, #tpu.memory_space<vmem>> -> memref<2000xi32, #tpu.memory_space<vmem>>
          %dma_wait3A_262 = tpu.memref_slice %arg3[%add3A_87] : memref<160000xi32, #tpu.memory_space<hbm>> -> memref<2000xi32, #tpu.memory_space<hbm>>
          %dma_wait3A_263 = arith.constant 0 : i32
          %dma_wait3A_264 = tpu.memref_slice %arg10[%dma_wait3A_263] : memref<2208xi32, #tpu.memory_space<vmem>> -> memref<2000xi32, #tpu.memory_space<vmem>>
          %dma_wait3A_265 = tpu.memref_slice %arg3[%add3A_87] : memref<160000xi32, #tpu.memory_space<hbm>> -> memref<2000xi32, #tpu.memory_space<hbm>>
          tpu.wait_dma2 semaphore(%run_scoped3A : memref<!tpu.dma_semaphore, #tpu.memory_space<semaphore_mem>>) src(%dma_wait3A_265 : memref<2000xi32, #tpu.memory_space<hbm>>) dst(%dma_wait3A_264 : memref<2000xi32, #tpu.memory_space<vmem>>)
          tpu.yield
        }) : () -> ()
        %scan3A_88 = arith.constant 0 : i32
        %scan3A_89 = arith.constant 0 : i32
        %scan3A_90 = arith.constant 0 : i32
        %scan3A_91 = arith.constant 125 : i32
        %scan3A_92 = arith.addi %scan3A_90, %scan3A_91 : i32
        %scan3A_93 = arith.constant 1 : i32
        %scan3A_94:2 = scf.for %scan3A_256 = %scan3A_90 to %scan3A_92 step %scan3A_93 iter_args(%scan3A_257 = %scan3A_88, %scan3A_258 = %scan3A_89) -> (i32, i32)  : i32 {
          %mul3A_259 = arith.constant 16 : i32
          %mul3A_260 = arith.muli %scan3A_256, %mul3A_259 : i32
          %get3A = arith.index_cast %mul3A_260 : i32 to index
          %get3A_261 = tpu.vector_load %arg9[%get3A] {strides = array<i32>} : memref<2208xi32, #tpu.memory_space<vmem>>, vector<16xi32>,
          %mul3A_262 = arith.constant 16 : i32
          %mul3A_263 = arith.muli %scan3A_256, %mul3A_262 : i32
          %get3A_264 = arith.index_cast %mul3A_263 : i32 to index
          %get3A_265 = tpu.vector_load %arg10[%get3A_264] {strides = array<i32>} : memref<2208xi32, #tpu.memory_space<vmem>>, vector<16xi32>,
          %sub3A = vector.broadcast %mul3A_19 : i32 to vector<16xi32>
          %sub3A_266 = arith.subi %get3A_265, %sub3A : vector<16xi32>
          %ge3A = arith.constant 0 : i32
          %ge3A_267 = vector.broadcast %ge3A : i32 to vector<16xi32>
          %ge3A_268 = arith.cmpi sge, %sub3A_266, %ge3A_267 : vector<16xi32>
          %lt3A = arith.constant 256 : i32
          %lt3A_269 = vector.broadcast %lt3A : i32 to vector<16xi32>
          %lt3A_270 = arith.cmpi slt, %sub3A_266, %lt3A_269 : vector<16xi32>
          %and3A_271 = arith.andi %ge3A_268, %lt3A_270 : vector<16xi1>
          %jit3A_272 = arith.constant 1 : i32
          %jit3A_273 = arith.constant 0 : i32
          %broadcast_in_dim3A_274 = vector.broadcast %jit3A_272 : i32 to vector<16xi32>
          %broadcast_in_dim3A_275 = vector.broadcast %jit3A_273 : i32 to vector<16xi32>
          %select_n3A_276 = arith.select %and3A_271, %broadcast_in_dim3A_274, %broadcast_in_dim3A_275 : vector<16xi1>, vector<16xi32>
          %sub3A_277 = arith.constant 1 : i32
          %sub3A_278 = vector.broadcast %sub3A_277 : i32 to vector<16xi32>
          %sub3A_279 = arith.subi %iota3A, %sub3A_278 : vector<16xi32>
          %max3A = arith.constant 0 : i32
          %max3A_280 = vector.broadcast %max3A : i32 to vector<16xi32>
          %max3A_281 = arith.maxsi %sub3A_279, %max3A_280 : vector<16xi32>
          %lt3A_282 = arith.constant 0 : i32
          %lt3A_283 = vector.broadcast %lt3A_282 : i32 to vector<16xi32>
          %lt3A_284 = arith.cmpi slt, %max3A_281, %lt3A_283 : vector<16xi32>
          %add3A_285 = arith.constant 16 : i32
          %add3A_286 = vector.broadcast %add3A_285 : i32 to vector<16xi32>
          %add3A_287 = arith.addi %max3A_281, %add3A_286 : vector<16xi32>
          %select_n3A_288 = arith.select %lt3A_284, %add3A_287, %max3A_281 : vector<16xi1>, vector<16xi32>
          %broadcast_in_dim3A_289 = vector.shape_cast %select_n3A_288 : vector<16xi32> to vector<16x1xi32>
          %gather3A = vector.shape_cast %broadcast_in_dim3A_289 : vector<16x1xi32> to vector<16xi32>
          %gather3A_290 = tpu.dynamic_gather %select_n3A_276[%gather3A] in [0] : vector<16xi32>, vector<16xi32> -> vector<16xi32>
          %ge3A_291 = arith.constant 1 : i32
          %ge3A_292 = vector.broadcast %ge3A_291 : i32 to vector<16xi32>
          %ge3A_293 = arith.cmpi sge, %iota3A, %ge3A_292 : vector<16xi32>
          %jit3A_294 = arith.constant 0 : i32
          %broadcast_in_dim3A_295 = vector.broadcast %jit3A_294 : i32 to vector<16xi32>
          %select_n3A_296 = arith.select %ge3A_293, %gather3A_290, %broadcast_in_dim3A_295 : vector<16xi1>, vector<16xi32>
          %add3A_297 = arith.addi %select_n3A_276, %select_n3A_296 : vector<16xi32>
          %sub3A_298 = arith.constant 2 : i32
          %sub3A_299 = vector.broadcast %sub3A_298 : i32 to vector<16xi32>
          %sub3A_300 = arith.subi %iota3A, %sub3A_299 : vector<16xi32>
          %max3A_301 = arith.constant 0 : i32
          %max3A_302 = vector.broadcast %max3A_301 : i32 to vector<16xi32>
          %max3A_303 = arith.maxsi %sub3A_300, %max3A_302 : vector<16xi32>
          %lt3A_304 = arith.constant 0 : i32
          %lt3A_305 = vector.broadcast %lt3A_304 : i32 to vector<16xi32>
          %lt3A_306 = arith.cmpi slt, %max3A_303, %lt3A_305 : vector<16xi32>
          %add3A_307 = arith.constant 16 : i32
          %add3A_308 = vector.broadcast %add3A_307 : i32 to vector<16xi32>
          %add3A_309 = arith.addi %max3A_303, %add3A_308 : vector<16xi32>
          %select_n3A_310 = arith.select %lt3A_306, %add3A_309, %max3A_303 : vector<16xi1>, vector<16xi32>
          %broadcast_in_dim3A_311 = vector.shape_cast %select_n3A_310 : vector<16xi32> to vector<16x1xi32>
          %gather3A_312 = vector.shape_cast %broadcast_in_dim3A_311 : vector<16x1xi32> to vector<16xi32>
          %gather3A_313 = tpu.dynamic_gather %add3A_297[%gather3A_312] in [0] : vector<16xi32>, vector<16xi32> -> vector<16xi32>
          %ge3A_314 = arith.constant 2 : i32
          %ge3A_315 = vector.broadcast %ge3A_314 : i32 to vector<16xi32>
          %ge3A_316 = arith.cmpi sge, %iota3A, %ge3A_315 : vector<16xi32>
          %jit3A_317 = arith.constant 0 : i32
          %broadcast_in_dim3A_318 = vector.broadcast %jit3A_317 : i32 to vector<16xi32>
          %select_n3A_319 = arith.select %ge3A_316, %gather3A_313, %broadcast_in_dim3A_318 : vector<16xi1>, vector<16xi32>
          %add3A_320 = arith.addi %add3A_297, %select_n3A_319 : vector<16xi32>
          %sub3A_321 = arith.constant 4 : i32
          %sub3A_322 = vector.broadcast %sub3A_321 : i32 to vector<16xi32>
          %sub3A_323 = arith.subi %iota3A, %sub3A_322 : vector<16xi32>
          %max3A_324 = arith.constant 0 : i32
          %max3A_325 = vector.broadcast %max3A_324 : i32 to vector<16xi32>
          %max3A_326 = arith.maxsi %sub3A_323, %max3A_325 : vector<16xi32>
          %lt3A_327 = arith.constant 0 : i32
          %lt3A_328 = vector.broadcast %lt3A_327 : i32 to vector<16xi32>
          %lt3A_329 = arith.cmpi slt, %max3A_326, %lt3A_328 : vector<16xi32>
          %add3A_330 = arith.constant 16 : i32
          %add3A_331 = vector.broadcast %add3A_330 : i32 to vector<16xi32>
          %add3A_332 = arith.addi %max3A_326, %add3A_331 : vector<16xi32>
          %select_n3A_333 = arith.select %lt3A_329, %add3A_332, %max3A_326 : vector<16xi1>, vector<16xi32>
          %broadcast_in_dim3A_334 = vector.shape_cast %select_n3A_333 : vector<16xi32> to vector<16x1xi32>
          %gather3A_335 = vector.shape_cast %broadcast_in_dim3A_334 : vector<16x1xi32> to vector<16xi32>
          %gather3A_336 = tpu.dynamic_gather %add3A_320[%gather3A_335] in [0] : vector<16xi32>, vector<16xi32> -> vector<16xi32>
          %ge3A_337 = arith.constant 4 : i32
          %ge3A_338 = vector.broadcast %ge3A_337 : i32 to vector<16xi32>
          %ge3A_339 = arith.cmpi sge, %iota3A, %ge3A_338 : vector<16xi32>
          %jit3A_340 = arith.constant 0 : i32
          %broadcast_in_dim3A_341 = vector.broadcast %jit3A_340 : i32 to vector<16xi32>
          %select_n3A_342 = arith.select %ge3A_339, %gather3A_336, %broadcast_in_dim3A_341 : vector<16xi1>, vector<16xi32>
          %add3A_343 = arith.addi %add3A_320, %select_n3A_342 : vector<16xi32>
          %sub3A_344 = arith.constant 8 : i32
          %sub3A_345 = vector.broadcast %sub3A_344 : i32 to vector<16xi32>
          %sub3A_346 = arith.subi %iota3A, %sub3A_345 : vector<16xi32>
          %max3A_347 = arith.constant 0 : i32
          %max3A_348 = vector.broadcast %max3A_347 : i32 to vector<16xi32>
          %max3A_349 = arith.maxsi %sub3A_346, %max3A_348 : vector<16xi32>
          %lt3A_350 = arith.constant 0 : i32
          %lt3A_351 = vector.broadcast %lt3A_350 : i32 to vector<16xi32>
          %lt3A_352 = arith.cmpi slt, %max3A_349, %lt3A_351 : vector<16xi32>
          %add3A_353 = arith.constant 16 : i32
          %add3A_354 = vector.broadcast %add3A_353 : i32 to vector<16xi32>
          %add3A_355 = arith.addi %max3A_349, %add3A_354 : vector<16xi32>
          %select_n3A_356 = arith.select %lt3A_352, %add3A_355, %max3A_349 : vector<16xi1>, vector<16xi32>
          %broadcast_in_dim3A_357 = vector.shape_cast %select_n3A_356 : vector<16xi32> to vector<16x1xi32>
          %gather3A_358 = vector.shape_cast %broadcast_in_dim3A_357 : vector<16x1xi32> to vector<16xi32>
          %gather3A_359 = tpu.dynamic_gather %add3A_343[%gather3A_358] in [0] : vector<16xi32>, vector<16xi32> -> vector<16xi32>
          %ge3A_360 = arith.constant 8 : i32
          %ge3A_361 = vector.broadcast %ge3A_360 : i32 to vector<16xi32>
          %ge3A_362 = arith.cmpi sge, %iota3A, %ge3A_361 : vector<16xi32>
          %jit3A_363 = arith.constant 0 : i32
          %broadcast_in_dim3A_364 = vector.broadcast %jit3A_363 : i32 to vector<16xi32>
          %select_n3A_365 = arith.select %ge3A_362, %gather3A_359, %broadcast_in_dim3A_364 : vector<16xi1>, vector<16xi32>
          %add3A_366 = arith.addi %add3A_343, %select_n3A_365 : vector<16xi32>
          %add3A_367 = vector.broadcast %scan3A_257 : i32 to vector<16xi32>
          %add3A_368 = arith.addi %add3A_367, %add3A_366 : vector<16xi32>
          %sub3A_369 = arith.constant 1 : i32
          %sub3A_370 = vector.broadcast %sub3A_369 : i32 to vector<16xi32>
          %sub3A_371 = arith.subi %add3A_368, %sub3A_370 : vector<16xi32>
          %jit3A_372 = arith.constant 2144 : i32
          %broadcast_in_dim3A_373 = vector.broadcast %jit3A_372 : i32 to vector<16xi32>
          %select_n3A_374 = arith.select %and3A_271, %sub3A_371, %broadcast_in_dim3A_373 : vector<16xi1>, vector<16xi32>
          tpu.vector_store_idx %arg11[%select_n3A_374], %get3A_261 : memref<2192xi32, #tpu.memory_space<vmem>>[vector<16xi32>], vector<16xi32>,
          tpu.vector_store_idx %arg12[%select_n3A_374], %sub3A_266 : memref<2192xi32, #tpu.memory_space<vmem>>[vector<16xi32>], vector<16xi32>,
          %slice3A = vector.extract_strided_slice %add3A_366 {offsets = [15], sizes = [1], strides = [1]} : vector<16xi32> to vector<1xi32>
          %squeeze3A = vector.extract %slice3A[0] : i32 from vector<1xi32>
          %add3A_375 = arith.addi %scan3A_257, %squeeze3A : i32
          %ge3A_376 = arith.constant 256 : i32
          %ge3A_377 = vector.broadcast %ge3A_376 : i32 to vector<16xi32>
          %ge3A_378 = arith.cmpi sge, %sub3A_266, %ge3A_377 : vector<16xi32>
          %lt3A_379 = arith.constant 512 : i32
          %lt3A_380 = vector.broadcast %lt3A_379 : i32 to vector<16xi32>
          %lt3A_381 = arith.cmpi slt, %sub3A_266, %lt3A_380 : vector<16xi32>
          %and3A_382 = arith.andi %ge3A_378, %lt3A_381 : vector<16xi1>
          %jit3A_383 = arith.constant 1 : i32
          %jit3A_384 = arith.constant 0 : i32
          %broadcast_in_dim3A_385 = vector.broadcast %jit3A_383 : i32 to vector<16xi32>
          %broadcast_in_dim3A_386 = vector.broadcast %jit3A_384 : i32 to vector<16xi32>
          %select_n3A_387 = arith.select %and3A_382, %broadcast_in_dim3A_385, %broadcast_in_dim3A_386 : vector<16xi1>, vector<16xi32>
          %sub3A_388 = arith.constant 1 : i32
          %sub3A_389 = vector.broadcast %sub3A_388 : i32 to vector<16xi32>
          %sub3A_390 = arith.subi %iota3A, %sub3A_389 : vector<16xi32>
          %max3A_391 = arith.constant 0 : i32
          %max3A_392 = vector.broadcast %max3A_391 : i32 to vector<16xi32>
          %max3A_393 = arith.maxsi %sub3A_390, %max3A_392 : vector<16xi32>
          %lt3A_394 = arith.constant 0 : i32
          %lt3A_395 = vector.broadcast %lt3A_394 : i32 to vector<16xi32>
          %lt3A_396 = arith.cmpi slt, %max3A_393, %lt3A_395 : vector<16xi32>
          %add3A_397 = arith.constant 16 : i32
          %add3A_398 = vector.broadcast %add3A_397 : i32 to vector<16xi32>
          %add3A_399 = arith.addi %max3A_393, %add3A_398 : vector<16xi32>
          %select_n3A_400 = arith.select %lt3A_396, %add3A_399, %max3A_393 : vector<16xi1>, vector<16xi32>
          %broadcast_in_dim3A_401 = vector.shape_cast %select_n3A_400 : vector<16xi32> to vector<16x1xi32>
          %gather3A_402 = vector.shape_cast %broadcast_in_dim3A_401 : vector<16x1xi32> to vector<16xi32>
          %gather3A_403 = tpu.dynamic_gather %select_n3A_387[%gather3A_402] in [0] : vector<16xi32>, vector<16xi32> -> vector<16xi32>
          %ge3A_404 = arith.constant 1 : i32
          %ge3A_405 = vector.broadcast %ge3A_404 : i32 to vector<16xi32>
          %ge3A_406 = arith.cmpi sge, %iota3A, %ge3A_405 : vector<16xi32>
          %jit3A_407 = arith.constant 0 : i32
          %broadcast_in_dim3A_408 = vector.broadcast %jit3A_407 : i32 to vector<16xi32>
          %select_n3A_409 = arith.select %ge3A_406, %gather3A_403, %broadcast_in_dim3A_408 : vector<16xi1>, vector<16xi32>
          %add3A_410 = arith.addi %select_n3A_387, %select_n3A_409 : vector<16xi32>
          %sub3A_411 = arith.constant 2 : i32
          %sub3A_412 = vector.broadcast %sub3A_411 : i32 to vector<16xi32>
          %sub3A_413 = arith.subi %iota3A, %sub3A_412 : vector<16xi32>
          %max3A_414 = arith.constant 0 : i32
          %max3A_415 = vector.broadcast %max3A_414 : i32 to vector<16xi32>
          %max3A_416 = arith.maxsi %sub3A_413, %max3A_415 : vector<16xi32>
          %lt3A_417 = arith.constant 0 : i32
          %lt3A_418 = vector.broadcast %lt3A_417 : i32 to vector<16xi32>
          %lt3A_419 = arith.cmpi slt, %max3A_416, %lt3A_418 : vector<16xi32>
          %add3A_420 = arith.constant 16 : i32
          %add3A_421 = vector.broadcast %add3A_420 : i32 to vector<16xi32>
          %add3A_422 = arith.addi %max3A_416, %add3A_421 : vector<16xi32>
          %select_n3A_423 = arith.select %lt3A_419, %add3A_422, %max3A_416 : vector<16xi1>, vector<16xi32>
          %broadcast_in_dim3A_424 = vector.shape_cast %select_n3A_423 : vector<16xi32> to vector<16x1xi32>
          %gather3A_425 = vector.shape_cast %broadcast_in_dim3A_424 : vector<16x1xi32> to vector<16xi32>
          %gather3A_426 = tpu.dynamic_gather %add3A_410[%gather3A_425] in [0] : vector<16xi32>, vector<16xi32> -> vector<16xi32>
          %ge3A_427 = arith.constant 2 : i32
          %ge3A_428 = vector.broadcast %ge3A_427 : i32 to vector<16xi32>
          %ge3A_429 = arith.cmpi sge, %iota3A, %ge3A_428 : vector<16xi32>
          %jit3A_430 = arith.constant 0 : i32
          %broadcast_in_dim3A_431 = vector.broadcast %jit3A_430 : i32 to vector<16xi32>
          %select_n3A_432 = arith.select %ge3A_429, %gather3A_426, %broadcast_in_dim3A_431 : vector<16xi1>, vector<16xi32>
          %add3A_433 = arith.addi %add3A_410, %select_n3A_432 : vector<16xi32>
          %sub3A_434 = arith.constant 4 : i32
          %sub3A_435 = vector.broadcast %sub3A_434 : i32 to vector<16xi32>
          %sub3A_436 = arith.subi %iota3A, %sub3A_435 : vector<16xi32>
          %max3A_437 = arith.constant 0 : i32
          %max3A_438 = vector.broadcast %max3A_437 : i32 to vector<16xi32>
          %max3A_439 = arith.maxsi %sub3A_436, %max3A_438 : vector<16xi32>
          %lt3A_440 = arith.constant 0 : i32
          %lt3A_441 = vector.broadcast %lt3A_440 : i32 to vector<16xi32>
          %lt3A_442 = arith.cmpi slt, %max3A_439, %lt3A_441 : vector<16xi32>
          %add3A_443 = arith.constant 16 : i32
          %add3A_444 = vector.broadcast %add3A_443 : i32 to vector<16xi32>
          %add3A_445 = arith.addi %max3A_439, %add3A_444 : vector<16xi32>
          %select_n3A_446 = arith.select %lt3A_442, %add3A_445, %max3A_439 : vector<16xi1>, vector<16xi32>
          %broadcast_in_dim3A_447 = vector.shape_cast %select_n3A_446 : vector<16xi32> to vector<16x1xi32>
          %gather3A_448 = vector.shape_cast %broadcast_in_dim3A_447 : vector<16x1xi32> to vector<16xi32>
          %gather3A_449 = tpu.dynamic_gather %add3A_433[%gather3A_448] in [0] : vector<16xi32>, vector<16xi32> -> vector<16xi32>
          %ge3A_450 = arith.constant 4 : i32
          %ge3A_451 = vector.broadcast %ge3A_450 : i32 to vector<16xi32>
          %ge3A_452 = arith.cmpi sge, %iota3A, %ge3A_451 : vector<16xi32>
          %jit3A_453 = arith.constant 0 : i32
          %broadcast_in_dim3A_454 = vector.broadcast %jit3A_453 : i32 to vector<16xi32>
          %select_n3A_455 = arith.select %ge3A_452, %gather3A_449, %broadcast_in_dim3A_454 : vector<16xi1>, vector<16xi32>
          %add3A_456 = arith.addi %add3A_433, %select_n3A_455 : vector<16xi32>
          %sub3A_457 = arith.constant 8 : i32
          %sub3A_458 = vector.broadcast %sub3A_457 : i32 to vector<16xi32>
          %sub3A_459 = arith.subi %iota3A, %sub3A_458 : vector<16xi32>
          %max3A_460 = arith.constant 0 : i32
          %max3A_461 = vector.broadcast %max3A_460 : i32 to vector<16xi32>
          %max3A_462 = arith.maxsi %sub3A_459, %max3A_461 : vector<16xi32>
          %lt3A_463 = arith.constant 0 : i32
          %lt3A_464 = vector.broadcast %lt3A_463 : i32 to vector<16xi32>
          %lt3A_465 = arith.cmpi slt, %max3A_462, %lt3A_464 : vector<16xi32>
          %add3A_466 = arith.constant 16 : i32
          %add3A_467 = vector.broadcast %add3A_466 : i32 to vector<16xi32>
          %add3A_468 = arith.addi %max3A_462, %add3A_467 : vector<16xi32>
          %select_n3A_469 = arith.select %lt3A_465, %add3A_468, %max3A_462 : vector<16xi1>, vector<16xi32>
          %broadcast_in_dim3A_470 = vector.shape_cast %select_n3A_469 : vector<16xi32> to vector<16x1xi32>
          %gather3A_471 = vector.shape_cast %broadcast_in_dim3A_470 : vector<16x1xi32> to vector<16xi32>
          %gather3A_472 = tpu.dynamic_gather %add3A_456[%gather3A_471] in [0] : vector<16xi32>, vector<16xi32> -> vector<16xi32>
          %ge3A_473 = arith.constant 8 : i32
          %ge3A_474 = vector.broadcast %ge3A_473 : i32 to vector<16xi32>
          %ge3A_475 = arith.cmpi sge, %iota3A, %ge3A_474 : vector<16xi32>
          %jit3A_476 = arith.constant 0 : i32
          %broadcast_in_dim3A_477 = vector.broadcast %jit3A_476 : i32 to vector<16xi32>
          %select_n3A_478 = arith.select %ge3A_475, %gather3A_472, %broadcast_in_dim3A_477 : vector<16xi1>, vector<16xi32>
          %add3A_479 = arith.addi %add3A_456, %select_n3A_478 : vector<16xi32>
          %add3A_480 = vector.broadcast %scan3A_258 : i32 to vector<16xi32>
          %add3A_481 = arith.addi %add3A_480, %add3A_479 : vector<16xi32>
          %sub3A_482 = arith.constant 1 : i32
          %sub3A_483 = vector.broadcast %sub3A_482 : i32 to vector<16xi32>
          %sub3A_484 = arith.subi %add3A_481, %sub3A_483 : vector<16xi32>
          %jit3A_485 = arith.constant 2144 : i32
          %broadcast_in_dim3A_486 = vector.broadcast %jit3A_485 : i32 to vector<16xi32>
          %select_n3A_487 = arith.select %and3A_382, %sub3A_484, %broadcast_in_dim3A_486 : vector<16xi1>, vector<16xi32>
          tpu.vector_store_idx %arg13[%select_n3A_487], %get3A_261 : memref<2192xi32, #tpu.memory_space<vmem>>[vector<16xi32>], vector<16xi32>,
          %sub3A_488 = arith.constant 256 : i32
          %sub3A_489 = vector.broadcast %sub3A_488 : i32 to vector<16xi32>
          %sub3A_490 = arith.subi %sub3A_266, %sub3A_489 : vector<16xi32>
          tpu.vector_store_idx %arg14[%select_n3A_487], %sub3A_490 : memref<2192xi32, #tpu.memory_space<vmem>>[vector<16xi32>], vector<16xi32>,
          %slice3A_491 = vector.extract_strided_slice %add3A_479 {offsets = [15], sizes = [1], strides = [1]} : vector<16xi32> to vector<1xi32>
          %squeeze3A_492 = vector.extract %slice3A_491[0] : i32 from vector<1xi32>
          %add3A_493 = arith.addi %scan3A_258, %squeeze3A_492 : i32
          scf.yield %add3A_375, %add3A_493 : i32, i32
        }
        %scan3A_95 = arith.constant 125 : i32
        %add3A_96 = arith.constant 0 : i32
        %add3A_97 = arith.addi %scan3A_94#0, %add3A_96 : i32
        %swap3A_98 = arith.index_cast %add3A_97 : i32 to index
        %swap3A_99 = tpu.vector_load %arg11[%swap3A_98] {strides = array<i32>} : memref<2192xi32, #tpu.memory_space<vmem>>, vector<16xi32>,
        tpu.vector_store %arg11[%swap3A_98], %broadcast_in_dim3A_6 {strides = array<i32>} : memref<2192xi32, #tpu.memory_space<vmem>>, vector<16xi32>,
        %add3A_100 = arith.constant 0 : i32
        %add3A_101 = arith.addi %scan3A_94#0, %add3A_100 : i32
        %swap3A_102 = arith.index_cast %add3A_101 : i32 to index
        %swap3A_103 = tpu.vector_load %arg12[%swap3A_102] {strides = array<i32>} : memref<2192xi32, #tpu.memory_space<vmem>>, vector<16xi32>,
        tpu.vector_store %arg12[%swap3A_102], %broadcast_in_dim3A_8 {strides = array<i32>} : memref<2192xi32, #tpu.memory_space<vmem>>, vector<16xi32>,
        %add3A_104 = arith.constant 0 : i32
        %add3A_105 = arith.addi %scan3A_94#1, %add3A_104 : i32
        %swap3A_106 = arith.index_cast %add3A_105 : i32 to index
        %swap3A_107 = tpu.vector_load %arg13[%swap3A_106] {strides = array<i32>} : memref<2192xi32, #tpu.memory_space<vmem>>, vector<16xi32>,
        tpu.vector_store %arg13[%swap3A_106], %broadcast_in_dim3A_6 {strides = array<i32>} : memref<2192xi32, #tpu.memory_space<vmem>>, vector<16xi32>,
        %add3A_108 = arith.constant 0 : i32
        %add3A_109 = arith.addi %scan3A_94#1, %add3A_108 : i32
        %swap3A_110 = arith.index_cast %add3A_109 : i32 to index
        %swap3A_111 = tpu.vector_load %arg14[%swap3A_110] {strides = array<i32>} : memref<2192xi32, #tpu.memory_space<vmem>>, vector<16xi32>,
        tpu.vector_store %arg14[%swap3A_110], %broadcast_in_dim3A_8 {strides = array<i32>} : memref<2192xi32, #tpu.memory_space<vmem>>, vector<16xi32>,
        %add3A_112 = arith.constant 16 : i32
        %add3A_113 = arith.addi %scan3A_94#0, %add3A_112 : i32
        %swap3A_114 = arith.index_cast %add3A_113 : i32 to index
        %swap3A_115 = tpu.vector_load %arg11[%swap3A_114] {strides = array<i32>} : memref<2192xi32, #tpu.memory_space<vmem>>, vector<16xi32>,
        tpu.vector_store %arg11[%swap3A_114], %broadcast_in_dim3A_6 {strides = array<i32>} : memref<2192xi32, #tpu.memory_space<vmem>>, vector<16xi32>,
        %add3A_116 = arith.constant 16 : i32
        %add3A_117 = arith.addi %scan3A_94#0, %add3A_116 : i32
        %swap3A_118 = arith.index_cast %add3A_117 : i32 to index
        %swap3A_119 = tpu.vector_load %arg12[%swap3A_118] {strides = array<i32>} : memref<2192xi32, #tpu.memory_space<vmem>>, vector<16xi32>,
        tpu.vector_store %arg12[%swap3A_118], %broadcast_in_dim3A_8 {strides = array<i32>} : memref<2192xi32, #tpu.memory_space<vmem>>, vector<16xi32>,
        %add3A_120 = arith.constant 16 : i32
        %add3A_121 = arith.addi %scan3A_94#1, %add3A_120 : i32
        %swap3A_122 = arith.index_cast %add3A_121 : i32 to index
        %swap3A_123 = tpu.vector_load %arg13[%swap3A_122] {strides = array<i32>} : memref<2192xi32, #tpu.memory_space<vmem>>, vector<16xi32>,
        tpu.vector_store %arg13[%swap3A_122], %broadcast_in_dim3A_6 {strides = array<i32>} : memref<2192xi32, #tpu.memory_space<vmem>>, vector<16xi32>,
        %add3A_124 = arith.constant 16 : i32
        %add3A_125 = arith.addi %scan3A_94#1, %add3A_124 : i32
        %swap3A_126 = arith.index_cast %add3A_125 : i32 to index
        %swap3A_127 = tpu.vector_load %arg14[%swap3A_126] {strides = array<i32>} : memref<2192xi32, #tpu.memory_space<vmem>>, vector<16xi32>,
        tpu.vector_store %arg14[%swap3A_126], %broadcast_in_dim3A_8 {strides = array<i32>} : memref<2192xi32, #tpu.memory_space<vmem>>, vector<16xi32>,
        %add3A_128 = arith.constant 32 : i32
        %add3A_129 = arith.addi %scan3A_94#0, %add3A_128 : i32
        %swap3A_130 = arith.index_cast %add3A_129 : i32 to index
        %swap3A_131 = tpu.vector_load %arg11[%swap3A_130] {strides = array<i32>} : memref<2192xi32, #tpu.memory_space<vmem>>, vector<16xi32>,
        tpu.vector_store %arg11[%swap3A_130], %broadcast_in_dim3A_6 {strides = array<i32>} : memref<2192xi32, #tpu.memory_space<vmem>>, vector<16xi32>,
        %add3A_132 = arith.constant 32 : i32
        %add3A_133 = arith.addi %scan3A_94#0, %add3A_132 : i32
        %swap3A_134 = arith.index_cast %add3A_133 : i32 to index
        %swap3A_135 = tpu.vector_load %arg12[%swap3A_134] {strides = array<i32>} : memref<2192xi32, #tpu.memory_space<vmem>>, vector<16xi32>,
        tpu.vector_store %arg12[%swap3A_134], %broadcast_in_dim3A_8 {strides = array<i32>} : memref<2192xi32, #tpu.memory_space<vmem>>, vector<16xi32>,
        %add3A_136 = arith.constant 32 : i32
        %add3A_137 = arith.addi %scan3A_94#1, %add3A_136 : i32
        %swap3A_138 = arith.index_cast %add3A_137 : i32 to index
        %swap3A_139 = tpu.vector_load %arg13[%swap3A_138] {strides = array<i32>} : memref<2192xi32, #tpu.memory_space<vmem>>, vector<16xi32>,
        tpu.vector_store %arg13[%swap3A_138], %broadcast_in_dim3A_6 {strides = array<i32>} : memref<2192xi32, #tpu.memory_space<vmem>>, vector<16xi32>,
        %add3A_140 = arith.constant 32 : i32
        %add3A_141 = arith.addi %scan3A_94#1, %add3A_140 : i32
        %swap3A_142 = arith.index_cast %add3A_141 : i32 to index
        %swap3A_143 = tpu.vector_load %arg14[%swap3A_142] {strides = array<i32>} : memref<2192xi32, #tpu.memory_space<vmem>>, vector<16xi32>,
        tpu.vector_store %arg14[%swap3A_142], %broadcast_in_dim3A_8 {strides = array<i32>} : memref<2192xi32, #tpu.memory_space<vmem>>, vector<16xi32>,
        %add3A_144 = arith.constant 48 : i32
        %add3A_145 = arith.addi %scan3A_94#0, %add3A_144 : i32
        %swap3A_146 = arith.index_cast %add3A_145 : i32 to index
        %swap3A_147 = tpu.vector_load %arg11[%swap3A_146] {strides = array<i32>} : memref<2192xi32, #tpu.memory_space<vmem>>, vector<16xi32>,
        tpu.vector_store %arg11[%swap3A_146], %broadcast_in_dim3A_6 {strides = array<i32>} : memref<2192xi32, #tpu.memory_space<vmem>>, vector<16xi32>,
        %add3A_148 = arith.constant 48 : i32
        %add3A_149 = arith.addi %scan3A_94#0, %add3A_148 : i32
        %swap3A_150 = arith.index_cast %add3A_149 : i32 to index
        %swap3A_151 = tpu.vector_load %arg12[%swap3A_150] {strides = array<i32>} : memref<2192xi32, #tpu.memory_space<vmem>>, vector<16xi32>,
        tpu.vector_store %arg12[%swap3A_150], %broadcast_in_dim3A_8 {strides = array<i32>} : memref<2192xi32, #tpu.memory_space<vmem>>, vector<16xi32>,
        %add3A_152 = arith.constant 48 : i32
        %add3A_153 = arith.addi %scan3A_94#1, %add3A_152 : i32
        %swap3A_154 = arith.index_cast %add3A_153 : i32 to index
        %swap3A_155 = tpu.vector_load %arg13[%swap3A_154] {strides = array<i32>} : memref<2192xi32, #tpu.memory_space<vmem>>, vector<16xi32>,
        tpu.vector_store %arg13[%swap3A_154], %broadcast_in_dim3A_6 {strides = array<i32>} : memref<2192xi32, #tpu.memory_space<vmem>>, vector<16xi32>,
        %add3A_156 = arith.constant 48 : i32
        %add3A_157 = arith.addi %scan3A_94#1, %add3A_156 : i32
        %swap3A_158 = arith.index_cast %add3A_157 : i32 to index
        %swap3A_159 = tpu.vector_load %arg14[%swap3A_158] {strides = array<i32>} : memref<2192xi32, #tpu.memory_space<vmem>>, vector<16xi32>,
        tpu.vector_store %arg14[%swap3A_158], %broadcast_in_dim3A_8 {strides = array<i32>} : memref<2192xi32, #tpu.memory_space<vmem>>, vector<16xi32>,
        %add3A_160 = arith.constant 64 : i32
        %add3A_161 = arith.addi %scan3A_94#0, %add3A_160 : i32
        %swap3A_162 = arith.index_cast %add3A_161 : i32 to index
        %swap3A_163 = tpu.vector_load %arg11[%swap3A_162] {strides = array<i32>} : memref<2192xi32, #tpu.memory_space<vmem>>, vector<16xi32>,
        tpu.vector_store %arg11[%swap3A_162], %broadcast_in_dim3A_6 {strides = array<i32>} : memref<2192xi32, #tpu.memory_space<vmem>>, vector<16xi32>,
        %add3A_164 = arith.constant 64 : i32
        %add3A_165 = arith.addi %scan3A_94#0, %add3A_164 : i32
        %swap3A_166 = arith.index_cast %add3A_165 : i32 to index
        %swap3A_167 = tpu.vector_load %arg12[%swap3A_166] {strides = array<i32>} : memref<2192xi32, #tpu.memory_space<vmem>>, vector<16xi32>,
        tpu.vector_store %arg12[%swap3A_166], %broadcast_in_dim3A_8 {strides = array<i32>} : memref<2192xi32, #tpu.memory_space<vmem>>, vector<16xi32>,
        %add3A_168 = arith.constant 64 : i32
        %add3A_169 = arith.addi %scan3A_94#1, %add3A_168 : i32
        %swap3A_170 = arith.index_cast %add3A_169 : i32 to index
        %swap3A_171 = tpu.vector_load %arg13[%swap3A_170] {strides = array<i32>} : memref<2192xi32, #tpu.memory_space<vmem>>, vector<16xi32>,
        tpu.vector_store %arg13[%swap3A_170], %broadcast_in_dim3A_6 {strides = array<i32>} : memref<2192xi32, #tpu.memory_space<vmem>>, vector<16xi32>,
        %add3A_172 = arith.constant 64 : i32
        %add3A_173 = arith.addi %scan3A_94#1, %add3A_172 : i32
        %swap3A_174 = arith.index_cast %add3A_173 : i32 to index
        %swap3A_175 = tpu.vector_load %arg14[%swap3A_174] {strides = array<i32>} : memref<2192xi32, #tpu.memory_space<vmem>>, vector<16xi32>,
        tpu.vector_store %arg14[%swap3A_174], %broadcast_in_dim3A_8 {strides = array<i32>} : memref<2192xi32, #tpu.memory_space<vmem>>, vector<16xi32>,
        %add3A_176 = arith.constant 80 : i32
        %add3A_177 = arith.addi %scan3A_94#0, %add3A_176 : i32
        %swap3A_178 = arith.index_cast %add3A_177 : i32 to index
        %swap3A_179 = tpu.vector_load %arg11[%swap3A_178] {strides = array<i32>} : memref<2192xi32, #tpu.memory_space<vmem>>, vector<16xi32>,
        tpu.vector_store %arg11[%swap3A_178], %broadcast_in_dim3A_6 {strides = array<i32>} : memref<2192xi32, #tpu.memory_space<vmem>>, vector<16xi32>,
        %add3A_180 = arith.constant 80 : i32
        %add3A_181 = arith.addi %scan3A_94#0, %add3A_180 : i32
        %swap3A_182 = arith.index_cast %add3A_181 : i32 to index
        %swap3A_183 = tpu.vector_load %arg12[%swap3A_182] {strides = array<i32>} : memref<2192xi32, #tpu.memory_space<vmem>>, vector<16xi32>,
        tpu.vector_store %arg12[%swap3A_182], %broadcast_in_dim3A_8 {strides = array<i32>} : memref<2192xi32, #tpu.memory_space<vmem>>, vector<16xi32>,
        %add3A_184 = arith.constant 80 : i32
        %add3A_185 = arith.addi %scan3A_94#1, %add3A_184 : i32
        %swap3A_186 = arith.index_cast %add3A_185 : i32 to index
        %swap3A_187 = tpu.vector_load %arg13[%swap3A_186] {strides = array<i32>} : memref<2192xi32, #tpu.memory_space<vmem>>, vector<16xi32>,
        tpu.vector_store %arg13[%swap3A_186], %broadcast_in_dim3A_6 {strides = array<i32>} : memref<2192xi32, #tpu.memory_space<vmem>>, vector<16xi32>,
        %add3A_188 = arith.constant 80 : i32
        %add3A_189 = arith.addi %scan3A_94#1, %add3A_188 : i32
        %swap3A_190 = arith.index_cast %add3A_189 : i32 to index
        %swap3A_191 = tpu.vector_load %arg14[%swap3A_190] {strides = array<i32>} : memref<2192xi32, #tpu.memory_space<vmem>>, vector<16xi32>,
        tpu.vector_store %arg14[%swap3A_190], %broadcast_in_dim3A_8 {strides = array<i32>} : memref<2192xi32, #tpu.memory_space<vmem>>, vector<16xi32>,
        %add3A_192 = arith.constant 96 : i32
        %add3A_193 = arith.addi %scan3A_94#0, %add3A_192 : i32
        %swap3A_194 = arith.index_cast %add3A_193 : i32 to index
        %swap3A_195 = tpu.vector_load %arg11[%swap3A_194] {strides = array<i32>} : memref<2192xi32, #tpu.memory_space<vmem>>, vector<16xi32>,
        tpu.vector_store %arg11[%swap3A_194], %broadcast_in_dim3A_6 {strides = array<i32>} : memref<2192xi32, #tpu.memory_space<vmem>>, vector<16xi32>,
        %add3A_196 = arith.constant 96 : i32
        %add3A_197 = arith.addi %scan3A_94#0, %add3A_196 : i32
        %swap3A_198 = arith.index_cast %add3A_197 : i32 to index
        %swap3A_199 = tpu.vector_load %arg12[%swap3A_198] {strides = array<i32>} : memref<2192xi32, #tpu.memory_space<vmem>>, vector<16xi32>,
        tpu.vector_store %arg12[%swap3A_198], %broadcast_in_dim3A_8 {strides = array<i32>} : memref<2192xi32, #tpu.memory_space<vmem>>, vector<16xi32>,
        %add3A_200 = arith.constant 96 : i32
        %add3A_201 = arith.addi %scan3A_94#1, %add3A_200 : i32
        %swap3A_202 = arith.index_cast %add3A_201 : i32 to index
        %swap3A_203 = tpu.vector_load %arg13[%swap3A_202] {strides = array<i32>} : memref<2192xi32, #tpu.memory_space<vmem>>, vector<16xi32>,
        tpu.vector_store %arg13[%swap3A_202], %broadcast_in_dim3A_6 {strides = array<i32>} : memref<2192xi32, #tpu.memory_space<vmem>>, vector<16xi32>,
        %add3A_204 = arith.constant 96 : i32
        %add3A_205 = arith.addi %scan3A_94#1, %add3A_204 : i32
        %swap3A_206 = arith.index_cast %add3A_205 : i32 to index
        %swap3A_207 = tpu.vector_load %arg14[%swap3A_206] {strides = array<i32>} : memref<2192xi32, #tpu.memory_space<vmem>>, vector<16xi32>,
        tpu.vector_store %arg14[%swap3A_206], %broadcast_in_dim3A_8 {strides = array<i32>} : memref<2192xi32, #tpu.memory_space<vmem>>, vector<16xi32>,
        %add3A_208 = arith.constant 112 : i32
        %add3A_209 = arith.addi %scan3A_94#0, %add3A_208 : i32
        %swap3A_210 = arith.index_cast %add3A_209 : i32 to index
        %swap3A_211 = tpu.vector_load %arg11[%swap3A_210] {strides = array<i32>} : memref<2192xi32, #tpu.memory_space<vmem>>, vector<16xi32>,
        tpu.vector_store %arg11[%swap3A_210], %broadcast_in_dim3A_6 {strides = array<i32>} : memref<2192xi32, #tpu.memory_space<vmem>>, vector<16xi32>,
        %add3A_212 = arith.constant 112 : i32
        %add3A_213 = arith.addi %scan3A_94#0, %add3A_212 : i32
        %swap3A_214 = arith.index_cast %add3A_213 : i32 to index
        %swap3A_215 = tpu.vector_load %arg12[%swap3A_214] {strides = array<i32>} : memref<2192xi32, #tpu.memory_space<vmem>>, vector<16xi32>,
        tpu.vector_store %arg12[%swap3A_214], %broadcast_in_dim3A_8 {strides = array<i32>} : memref<2192xi32, #tpu.memory_space<vmem>>, vector<16xi32>,
        %add3A_216 = arith.constant 112 : i32
        %add3A_217 = arith.addi %scan3A_94#1, %add3A_216 : i32
        %swap3A_218 = arith.index_cast %add3A_217 : i32 to index
        %swap3A_219 = tpu.vector_load %arg13[%swap3A_218] {strides = array<i32>} : memref<2192xi32, #tpu.memory_space<vmem>>, vector<16xi32>,
        tpu.vector_store %arg13[%swap3A_218], %broadcast_in_dim3A_6 {strides = array<i32>} : memref<2192xi32, #tpu.memory_space<vmem>>, vector<16xi32>,
        %add3A_220 = arith.constant 112 : i32
        %add3A_221 = arith.addi %scan3A_94#1, %add3A_220 : i32
        %swap3A_222 = arith.index_cast %add3A_221 : i32 to index
        %swap3A_223 = tpu.vector_load %arg14[%swap3A_222] {strides = array<i32>} : memref<2192xi32, #tpu.memory_space<vmem>>, vector<16xi32>,
        tpu.vector_store %arg14[%swap3A_222], %broadcast_in_dim3A_8 {strides = array<i32>} : memref<2192xi32, #tpu.memory_space<vmem>>, vector<16xi32>,
        %mul3A_224 = arith.constant 2192 : i32
        %mul3A_225 = arith.muli %arg1, %mul3A_224 : i32
        "tpu.region"() ({
          %run_scoped3A = tpu.sem_alloc : memref<!tpu.dma_semaphore, #tpu.memory_space<semaphore_mem>>
          %dma_start3A = tpu.memref_slice %arg28[%mul3A_225] : memref<70144xi32, #tpu.memory_space<vmem_shared>> -> memref<2192xi32, #tpu.memory_space<vmem_shared>>
          %dma_start3A_256 = tpu.memref_slice %arg28[%mul3A_225] : memref<70144xi32, #tpu.memory_space<vmem_shared>> -> memref<2192xi32, #tpu.memory_space<vmem_shared>>
          tpu.enqueue_dma source(%arg11 : memref<2192xi32, #tpu.memory_space<vmem>>) target(%dma_start3A_256 : memref<2192xi32, #tpu.memory_space<vmem_shared>>) target_semaphore(%run_scoped3A : memref<!tpu.dma_semaphore, #tpu.memory_space<semaphore_mem>>)
          %dma_wait3A = tpu.memref_slice %arg28[%mul3A_225] : memref<70144xi32, #tpu.memory_space<vmem_shared>> -> memref<2192xi32, #tpu.memory_space<vmem_shared>>
          %dma_wait3A_257 = tpu.memref_slice %arg28[%mul3A_225] : memref<70144xi32, #tpu.memory_space<vmem_shared>> -> memref<2192xi32, #tpu.memory_space<vmem_shared>>
          tpu.wait_dma2 semaphore(%run_scoped3A : memref<!tpu.dma_semaphore, #tpu.memory_space<semaphore_mem>>) src(%arg11 : memref<2192xi32, #tpu.memory_space<vmem>>) dst(%dma_wait3A_257 : memref<2192xi32, #tpu.memory_space<vmem_shared>>)
          tpu.yield
        }) : () -> ()
        %mul3A_226 = arith.constant 2192 : i32
        %mul3A_227 = arith.muli %arg1, %mul3A_226 : i32
        "tpu.region"() ({
          %run_scoped3A = tpu.sem_alloc : memref<!tpu.dma_semaphore, #tpu.memory_space<semaphore_mem>>
          %dma_start3A = tpu.memref_slice %arg29[%mul3A_227] : memref<70144xi32, #tpu.memory_space<vmem_shared>> -> memref<2192xi32, #tpu.memory_space<vmem_shared>>
          %dma_start3A_256 = tpu.memref_slice %arg29[%mul3A_227] : memref<70144xi32, #tpu.memory_space<vmem_shared>> -> memref<2192xi32, #tpu.memory_space<vmem_shared>>
          tpu.enqueue_dma source(%arg12 : memref<2192xi32, #tpu.memory_space<vmem>>) target(%dma_start3A_256 : memref<2192xi32, #tpu.memory_space<vmem_shared>>) target_semaphore(%run_scoped3A : memref<!tpu.dma_semaphore, #tpu.memory_space<semaphore_mem>>)
          %dma_wait3A = tpu.memref_slice %arg29[%mul3A_227] : memref<70144xi32, #tpu.memory_space<vmem_shared>> -> memref<2192xi32, #tpu.memory_space<vmem_shared>>
          %dma_wait3A_257 = tpu.memref_slice %arg29[%mul3A_227] : memref<70144xi32, #tpu.memory_space<vmem_shared>> -> memref<2192xi32, #tpu.memory_space<vmem_shared>>
          tpu.wait_dma2 semaphore(%run_scoped3A : memref<!tpu.dma_semaphore, #tpu.memory_space<semaphore_mem>>) src(%arg12 : memref<2192xi32, #tpu.memory_space<vmem>>) dst(%dma_wait3A_257 : memref<2192xi32, #tpu.memory_space<vmem_shared>>)
          tpu.yield
        }) : () -> ()
        %add3A_228 = arith.constant 16 : i32
        %add3A_229 = arith.addi %add3A_228, %arg1 : i32
        %mul3A_230 = arith.constant 2192 : i32
        %mul3A_231 = arith.muli %add3A_229, %mul3A_230 : i32
        "tpu.region"() ({
          %run_scoped3A = tpu.sem_alloc : memref<!tpu.dma_semaphore, #tpu.memory_space<semaphore_mem>>
          %dma_start3A = tpu.memref_slice %arg28[%mul3A_231] : memref<70144xi32, #tpu.memory_space<vmem_shared>> -> memref<2192xi32, #tpu.memory_space<vmem_shared>>
          %dma_start3A_256 = tpu.memref_slice %arg28[%mul3A_231] : memref<70144xi32, #tpu.memory_space<vmem_shared>> -> memref<2192xi32, #tpu.memory_space<vmem_shared>>
          tpu.enqueue_dma source(%arg13 : memref<2192xi32, #tpu.memory_space<vmem>>) target(%dma_start3A_256 : memref<2192xi32, #tpu.memory_space<vmem_shared>>) target_semaphore(%run_scoped3A : memref<!tpu.dma_semaphore, #tpu.memory_space<semaphore_mem>>)
          %dma_wait3A = tpu.memref_slice %arg28[%mul3A_231] : memref<70144xi32, #tpu.memory_space<vmem_shared>> -> memref<2192xi32, #tpu.memory_space<vmem_shared>>
          %dma_wait3A_257 = tpu.memref_slice %arg28[%mul3A_231] : memref<70144xi32, #tpu.memory_space<vmem_shared>> -> memref<2192xi32, #tpu.memory_space<vmem_shared>>
          tpu.wait_dma2 semaphore(%run_scoped3A : memref<!tpu.dma_semaphore, #tpu.memory_space<semaphore_mem>>) src(%arg13 : memref<2192xi32, #tpu.memory_space<vmem>>) dst(%dma_wait3A_257 : memref<2192xi32, #tpu.memory_space<vmem_shared>>)
          tpu.yield
        }) : () -> ()
        %add3A_232 = arith.constant 16 : i32
        %add3A_233 = arith.addi %add3A_232, %arg1 : i32
        %mul3A_234 = arith.constant 2192 : i32
        %mul3A_235 = arith.muli %add3A_233, %mul3A_234 : i32
        "tpu.region"() ({
          %run_scoped3A = tpu.sem_alloc : memref<!tpu.dma_semaphore, #tpu.memory_space<semaphore_mem>>
          %dma_start3A = tpu.memref_slice %arg29[%mul3A_235] : memref<70144xi32, #tpu.memory_space<vmem_shared>> -> memref<2192xi32, #tpu.memory_space<vmem_shared>>
          %dma_start3A_256 = tpu.memref_slice %arg29[%mul3A_235] : memref<70144xi32, #tpu.memory_space<vmem_shared>> -> memref<2192xi32, #tpu.memory_space<vmem_shared>>
          tpu.enqueue_dma source(%arg14 : memref<2192xi32, #tpu.memory_space<vmem>>) target(%dma_start3A_256 : memref<2192xi32, #tpu.memory_space<vmem_shared>>) target_semaphore(%run_scoped3A : memref<!tpu.dma_semaphore, #tpu.memory_space<semaphore_mem>>)
          %dma_wait3A = tpu.memref_slice %arg29[%mul3A_235] : memref<70144xi32, #tpu.memory_space<vmem_shared>> -> memref<2192xi32, #tpu.memory_space<vmem_shared>>
          %dma_wait3A_257 = tpu.memref_slice %arg29[%mul3A_235] : memref<70144xi32, #tpu.memory_space<vmem_shared>> -> memref<2192xi32, #tpu.memory_space<vmem_shared>>
          tpu.wait_dma2 semaphore(%run_scoped3A : memref<!tpu.dma_semaphore, #tpu.memory_space<semaphore_mem>>) src(%arg14 : memref<2192xi32, #tpu.memory_space<vmem>>) dst(%dma_wait3A_257 : memref<2192xi32, #tpu.memory_space<vmem_shared>>)
          tpu.yield
        }) : () -> ()
        %eq3A = arith.constant 0 : i32
        %eq3A_236 = vector.broadcast %eq3A : i32 to vector<16xi32>
        %eq3A_237 = arith.cmpi eq, %iota3A, %eq3A_236 : vector<16xi32>
        %eq3A_238 = arith.constant 1 : i32
        %eq3A_239 = vector.broadcast %eq3A_238 : i32 to vector<16xi32>
        %eq3A_240 = arith.cmpi eq, %iota3A, %eq3A_239 : vector<16xi32>
        %jit3A = arith.constant 0 : i32
        %broadcast_in_dim3A_241 = vector.broadcast %scan3A_94#1 : i32 to vector<16xi32>
        %broadcast_in_dim3A_242 = vector.broadcast %jit3A : i32 to vector<16xi32>
        %select_n3A = arith.select %eq3A_240, %broadcast_in_dim3A_241, %broadcast_in_dim3A_242 : vector<16xi1>, vector<16xi32>
        %broadcast_in_dim3A_243 = vector.broadcast %scan3A_94#0 : i32 to vector<16xi32>
        %select_n3A_244 = arith.select %eq3A_237, %broadcast_in_dim3A_243, %select_n3A : vector<16xi1>, vector<16xi32>
        %swap3A_245 = arith.constant 0 : index
        %swap3A_246 = tpu.vector_load %arg17[%swap3A_245] {strides = array<i32>} : memref<16xi32, #tpu.memory_space<vmem>>, vector<16xi32>,
        tpu.vector_store %arg17[%swap3A_245], %select_n3A_244 {strides = array<i32>} : memref<16xi32, #tpu.memory_space<vmem>>, vector<16xi32>,
        %mul3A_247 = arith.constant 16 : i32
        %mul3A_248 = arith.muli %arg1, %mul3A_247 : i32
        "tpu.region"() ({
          %run_scoped3A = tpu.sem_alloc : memref<!tpu.dma_semaphore, #tpu.memory_space<semaphore_mem>>
          %dma_start3A = tpu.memref_slice %arg30[%mul3A_248] : memref<256xi32, #tpu.memory_space<vmem_shared>> -> memref<16xi32, #tpu.memory_space<vmem_shared>>
          %dma_start3A_256 = tpu.memref_slice %arg30[%mul3A_248] : memref<256xi32, #tpu.memory_space<vmem_shared>> -> memref<16xi32, #tpu.memory_space<vmem_shared>>
          tpu.enqueue_dma source(%arg17 : memref<16xi32, #tpu.memory_space<vmem>>) target(%dma_start3A_256 : memref<16xi32, #tpu.memory_space<vmem_shared>>) target_semaphore(%run_scoped3A : memref<!tpu.dma_semaphore, #tpu.memory_space<semaphore_mem>>)
          %dma_wait3A = tpu.memref_slice %arg30[%mul3A_248] : memref<256xi32, #tpu.memory_space<vmem_shared>> -> memref<16xi32, #tpu.memory_space<vmem_shared>>
          %dma_wait3A_257 = tpu.memref_slice %arg30[%mul3A_248] : memref<256xi32, #tpu.memory_space<vmem_shared>> -> memref<16xi32, #tpu.memory_space<vmem_shared>>
          tpu.wait_dma2 semaphore(%run_scoped3A : memref<!tpu.dma_semaphore, #tpu.memory_space<semaphore_mem>>) src(%arg17 : memref<16xi32, #tpu.memory_space<vmem>>) dst(%dma_wait3A_257 : memref<16xi32, #tpu.memory_space<vmem_shared>>)
          tpu.yield
        }) : () -> ()
        %barrier3A = arith.constant 0 : index
        tpu.barrier barrier_id(%barrier3A)
        "tpu.region"() ({
          %run_scoped3A = tpu.sem_alloc : memref<!tpu.dma_semaphore, #tpu.memory_space<semaphore_mem>>
          tpu.enqueue_dma source(%arg30 : memref<256xi32, #tpu.memory_space<vmem_shared>>) target(%arg18 : memref<256xi32, #tpu.memory_space<vmem>>) target_semaphore(%run_scoped3A : memref<!tpu.dma_semaphore, #tpu.memory_space<semaphore_mem>>)
          tpu.wait_dma2 semaphore(%run_scoped3A : memref<!tpu.dma_semaphore, #tpu.memory_space<semaphore_mem>>) src(%arg30 : memref<256xi32, #tpu.memory_space<vmem_shared>>) dst(%arg18 : memref<256xi32, #tpu.memory_space<vmem>>)
          tpu.yield
        }) : () -> ()
        %scan3A_249 = arith.constant 0 : i32
        %scan3A_250 = arith.constant 0 : i32
        %scan3A_251 = arith.constant 16 : i32
        %scan3A_252 = arith.addi %scan3A_250, %scan3A_251 : i32
        %scan3A_253 = arith.constant 1 : i32
        scf.for %scan3A_256 = %scan3A_250 to %scan3A_252 step %scan3A_253  : i32 {
          %mul3A_257 = arith.constant 16 : i32
          %mul3A_258 = arith.muli %scan3A_256, %mul3A_257 : i32
          %add3A_259 = arith.addi %mul3A_258, %shift_right_logical3A_1 : i32
          %broadcast_in_dim3A_260 = vector.broadcast %add3A_259 : i32 to vector<16xi32>
          %gather3A = tpu.vector_load_idx %arg18[%broadcast_in_dim3A_260] : memref<256xi32, #tpu.memory_space<vmem>>[vector<16xi32>], vector<16xi32>,
          %slice3A = vector.extract_strided_slice %gather3A {offsets = [0], sizes = [1], strides = [1]} : vector<16xi32> to vector<1xi32>
          %squeeze3A = vector.extract %slice3A[0] : i32 from vector<1xi32>
          %mul3A_261 = arith.constant 16 : i32
          %mul3A_262 = arith.muli %shift_right_logical3A_1, %mul3A_261 : i32
          %add3A_263 = arith.addi %mul3A_262, %scan3A_256 : i32
          %mul3A_264 = arith.constant 2192 : i32
          %mul3A_265 = arith.muli %add3A_263, %mul3A_264 : i32
          %dma_start3A = arith.constant 0 : i32
          %dma_start3A_266 = tpu.memref_slice %arg9[%dma_start3A] : memref<2208xi32, #tpu.memory_space<vmem>> -> memref<2192xi32, #tpu.memory_space<vmem>>
          %dma_start3A_267 = tpu.memref_slice %arg28[%mul3A_265] : memref<70144xi32, #tpu.memory_space<vmem_shared>> -> memref<2192xi32, #tpu.memory_space<vmem_shared>>
          %dma_start3A_268 = arith.constant 0 : i32
          %dma_start3A_269 = tpu.memref_slice %arg9[%dma_start3A_268] : memref<2208xi32, #tpu.memory_space<vmem>> -> memref<2192xi32, #tpu.memory_space<vmem>>
          %dma_start3A_270 = tpu.memref_slice %arg28[%mul3A_265] : memref<70144xi32, #tpu.memory_space<vmem_shared>> -> memref<2192xi32, #tpu.memory_space<vmem_shared>>
          tpu.enqueue_dma source(%dma_start3A_270 : memref<2192xi32, #tpu.memory_space<vmem_shared>>) target(%dma_start3A_269 : memref<2192xi32, #tpu.memory_space<vmem>>) target_semaphore(%arg31 : memref<!tpu.dma_semaphore, #tpu.memory_space<semaphore_mem>>)
          %dma_start3A_271 = arith.constant 0 : i32
          %dma_start3A_272 = tpu.memref_slice %arg10[%dma_start3A_271] : memref<2208xi32, #tpu.memory_space<vmem>> -> memref<2192xi32, #tpu.memory_space<vmem>>
          %dma_start3A_273 = tpu.memref_slice %arg29[%mul3A_265] : memref<70144xi32, #tpu.memory_space<vmem_shared>> -> memref<2192xi32, #tpu.memory_space<vmem_shared>>
          %dma_start3A_274 = arith.constant 0 : i32
          %dma_start3A_275 = tpu.memref_slice %arg10[%dma_start3A_274] : memref<2208xi32, #tpu.memory_space<vmem>> -> memref<2192xi32, #tpu.memory_space<vmem>>
          %dma_start3A_276 = tpu.memref_slice %arg29[%mul3A_265] : memref<70144xi32, #tpu.memory_space<vmem_shared>> -> memref<2192xi32, #tpu.memory_space<vmem_shared>>
          tpu.enqueue_dma source(%dma_start3A_276 : memref<2192xi32, #tpu.memory_space<vmem_shared>>) target(%dma_start3A_275 : memref<2192xi32, #tpu.memory_space<vmem>>) target_semaphore(%arg32 : memref<!tpu.dma_semaphore, #tpu.memory_space<semaphore_mem>>)
          %dma_wait3A = arith.constant 0 : i32
          %dma_wait3A_277 = tpu.memref_slice %arg9[%dma_wait3A] : memref<2208xi32, #tpu.memory_space<vmem>> -> memref<2192xi32, #tpu.memory_space<vmem>>
          %dma_wait3A_278 = tpu.memref_slice %arg28[%mul3A_265] : memref<70144xi32, #tpu.memory_space<vmem_shared>> -> memref<2192xi32, #tpu.memory_space<vmem_shared>>
          %dma_wait3A_279 = arith.constant 0 : i32
          %dma_wait3A_280 = tpu.memref_slice %arg9[%dma_wait3A_279] : memref<2208xi32, #tpu.memory_space<vmem>> -> memref<2192xi32, #tpu.memory_space<vmem>>
          %dma_wait3A_281 = tpu.memref_slice %arg28[%mul3A_265] : memref<70144xi32, #tpu.memory_space<vmem_shared>> -> memref<2192xi32, #tpu.memory_space<vmem_shared>>
          tpu.wait_dma2 semaphore(%arg31 : memref<!tpu.dma_semaphore, #tpu.memory_space<semaphore_mem>>) src(%dma_wait3A_281 : memref<2192xi32, #tpu.memory_space<vmem_shared>>) dst(%dma_wait3A_280 : memref<2192xi32, #tpu.memory_space<vmem>>)
          %dma_wait3A_282 = arith.constant 0 : i32
          %dma_wait3A_283 = tpu.memref_slice %arg10[%dma_wait3A_282] : memref<2208xi32, #tpu.memory_space<vmem>> -> memref<2192xi32, #tpu.memory_space<vmem>>
          %dma_wait3A_284 = tpu.memref_slice %arg29[%mul3A_265] : memref<70144xi32, #tpu.memory_space<vmem_shared>> -> memref<2192xi32, #tpu.memory_space<vmem_shared>>
          %dma_wait3A_285 = arith.constant 0 : i32
          %dma_wait3A_286 = tpu.memref_slice %arg10[%dma_wait3A_285] : memref<2208xi32, #tpu.memory_space<vmem>> -> memref<2192xi32, #tpu.memory_space<vmem>>
          %dma_wait3A_287 = tpu.memref_slice %arg29[%mul3A_265] : memref<70144xi32, #tpu.memory_space<vmem_shared>> -> memref<2192xi32, #tpu.memory_space<vmem_shared>>
          tpu.wait_dma2 semaphore(%arg32 : memref<!tpu.dma_semaphore, #tpu.memory_space<semaphore_mem>>) src(%dma_wait3A_287 : memref<2192xi32, #tpu.memory_space<vmem_shared>>) dst(%dma_wait3A_286 : memref<2192xi32, #tpu.memory_space<vmem>>)
          %add3A_288 = arith.constant 64 : i32
          %add3A_289 = arith.addi %squeeze3A, %add3A_288 : i32
          %sub3A = arith.constant 1 : i32
          %sub3A_290 = arith.subi %add3A_289, %sub3A : i32
          %jit3A_291 = arith.constant 64 : i32
          %div3A = arith.divsi %sub3A_290, %jit3A_291 : i32
          %sign3A = arith.constant 0 : i32
          %sign3A_292 = arith.cmpi sgt, %sub3A_290, %sign3A : i32
          %sign3A_293 = arith.extui %sign3A_292 : i1 to i32
          %sign3A_294 = arith.constant 0 : i32
          %sign3A_295 = arith.cmpi slt, %sub3A_290, %sign3A_294 : i32
          %sign3A_296 = arith.extui %sign3A_295 : i1 to i32
          %sign3A_297 = arith.subi %sign3A_293, %sign3A_296 : i32
          %sign3A_298 = arith.constant 0 : i32
          %sign3A_299 = arith.cmpi sgt, %jit3A_291, %sign3A_298 : i32
          %sign3A_300 = arith.extui %sign3A_299 : i1 to i32
          %sign3A_301 = arith.constant 0 : i32
          %sign3A_302 = arith.cmpi slt, %jit3A_291, %sign3A_301 : i32
          %sign3A_303 = arith.extui %sign3A_302 : i1 to i32
          %sign3A_304 = arith.subi %sign3A_300, %sign3A_303 : i32
          %ne3A = arith.cmpi ne, %sign3A_297, %sign3A_304 : i32
          %rem3A = arith.remsi %sub3A_290, %jit3A_291 : i32
          %ne3A_305 = arith.constant 0 : i32
          %ne3A_306 = arith.cmpi ne, %rem3A, %ne3A_305 : i32
          %and3A_307 = arith.andi %ne3A, %ne3A_306 : i1
          %sub3A_308 = arith.constant 1 : i32
          %sub3A_309 = arith.subi %div3A, %sub3A_308 : i32
          %select_n3A_310 = arith.select %and3A_307, %sub3A_309, %div3A : i32
          %while3A = arith.constant 0 : i32
          %while3A_311 = arith.constant 0 : i32
          %while3A_312 = arith.subi %select_n3A_310, %while3A_311 : i32
          %while3A_313 = arith.addi %while3A_311, %while3A_312 : i32
          %while3A_314 = arith.constant 1 : i32
          %while3A_315 = arith.divsi %while3A_312, %while3A_314 : i32
          %while3A_316 = arith.muli %while3A_315, %while3A_314 : i32
          %while3A_317 = arith.addi %while3A_311, %while3A_316 : i32
          %while3A_318 = arith.constant 1 : i32
          scf.for %while3A_320 = %while3A_311 to %while3A_317 step %while3A_318  : i32 {
            %mul3A_321 = arith.constant 64 : i32
            %mul3A_322 = arith.muli %while3A_320, %mul3A_321 : i32
            %add3A_323 = arith.constant 0 : i32
            %add3A_324 = arith.addi %mul3A_322, %add3A_323 : i32
            %get3A = arith.index_cast %add3A_324 : i32 to index
            %get3A_325 = tpu.vector_load %arg9[%get3A] {strides = array<i32>} : memref<2208xi32, #tpu.memory_space<vmem>>, vector<16xi32>,
            %add3A_326 = arith.constant 0 : i32
            %add3A_327 = arith.addi %mul3A_322, %add3A_326 : i32
            %get3A_328 = arith.index_cast %add3A_327 : i32 to index
            %get3A_329 = tpu.vector_load %arg10[%get3A_328] {strides = array<i32>} : memref<2208xi32, #tpu.memory_space<vmem>>, vector<16xi32>,
            %mul3A_330 = arith.constant 8 : i32
            %mul3A_331 = vector.broadcast %mul3A_330 : i32 to vector<16xi32>
            %mul3A_332 = arith.muli %get3A_325, %mul3A_331 : vector<16xi32>
            %add3A_333 = vector.broadcast %and3A_0 : i32 to vector<16xi32>
            %add3A_334 = arith.addi %mul3A_332, %add3A_333 : vector<16xi32>
            %swap3A_335 = arith.constant 0 : index
            %swap3A_336 = tpu.vector_load %arg19[%swap3A_335] {strides = array<i32>} : memref<64xi32, #tpu.memory_space<vmem>>, vector<16xi32>,
            tpu.vector_store %arg19[%swap3A_335], %add3A_334 {strides = array<i32>} : memref<64xi32, #tpu.memory_space<vmem>>, vector<16xi32>,
            %swap3A_337 = arith.constant 0 : index
            %swap3A_338 = tpu.vector_load %arg20[%swap3A_337] {strides = array<i32>} : memref<64xi32, #tpu.memory_space<vmem>>, vector<16xi32>,
            tpu.vector_store %arg20[%swap3A_337], %get3A_329 {strides = array<i32>} : memref<64xi32, #tpu.memory_space<vmem>>, vector<16xi32>,
            %add3A_339 = arith.constant 16 : i32
            %add3A_340 = arith.addi %mul3A_322, %add3A_339 : i32
            %get3A_341 = arith.index_cast %add3A_340 : i32 to index
            %get3A_342 = tpu.vector_load %arg9[%get3A_341] {strides = array<i32>} : memref<2208xi32, #tpu.memory_space<vmem>>, vector<16xi32>,
            %add3A_343 = arith.constant 16 : i32
            %add3A_344 = arith.addi %mul3A_322, %add3A_343 : i32
            %get3A_345 = arith.index_cast %add3A_344 : i32 to index
            %get3A_346 = tpu.vector_load %arg10[%get3A_345] {strides = array<i32>} : memref<2208xi32, #tpu.memory_space<vmem>>, vector<16xi32>,
            %mul3A_347 = arith.constant 8 : i32
            %mul3A_348 = vector.broadcast %mul3A_347 : i32 to vector<16xi32>
            %mul3A_349 = arith.muli %get3A_342, %mul3A_348 : vector<16xi32>
            %add3A_350 = vector.broadcast %and3A_0 : i32 to vector<16xi32>
            %add3A_351 = arith.addi %mul3A_349, %add3A_350 : vector<16xi32>
            %swap3A_352 = arith.constant 16 : index
            %swap3A_353 = tpu.vector_load %arg19[%swap3A_352] {strides = array<i32>} : memref<64xi32, #tpu.memory_space<vmem>>, vector<16xi32>,
            tpu.vector_store %arg19[%swap3A_352], %add3A_351 {strides = array<i32>} : memref<64xi32, #tpu.memory_space<vmem>>, vector<16xi32>,
            %swap3A_354 = arith.constant 16 : index
            %swap3A_355 = tpu.vector_load %arg20[%swap3A_354] {strides = array<i32>} : memref<64xi32, #tpu.memory_space<vmem>>, vector<16xi32>,
            tpu.vector_store %arg20[%swap3A_354], %get3A_346 {strides = array<i32>} : memref<64xi32, #tpu.memory_space<vmem>>, vector<16xi32>,
            %add3A_356 = arith.constant 32 : i32
            %add3A_357 = arith.addi %mul3A_322, %add3A_356 : i32
            %get3A_358 = arith.index_cast %add3A_357 : i32 to index
            %get3A_359 = tpu.vector_load %arg9[%get3A_358] {strides = array<i32>} : memref<2208xi32, #tpu.memory_space<vmem>>, vector<16xi32>,
            %add3A_360 = arith.constant 32 : i32
            %add3A_361 = arith.addi %mul3A_322, %add3A_360 : i32
            %get3A_362 = arith.index_cast %add3A_361 : i32 to index
            %get3A_363 = tpu.vector_load %arg10[%get3A_362] {strides = array<i32>} : memref<2208xi32, #tpu.memory_space<vmem>>, vector<16xi32>,
            %mul3A_364 = arith.constant 8 : i32
            %mul3A_365 = vector.broadcast %mul3A_364 : i32 to vector<16xi32>
            %mul3A_366 = arith.muli %get3A_359, %mul3A_365 : vector<16xi32>
            %add3A_367 = vector.broadcast %and3A_0 : i32 to vector<16xi32>
            %add3A_368 = arith.addi %mul3A_366, %add3A_367 : vector<16xi32>
            %swap3A_369 = arith.constant 32 : index
            %swap3A_370 = tpu.vector_load %arg19[%swap3A_369] {strides = array<i32>} : memref<64xi32, #tpu.memory_space<vmem>>, vector<16xi32>,
            tpu.vector_store %arg19[%swap3A_369], %add3A_368 {strides = array<i32>} : memref<64xi32, #tpu.memory_space<vmem>>, vector<16xi32>,
            %swap3A_371 = arith.constant 32 : index
            %swap3A_372 = tpu.vector_load %arg20[%swap3A_371] {strides = array<i32>} : memref<64xi32, #tpu.memory_space<vmem>>, vector<16xi32>,
            tpu.vector_store %arg20[%swap3A_371], %get3A_363 {strides = array<i32>} : memref<64xi32, #tpu.memory_space<vmem>>, vector<16xi32>,
            %add3A_373 = arith.constant 48 : i32
            %add3A_374 = arith.addi %mul3A_322, %add3A_373 : i32
            %get3A_375 = arith.index_cast %add3A_374 : i32 to index
            %get3A_376 = tpu.vector_load %arg9[%get3A_375] {strides = array<i32>} : memref<2208xi32, #tpu.memory_space<vmem>>, vector<16xi32>,
            %add3A_377 = arith.constant 48 : i32
            %add3A_378 = arith.addi %mul3A_322, %add3A_377 : i32
            %get3A_379 = arith.index_cast %add3A_378 : i32 to index
            %get3A_380 = tpu.vector_load %arg10[%get3A_379] {strides = array<i32>} : memref<2208xi32, #tpu.memory_space<vmem>>, vector<16xi32>,
            %mul3A_381 = arith.constant 8 : i32
            %mul3A_382 = vector.broadcast %mul3A_381 : i32 to vector<16xi32>
            %mul3A_383 = arith.muli %get3A_376, %mul3A_382 : vector<16xi32>
            %add3A_384 = vector.broadcast %and3A_0 : i32 to vector<16xi32>
            %add3A_385 = arith.addi %mul3A_383, %add3A_384 : vector<16xi32>
            %swap3A_386 = arith.constant 48 : index
            %swap3A_387 = tpu.vector_load %arg19[%swap3A_386] {strides = array<i32>} : memref<64xi32, #tpu.memory_space<vmem>>, vector<16xi32>,
            tpu.vector_store %arg19[%swap3A_386], %add3A_385 {strides = array<i32>} : memref<64xi32, #tpu.memory_space<vmem>>, vector<16xi32>,
            %swap3A_388 = arith.constant 48 : index
            %swap3A_389 = tpu.vector_load %arg20[%swap3A_388] {strides = array<i32>} : memref<64xi32, #tpu.memory_space<vmem>>, vector<16xi32>,
            tpu.vector_store %arg20[%swap3A_388], %get3A_380 {strides = array<i32>} : memref<64xi32, #tpu.memory_space<vmem>>, vector<16xi32>,
            %dma_start3A_390 = arith.constant 0 : i32
            %dma_start3A_391 = arith.constant 0 : i32
            %dma_start3A_392 = tpu.memref_slice %arg6[%dma_start3A_390, %dma_start3A_391] : memref<80000x128xf32, #tpu.memory_space<hbm>> -> memref<80000x128xf32, #tpu.memory_space<hbm>>
            tpu.enqueue_indirect_dma source(%dma_start3A_392 : memref<80000x128xf32, #tpu.memory_space<hbm>>) target(%arg24 : memref<64x128xf32, #tpu.memory_space<vmem>>) offsets(%arg19 : memref<64xi32, #tpu.memory_space<vmem>>) semaphore(%arg31 : memref<!tpu.dma_semaphore, #tpu.memory_space<semaphore_mem>>)
            %dma_wait3A_393 = arith.constant 0 : i32
            %dma_wait3A_394 = arith.constant 0 : i32
            %dma_wait3A_395 = tpu.memref_slice %arg6[%dma_wait3A_393, %dma_wait3A_394] : memref<80000x128xf32, #tpu.memory_space<hbm>> -> memref<80000x128xf32, #tpu.memory_space<hbm>>
            tpu.wait_indirect_dma semaphore(%arg31 : memref<!tpu.dma_semaphore, #tpu.memory_space<semaphore_mem>>) src(%dma_wait3A_395 : memref<80000x128xf32, #tpu.memory_space<hbm>>) dst(%arg24 : memref<64x128xf32, #tpu.memory_space<vmem>>)
            %mul3A_396 = arith.constant 64 : i32
            %mul3A_397 = arith.muli %while3A_320, %mul3A_396 : i32
            %add3A_398 = arith.constant 0 : i32
            %add3A_399 = arith.addi %mul3A_397, %add3A_398 : i32
            %get3A_400 = arith.index_cast %add3A_399 : i32 to index
            %get3A_401 = tpu.vector_load %arg9[%get3A_400] {strides = array<i32>} : memref<2208xi32, #tpu.memory_space<vmem>>, vector<16xi32>,
            %add3A_402 = arith.constant 0 : i32
            %add3A_403 = arith.addi %mul3A_397, %add3A_402 : i32
            %get3A_404 = arith.index_cast %add3A_403 : i32 to index
            %get3A_405 = tpu.vector_load %arg10[%get3A_404] {strides = array<i32>} : memref<2208xi32, #tpu.memory_space<vmem>>, vector<16xi32>,
            %mul3A_406 = arith.constant 4 : i32
            %mul3A_407 = vector.broadcast %mul3A_406 : i32 to vector<16xi32>
            %mul3A_408 = arith.muli %get3A_401, %mul3A_407 : vector<16xi32>
            %add3A_409 = vector.broadcast %shift_right_logical3A_3 : i32 to vector<16xi32>
            %add3A_410 = arith.addi %mul3A_408, %add3A_409 : vector<16xi32>
            %gather3A_411 = tpu.vector_load_idx %arg15[%add3A_410] : memref<40000xf32, #tpu.memory_space<vmem>>[vector<16xi32>], vector<16xf32>,
            %mul3A_412 = arith.constant 256 : i32
            %mul3A_413 = arith.muli %shift_right_logical3A_1, %mul3A_412 : i32
            %add3A_414 = vector.broadcast %mul3A_413 : i32 to vector<16xi32>
            %add3A_415 = arith.addi %add3A_414, %get3A_405 : vector<16xi32>
            %mul3A_416 = arith.constant 4 : i32
            %mul3A_417 = vector.broadcast %mul3A_416 : i32 to vector<16xi32>
            %mul3A_418 = arith.muli %add3A_415, %mul3A_417 : vector<16xi32>
            %add3A_419 = vector.broadcast %shift_right_logical3A_3 : i32 to vector<16xi32>
            %add3A_420 = arith.addi %mul3A_418, %add3A_419 : vector<16xi32>
            %gather3A_421 = tpu.vector_load_idx %arg16[%add3A_420] : memref<2096xf32, #tpu.memory_space<vmem>>[vector<16xi32>], vector<16xf32>,
            %add3A_422 = arith.addf %gather3A_411, %gather3A_421 : vector<16xf32>
            %mul3A_423 = arith.constant 2.000000e-01 : f32
            %mul3A_424 = vector.broadcast %mul3A_423 : f32 to vector<16xf32>
            %mul3A_425 = arith.mulf %mul3A_424, %add3A_422 : vector<16xf32>
            %max3A = arith.maximumf %add3A_422, %mul3A_425 : vector<16xf32>
            %exp3A = math.exp %max3A : vector<16xf32>
            %swap3A_426 = arith.constant 0 : index
            %swap3A_427 = tpu.vector_load %arg23[%swap3A_426] {strides = array<i32>} : memref<64xf32, #tpu.memory_space<vmem>>, vector<16xf32>,
            tpu.vector_store %arg23[%swap3A_426], %exp3A {strides = array<i32>} : memref<64xf32, #tpu.memory_space<vmem>>, vector<16xf32>,
            %add3A_428 = arith.constant 16 : i32
            %add3A_429 = arith.addi %mul3A_397, %add3A_428 : i32
            %get3A_430 = arith.index_cast %add3A_429 : i32 to index
            %get3A_431 = tpu.vector_load %arg9[%get3A_430] {strides = array<i32>} : memref<2208xi32, #tpu.memory_space<vmem>>, vector<16xi32>,
            %add3A_432 = arith.constant 16 : i32
            %add3A_433 = arith.addi %mul3A_397, %add3A_432 : i32
            %get3A_434 = arith.index_cast %add3A_433 : i32 to index
            %get3A_435 = tpu.vector_load %arg10[%get3A_434] {strides = array<i32>} : memref<2208xi32, #tpu.memory_space<vmem>>, vector<16xi32>,
            %mul3A_436 = arith.constant 4 : i32
            %mul3A_437 = vector.broadcast %mul3A_436 : i32 to vector<16xi32>
            %mul3A_438 = arith.muli %get3A_431, %mul3A_437 : vector<16xi32>
            %add3A_439 = vector.broadcast %shift_right_logical3A_3 : i32 to vector<16xi32>
            %add3A_440 = arith.addi %mul3A_438, %add3A_439 : vector<16xi32>
            %gather3A_441 = tpu.vector_load_idx %arg15[%add3A_440] : memref<40000xf32, #tpu.memory_space<vmem>>[vector<16xi32>], vector<16xf32>,
            %mul3A_442 = arith.constant 256 : i32
            %mul3A_443 = arith.muli %shift_right_logical3A_1, %mul3A_442 : i32
            %add3A_444 = vector.broadcast %mul3A_443 : i32 to vector<16xi32>
            %add3A_445 = arith.addi %add3A_444, %get3A_435 : vector<16xi32>
            %mul3A_446 = arith.constant 4 : i32
            %mul3A_447 = vector.broadcast %mul3A_446 : i32 to vector<16xi32>
            %mul3A_448 = arith.muli %add3A_445, %mul3A_447 : vector<16xi32>
            %add3A_449 = vector.broadcast %shift_right_logical3A_3 : i32 to vector<16xi32>
            %add3A_450 = arith.addi %mul3A_448, %add3A_449 : vector<16xi32>
            %gather3A_451 = tpu.vector_load_idx %arg16[%add3A_450] : memref<2096xf32, #tpu.memory_space<vmem>>[vector<16xi32>], vector<16xf32>,
            %add3A_452 = arith.addf %gather3A_441, %gather3A_451 : vector<16xf32>
            %mul3A_453 = arith.constant 2.000000e-01 : f32
            %mul3A_454 = vector.broadcast %mul3A_453 : f32 to vector<16xf32>
            %mul3A_455 = arith.mulf %mul3A_454, %add3A_452 : vector<16xf32>
            %max3A_456 = arith.maximumf %add3A_452, %mul3A_455 : vector<16xf32>
            %exp3A_457 = math.exp %max3A_456 : vector<16xf32>
            %swap3A_458 = arith.constant 16 : index
            %swap3A_459 = tpu.vector_load %arg23[%swap3A_458] {strides = array<i32>} : memref<64xf32, #tpu.memory_space<vmem>>, vector<16xf32>,
            tpu.vector_store %arg23[%swap3A_458], %exp3A_457 {strides = array<i32>} : memref<64xf32, #tpu.memory_space<vmem>>, vector<16xf32>,
            %add3A_460 = arith.constant 32 : i32
            %add3A_461 = arith.addi %mul3A_397, %add3A_460 : i32
            %get3A_462 = arith.index_cast %add3A_461 : i32 to index
            %get3A_463 = tpu.vector_load %arg9[%get3A_462] {strides = array<i32>} : memref<2208xi32, #tpu.memory_space<vmem>>, vector<16xi32>,
            %add3A_464 = arith.constant 32 : i32
            %add3A_465 = arith.addi %mul3A_397, %add3A_464 : i32
            %get3A_466 = arith.index_cast %add3A_465 : i32 to index
            %get3A_467 = tpu.vector_load %arg10[%get3A_466] {strides = array<i32>} : memref<2208xi32, #tpu.memory_space<vmem>>, vector<16xi32>,
            %mul3A_468 = arith.constant 4 : i32
            %mul3A_469 = vector.broadcast %mul3A_468 : i32 to vector<16xi32>
            %mul3A_470 = arith.muli %get3A_463, %mul3A_469 : vector<16xi32>
            %add3A_471 = vector.broadcast %shift_right_logical3A_3 : i32 to vector<16xi32>
            %add3A_472 = arith.addi %mul3A_470, %add3A_471 : vector<16xi32>
            %gather3A_473 = tpu.vector_load_idx %arg15[%add3A_472] : memref<40000xf32, #tpu.memory_space<vmem>>[vector<16xi32>], vector<16xf32>,
            %mul3A_474 = arith.constant 256 : i32
            %mul3A_475 = arith.muli %shift_right_logical3A_1, %mul3A_474 : i32
            %add3A_476 = vector.broadcast %mul3A_475 : i32 to vector<16xi32>
            %add3A_477 = arith.addi %add3A_476, %get3A_467 : vector<16xi32>
            %mul3A_478 = arith.constant 4 : i32
            %mul3A_479 = vector.broadcast %mul3A_478 : i32 to vector<16xi32>
            %mul3A_480 = arith.muli %add3A_477, %mul3A_479 : vector<16xi32>
            %add3A_481 = vector.broadcast %shift_right_logical3A_3 : i32 to vector<16xi32>
            %add3A_482 = arith.addi %mul3A_480, %add3A_481 : vector<16xi32>
            %gather3A_483 = tpu.vector_load_idx %arg16[%add3A_482] : memref<2096xf32, #tpu.memory_space<vmem>>[vector<16xi32>], vector<16xf32>,
            %add3A_484 = arith.addf %gather3A_473, %gather3A_483 : vector<16xf32>
            %mul3A_485 = arith.constant 2.000000e-01 : f32
            %mul3A_486 = vector.broadcast %mul3A_485 : f32 to vector<16xf32>
            %mul3A_487 = arith.mulf %mul3A_486, %add3A_484 : vector<16xf32>
            %max3A_488 = arith.maximumf %add3A_484, %mul3A_487 : vector<16xf32>
            %exp3A_489 = math.exp %max3A_488 : vector<16xf32>
            %swap3A_490 = arith.constant 32 : index
            %swap3A_491 = tpu.vector_load %arg23[%swap3A_490] {strides = array<i32>} : memref<64xf32, #tpu.memory_space<vmem>>, vector<16xf32>,
            tpu.vector_store %arg23[%swap3A_490], %exp3A_489 {strides = array<i32>} : memref<64xf32, #tpu.memory_space<vmem>>, vector<16xf32>,
            %add3A_492 = arith.constant 48 : i32
            %add3A_493 = arith.addi %mul3A_397, %add3A_492 : i32
            %get3A_494 = arith.index_cast %add3A_493 : i32 to index
            %get3A_495 = tpu.vector_load %arg9[%get3A_494] {strides = array<i32>} : memref<2208xi32, #tpu.memory_space<vmem>>, vector<16xi32>,
            %add3A_496 = arith.constant 48 : i32
            %add3A_497 = arith.addi %mul3A_397, %add3A_496 : i32
            %get3A_498 = arith.index_cast %add3A_497 : i32 to index
            %get3A_499 = tpu.vector_load %arg10[%get3A_498] {strides = array<i32>} : memref<2208xi32, #tpu.memory_space<vmem>>, vector<16xi32>,
            %mul3A_500 = arith.constant 4 : i32
            %mul3A_501 = vector.broadcast %mul3A_500 : i32 to vector<16xi32>
            %mul3A_502 = arith.muli %get3A_495, %mul3A_501 : vector<16xi32>
            %add3A_503 = vector.broadcast %shift_right_logical3A_3 : i32 to vector<16xi32>
            %add3A_504 = arith.addi %mul3A_502, %add3A_503 : vector<16xi32>
            %gather3A_505 = tpu.vector_load_idx %arg15[%add3A_504] : memref<40000xf32, #tpu.memory_space<vmem>>[vector<16xi32>], vector<16xf32>,
            %mul3A_506 = arith.constant 256 : i32
            %mul3A_507 = arith.muli %shift_right_logical3A_1, %mul3A_506 : i32
            %add3A_508 = vector.broadcast %mul3A_507 : i32 to vector<16xi32>
            %add3A_509 = arith.addi %add3A_508, %get3A_499 : vector<16xi32>
            %mul3A_510 = arith.constant 4 : i32
            %mul3A_511 = vector.broadcast %mul3A_510 : i32 to vector<16xi32>
            %mul3A_512 = arith.muli %add3A_509, %mul3A_511 : vector<16xi32>
            %add3A_513 = vector.broadcast %shift_right_logical3A_3 : i32 to vector<16xi32>
            %add3A_514 = arith.addi %mul3A_512, %add3A_513 : vector<16xi32>
            %gather3A_515 = tpu.vector_load_idx %arg16[%add3A_514] : memref<2096xf32, #tpu.memory_space<vmem>>[vector<16xi32>], vector<16xf32>,
            %add3A_516 = arith.addf %gather3A_505, %gather3A_515 : vector<16xf32>
            %mul3A_517 = arith.constant 2.000000e-01 : f32
            %mul3A_518 = vector.broadcast %mul3A_517 : f32 to vector<16xf32>
            %mul3A_519 = arith.mulf %mul3A_518, %add3A_516 : vector<16xf32>
            %max3A_520 = arith.maximumf %add3A_516, %mul3A_519 : vector<16xf32>
            %exp3A_521 = math.exp %max3A_520 : vector<16xf32>
            %swap3A_522 = arith.constant 48 : index
            %swap3A_523 = tpu.vector_load %arg23[%swap3A_522] {strides = array<i32>} : memref<64xf32, #tpu.memory_space<vmem>>, vector<16xf32>,
            tpu.vector_store %arg23[%swap3A_522], %exp3A_521 {strides = array<i32>} : memref<64xf32, #tpu.memory_space<vmem>>, vector<16xf32>,
            %scan3A_524 = arith.constant 0 : i32
            %scan3A_525 = arith.constant 0 : i32
            %scan3A_526 = arith.constant 64 : i32
            %scan3A_527 = arith.addi %scan3A_525, %scan3A_526 : i32
            %scan3A_528 = arith.constant 1 : i32
            scf.for %scan3A_530 = %scan3A_525 to %scan3A_527 step %scan3A_528  : i32 {
              %broadcast_in_dim3A_531 = vector.broadcast %scan3A_530 : i32 to vector<16xi32>
              %gather3A_532 = tpu.vector_load_idx %arg23[%broadcast_in_dim3A_531] : memref<64xf32, #tpu.memory_space<vmem>>[vector<16xi32>], vector<16xf32>,
              %broadcast_in_dim3A_533 = vector.broadcast %scan3A_530 : i32 to vector<16xi32>
              %gather3A_534 = tpu.vector_load_idx %arg20[%broadcast_in_dim3A_533] : memref<64xi32, #tpu.memory_space<vmem>>[vector<16xi32>], vector<16xi32>,
              %mul3A_535 = arith.constant 128 : i32
              %mul3A_536 = vector.broadcast %mul3A_535 : i32 to vector<16xi32>
              %mul3A_537 = arith.muli %gather3A_534, %mul3A_536 : vector<16xi32>
              %broadcast_in_dim3A_538 = vector.broadcast %scan3A_530 : i32 to vector<16xi32>
              %add3A_539 = arith.constant 0 : i32
              %add3A_540 = vector.broadcast %add3A_539 : i32 to vector<16xi32>
              %add3A_541 = arith.addi %add3A_540, %iota3A : vector<16xi32>
              %gather3A_542 = tpu.vector_load_idx %arg24[%broadcast_in_dim3A_538, %add3A_541] : memref<64x128xf32, #tpu.memory_space<vmem>>[vector<16xi32>, vector<16xi32>], vector<16xf32>,
              %add3A_543 = arith.addi %mul3A_537, %add3A_541 : vector<16xi32>
              %gather3A_544 = tpu.vector_load_idx %arg26[%add3A_543] : memref<33792xf32, #tpu.memory_space<vmem>>[vector<16xi32>], vector<16xf32>,
              %add3A_545 = arith.addi %mul3A_537, %add3A_541 : vector<16xi32>
              %mul3A_546 = arith.mulf %gather3A_532, %gather3A_542 : vector<16xf32>
              %add3A_547 = arith.addf %gather3A_544, %mul3A_546 : vector<16xf32>
              tpu.vector_store_idx %arg26[%add3A_545], %add3A_547 : memref<33792xf32, #tpu.memory_space<vmem>>[vector<16xi32>], vector<16xf32>,
              %add3A_548 = arith.constant 16 : i32
              %add3A_549 = vector.broadcast %add3A_548 : i32 to vector<16xi32>
              %add3A_550 = arith.addi %add3A_549, %iota3A : vector<16xi32>
              %gather3A_551 = tpu.vector_load_idx %arg24[%broadcast_in_dim3A_538, %add3A_550] : memref<64x128xf32, #tpu.memory_space<vmem>>[vector<16xi32>, vector<16xi32>], vector<16xf32>,
              %add3A_552 = arith.addi %mul3A_537, %add3A_550 : vector<16xi32>
              %gather3A_553 = tpu.vector_load_idx %arg26[%add3A_552] : memref<33792xf32, #tpu.memory_space<vmem>>[vector<16xi32>], vector<16xf32>,
              %add3A_554 = arith.addi %mul3A_537, %add3A_550 : vector<16xi32>
              %mul3A_555 = arith.mulf %gather3A_532, %gather3A_551 : vector<16xf32>
              %add3A_556 = arith.addf %gather3A_553, %mul3A_555 : vector<16xf32>
              tpu.vector_store_idx %arg26[%add3A_554], %add3A_556 : memref<33792xf32, #tpu.memory_space<vmem>>[vector<16xi32>], vector<16xf32>,
              %add3A_557 = arith.constant 32 : i32
              %add3A_558 = vector.broadcast %add3A_557 : i32 to vector<16xi32>
              %add3A_559 = arith.addi %add3A_558, %iota3A : vector<16xi32>
              %gather3A_560 = tpu.vector_load_idx %arg24[%broadcast_in_dim3A_538, %add3A_559] : memref<64x128xf32, #tpu.memory_space<vmem>>[vector<16xi32>, vector<16xi32>], vector<16xf32>,
              %add3A_561 = arith.addi %mul3A_537, %add3A_559 : vector<16xi32>
              %gather3A_562 = tpu.vector_load_idx %arg26[%add3A_561] : memref<33792xf32, #tpu.memory_space<vmem>>[vector<16xi32>], vector<16xf32>,
              %add3A_563 = arith.addi %mul3A_537, %add3A_559 : vector<16xi32>
              %mul3A_564 = arith.mulf %gather3A_532, %gather3A_560 : vector<16xf32>
              %add3A_565 = arith.addf %gather3A_562, %mul3A_564 : vector<16xf32>
              tpu.vector_store_idx %arg26[%add3A_563], %add3A_565 : memref<33792xf32, #tpu.memory_space<vmem>>[vector<16xi32>], vector<16xf32>,
              %add3A_566 = arith.constant 48 : i32
              %add3A_567 = vector.broadcast %add3A_566 : i32 to vector<16xi32>
              %add3A_568 = arith.addi %add3A_567, %iota3A : vector<16xi32>
              %gather3A_569 = tpu.vector_load_idx %arg24[%broadcast_in_dim3A_538, %add3A_568] : memref<64x128xf32, #tpu.memory_space<vmem>>[vector<16xi32>, vector<16xi32>], vector<16xf32>,
              %add3A_570 = arith.addi %mul3A_537, %add3A_568 : vector<16xi32>
              %gather3A_571 = tpu.vector_load_idx %arg26[%add3A_570] : memref<33792xf32, #tpu.memory_space<vmem>>[vector<16xi32>], vector<16xf32>,
              %add3A_572 = arith.addi %mul3A_537, %add3A_568 : vector<16xi32>
              %mul3A_573 = arith.mulf %gather3A_532, %gather3A_569 : vector<16xf32>
              %add3A_574 = arith.addf %gather3A_571, %mul3A_573 : vector<16xf32>
              tpu.vector_store_idx %arg26[%add3A_572], %add3A_574 : memref<33792xf32, #tpu.memory_space<vmem>>[vector<16xi32>], vector<16xf32>,
              %add3A_575 = arith.constant 64 : i32
              %add3A_576 = vector.broadcast %add3A_575 : i32 to vector<16xi32>
              %add3A_577 = arith.addi %add3A_576, %iota3A : vector<16xi32>
              %gather3A_578 = tpu.vector_load_idx %arg24[%broadcast_in_dim3A_538, %add3A_577] : memref<64x128xf32, #tpu.memory_space<vmem>>[vector<16xi32>, vector<16xi32>], vector<16xf32>,
              %add3A_579 = arith.addi %mul3A_537, %add3A_577 : vector<16xi32>
              %gather3A_580 = tpu.vector_load_idx %arg26[%add3A_579] : memref<33792xf32, #tpu.memory_space<vmem>>[vector<16xi32>], vector<16xf32>,
              %add3A_581 = arith.addi %mul3A_537, %add3A_577 : vector<16xi32>
              %mul3A_582 = arith.mulf %gather3A_532, %gather3A_578 : vector<16xf32>
              %add3A_583 = arith.addf %gather3A_580, %mul3A_582 : vector<16xf32>
              tpu.vector_store_idx %arg26[%add3A_581], %add3A_583 : memref<33792xf32, #tpu.memory_space<vmem>>[vector<16xi32>], vector<16xf32>,
              %add3A_584 = arith.constant 80 : i32
              %add3A_585 = vector.broadcast %add3A_584 : i32 to vector<16xi32>
              %add3A_586 = arith.addi %add3A_585, %iota3A : vector<16xi32>
              %gather3A_587 = tpu.vector_load_idx %arg24[%broadcast_in_dim3A_538, %add3A_586] : memref<64x128xf32, #tpu.memory_space<vmem>>[vector<16xi32>, vector<16xi32>], vector<16xf32>,
              %add3A_588 = arith.addi %mul3A_537, %add3A_586 : vector<16xi32>
              %gather3A_589 = tpu.vector_load_idx %arg26[%add3A_588] : memref<33792xf32, #tpu.memory_space<vmem>>[vector<16xi32>], vector<16xf32>,
              %add3A_590 = arith.addi %mul3A_537, %add3A_586 : vector<16xi32>
              %mul3A_591 = arith.mulf %gather3A_532, %gather3A_587 : vector<16xf32>
              %add3A_592 = arith.addf %gather3A_589, %mul3A_591 : vector<16xf32>
              tpu.vector_store_idx %arg26[%add3A_590], %add3A_592 : memref<33792xf32, #tpu.memory_space<vmem>>[vector<16xi32>], vector<16xf32>,
              %add3A_593 = arith.constant 96 : i32
              %add3A_594 = vector.broadcast %add3A_593 : i32 to vector<16xi32>
              %add3A_595 = arith.addi %add3A_594, %iota3A : vector<16xi32>
              %gather3A_596 = tpu.vector_load_idx %arg24[%broadcast_in_dim3A_538, %add3A_595] : memref<64x128xf32, #tpu.memory_space<vmem>>[vector<16xi32>, vector<16xi32>], vector<16xf32>,
              %add3A_597 = arith.addi %mul3A_537, %add3A_595 : vector<16xi32>
              %gather3A_598 = tpu.vector_load_idx %arg26[%add3A_597] : memref<33792xf32, #tpu.memory_space<vmem>>[vector<16xi32>], vector<16xf32>,
              %add3A_599 = arith.addi %mul3A_537, %add3A_595 : vector<16xi32>
              %mul3A_600 = arith.mulf %gather3A_532, %gather3A_596 : vector<16xf32>
              %add3A_601 = arith.addf %gather3A_598, %mul3A_600 : vector<16xf32>
              tpu.vector_store_idx %arg26[%add3A_599], %add3A_601 : memref<33792xf32, #tpu.memory_space<vmem>>[vector<16xi32>], vector<16xf32>,
              %add3A_602 = arith.constant 112 : i32
              %add3A_603 = vector.broadcast %add3A_602 : i32 to vector<16xi32>
              %add3A_604 = arith.addi %add3A_603, %iota3A : vector<16xi32>
              %gather3A_605 = tpu.vector_load_idx %arg24[%broadcast_in_dim3A_538, %add3A_604] : memref<64x128xf32, #tpu.memory_space<vmem>>[vector<16xi32>, vector<16xi32>], vector<16xf32>,
              %add3A_606 = arith.addi %mul3A_537, %add3A_604 : vector<16xi32>
              %gather3A_607 = tpu.vector_load_idx %arg26[%add3A_606] : memref<33792xf32, #tpu.memory_space<vmem>>[vector<16xi32>], vector<16xf32>,
              %add3A_608 = arith.addi %mul3A_537, %add3A_604 : vector<16xi32>
              %mul3A_609 = arith.mulf %gather3A_532, %gather3A_605 : vector<16xf32>
              %add3A_610 = arith.addf %gather3A_607, %mul3A_609 : vector<16xf32>
              tpu.vector_store_idx %arg26[%add3A_608], %add3A_610 : memref<33792xf32, #tpu.memory_space<vmem>>[vector<16xi32>], vector<16xf32>,
              %gather3A_611 = tpu.vector_load_idx %arg27[%gather3A_534] : memref<272xf32, #tpu.memory_space<vmem>>[vector<16xi32>], vector<16xf32>,
              %add3A_612 = arith.addf %gather3A_611, %gather3A_532 : vector<16xf32>
              tpu.vector_store_idx %arg27[%gather3A_534], %add3A_612 : memref<272xf32, #tpu.memory_space<vmem>>[vector<16xi32>], vector<16xf32>,
            }
            %scan3A_529 = arith.constant 64 : i32
          }
          %while3A_319 = arith.constant 1 : i32
          scf.for %while3A_320 = %while3A_317 to %while3A_313 step %while3A_319  : i32 {
            %mul3A_321 = arith.constant 64 : i32
            %mul3A_322 = arith.muli %while3A_320, %mul3A_321 : i32
            %add3A_323 = arith.constant 0 : i32
            %add3A_324 = arith.addi %mul3A_322, %add3A_323 : i32
            %get3A = arith.index_cast %add3A_324 : i32 to index
            %get3A_325 = tpu.vector_load %arg9[%get3A] {strides = array<i32>} : memref<2208xi32, #tpu.memory_space<vmem>>, vector<16xi32>,
            %add3A_326 = arith.constant 0 : i32
            %add3A_327 = arith.addi %mul3A_322, %add3A_326 : i32
            %get3A_328 = arith.index_cast %add3A_327 : i32 to index
            %get3A_329 = tpu.vector_load %arg10[%get3A_328] {strides = array<i32>} : memref<2208xi32, #tpu.memory_space<vmem>>, vector<16xi32>,
            %mul3A_330 = arith.constant 8 : i32
            %mul3A_331 = vector.broadcast %mul3A_330 : i32 to vector<16xi32>
            %mul3A_332 = arith.muli %get3A_325, %mul3A_331 : vector<16xi32>
            %add3A_333 = vector.broadcast %and3A_0 : i32 to vector<16xi32>
            %add3A_334 = arith.addi %mul3A_332, %add3A_333 : vector<16xi32>
            %swap3A_335 = arith.constant 0 : index
            %swap3A_336 = tpu.vector_load %arg19[%swap3A_335] {strides = array<i32>} : memref<64xi32, #tpu.memory_space<vmem>>, vector<16xi32>,
            tpu.vector_store %arg19[%swap3A_335], %add3A_334 {strides = array<i32>} : memref<64xi32, #tpu.memory_space<vmem>>, vector<16xi32>,
            %swap3A_337 = arith.constant 0 : index
            %swap3A_338 = tpu.vector_load %arg20[%swap3A_337] {strides = array<i32>} : memref<64xi32, #tpu.memory_space<vmem>>, vector<16xi32>,
            tpu.vector_store %arg20[%swap3A_337], %get3A_329 {strides = array<i32>} : memref<64xi32, #tpu.memory_space<vmem>>, vector<16xi32>,
            %add3A_339 = arith.constant 16 : i32
            %add3A_340 = arith.addi %mul3A_322, %add3A_339 : i32
            %get3A_341 = arith.index_cast %add3A_340 : i32 to index
            %get3A_342 = tpu.vector_load %arg9[%get3A_341] {strides = array<i32>} : memref<2208xi32, #tpu.memory_space<vmem>>, vector<16xi32>,
            %add3A_343 = arith.constant 16 : i32
            %add3A_344 = arith.addi %mul3A_322, %add3A_343 : i32
            %get3A_345 = arith.index_cast %add3A_344 : i32 to index
            %get3A_346 = tpu.vector_load %arg10[%get3A_345] {strides = array<i32>} : memref<2208xi32, #tpu.memory_space<vmem>>, vector<16xi32>,
            %mul3A_347 = arith.constant 8 : i32
            %mul3A_348 = vector.broadcast %mul3A_347 : i32 to vector<16xi32>
            %mul3A_349 = arith.muli %get3A_342, %mul3A_348 : vector<16xi32>
            %add3A_350 = vector.broadcast %and3A_0 : i32 to vector<16xi32>
            %add3A_351 = arith.addi %mul3A_349, %add3A_350 : vector<16xi32>
            %swap3A_352 = arith.constant 16 : index
            %swap3A_353 = tpu.vector_load %arg19[%swap3A_352] {strides = array<i32>} : memref<64xi32, #tpu.memory_space<vmem>>, vector<16xi32>,
            tpu.vector_store %arg19[%swap3A_352], %add3A_351 {strides = array<i32>} : memref<64xi32, #tpu.memory_space<vmem>>, vector<16xi32>,
            %swap3A_354 = arith.constant 16 : index
            %swap3A_355 = tpu.vector_load %arg20[%swap3A_354] {strides = array<i32>} : memref<64xi32, #tpu.memory_space<vmem>>, vector<16xi32>,
            tpu.vector_store %arg20[%swap3A_354], %get3A_346 {strides = array<i32>} : memref<64xi32, #tpu.memory_space<vmem>>, vector<16xi32>,
            %add3A_356 = arith.constant 32 : i32
            %add3A_357 = arith.addi %mul3A_322, %add3A_356 : i32
            %get3A_358 = arith.index_cast %add3A_357 : i32 to index
            %get3A_359 = tpu.vector_load %arg9[%get3A_358] {strides = array<i32>} : memref<2208xi32, #tpu.memory_space<vmem>>, vector<16xi32>,
            %add3A_360 = arith.constant 32 : i32
            %add3A_361 = arith.addi %mul3A_322, %add3A_360 : i32
            %get3A_362 = arith.index_cast %add3A_361 : i32 to index
            %get3A_363 = tpu.vector_load %arg10[%get3A_362] {strides = array<i32>} : memref<2208xi32, #tpu.memory_space<vmem>>, vector<16xi32>,
            %mul3A_364 = arith.constant 8 : i32
            %mul3A_365 = vector.broadcast %mul3A_364 : i32 to vector<16xi32>
            %mul3A_366 = arith.muli %get3A_359, %mul3A_365 : vector<16xi32>
            %add3A_367 = vector.broadcast %and3A_0 : i32 to vector<16xi32>
            %add3A_368 = arith.addi %mul3A_366, %add3A_367 : vector<16xi32>
            %swap3A_369 = arith.constant 32 : index
            %swap3A_370 = tpu.vector_load %arg19[%swap3A_369] {strides = array<i32>} : memref<64xi32, #tpu.memory_space<vmem>>, vector<16xi32>,
            tpu.vector_store %arg19[%swap3A_369], %add3A_368 {strides = array<i32>} : memref<64xi32, #tpu.memory_space<vmem>>, vector<16xi32>,
            %swap3A_371 = arith.constant 32 : index
            %swap3A_372 = tpu.vector_load %arg20[%swap3A_371] {strides = array<i32>} : memref<64xi32, #tpu.memory_space<vmem>>, vector<16xi32>,
            tpu.vector_store %arg20[%swap3A_371], %get3A_363 {strides = array<i32>} : memref<64xi32, #tpu.memory_space<vmem>>, vector<16xi32>,
            %add3A_373 = arith.constant 48 : i32
            %add3A_374 = arith.addi %mul3A_322, %add3A_373 : i32
            %get3A_375 = arith.index_cast %add3A_374 : i32 to index
            %get3A_376 = tpu.vector_load %arg9[%get3A_375] {strides = array<i32>} : memref<2208xi32, #tpu.memory_space<vmem>>, vector<16xi32>,
            %add3A_377 = arith.constant 48 : i32
            %add3A_378 = arith.addi %mul3A_322, %add3A_377 : i32
            %get3A_379 = arith.index_cast %add3A_378 : i32 to index
            %get3A_380 = tpu.vector_load %arg10[%get3A_379] {strides = array<i32>} : memref<2208xi32, #tpu.memory_space<vmem>>, vector<16xi32>,
            %mul3A_381 = arith.constant 8 : i32
            %mul3A_382 = vector.broadcast %mul3A_381 : i32 to vector<16xi32>
            %mul3A_383 = arith.muli %get3A_376, %mul3A_382 : vector<16xi32>
            %add3A_384 = vector.broadcast %and3A_0 : i32 to vector<16xi32>
            %add3A_385 = arith.addi %mul3A_383, %add3A_384 : vector<16xi32>
            %swap3A_386 = arith.constant 48 : index
            %swap3A_387 = tpu.vector_load %arg19[%swap3A_386] {strides = array<i32>} : memref<64xi32, #tpu.memory_space<vmem>>, vector<16xi32>,
            tpu.vector_store %arg19[%swap3A_386], %add3A_385 {strides = array<i32>} : memref<64xi32, #tpu.memory_space<vmem>>, vector<16xi32>,
            %swap3A_388 = arith.constant 48 : index
            %swap3A_389 = tpu.vector_load %arg20[%swap3A_388] {strides = array<i32>} : memref<64xi32, #tpu.memory_space<vmem>>, vector<16xi32>,
            tpu.vector_store %arg20[%swap3A_388], %get3A_380 {strides = array<i32>} : memref<64xi32, #tpu.memory_space<vmem>>, vector<16xi32>,
            %dma_start3A_390 = arith.constant 0 : i32
            %dma_start3A_391 = arith.constant 0 : i32
            %dma_start3A_392 = tpu.memref_slice %arg6[%dma_start3A_390, %dma_start3A_391] : memref<80000x128xf32, #tpu.memory_space<hbm>> -> memref<80000x128xf32, #tpu.memory_space<hbm>>
            tpu.enqueue_indirect_dma source(%dma_start3A_392 : memref<80000x128xf32, #tpu.memory_space<hbm>>) target(%arg24 : memref<64x128xf32, #tpu.memory_space<vmem>>) offsets(%arg19 : memref<64xi32, #tpu.memory_space<vmem>>) semaphore(%arg31 : memref<!tpu.dma_semaphore, #tpu.memory_space<semaphore_mem>>)
            %dma_wait3A_393 = arith.constant 0 : i32
            %dma_wait3A_394 = arith.constant 0 : i32
            %dma_wait3A_395 = tpu.memref_slice %arg6[%dma_wait3A_393, %dma_wait3A_394] : memref<80000x128xf32, #tpu.memory_space<hbm>> -> memref<80000x128xf32, #tpu.memory_space<hbm>>
            tpu.wait_indirect_dma semaphore(%arg31 : memref<!tpu.dma_semaphore, #tpu.memory_space<semaphore_mem>>) src(%dma_wait3A_395 : memref<80000x128xf32, #tpu.memory_space<hbm>>) dst(%arg24 : memref<64x128xf32, #tpu.memory_space<vmem>>)
            %mul3A_396 = arith.constant 64 : i32
            %mul3A_397 = arith.muli %while3A_320, %mul3A_396 : i32
            %add3A_398 = arith.constant 0 : i32
            %add3A_399 = arith.addi %mul3A_397, %add3A_398 : i32
            %get3A_400 = arith.index_cast %add3A_399 : i32 to index
            %get3A_401 = tpu.vector_load %arg9[%get3A_400] {strides = array<i32>} : memref<2208xi32, #tpu.memory_space<vmem>>, vector<16xi32>,
            %add3A_402 = arith.constant 0 : i32
            %add3A_403 = arith.addi %mul3A_397, %add3A_402 : i32
            %get3A_404 = arith.index_cast %add3A_403 : i32 to index
            %get3A_405 = tpu.vector_load %arg10[%get3A_404] {strides = array<i32>} : memref<2208xi32, #tpu.memory_space<vmem>>, vector<16xi32>,
            %mul3A_406 = arith.constant 4 : i32
            %mul3A_407 = vector.broadcast %mul3A_406 : i32 to vector<16xi32>
            %mul3A_408 = arith.muli %get3A_401, %mul3A_407 : vector<16xi32>
            %add3A_409 = vector.broadcast %shift_right_logical3A_3 : i32 to vector<16xi32>
            %add3A_410 = arith.addi %mul3A_408, %add3A_409 : vector<16xi32>
            %gather3A_411 = tpu.vector_load_idx %arg15[%add3A_410] : memref<40000xf32, #tpu.memory_space<vmem>>[vector<16xi32>], vector<16xf32>,
            %mul3A_412 = arith.constant 256 : i32
            %mul3A_413 = arith.muli %shift_right_logical3A_1, %mul3A_412 : i32
            %add3A_414 = vector.broadcast %mul3A_413 : i32 to vector<16xi32>
            %add3A_415 = arith.addi %add3A_414, %get3A_405 : vector<16xi32>
            %mul3A_416 = arith.constant 4 : i32
            %mul3A_417 = vector.broadcast %mul3A_416 : i32 to vector<16xi32>
            %mul3A_418 = arith.muli %add3A_415, %mul3A_417 : vector<16xi32>
            %add3A_419 = vector.broadcast %shift_right_logical3A_3 : i32 to vector<16xi32>
            %add3A_420 = arith.addi %mul3A_418, %add3A_419 : vector<16xi32>
            %gather3A_421 = tpu.vector_load_idx %arg16[%add3A_420] : memref<2096xf32, #tpu.memory_space<vmem>>[vector<16xi32>], vector<16xf32>,
            %add3A_422 = arith.addf %gather3A_411, %gather3A_421 : vector<16xf32>
            %mul3A_423 = arith.constant 2.000000e-01 : f32
            %mul3A_424 = vector.broadcast %mul3A_423 : f32 to vector<16xf32>
            %mul3A_425 = arith.mulf %mul3A_424, %add3A_422 : vector<16xf32>
            %max3A = arith.maximumf %add3A_422, %mul3A_425 : vector<16xf32>
            %exp3A = math.exp %max3A : vector<16xf32>
            %swap3A_426 = arith.constant 0 : index
            %swap3A_427 = tpu.vector_load %arg23[%swap3A_426] {strides = array<i32>} : memref<64xf32, #tpu.memory_space<vmem>>, vector<16xf32>,
            tpu.vector_store %arg23[%swap3A_426], %exp3A {strides = array<i32>} : memref<64xf32, #tpu.memory_space<vmem>>, vector<16xf32>,
            %add3A_428 = arith.constant 16 : i32
            %add3A_429 = arith.addi %mul3A_397, %add3A_428 : i32
            %get3A_430 = arith.index_cast %add3A_429 : i32 to index
            %get3A_431 = tpu.vector_load %arg9[%get3A_430] {strides = array<i32>} : memref<2208xi32, #tpu.memory_space<vmem>>, vector<16xi32>,
            %add3A_432 = arith.constant 16 : i32
            %add3A_433 = arith.addi %mul3A_397, %add3A_432 : i32
            %get3A_434 = arith.index_cast %add3A_433 : i32 to index
            %get3A_435 = tpu.vector_load %arg10[%get3A_434] {strides = array<i32>} : memref<2208xi32, #tpu.memory_space<vmem>>, vector<16xi32>,
            %mul3A_436 = arith.constant 4 : i32
            %mul3A_437 = vector.broadcast %mul3A_436 : i32 to vector<16xi32>
            %mul3A_438 = arith.muli %get3A_431, %mul3A_437 : vector<16xi32>
            %add3A_439 = vector.broadcast %shift_right_logical3A_3 : i32 to vector<16xi32>
            %add3A_440 = arith.addi %mul3A_438, %add3A_439 : vector<16xi32>
            %gather3A_441 = tpu.vector_load_idx %arg15[%add3A_440] : memref<40000xf32, #tpu.memory_space<vmem>>[vector<16xi32>], vector<16xf32>,
            %mul3A_442 = arith.constant 256 : i32
            %mul3A_443 = arith.muli %shift_right_logical3A_1, %mul3A_442 : i32
            %add3A_444 = vector.broadcast %mul3A_443 : i32 to vector<16xi32>
            %add3A_445 = arith.addi %add3A_444, %get3A_435 : vector<16xi32>
            %mul3A_446 = arith.constant 4 : i32
            %mul3A_447 = vector.broadcast %mul3A_446 : i32 to vector<16xi32>
            %mul3A_448 = arith.muli %add3A_445, %mul3A_447 : vector<16xi32>
            %add3A_449 = vector.broadcast %shift_right_logical3A_3 : i32 to vector<16xi32>
            %add3A_450 = arith.addi %mul3A_448, %add3A_449 : vector<16xi32>
            %gather3A_451 = tpu.vector_load_idx %arg16[%add3A_450] : memref<2096xf32, #tpu.memory_space<vmem>>[vector<16xi32>], vector<16xf32>,
            %add3A_452 = arith.addf %gather3A_441, %gather3A_451 : vector<16xf32>
            %mul3A_453 = arith.constant 2.000000e-01 : f32
            %mul3A_454 = vector.broadcast %mul3A_453 : f32 to vector<16xf32>
            %mul3A_455 = arith.mulf %mul3A_454, %add3A_452 : vector<16xf32>
            %max3A_456 = arith.maximumf %add3A_452, %mul3A_455 : vector<16xf32>
            %exp3A_457 = math.exp %max3A_456 : vector<16xf32>
            %swap3A_458 = arith.constant 16 : index
            %swap3A_459 = tpu.vector_load %arg23[%swap3A_458] {strides = array<i32>} : memref<64xf32, #tpu.memory_space<vmem>>, vector<16xf32>,
            tpu.vector_store %arg23[%swap3A_458], %exp3A_457 {strides = array<i32>} : memref<64xf32, #tpu.memory_space<vmem>>, vector<16xf32>,
            %add3A_460 = arith.constant 32 : i32
            %add3A_461 = arith.addi %mul3A_397, %add3A_460 : i32
            %get3A_462 = arith.index_cast %add3A_461 : i32 to index
            %get3A_463 = tpu.vector_load %arg9[%get3A_462] {strides = array<i32>} : memref<2208xi32, #tpu.memory_space<vmem>>, vector<16xi32>,
            %add3A_464 = arith.constant 32 : i32
            %add3A_465 = arith.addi %mul3A_397, %add3A_464 : i32
            %get3A_466 = arith.index_cast %add3A_465 : i32 to index
            %get3A_467 = tpu.vector_load %arg10[%get3A_466] {strides = array<i32>} : memref<2208xi32, #tpu.memory_space<vmem>>, vector<16xi32>,
            %mul3A_468 = arith.constant 4 : i32
            %mul3A_469 = vector.broadcast %mul3A_468 : i32 to vector<16xi32>
            %mul3A_470 = arith.muli %get3A_463, %mul3A_469 : vector<16xi32>
            %add3A_471 = vector.broadcast %shift_right_logical3A_3 : i32 to vector<16xi32>
            %add3A_472 = arith.addi %mul3A_470, %add3A_471 : vector<16xi32>
            %gather3A_473 = tpu.vector_load_idx %arg15[%add3A_472] : memref<40000xf32, #tpu.memory_space<vmem>>[vector<16xi32>], vector<16xf32>,
            %mul3A_474 = arith.constant 256 : i32
            %mul3A_475 = arith.muli %shift_right_logical3A_1, %mul3A_474 : i32
            %add3A_476 = vector.broadcast %mul3A_475 : i32 to vector<16xi32>
            %add3A_477 = arith.addi %add3A_476, %get3A_467 : vector<16xi32>
            %mul3A_478 = arith.constant 4 : i32
            %mul3A_479 = vector.broadcast %mul3A_478 : i32 to vector<16xi32>
            %mul3A_480 = arith.muli %add3A_477, %mul3A_479 : vector<16xi32>
            %add3A_481 = vector.broadcast %shift_right_logical3A_3 : i32 to vector<16xi32>
            %add3A_482 = arith.addi %mul3A_480, %add3A_481 : vector<16xi32>
            %gather3A_483 = tpu.vector_load_idx %arg16[%add3A_482] : memref<2096xf32, #tpu.memory_space<vmem>>[vector<16xi32>], vector<16xf32>,
            %add3A_484 = arith.addf %gather3A_473, %gather3A_483 : vector<16xf32>
            %mul3A_485 = arith.constant 2.000000e-01 : f32
            %mul3A_486 = vector.broadcast %mul3A_485 : f32 to vector<16xf32>
            %mul3A_487 = arith.mulf %mul3A_486, %add3A_484 : vector<16xf32>
            %max3A_488 = arith.maximumf %add3A_484, %mul3A_487 : vector<16xf32>
            %exp3A_489 = math.exp %max3A_488 : vector<16xf32>
            %swap3A_490 = arith.constant 32 : index
            %swap3A_491 = tpu.vector_load %arg23[%swap3A_490] {strides = array<i32>} : memref<64xf32, #tpu.memory_space<vmem>>, vector<16xf32>,
            tpu.vector_store %arg23[%swap3A_490], %exp3A_489 {strides = array<i32>} : memref<64xf32, #tpu.memory_space<vmem>>, vector<16xf32>,
            %add3A_492 = arith.constant 48 : i32
            %add3A_493 = arith.addi %mul3A_397, %add3A_492 : i32
            %get3A_494 = arith.index_cast %add3A_493 : i32 to index
            %get3A_495 = tpu.vector_load %arg9[%get3A_494] {strides = array<i32>} : memref<2208xi32, #tpu.memory_space<vmem>>, vector<16xi32>,
            %add3A_496 = arith.constant 48 : i32
            %add3A_497 = arith.addi %mul3A_397, %add3A_496 : i32
            %get3A_498 = arith.index_cast %add3A_497 : i32 to index
            %get3A_499 = tpu.vector_load %arg10[%get3A_498] {strides = array<i32>} : memref<2208xi32, #tpu.memory_space<vmem>>, vector<16xi32>,
            %mul3A_500 = arith.constant 4 : i32
            %mul3A_501 = vector.broadcast %mul3A_500 : i32 to vector<16xi32>
            %mul3A_502 = arith.muli %get3A_495, %mul3A_501 : vector<16xi32>
            %add3A_503 = vector.broadcast %shift_right_logical3A_3 : i32 to vector<16xi32>
            %add3A_504 = arith.addi %mul3A_502, %add3A_503 : vector<16xi32>
            %gather3A_505 = tpu.vector_load_idx %arg15[%add3A_504] : memref<40000xf32, #tpu.memory_space<vmem>>[vector<16xi32>], vector<16xf32>,
            %mul3A_506 = arith.constant 256 : i32
            %mul3A_507 = arith.muli %shift_right_logical3A_1, %mul3A_506 : i32
            %add3A_508 = vector.broadcast %mul3A_507 : i32 to vector<16xi32>
            %add3A_509 = arith.addi %add3A_508, %get3A_499 : vector<16xi32>
            %mul3A_510 = arith.constant 4 : i32
            %mul3A_511 = vector.broadcast %mul3A_510 : i32 to vector<16xi32>
            %mul3A_512 = arith.muli %add3A_509, %mul3A_511 : vector<16xi32>
            %add3A_513 = vector.broadcast %shift_right_logical3A_3 : i32 to vector<16xi32>
            %add3A_514 = arith.addi %mul3A_512, %add3A_513 : vector<16xi32>
            %gather3A_515 = tpu.vector_load_idx %arg16[%add3A_514] : memref<2096xf32, #tpu.memory_space<vmem>>[vector<16xi32>], vector<16xf32>,
            %add3A_516 = arith.addf %gather3A_505, %gather3A_515 : vector<16xf32>
            %mul3A_517 = arith.constant 2.000000e-01 : f32
            %mul3A_518 = vector.broadcast %mul3A_517 : f32 to vector<16xf32>
            %mul3A_519 = arith.mulf %mul3A_518, %add3A_516 : vector<16xf32>
            %max3A_520 = arith.maximumf %add3A_516, %mul3A_519 : vector<16xf32>
            %exp3A_521 = math.exp %max3A_520 : vector<16xf32>
            %swap3A_522 = arith.constant 48 : index
            %swap3A_523 = tpu.vector_load %arg23[%swap3A_522] {strides = array<i32>} : memref<64xf32, #tpu.memory_space<vmem>>, vector<16xf32>,
            tpu.vector_store %arg23[%swap3A_522], %exp3A_521 {strides = array<i32>} : memref<64xf32, #tpu.memory_space<vmem>>, vector<16xf32>,
            %scan3A_524 = arith.constant 0 : i32
            %scan3A_525 = arith.constant 0 : i32
            %scan3A_526 = arith.constant 64 : i32
            %scan3A_527 = arith.addi %scan3A_525, %scan3A_526 : i32
            %scan3A_528 = arith.constant 1 : i32
            scf.for %scan3A_530 = %scan3A_525 to %scan3A_527 step %scan3A_528  : i32 {
              %broadcast_in_dim3A_531 = vector.broadcast %scan3A_530 : i32 to vector<16xi32>
              %gather3A_532 = tpu.vector_load_idx %arg23[%broadcast_in_dim3A_531] : memref<64xf32, #tpu.memory_space<vmem>>[vector<16xi32>], vector<16xf32>,
              %broadcast_in_dim3A_533 = vector.broadcast %scan3A_530 : i32 to vector<16xi32>
              %gather3A_534 = tpu.vector_load_idx %arg20[%broadcast_in_dim3A_533] : memref<64xi32, #tpu.memory_space<vmem>>[vector<16xi32>], vector<16xi32>,
              %mul3A_535 = arith.constant 128 : i32
              %mul3A_536 = vector.broadcast %mul3A_535 : i32 to vector<16xi32>
              %mul3A_537 = arith.muli %gather3A_534, %mul3A_536 : vector<16xi32>
              %broadcast_in_dim3A_538 = vector.broadcast %scan3A_530 : i32 to vector<16xi32>
              %add3A_539 = arith.constant 0 : i32
              %add3A_540 = vector.broadcast %add3A_539 : i32 to vector<16xi32>
              %add3A_541 = arith.addi %add3A_540, %iota3A : vector<16xi32>
              %gather3A_542 = tpu.vector_load_idx %arg24[%broadcast_in_dim3A_538, %add3A_541] : memref<64x128xf32, #tpu.memory_space<vmem>>[vector<16xi32>, vector<16xi32>], vector<16xf32>,
              %add3A_543 = arith.addi %mul3A_537, %add3A_541 : vector<16xi32>
              %gather3A_544 = tpu.vector_load_idx %arg26[%add3A_543] : memref<33792xf32, #tpu.memory_space<vmem>>[vector<16xi32>], vector<16xf32>,
              %add3A_545 = arith.addi %mul3A_537, %add3A_541 : vector<16xi32>
              %mul3A_546 = arith.mulf %gather3A_532, %gather3A_542 : vector<16xf32>
              %add3A_547 = arith.addf %gather3A_544, %mul3A_546 : vector<16xf32>
              tpu.vector_store_idx %arg26[%add3A_545], %add3A_547 : memref<33792xf32, #tpu.memory_space<vmem>>[vector<16xi32>], vector<16xf32>,
              %add3A_548 = arith.constant 16 : i32
              %add3A_549 = vector.broadcast %add3A_548 : i32 to vector<16xi32>
              %add3A_550 = arith.addi %add3A_549, %iota3A : vector<16xi32>
              %gather3A_551 = tpu.vector_load_idx %arg24[%broadcast_in_dim3A_538, %add3A_550] : memref<64x128xf32, #tpu.memory_space<vmem>>[vector<16xi32>, vector<16xi32>], vector<16xf32>,
              %add3A_552 = arith.addi %mul3A_537, %add3A_550 : vector<16xi32>
              %gather3A_553 = tpu.vector_load_idx %arg26[%add3A_552] : memref<33792xf32, #tpu.memory_space<vmem>>[vector<16xi32>], vector<16xf32>,
              %add3A_554 = arith.addi %mul3A_537, %add3A_550 : vector<16xi32>
              %mul3A_555 = arith.mulf %gather3A_532, %gather3A_551 : vector<16xf32>
              %add3A_556 = arith.addf %gather3A_553, %mul3A_555 : vector<16xf32>
              tpu.vector_store_idx %arg26[%add3A_554], %add3A_556 : memref<33792xf32, #tpu.memory_space<vmem>>[vector<16xi32>], vector<16xf32>,
              %add3A_557 = arith.constant 32 : i32
              %add3A_558 = vector.broadcast %add3A_557 : i32 to vector<16xi32>
              %add3A_559 = arith.addi %add3A_558, %iota3A : vector<16xi32>
              %gather3A_560 = tpu.vector_load_idx %arg24[%broadcast_in_dim3A_538, %add3A_559] : memref<64x128xf32, #tpu.memory_space<vmem>>[vector<16xi32>, vector<16xi32>], vector<16xf32>,
              %add3A_561 = arith.addi %mul3A_537, %add3A_559 : vector<16xi32>
              %gather3A_562 = tpu.vector_load_idx %arg26[%add3A_561] : memref<33792xf32, #tpu.memory_space<vmem>>[vector<16xi32>], vector<16xf32>,
              %add3A_563 = arith.addi %mul3A_537, %add3A_559 : vector<16xi32>
              %mul3A_564 = arith.mulf %gather3A_532, %gather3A_560 : vector<16xf32>
              %add3A_565 = arith.addf %gather3A_562, %mul3A_564 : vector<16xf32>
              tpu.vector_store_idx %arg26[%add3A_563], %add3A_565 : memref<33792xf32, #tpu.memory_space<vmem>>[vector<16xi32>], vector<16xf32>,
              %add3A_566 = arith.constant 48 : i32
              %add3A_567 = vector.broadcast %add3A_566 : i32 to vector<16xi32>
              %add3A_568 = arith.addi %add3A_567, %iota3A : vector<16xi32>
              %gather3A_569 = tpu.vector_load_idx %arg24[%broadcast_in_dim3A_538, %add3A_568] : memref<64x128xf32, #tpu.memory_space<vmem>>[vector<16xi32>, vector<16xi32>], vector<16xf32>,
              %add3A_570 = arith.addi %mul3A_537, %add3A_568 : vector<16xi32>
              %gather3A_571 = tpu.vector_load_idx %arg26[%add3A_570] : memref<33792xf32, #tpu.memory_space<vmem>>[vector<16xi32>], vector<16xf32>,
              %add3A_572 = arith.addi %mul3A_537, %add3A_568 : vector<16xi32>
              %mul3A_573 = arith.mulf %gather3A_532, %gather3A_569 : vector<16xf32>
              %add3A_574 = arith.addf %gather3A_571, %mul3A_573 : vector<16xf32>
              tpu.vector_store_idx %arg26[%add3A_572], %add3A_574 : memref<33792xf32, #tpu.memory_space<vmem>>[vector<16xi32>], vector<16xf32>,
              %add3A_575 = arith.constant 64 : i32
              %add3A_576 = vector.broadcast %add3A_575 : i32 to vector<16xi32>
              %add3A_577 = arith.addi %add3A_576, %iota3A : vector<16xi32>
              %gather3A_578 = tpu.vector_load_idx %arg24[%broadcast_in_dim3A_538, %add3A_577] : memref<64x128xf32, #tpu.memory_space<vmem>>[vector<16xi32>, vector<16xi32>], vector<16xf32>,
              %add3A_579 = arith.addi %mul3A_537, %add3A_577 : vector<16xi32>
              %gather3A_580 = tpu.vector_load_idx %arg26[%add3A_579] : memref<33792xf32, #tpu.memory_space<vmem>>[vector<16xi32>], vector<16xf32>,
              %add3A_581 = arith.addi %mul3A_537, %add3A_577 : vector<16xi32>
              %mul3A_582 = arith.mulf %gather3A_532, %gather3A_578 : vector<16xf32>
              %add3A_583 = arith.addf %gather3A_580, %mul3A_582 : vector<16xf32>
              tpu.vector_store_idx %arg26[%add3A_581], %add3A_583 : memref<33792xf32, #tpu.memory_space<vmem>>[vector<16xi32>], vector<16xf32>,
              %add3A_584 = arith.constant 80 : i32
              %add3A_585 = vector.broadcast %add3A_584 : i32 to vector<16xi32>
              %add3A_586 = arith.addi %add3A_585, %iota3A : vector<16xi32>
              %gather3A_587 = tpu.vector_load_idx %arg24[%broadcast_in_dim3A_538, %add3A_586] : memref<64x128xf32, #tpu.memory_space<vmem>>[vector<16xi32>, vector<16xi32>], vector<16xf32>,
              %add3A_588 = arith.addi %mul3A_537, %add3A_586 : vector<16xi32>
              %gather3A_589 = tpu.vector_load_idx %arg26[%add3A_588] : memref<33792xf32, #tpu.memory_space<vmem>>[vector<16xi32>], vector<16xf32>,
              %add3A_590 = arith.addi %mul3A_537, %add3A_586 : vector<16xi32>
              %mul3A_591 = arith.mulf %gather3A_532, %gather3A_587 : vector<16xf32>
              %add3A_592 = arith.addf %gather3A_589, %mul3A_591 : vector<16xf32>
              tpu.vector_store_idx %arg26[%add3A_590], %add3A_592 : memref<33792xf32, #tpu.memory_space<vmem>>[vector<16xi32>], vector<16xf32>,
              %add3A_593 = arith.constant 96 : i32
              %add3A_594 = vector.broadcast %add3A_593 : i32 to vector<16xi32>
              %add3A_595 = arith.addi %add3A_594, %iota3A : vector<16xi32>
              %gather3A_596 = tpu.vector_load_idx %arg24[%broadcast_in_dim3A_538, %add3A_595] : memref<64x128xf32, #tpu.memory_space<vmem>>[vector<16xi32>, vector<16xi32>], vector<16xf32>,
              %add3A_597 = arith.addi %mul3A_537, %add3A_595 : vector<16xi32>
              %gather3A_598 = tpu.vector_load_idx %arg26[%add3A_597] : memref<33792xf32, #tpu.memory_space<vmem>>[vector<16xi32>], vector<16xf32>,
              %add3A_599 = arith.addi %mul3A_537, %add3A_595 : vector<16xi32>
              %mul3A_600 = arith.mulf %gather3A_532, %gather3A_596 : vector<16xf32>
              %add3A_601 = arith.addf %gather3A_598, %mul3A_600 : vector<16xf32>
              tpu.vector_store_idx %arg26[%add3A_599], %add3A_601 : memref<33792xf32, #tpu.memory_space<vmem>>[vector<16xi32>], vector<16xf32>,
              %add3A_602 = arith.constant 112 : i32
              %add3A_603 = vector.broadcast %add3A_602 : i32 to vector<16xi32>
              %add3A_604 = arith.addi %add3A_603, %iota3A : vector<16xi32>
              %gather3A_605 = tpu.vector_load_idx %arg24[%broadcast_in_dim3A_538, %add3A_604] : memref<64x128xf32, #tpu.memory_space<vmem>>[vector<16xi32>, vector<16xi32>], vector<16xf32>,
              %add3A_606 = arith.addi %mul3A_537, %add3A_604 : vector<16xi32>
              %gather3A_607 = tpu.vector_load_idx %arg26[%add3A_606] : memref<33792xf32, #tpu.memory_space<vmem>>[vector<16xi32>], vector<16xf32>,
              %add3A_608 = arith.addi %mul3A_537, %add3A_604 : vector<16xi32>
              %mul3A_609 = arith.mulf %gather3A_532, %gather3A_605 : vector<16xf32>
              %add3A_610 = arith.addf %gather3A_607, %mul3A_609 : vector<16xf32>
              tpu.vector_store_idx %arg26[%add3A_608], %add3A_610 : memref<33792xf32, #tpu.memory_space<vmem>>[vector<16xi32>], vector<16xf32>,
              %gather3A_611 = tpu.vector_load_idx %arg27[%gather3A_534] : memref<272xf32, #tpu.memory_space<vmem>>[vector<16xi32>], vector<16xf32>,
              %add3A_612 = arith.addf %gather3A_611, %gather3A_532 : vector<16xf32>
              tpu.vector_store_idx %arg27[%gather3A_534], %add3A_612 : memref<272xf32, #tpu.memory_space<vmem>>[vector<16xi32>], vector<16xf32>,
            }
            %scan3A_529 = arith.constant 64 : i32
          }
        }
        %scan3A_254 = arith.constant 16 : i32
        %barrier3A_255 = arith.constant 0 : index
        tpu.barrier barrier_id(%barrier3A_255)
      }
      %scan3A_66 = arith.constant 5 : i32
      %mul3A_67 = arith.constant 1310720 : i32
      %mul3A_68 = arith.muli %and3A_0, %mul3A_67 : i32
      %mul3A_69 = arith.constant 256 : i32
      %mul3A_70 = arith.muli %shift_right_logical3A_1, %mul3A_69 : i32
      %add3A_71 = arith.addi %mul3A_19, %mul3A_70 : i32
      %mul3A_72 = arith.constant 128 : i32
      %mul3A_73 = arith.muli %add3A_71, %mul3A_72 : i32
      %add3A_74 = arith.addi %mul3A_68, %mul3A_73 : i32
      "tpu.region"() ({
        %run_scoped3A = tpu.sem_alloc : memref<!tpu.dma_semaphore, #tpu.memory_space<semaphore_mem>>
        %dma_start3A = arith.constant 0 : i32
        %dma_start3A_81 = tpu.memref_slice %arg26[%dma_start3A] : memref<33792xf32, #tpu.memory_space<vmem>> -> memref<32768xf32, #tpu.memory_space<vmem>>
        %dma_start3A_82 = tpu.memref_slice %arg7[%add3A_74] : memref<10485760xf32, #tpu.memory_space<hbm>> -> memref<32768xf32, #tpu.memory_space<hbm>>
        %dma_start3A_83 = tpu.memref_slice %arg7[%add3A_74] : memref<10485760xf32, #tpu.memory_space<hbm>> -> memref<32768xf32, #tpu.memory_space<hbm>>
        %dma_start3A_84 = arith.constant 0 : i32
        %dma_start3A_85 = tpu.memref_slice %arg26[%dma_start3A_84] : memref<33792xf32, #tpu.memory_space<vmem>> -> memref<32768xf32, #tpu.memory_space<vmem>>
        tpu.enqueue_dma source(%dma_start3A_85 : memref<32768xf32, #tpu.memory_space<vmem>>) target(%dma_start3A_83 : memref<32768xf32, #tpu.memory_space<hbm>>) target_semaphore(%run_scoped3A : memref<!tpu.dma_semaphore, #tpu.memory_space<semaphore_mem>>)
        %dma_wait3A = arith.constant 0 : i32
        %dma_wait3A_86 = tpu.memref_slice %arg26[%dma_wait3A] : memref<33792xf32, #tpu.memory_space<vmem>> -> memref<32768xf32, #tpu.memory_space<vmem>>
        %dma_wait3A_87 = tpu.memref_slice %arg7[%add3A_74] : memref<10485760xf32, #tpu.memory_space<hbm>> -> memref<32768xf32, #tpu.memory_space<hbm>>
        %dma_wait3A_88 = tpu.memref_slice %arg7[%add3A_74] : memref<10485760xf32, #tpu.memory_space<hbm>> -> memref<32768xf32, #tpu.memory_space<hbm>>
        %dma_wait3A_89 = arith.constant 0 : i32
        %dma_wait3A_90 = tpu.memref_slice %arg26[%dma_wait3A_89] : memref<33792xf32, #tpu.memory_space<vmem>> -> memref<32768xf32, #tpu.memory_space<vmem>>
        tpu.wait_dma2 semaphore(%run_scoped3A : memref<!tpu.dma_semaphore, #tpu.memory_space<semaphore_mem>>) src(%dma_wait3A_90 : memref<32768xf32, #tpu.memory_space<vmem>>) dst(%dma_wait3A_88 : memref<32768xf32, #tpu.memory_space<hbm>>)
        tpu.yield
      }) : () -> ()
      %mul3A_75 = arith.constant 10240 : i32
      %mul3A_76 = arith.muli %and3A_0, %mul3A_75 : i32
      %add3A_77 = arith.addi %mul3A_76, %mul3A_19 : i32
      %mul3A_78 = arith.constant 256 : i32
      %mul3A_79 = arith.muli %shift_right_logical3A_1, %mul3A_78 : i32
      %add3A_80 = arith.addi %add3A_77, %mul3A_79 : i32
      "tpu.region"() ({
        %run_scoped3A = tpu.sem_alloc : memref<!tpu.dma_semaphore, #tpu.memory_space<semaphore_mem>>
        %dma_start3A = arith.constant 0 : i32
        %dma_start3A_81 = tpu.memref_slice %arg27[%dma_start3A] : memref<272xf32, #tpu.memory_space<vmem>> -> memref<256xf32, #tpu.memory_space<vmem>>
        %dma_start3A_82 = tpu.memref_slice %arg8[%add3A_80] : memref<81920xf32, #tpu.memory_space<hbm>> -> memref<256xf32, #tpu.memory_space<hbm>>
        %dma_start3A_83 = tpu.memref_slice %arg8[%add3A_80] : memref<81920xf32, #tpu.memory_space<hbm>> -> memref<256xf32, #tpu.memory_space<hbm>>
        %dma_start3A_84 = arith.constant 0 : i32
        %dma_start3A_85 = tpu.memref_slice %arg27[%dma_start3A_84] : memref<272xf32, #tpu.memory_space<vmem>> -> memref<256xf32, #tpu.memory_space<vmem>>
        tpu.enqueue_dma source(%dma_start3A_85 : memref<256xf32, #tpu.memory_space<vmem>>) target(%dma_start3A_83 : memref<256xf32, #tpu.memory_space<hbm>>) target_semaphore(%run_scoped3A : memref<!tpu.dma_semaphore, #tpu.memory_space<semaphore_mem>>)
        %dma_wait3A = arith.constant 0 : i32
        %dma_wait3A_86 = tpu.memref_slice %arg27[%dma_wait3A] : memref<272xf32, #tpu.memory_space<vmem>> -> memref<256xf32, #tpu.memory_space<vmem>>
        %dma_wait3A_87 = tpu.memref_slice %arg8[%add3A_80] : memref<81920xf32, #tpu.memory_space<hbm>> -> memref<256xf32, #tpu.memory_space<hbm>>
        %dma_wait3A_88 = tpu.memref_slice %arg8[%add3A_80] : memref<81920xf32, #tpu.memory_space<hbm>> -> memref<256xf32, #tpu.memory_space<hbm>>
        %dma_wait3A_89 = arith.constant 0 : i32
        %dma_wait3A_90 = tpu.memref_slice %arg27[%dma_wait3A_89] : memref<272xf32, #tpu.memory_space<vmem>> -> memref<256xf32, #tpu.memory_space<vmem>>
        tpu.wait_dma2 semaphore(%run_scoped3A : memref<!tpu.dma_semaphore, #tpu.memory_space<semaphore_mem>>) src(%dma_wait3A_90 : memref<256xf32, #tpu.memory_space<vmem>>) dst(%dma_wait3A_88 : memref<256xf32, #tpu.memory_space<hbm>>)
        tpu.yield
      }) : () -> ()
    }
    %scan3A_14 = arith.constant 10 : i32
    return
  }
}

module attributes {stable_mosaic.version = 14 : i64} {
  func.func @_tc_a1_body(%arg0: i32, %arg1: memref<1000x256xf32, #tpu.memory_space<vmem>>, %arg2: memref<256x1024xf32, #tpu.memory_space<vmem>>, %arg3: memref<1024x8xf32, #tpu.memory_space<vmem>>, %arg4: memref<1000x1024xf32, #tpu.memory_space<vmem>>, %arg5: memref<1000x4xf32, #tpu.memory_space<vmem>>, %arg6: memref<1000x4xf32, #tpu.memory_space<vmem>>, %arg7: memref<1000x4xf32, #tpu.memory_space<vmem>>) attributes {dimension_semantics = [#tpu.dimension_semantics<arbitrary>], iteration_bounds = array<i64: 10>, scalar_prefetch = 0 : i64, scratch_operands = 0 : i64, tpu.core_type = #tpu.core_type<tc>, window_params = [{transform_indices = @transform_0, window_bounds = array<i64: 1000, 256>}, {pipeline_mode = #tpu.pipeline_mode<synchronous>, transform_indices = @transform_1, window_bounds = array<i64: 256, 1024>}, {pipeline_mode = #tpu.pipeline_mode<synchronous>, transform_indices = @transform_2, window_bounds = array<i64: 1024, 8>}, {transform_indices = @transform_3, window_bounds = array<i64: 1000, 1024>}, {transform_indices = @transform_4, window_bounds = array<i64: 1000, 4>}, {transform_indices = @transform_5, window_bounds = array<i64: 1000, 4>}, {transform_indices = @transform_6, window_bounds = array<i64: 1000, 4>}]} {
    %get3A = arith.constant 0 : index
    %get3A_0 = arith.constant 0 : index
    %get3A_1 = vector.load %arg1[%get3A, %get3A_0] : memref<1000x256xf32, #tpu.memory_space<vmem>>, vector<1000x256xf32>
    %get3A_2 = arith.constant 0 : index
    %get3A_3 = arith.constant 0 : index
    %get3A_4 = vector.load %arg2[%get3A_2, %get3A_3] : memref<256x1024xf32, #tpu.memory_space<vmem>>, vector<256x1024xf32>
    %dot_general3A = arith.constant dense<0.000000e+00> : vector<1000x1024xf32>
    %dot_general3A_5 = tpu.matmul %get3A_1, %get3A_4, %dot_general3A {dimension_numbers = #tpu.dot_dimension_numbers<[1], [0], [0], [1], [0, 0, 1, 1], [], []>, transpose_lhs_hint = false} : vector<1000x256xf32>, vector<256x1024xf32>, vector<1000x1024xf32> -> vector<1000x1024xf32>
    %swap3A = arith.constant 0 : index
    %swap3A_6 = arith.constant 0 : index
    %swap3A_7 = vector.load %arg4[%swap3A, %swap3A_6] : memref<1000x1024xf32, #tpu.memory_space<vmem>>, vector<1000x1024xf32>
    tpu.vector_store %arg4[%swap3A, %swap3A_6], %dot_general3A_5 {strides = array<i32>} : memref<1000x1024xf32, #tpu.memory_space<vmem>>, vector<1000x1024xf32>,
    %get3A_8 = arith.constant 0 : index
    %get3A_9 = arith.constant 0 : index
    %get3A_10 = vector.load %arg3[%get3A_8, %get3A_9] : memref<1024x8xf32, #tpu.memory_space<vmem>>, vector<1024x8xf32>
    %dot_general3A_11 = arith.constant dense<0.000000e+00> : vector<1000x8xf32>
    %dot_general3A_12 = tpu.matmul %dot_general3A_5, %get3A_10, %dot_general3A_11 {dimension_numbers = #tpu.dot_dimension_numbers<[1], [0], [0], [1], [0, 0, 1, 1], [], []>, transpose_lhs_hint = false} : vector<1000x1024xf32>, vector<1024x8xf32>, vector<1000x8xf32> -> vector<1000x8xf32>
    %slice3A = vector.extract_strided_slice %dot_general3A_12 {offsets = [0, 0], sizes = [1000, 4], strides = [1, 1]} : vector<1000x8xf32> to vector<1000x4xf32>
    %swap3A_13 = arith.constant 0 : index
    %swap3A_14 = arith.constant 0 : index
    %swap3A_15 = vector.load %arg5[%swap3A_13, %swap3A_14] : memref<1000x4xf32, #tpu.memory_space<vmem>>, vector<1000x4xf32>
    tpu.vector_store %arg5[%swap3A_13, %swap3A_14], %slice3A {strides = array<i32>} : memref<1000x4xf32, #tpu.memory_space<vmem>>, vector<1000x4xf32>,
    %slice3A_16 = vector.extract_strided_slice %dot_general3A_12 {offsets = [0, 4], sizes = [1000, 4], strides = [1, 1]} : vector<1000x8xf32> to vector<1000x4xf32>
    %swap3A_17 = arith.constant 0 : index
    %swap3A_18 = arith.constant 0 : index
    %swap3A_19 = vector.load %arg6[%swap3A_17, %swap3A_18] : memref<1000x4xf32, #tpu.memory_space<vmem>>, vector<1000x4xf32>
    tpu.vector_store %arg6[%swap3A_17, %swap3A_18], %slice3A_16 {strides = array<i32>} : memref<1000x4xf32, #tpu.memory_space<vmem>>, vector<1000x4xf32>,
    %slice3A_20 = vector.extract_strided_slice %dot_general3A_12 {offsets = [0, 0], sizes = [1000, 4], strides = [1, 1]} : vector<1000x8xf32> to vector<1000x4xf32>
    %slice3A_21 = vector.extract_strided_slice %dot_general3A_12 {offsets = [0, 4], sizes = [1000, 4], strides = [1, 1]} : vector<1000x8xf32> to vector<1000x4xf32>
    %add3A = arith.addf %slice3A_20, %slice3A_21 : vector<1000x4xf32>
    %mul3A = arith.constant 2.000000e-01 : f32
    %mul3A_22 = vector.broadcast %mul3A : f32 to vector<1000x4xf32>
    %mul3A_23 = arith.mulf %mul3A_22, %add3A : vector<1000x4xf32>
    %max3A = arith.maximumf %add3A, %mul3A_23 : vector<1000x4xf32>
    %exp3A = math.exp %max3A : vector<1000x4xf32>
    %swap3A_24 = arith.constant 0 : index
    %swap3A_25 = arith.constant 0 : index
    %swap3A_26 = vector.load %arg7[%swap3A_24, %swap3A_25] : memref<1000x4xf32, #tpu.memory_space<vmem>>, vector<1000x4xf32>
    tpu.vector_store %arg7[%swap3A_24, %swap3A_25], %exp3A {strides = array<i32>} : memref<1000x4xf32, #tpu.memory_space<vmem>>, vector<1000x4xf32>,
    return
  }
  func.func @transform_0(%arg0: i32) -> (i32, i32) {
    %c0_i32 = arith.constant 0 : i32
    %c0_i32_0 = arith.constant 0 : i32
    return %arg0, %c0_i32 : i32, i32
  }
  func.func @transform_1(%arg0: i32) -> (i32, i32) {
    %c0_i32 = arith.constant 0 : i32
    %c0_i32_0 = arith.constant 0 : i32
    %c0_i32_1 = arith.constant 0 : i32
    return %c0_i32, %c0_i32_0 : i32, i32
  }
  func.func @transform_2(%arg0: i32) -> (i32, i32) {
    %c0_i32 = arith.constant 0 : i32
    %c0_i32_0 = arith.constant 0 : i32
    %c0_i32_1 = arith.constant 0 : i32
    return %c0_i32, %c0_i32_0 : i32, i32
  }
  func.func @transform_3(%arg0: i32) -> (i32, i32) {
    %c0_i32 = arith.constant 0 : i32
    %c0_i32_0 = arith.constant 0 : i32
    return %arg0, %c0_i32 : i32, i32
  }
  func.func @transform_4(%arg0: i32) -> (i32, i32) {
    %c0_i32 = arith.constant 0 : i32
    %c0_i32_0 = arith.constant 0 : i32
    return %arg0, %c0_i32 : i32, i32
  }
  func.func @transform_5(%arg0: i32) -> (i32, i32) {
    %c0_i32 = arith.constant 0 : i32
    %c0_i32_0 = arith.constant 0 : i32
    return %arg0, %c0_i32 : i32, i32
  }
  func.func @transform_6(%arg0: i32) -> (i32, i32) {
    %c0_i32 = arith.constant 0 : i32
    %c0_i32_0 = arith.constant 0 : i32
    return %arg0, %c0_i32 : i32, i32
  }
}

module attributes {stable_mosaic.version = 14 : i64} {
  func.func @_tc_a2_body(%arg0: i32, %arg1: memref<8x1000x128xf32, #tpu.memory_space<vmem>>, %arg2: memref<1000x8xf32, #tpu.memory_space<vmem>>, %arg3: memref<1000x4xf32, #tpu.memory_space<vmem>>, %arg4: memref<1000x1024xf32, #tpu.memory_space<vmem>>, %arg5: memref<1x1024xf32, #tpu.memory_space<vmem>>, %arg6: memref<1024x1024xf32, #tpu.memory_space<vmem>>, %arg7: memref<1024x8xf32, #tpu.memory_space<vmem>>, %arg8: memref<1000x1024xf32, #tpu.memory_space<vmem>>, %arg9: memref<1000x4xf32, #tpu.memory_space<vmem>>, %arg10: memref<1000x4xf32, #tpu.memory_space<vmem>>, %arg11: memref<1000x4xf32, #tpu.memory_space<vmem>>) attributes {dimension_semantics = [#tpu.dimension_semantics<arbitrary>], iteration_bounds = array<i64: 10>, scalar_prefetch = 0 : i64, scratch_operands = 0 : i64, tpu.core_type = #tpu.core_type<tc>, window_params = [{transform_indices = @transform_0, window_bounds = array<i64: 8, 1000, 128>}, {transform_indices = @transform_1, window_bounds = array<i64: 1000, 8>}, {transform_indices = @transform_2, window_bounds = array<i64: 1000, 4>}, {transform_indices = @transform_3, window_bounds = array<i64: 1000, 1024>}, {pipeline_mode = #tpu.pipeline_mode<synchronous>, transform_indices = @transform_4, window_bounds = array<i64: 1, 1024>}, {pipeline_mode = #tpu.pipeline_mode<synchronous>, transform_indices = @transform_5, window_bounds = array<i64: 1024, 1024>}, {pipeline_mode = #tpu.pipeline_mode<synchronous>, transform_indices = @transform_6, window_bounds = array<i64: 1024, 8>}, {transform_indices = @transform_7, window_bounds = array<i64: 1000, 1024>}, {transform_indices = @transform_8, window_bounds = array<i64: 1000, 4>}, {transform_indices = @transform_9, window_bounds = array<i64: 1000, 4>}, {transform_indices = @transform_10, window_bounds = array<i64: 1000, 4>}]} {
    %get3A = arith.constant 0 : index
    %get3A_0 = arith.constant 0 : index
    %get3A_1 = arith.constant 0 : index
    %get3A_2 = vector.load %arg1[%get3A, %get3A_0, %get3A_1] : memref<8x1000x128xf32, #tpu.memory_space<vmem>>, vector<8x1000x128xf32>
    %get3A_3 = arith.constant 0 : index
    %get3A_4 = arith.constant 0 : index
    %get3A_5 = vector.load %arg2[%get3A_3, %get3A_4] : memref<1000x8xf32, #tpu.memory_space<vmem>>, vector<1000x8xf32>
    %get3A_6 = arith.constant 0 : index
    %get3A_7 = arith.constant 0 : index
    %get3A_8 = vector.load %arg3[%get3A_6, %get3A_7] : memref<1000x4xf32, #tpu.memory_space<vmem>>, vector<1000x4xf32>
    %get3A_9 = arith.constant 0 : index
    %get3A_10 = arith.constant 0 : index
    %get3A_11 = vector.load %arg4[%get3A_9, %get3A_10] : memref<1000x1024xf32, #tpu.memory_space<vmem>>, vector<1000x1024xf32>
    %get3A_12 = arith.constant 0 : index
    %get3A_13 = arith.constant 0 : index
    %get3A_14 = vector.load %arg5[%get3A_12, %get3A_13] : memref<1x1024xf32, #tpu.memory_space<vmem>>, vector<1x1024xf32>
    %iota3A = tpu.iota {dimensions = array<i32: 0>} : vector<8x4xi32>
    %iota3A_15 = tpu.iota {dimensions = array<i32: 1>} : vector<8x4xi32>
    %mul3A = arith.constant 2 : i32
    %mul3A_16 = vector.broadcast %mul3A : i32 to vector<8x4xi32>
    %mul3A_17 = arith.muli %mul3A_16, %iota3A_15 : vector<8x4xi32>
    %eq3A = arith.cmpi eq, %iota3A, %mul3A_17 : vector<8x4xi32>
    %convert_element_type3A = arith.extui %eq3A : vector<8x4xi1> to vector<8x4xi32>
    %convert_element_type3A_18 = arith.sitofp %convert_element_type3A : vector<8x4xi32> to vector<8x4xf32>
    %dot_general3A = arith.constant dense<0.000000e+00> : vector<1000x4xf32>
    %dot_general3A_19 = tpu.matmul %get3A_5, %convert_element_type3A_18, %dot_general3A {dimension_numbers = #tpu.dot_dimension_numbers<[1], [0], [0], [1], [0, 0, 1, 1], [], []>, transpose_lhs_hint = false} : vector<1000x8xf32>, vector<8x4xf32>, vector<1000x4xf32> -> vector<1000x4xf32>
    %broadcast_in_dim3A = arith.constant 1.000000e+00 : f32
    %broadcast_in_dim3A_20 = vector.broadcast %broadcast_in_dim3A : f32 to vector<1x128xf32>
    %slice3A = vector.extract_strided_slice %get3A_8 {offsets = [0, 0], sizes = [1000, 1], strides = [1, 1]} : vector<1000x4xf32> to vector<1000x1xf32>
    %slice3A_21 = vector.extract_strided_slice %get3A_2 {offsets = [0, 0, 0], sizes = [1, 1000, 128], strides = [1, 1, 1]} : vector<8x1000x128xf32> to vector<1x1000x128xf32>
    %squeeze3A = vector.shape_cast %slice3A_21 : vector<1x1000x128xf32> to vector<1000x128xf32>
    %dot_general3A_22 = arith.constant dense<0.000000e+00> : vector<1000x128xf32>
    %dot_general3A_23 = tpu.matmul %slice3A, %broadcast_in_dim3A_20, %dot_general3A_22 {dimension_numbers = #tpu.dot_dimension_numbers<[1], [0], [0], [1], [0, 0, 1, 1], [], []>, transpose_lhs_hint = false} : vector<1000x1xf32>, vector<1x128xf32>, vector<1000x128xf32> -> vector<1000x128xf32>
    %slice3A_24 = vector.extract_strided_slice %get3A_11 {offsets = [0, 0], sizes = [1000, 128], strides = [1, 1]} : vector<1000x1024xf32> to vector<1000x128xf32>
    %mul3A_25 = arith.mulf %dot_general3A_23, %slice3A_24 : vector<1000x128xf32>
    %add3A = arith.addf %squeeze3A, %mul3A_25 : vector<1000x128xf32>
    %slice3A_26 = vector.extract_strided_slice %dot_general3A_19 {offsets = [0, 0], sizes = [1000, 1], strides = [1, 1]} : vector<1000x4xf32> to vector<1000x1xf32>
    %add3A_27 = arith.addf %slice3A_26, %slice3A : vector<1000x1xf32>
    %add3A_28 = arith.constant 1.000000e-16 : f32
    %add3A_29 = vector.broadcast %add3A_28 : f32 to vector<1000x1xf32>
    %add3A_30 = arith.addf %add3A_27, %add3A_29 : vector<1000x1xf32>
    %dot_general3A_31 = arith.constant dense<0.000000e+00> : vector<1000x128xf32>
    %dot_general3A_32 = tpu.matmul %add3A_30, %broadcast_in_dim3A_20, %dot_general3A_31 {dimension_numbers = #tpu.dot_dimension_numbers<[1], [0], [0], [1], [0, 0, 1, 1], [], []>, transpose_lhs_hint = false} : vector<1000x1xf32>, vector<1x128xf32>, vector<1000x128xf32> -> vector<1000x128xf32>
    %div3A = arith.divf %add3A, %dot_general3A_32 : vector<1000x128xf32>
    %slice3A_33 = vector.extract_strided_slice %get3A_8 {offsets = [0, 0], sizes = [1000, 1], strides = [1, 1]} : vector<1000x4xf32> to vector<1000x1xf32>
    %slice3A_34 = vector.extract_strided_slice %get3A_2 {offsets = [1, 0, 0], sizes = [1, 1000, 128], strides = [1, 1, 1]} : vector<8x1000x128xf32> to vector<1x1000x128xf32>
    %squeeze3A_35 = vector.shape_cast %slice3A_34 : vector<1x1000x128xf32> to vector<1000x128xf32>
    %dot_general3A_36 = arith.constant dense<0.000000e+00> : vector<1000x128xf32>
    %dot_general3A_37 = tpu.matmul %slice3A_33, %broadcast_in_dim3A_20, %dot_general3A_36 {dimension_numbers = #tpu.dot_dimension_numbers<[1], [0], [0], [1], [0, 0, 1, 1], [], []>, transpose_lhs_hint = false} : vector<1000x1xf32>, vector<1x128xf32>, vector<1000x128xf32> -> vector<1000x128xf32>
    %slice3A_38 = vector.extract_strided_slice %get3A_11 {offsets = [0, 128], sizes = [1000, 128], strides = [1, 1]} : vector<1000x1024xf32> to vector<1000x128xf32>
    %mul3A_39 = arith.mulf %dot_general3A_37, %slice3A_38 : vector<1000x128xf32>
    %add3A_40 = arith.addf %squeeze3A_35, %mul3A_39 : vector<1000x128xf32>
    %slice3A_41 = vector.extract_strided_slice %dot_general3A_19 {offsets = [0, 0], sizes = [1000, 1], strides = [1, 1]} : vector<1000x4xf32> to vector<1000x1xf32>
    %add3A_42 = arith.addf %slice3A_41, %slice3A_33 : vector<1000x1xf32>
    %add3A_43 = arith.constant 1.000000e-16 : f32
    %add3A_44 = vector.broadcast %add3A_43 : f32 to vector<1000x1xf32>
    %add3A_45 = arith.addf %add3A_42, %add3A_44 : vector<1000x1xf32>
    %dot_general3A_46 = arith.constant dense<0.000000e+00> : vector<1000x128xf32>
    %dot_general3A_47 = tpu.matmul %add3A_45, %broadcast_in_dim3A_20, %dot_general3A_46 {dimension_numbers = #tpu.dot_dimension_numbers<[1], [0], [0], [1], [0, 0, 1, 1], [], []>, transpose_lhs_hint = false} : vector<1000x1xf32>, vector<1x128xf32>, vector<1000x128xf32> -> vector<1000x128xf32>
    %div3A_48 = arith.divf %add3A_40, %dot_general3A_47 : vector<1000x128xf32>
    %slice3A_49 = vector.extract_strided_slice %get3A_8 {offsets = [0, 1], sizes = [1000, 1], strides = [1, 1]} : vector<1000x4xf32> to vector<1000x1xf32>
    %slice3A_50 = vector.extract_strided_slice %get3A_2 {offsets = [2, 0, 0], sizes = [1, 1000, 128], strides = [1, 1, 1]} : vector<8x1000x128xf32> to vector<1x1000x128xf32>
    %squeeze3A_51 = vector.shape_cast %slice3A_50 : vector<1x1000x128xf32> to vector<1000x128xf32>
    %dot_general3A_52 = arith.constant dense<0.000000e+00> : vector<1000x128xf32>
    %dot_general3A_53 = tpu.matmul %slice3A_49, %broadcast_in_dim3A_20, %dot_general3A_52 {dimension_numbers = #tpu.dot_dimension_numbers<[1], [0], [0], [1], [0, 0, 1, 1], [], []>, transpose_lhs_hint = false} : vector<1000x1xf32>, vector<1x128xf32>, vector<1000x128xf32> -> vector<1000x128xf32>
    %slice3A_54 = vector.extract_strided_slice %get3A_11 {offsets = [0, 256], sizes = [1000, 128], strides = [1, 1]} : vector<1000x1024xf32> to vector<1000x128xf32>
    %mul3A_55 = arith.mulf %dot_general3A_53, %slice3A_54 : vector<1000x128xf32>
    %add3A_56 = arith.addf %squeeze3A_51, %mul3A_55 : vector<1000x128xf32>
    %slice3A_57 = vector.extract_strided_slice %dot_general3A_19 {offsets = [0, 1], sizes = [1000, 1], strides = [1, 1]} : vector<1000x4xf32> to vector<1000x1xf32>
    %add3A_58 = arith.addf %slice3A_57, %slice3A_49 : vector<1000x1xf32>
    %add3A_59 = arith.constant 1.000000e-16 : f32
    %add3A_60 = vector.broadcast %add3A_59 : f32 to vector<1000x1xf32>
    %add3A_61 = arith.addf %add3A_58, %add3A_60 : vector<1000x1xf32>
    %dot_general3A_62 = arith.constant dense<0.000000e+00> : vector<1000x128xf32>
    %dot_general3A_63 = tpu.matmul %add3A_61, %broadcast_in_dim3A_20, %dot_general3A_62 {dimension_numbers = #tpu.dot_dimension_numbers<[1], [0], [0], [1], [0, 0, 1, 1], [], []>, transpose_lhs_hint = false} : vector<1000x1xf32>, vector<1x128xf32>, vector<1000x128xf32> -> vector<1000x128xf32>
    %div3A_64 = arith.divf %add3A_56, %dot_general3A_63 : vector<1000x128xf32>
    %slice3A_65 = vector.extract_strided_slice %get3A_8 {offsets = [0, 1], sizes = [1000, 1], strides = [1, 1]} : vector<1000x4xf32> to vector<1000x1xf32>
    %slice3A_66 = vector.extract_strided_slice %get3A_2 {offsets = [3, 0, 0], sizes = [1, 1000, 128], strides = [1, 1, 1]} : vector<8x1000x128xf32> to vector<1x1000x128xf32>
    %squeeze3A_67 = vector.shape_cast %slice3A_66 : vector<1x1000x128xf32> to vector<1000x128xf32>
    %dot_general3A_68 = arith.constant dense<0.000000e+00> : vector<1000x128xf32>
    %dot_general3A_69 = tpu.matmul %slice3A_65, %broadcast_in_dim3A_20, %dot_general3A_68 {dimension_numbers = #tpu.dot_dimension_numbers<[1], [0], [0], [1], [0, 0, 1, 1], [], []>, transpose_lhs_hint = false} : vector<1000x1xf32>, vector<1x128xf32>, vector<1000x128xf32> -> vector<1000x128xf32>
    %slice3A_70 = vector.extract_strided_slice %get3A_11 {offsets = [0, 384], sizes = [1000, 128], strides = [1, 1]} : vector<1000x1024xf32> to vector<1000x128xf32>
    %mul3A_71 = arith.mulf %dot_general3A_69, %slice3A_70 : vector<1000x128xf32>
    %add3A_72 = arith.addf %squeeze3A_67, %mul3A_71 : vector<1000x128xf32>
    %slice3A_73 = vector.extract_strided_slice %dot_general3A_19 {offsets = [0, 1], sizes = [1000, 1], strides = [1, 1]} : vector<1000x4xf32> to vector<1000x1xf32>
    %add3A_74 = arith.addf %slice3A_73, %slice3A_65 : vector<1000x1xf32>
    %add3A_75 = arith.constant 1.000000e-16 : f32
    %add3A_76 = vector.broadcast %add3A_75 : f32 to vector<1000x1xf32>
    %add3A_77 = arith.addf %add3A_74, %add3A_76 : vector<1000x1xf32>
    %dot_general3A_78 = arith.constant dense<0.000000e+00> : vector<1000x128xf32>
    %dot_general3A_79 = tpu.matmul %add3A_77, %broadcast_in_dim3A_20, %dot_general3A_78 {dimension_numbers = #tpu.dot_dimension_numbers<[1], [0], [0], [1], [0, 0, 1, 1], [], []>, transpose_lhs_hint = false} : vector<1000x1xf32>, vector<1x128xf32>, vector<1000x128xf32> -> vector<1000x128xf32>
    %div3A_80 = arith.divf %add3A_72, %dot_general3A_79 : vector<1000x128xf32>
    %slice3A_81 = vector.extract_strided_slice %get3A_8 {offsets = [0, 2], sizes = [1000, 1], strides = [1, 1]} : vector<1000x4xf32> to vector<1000x1xf32>
    %slice3A_82 = vector.extract_strided_slice %get3A_2 {offsets = [4, 0, 0], sizes = [1, 1000, 128], strides = [1, 1, 1]} : vector<8x1000x128xf32> to vector<1x1000x128xf32>
    %squeeze3A_83 = vector.shape_cast %slice3A_82 : vector<1x1000x128xf32> to vector<1000x128xf32>
    %dot_general3A_84 = arith.constant dense<0.000000e+00> : vector<1000x128xf32>
    %dot_general3A_85 = tpu.matmul %slice3A_81, %broadcast_in_dim3A_20, %dot_general3A_84 {dimension_numbers = #tpu.dot_dimension_numbers<[1], [0], [0], [1], [0, 0, 1, 1], [], []>, transpose_lhs_hint = false} : vector<1000x1xf32>, vector<1x128xf32>, vector<1000x128xf32> -> vector<1000x128xf32>
    %slice3A_86 = vector.extract_strided_slice %get3A_11 {offsets = [0, 512], sizes = [1000, 128], strides = [1, 1]} : vector<1000x1024xf32> to vector<1000x128xf32>
    %mul3A_87 = arith.mulf %dot_general3A_85, %slice3A_86 : vector<1000x128xf32>
    %add3A_88 = arith.addf %squeeze3A_83, %mul3A_87 : vector<1000x128xf32>
    %slice3A_89 = vector.extract_strided_slice %dot_general3A_19 {offsets = [0, 2], sizes = [1000, 1], strides = [1, 1]} : vector<1000x4xf32> to vector<1000x1xf32>
    %add3A_90 = arith.addf %slice3A_89, %slice3A_81 : vector<1000x1xf32>
    %add3A_91 = arith.constant 1.000000e-16 : f32
    %add3A_92 = vector.broadcast %add3A_91 : f32 to vector<1000x1xf32>
    %add3A_93 = arith.addf %add3A_90, %add3A_92 : vector<1000x1xf32>
    %dot_general3A_94 = arith.constant dense<0.000000e+00> : vector<1000x128xf32>
    %dot_general3A_95 = tpu.matmul %add3A_93, %broadcast_in_dim3A_20, %dot_general3A_94 {dimension_numbers = #tpu.dot_dimension_numbers<[1], [0], [0], [1], [0, 0, 1, 1], [], []>, transpose_lhs_hint = false} : vector<1000x1xf32>, vector<1x128xf32>, vector<1000x128xf32> -> vector<1000x128xf32>
    %div3A_96 = arith.divf %add3A_88, %dot_general3A_95 : vector<1000x128xf32>
    %slice3A_97 = vector.extract_strided_slice %get3A_8 {offsets = [0, 2], sizes = [1000, 1], strides = [1, 1]} : vector<1000x4xf32> to vector<1000x1xf32>
    %slice3A_98 = vector.extract_strided_slice %get3A_2 {offsets = [5, 0, 0], sizes = [1, 1000, 128], strides = [1, 1, 1]} : vector<8x1000x128xf32> to vector<1x1000x128xf32>
    %squeeze3A_99 = vector.shape_cast %slice3A_98 : vector<1x1000x128xf32> to vector<1000x128xf32>
    %dot_general3A_100 = arith.constant dense<0.000000e+00> : vector<1000x128xf32>
    %dot_general3A_101 = tpu.matmul %slice3A_97, %broadcast_in_dim3A_20, %dot_general3A_100 {dimension_numbers = #tpu.dot_dimension_numbers<[1], [0], [0], [1], [0, 0, 1, 1], [], []>, transpose_lhs_hint = false} : vector<1000x1xf32>, vector<1x128xf32>, vector<1000x128xf32> -> vector<1000x128xf32>
    %slice3A_102 = vector.extract_strided_slice %get3A_11 {offsets = [0, 640], sizes = [1000, 128], strides = [1, 1]} : vector<1000x1024xf32> to vector<1000x128xf32>
    %mul3A_103 = arith.mulf %dot_general3A_101, %slice3A_102 : vector<1000x128xf32>
    %add3A_104 = arith.addf %squeeze3A_99, %mul3A_103 : vector<1000x128xf32>
    %slice3A_105 = vector.extract_strided_slice %dot_general3A_19 {offsets = [0, 2], sizes = [1000, 1], strides = [1, 1]} : vector<1000x4xf32> to vector<1000x1xf32>
    %add3A_106 = arith.addf %slice3A_105, %slice3A_97 : vector<1000x1xf32>
    %add3A_107 = arith.constant 1.000000e-16 : f32
    %add3A_108 = vector.broadcast %add3A_107 : f32 to vector<1000x1xf32>
    %add3A_109 = arith.addf %add3A_106, %add3A_108 : vector<1000x1xf32>
    %dot_general3A_110 = arith.constant dense<0.000000e+00> : vector<1000x128xf32>
    %dot_general3A_111 = tpu.matmul %add3A_109, %broadcast_in_dim3A_20, %dot_general3A_110 {dimension_numbers = #tpu.dot_dimension_numbers<[1], [0], [0], [1], [0, 0, 1, 1], [], []>, transpose_lhs_hint = false} : vector<1000x1xf32>, vector<1x128xf32>, vector<1000x128xf32> -> vector<1000x128xf32>
    %div3A_112 = arith.divf %add3A_104, %dot_general3A_111 : vector<1000x128xf32>
    %slice3A_113 = vector.extract_strided_slice %get3A_8 {offsets = [0, 3], sizes = [1000, 1], strides = [1, 1]} : vector<1000x4xf32> to vector<1000x1xf32>
    %slice3A_114 = vector.extract_strided_slice %get3A_2 {offsets = [6, 0, 0], sizes = [1, 1000, 128], strides = [1, 1, 1]} : vector<8x1000x128xf32> to vector<1x1000x128xf32>
    %squeeze3A_115 = vector.shape_cast %slice3A_114 : vector<1x1000x128xf32> to vector<1000x128xf32>
    %dot_general3A_116 = arith.constant dense<0.000000e+00> : vector<1000x128xf32>
    %dot_general3A_117 = tpu.matmul %slice3A_113, %broadcast_in_dim3A_20, %dot_general3A_116 {dimension_numbers = #tpu.dot_dimension_numbers<[1], [0], [0], [1], [0, 0, 1, 1], [], []>, transpose_lhs_hint = false} : vector<1000x1xf32>, vector<1x128xf32>, vector<1000x128xf32> -> vector<1000x128xf32>
    %slice3A_118 = vector.extract_strided_slice %get3A_11 {offsets = [0, 768], sizes = [1000, 128], strides = [1, 1]} : vector<1000x1024xf32> to vector<1000x128xf32>
    %mul3A_119 = arith.mulf %dot_general3A_117, %slice3A_118 : vector<1000x128xf32>
    %add3A_120 = arith.addf %squeeze3A_115, %mul3A_119 : vector<1000x128xf32>
    %slice3A_121 = vector.extract_strided_slice %dot_general3A_19 {offsets = [0, 3], sizes = [1000, 1], strides = [1, 1]} : vector<1000x4xf32> to vector<1000x1xf32>
    %add3A_122 = arith.addf %slice3A_121, %slice3A_113 : vector<1000x1xf32>
    %add3A_123 = arith.constant 1.000000e-16 : f32
    %add3A_124 = vector.broadcast %add3A_123 : f32 to vector<1000x1xf32>
    %add3A_125 = arith.addf %add3A_122, %add3A_124 : vector<1000x1xf32>
    %dot_general3A_126 = arith.constant dense<0.000000e+00> : vector<1000x128xf32>
    %dot_general3A_127 = tpu.matmul %add3A_125, %broadcast_in_dim3A_20, %dot_general3A_126 {dimension_numbers = #tpu.dot_dimension_numbers<[1], [0], [0], [1], [0, 0, 1, 1], [], []>, transpose_lhs_hint = false} : vector<1000x1xf32>, vector<1x128xf32>, vector<1000x128xf32> -> vector<1000x128xf32>
    %div3A_128 = arith.divf %add3A_120, %dot_general3A_127 : vector<1000x128xf32>
    %slice3A_129 = vector.extract_strided_slice %get3A_8 {offsets = [0, 3], sizes = [1000, 1], strides = [1, 1]} : vector<1000x4xf32> to vector<1000x1xf32>
    %slice3A_130 = vector.extract_strided_slice %get3A_2 {offsets = [7, 0, 0], sizes = [1, 1000, 128], strides = [1, 1, 1]} : vector<8x1000x128xf32> to vector<1x1000x128xf32>
    %squeeze3A_131 = vector.shape_cast %slice3A_130 : vector<1x1000x128xf32> to vector<1000x128xf32>
    %dot_general3A_132 = arith.constant dense<0.000000e+00> : vector<1000x128xf32>
    %dot_general3A_133 = tpu.matmul %slice3A_129, %broadcast_in_dim3A_20, %dot_general3A_132 {dimension_numbers = #tpu.dot_dimension_numbers<[1], [0], [0], [1], [0, 0, 1, 1], [], []>, transpose_lhs_hint = false} : vector<1000x1xf32>, vector<1x128xf32>, vector<1000x128xf32> -> vector<1000x128xf32>
    %slice3A_134 = vector.extract_strided_slice %get3A_11 {offsets = [0, 896], sizes = [1000, 128], strides = [1, 1]} : vector<1000x1024xf32> to vector<1000x128xf32>
    %mul3A_135 = arith.mulf %dot_general3A_133, %slice3A_134 : vector<1000x128xf32>
    %add3A_136 = arith.addf %squeeze3A_131, %mul3A_135 : vector<1000x128xf32>
    %slice3A_137 = vector.extract_strided_slice %dot_general3A_19 {offsets = [0, 3], sizes = [1000, 1], strides = [1, 1]} : vector<1000x4xf32> to vector<1000x1xf32>
    %add3A_138 = arith.addf %slice3A_137, %slice3A_129 : vector<1000x1xf32>
    %add3A_139 = arith.constant 1.000000e-16 : f32
    %add3A_140 = vector.broadcast %add3A_139 : f32 to vector<1000x1xf32>
    %add3A_141 = arith.addf %add3A_138, %add3A_140 : vector<1000x1xf32>
    %dot_general3A_142 = arith.constant dense<0.000000e+00> : vector<1000x128xf32>
    %dot_general3A_143 = tpu.matmul %add3A_141, %broadcast_in_dim3A_20, %dot_general3A_142 {dimension_numbers = #tpu.dot_dimension_numbers<[1], [0], [0], [1], [0, 0, 1, 1], [], []>, transpose_lhs_hint = false} : vector<1000x1xf32>, vector<1x128xf32>, vector<1000x128xf32> -> vector<1000x128xf32>
    %div3A_144 = arith.divf %add3A_136, %dot_general3A_143 : vector<1000x128xf32>
    %concatenate3A = tpu.concatenate %div3A, %div3A_48, %div3A_64, %div3A_80, %div3A_96, %div3A_112, %div3A_128, %div3A_144 in 1 : vector<1000x128xf32>, vector<1000x128xf32>, vector<1000x128xf32>, vector<1000x128xf32>, vector<1000x128xf32>, vector<1000x128xf32>, vector<1000x128xf32>, vector<1000x128xf32> -> vector<1000x1024xf32>
    %add3A_145 = vector.broadcast %get3A_14 : vector<1x1024xf32> to vector<1000x1024xf32>
    %add3A_146 = arith.addf %concatenate3A, %add3A_145 : vector<1000x1024xf32>
    %max3A = arith.constant 0.000000e+00 : f32
    %max3A_147 = vector.broadcast %max3A : f32 to vector<1000x1024xf32>
    %max3A_148 = arith.maximumf %add3A_146, %max3A_147 : vector<1000x1024xf32>
    %get3A_149 = arith.constant 0 : index
    %get3A_150 = arith.constant 0 : index
    %get3A_151 = vector.load %arg6[%get3A_149, %get3A_150] : memref<1024x1024xf32, #tpu.memory_space<vmem>>, vector<1024x1024xf32>
    %dot_general3A_152 = arith.constant dense<0.000000e+00> : vector<1000x1024xf32>
    %dot_general3A_153 = tpu.matmul %max3A_148, %get3A_151, %dot_general3A_152 {dimension_numbers = #tpu.dot_dimension_numbers<[1], [0], [0], [1], [0, 0, 1, 1], [], []>, transpose_lhs_hint = false} : vector<1000x1024xf32>, vector<1024x1024xf32>, vector<1000x1024xf32> -> vector<1000x1024xf32>
    %swap3A = arith.constant 0 : index
    %swap3A_154 = arith.constant 0 : index
    %swap3A_155 = vector.load %arg8[%swap3A, %swap3A_154] : memref<1000x1024xf32, #tpu.memory_space<vmem>>, vector<1000x1024xf32>
    tpu.vector_store %arg8[%swap3A, %swap3A_154], %dot_general3A_153 {strides = array<i32>} : memref<1000x1024xf32, #tpu.memory_space<vmem>>, vector<1000x1024xf32>,
    %get3A_156 = arith.constant 0 : index
    %get3A_157 = arith.constant 0 : index
    %get3A_158 = vector.load %arg7[%get3A_156, %get3A_157] : memref<1024x8xf32, #tpu.memory_space<vmem>>, vector<1024x8xf32>
    %dot_general3A_159 = arith.constant dense<0.000000e+00> : vector<1000x8xf32>
    %dot_general3A_160 = tpu.matmul %dot_general3A_153, %get3A_158, %dot_general3A_159 {dimension_numbers = #tpu.dot_dimension_numbers<[1], [0], [0], [1], [0, 0, 1, 1], [], []>, transpose_lhs_hint = false} : vector<1000x1024xf32>, vector<1024x8xf32>, vector<1000x8xf32> -> vector<1000x8xf32>
    %slice3A_161 = vector.extract_strided_slice %dot_general3A_160 {offsets = [0, 0], sizes = [1000, 4], strides = [1, 1]} : vector<1000x8xf32> to vector<1000x4xf32>
    %swap3A_162 = arith.constant 0 : index
    %swap3A_163 = arith.constant 0 : index
    %swap3A_164 = vector.load %arg9[%swap3A_162, %swap3A_163] : memref<1000x4xf32, #tpu.memory_space<vmem>>, vector<1000x4xf32>
    tpu.vector_store %arg9[%swap3A_162, %swap3A_163], %slice3A_161 {strides = array<i32>} : memref<1000x4xf32, #tpu.memory_space<vmem>>, vector<1000x4xf32>,
    %slice3A_165 = vector.extract_strided_slice %dot_general3A_160 {offsets = [0, 4], sizes = [1000, 4], strides = [1, 1]} : vector<1000x8xf32> to vector<1000x4xf32>
    %swap3A_166 = arith.constant 0 : index
    %swap3A_167 = arith.constant 0 : index
    %swap3A_168 = vector.load %arg10[%swap3A_166, %swap3A_167] : memref<1000x4xf32, #tpu.memory_space<vmem>>, vector<1000x4xf32>
    tpu.vector_store %arg10[%swap3A_166, %swap3A_167], %slice3A_165 {strides = array<i32>} : memref<1000x4xf32, #tpu.memory_space<vmem>>, vector<1000x4xf32>,
    %slice3A_169 = vector.extract_strided_slice %dot_general3A_160 {offsets = [0, 0], sizes = [1000, 4], strides = [1, 1]} : vector<1000x8xf32> to vector<1000x4xf32>
    %slice3A_170 = vector.extract_strided_slice %dot_general3A_160 {offsets = [0, 4], sizes = [1000, 4], strides = [1, 1]} : vector<1000x8xf32> to vector<1000x4xf32>
    %add3A_171 = arith.addf %slice3A_169, %slice3A_170 : vector<1000x4xf32>
    %mul3A_172 = arith.constant 2.000000e-01 : f32
    %mul3A_173 = vector.broadcast %mul3A_172 : f32 to vector<1000x4xf32>
    %mul3A_174 = arith.mulf %mul3A_173, %add3A_171 : vector<1000x4xf32>
    %max3A_175 = arith.maximumf %add3A_171, %mul3A_174 : vector<1000x4xf32>
    %exp3A = math.exp %max3A_175 : vector<1000x4xf32>
    %swap3A_176 = arith.constant 0 : index
    %swap3A_177 = arith.constant 0 : index
    %swap3A_178 = vector.load %arg11[%swap3A_176, %swap3A_177] : memref<1000x4xf32, #tpu.memory_space<vmem>>, vector<1000x4xf32>
    tpu.vector_store %arg11[%swap3A_176, %swap3A_177], %exp3A {strides = array<i32>} : memref<1000x4xf32, #tpu.memory_space<vmem>>, vector<1000x4xf32>,
    return
  }
  func.func @transform_0(%arg0: i32) -> (i32, i32, i32) {
    %c0_i32 = arith.constant 0 : i32
    %c0_i32_0 = arith.constant 0 : i32
    %c0_i32_1 = arith.constant 0 : i32
    return %c0_i32, %arg0, %c0_i32_0 : i32, i32, i32
  }
  func.func @transform_1(%arg0: i32) -> (i32, i32) {
    %c0_i32 = arith.constant 0 : i32
    %c0_i32_0 = arith.constant 0 : i32
    return %arg0, %c0_i32 : i32, i32
  }
  func.func @transform_2(%arg0: i32) -> (i32, i32) {
    %c0_i32 = arith.constant 0 : i32
    %c0_i32_0 = arith.constant 0 : i32
    return %arg0, %c0_i32 : i32, i32
  }
  func.func @transform_3(%arg0: i32) -> (i32, i32) {
    %c0_i32 = arith.constant 0 : i32
    %c0_i32_0 = arith.constant 0 : i32
    return %arg0, %c0_i32 : i32, i32
  }
  func.func @transform_4(%arg0: i32) -> (i32, i32) {
    %c0_i32 = arith.constant 0 : i32
    %c0_i32_0 = arith.constant 0 : i32
    %c0_i32_1 = arith.constant 0 : i32
    return %c0_i32, %c0_i32_0 : i32, i32
  }
  func.func @transform_5(%arg0: i32) -> (i32, i32) {
    %c0_i32 = arith.constant 0 : i32
    %c0_i32_0 = arith.constant 0 : i32
    %c0_i32_1 = arith.constant 0 : i32
    return %c0_i32, %c0_i32_0 : i32, i32
  }
  func.func @transform_6(%arg0: i32) -> (i32, i32) {
    %c0_i32 = arith.constant 0 : i32
    %c0_i32_0 = arith.constant 0 : i32
    %c0_i32_1 = arith.constant 0 : i32
    return %c0_i32, %c0_i32_0 : i32, i32
  }
  func.func @transform_7(%arg0: i32) -> (i32, i32) {
    %c0_i32 = arith.constant 0 : i32
    %c0_i32_0 = arith.constant 0 : i32
    return %arg0, %c0_i32 : i32, i32
  }
  func.func @transform_8(%arg0: i32) -> (i32, i32) {
    %c0_i32 = arith.constant 0 : i32
    %c0_i32_0 = arith.constant 0 : i32
    return %arg0, %c0_i32 : i32, i32
  }
  func.func @transform_9(%arg0: i32) -> (i32, i32) {
    %c0_i32 = arith.constant 0 : i32
    %c0_i32_0 = arith.constant 0 : i32
    return %arg0, %c0_i32 : i32, i32
  }
  func.func @transform_10(%arg0: i32) -> (i32, i32) {
    %c0_i32 = arith.constant 0 : i32
    %c0_i32_0 = arith.constant 0 : i32
    return %arg0, %c0_i32 : i32, i32
  }
}

module attributes {stable_mosaic.version = 14 : i64} {
  func.func @_tc_d_body(%arg0: i32, %arg1: memref<8x1000x128xf32, #tpu.memory_space<vmem>>, %arg2: memref<1000x8xf32, #tpu.memory_space<vmem>>, %arg3: memref<1000x4xf32, #tpu.memory_space<vmem>>, %arg4: memref<1000x1024xf32, #tpu.memory_space<vmem>>, %arg5: memref<1x1024xf32, #tpu.memory_space<vmem>>, %arg6: memref<1x1x1000xi32, #tpu.memory_space<vmem>>, %arg7: memref<1024x256xf32, #tpu.memory_space<vmem>>, %arg8: memref<1x256xf32, #tpu.memory_space<vmem>>, %arg9: memref<256x10xf32, #tpu.memory_space<vmem>>, %arg10: memref<1x10xf32, #tpu.memory_space<vmem>>, %arg11: memref<64x10xf32, #tpu.memory_space<vmem>>, %arg12: memref<64x1024xf32, #tpu.memory_space<vmem>>, %arg13: memref<64x128xf32, #tpu.memory_space<vmem>>) attributes {dimension_semantics = [#tpu.dimension_semantics<arbitrary>], iteration_bounds = array<i64: 10>, scalar_prefetch = 0 : i64, scratch_operands = 2 : i64, tpu.core_type = #tpu.core_type<tc>, window_params = [{transform_indices = @transform_0, window_bounds = array<i64: 8, 1000, 128>}, {transform_indices = @transform_1, window_bounds = array<i64: 1000, 8>}, {transform_indices = @transform_2, window_bounds = array<i64: 1000, 4>}, {transform_indices = @transform_3, window_bounds = array<i64: 1000, 1024>}, {pipeline_mode = #tpu.pipeline_mode<synchronous>, transform_indices = @transform_4, window_bounds = array<i64: 1, 1024>}, {transform_indices = @transform_5, window_bounds = array<i64: 1, 1, 1000>}, {pipeline_mode = #tpu.pipeline_mode<synchronous>, transform_indices = @transform_6, window_bounds = array<i64: 1024, 256>}, {pipeline_mode = #tpu.pipeline_mode<synchronous>, transform_indices = @transform_7, window_bounds = array<i64: 1, 256>}, {pipeline_mode = #tpu.pipeline_mode<synchronous>, transform_indices = @transform_8, window_bounds = array<i64: 256, 10>}, {pipeline_mode = #tpu.pipeline_mode<synchronous>, transform_indices = @transform_9, window_bounds = array<i64: 1, 10>}, {pipeline_mode = #tpu.pipeline_mode<synchronous>, transform_indices = @transform_10, window_bounds = array<i64: 64, 10>}]} {
    %get3A = arith.constant 0 : index
    %get3A_0 = arith.constant 0 : index
    %get3A_1 = arith.constant 0 : index
    %get3A_2 = vector.load %arg1[%get3A, %get3A_0, %get3A_1] : memref<8x1000x128xf32, #tpu.memory_space<vmem>>, vector<8x1000x128xf32>
    %get3A_3 = arith.constant 0 : index
    %get3A_4 = arith.constant 0 : index
    %get3A_5 = vector.load %arg2[%get3A_3, %get3A_4] : memref<1000x8xf32, #tpu.memory_space<vmem>>, vector<1000x8xf32>
    %get3A_6 = arith.constant 0 : index
    %get3A_7 = arith.constant 0 : index
    %get3A_8 = vector.load %arg3[%get3A_6, %get3A_7] : memref<1000x4xf32, #tpu.memory_space<vmem>>, vector<1000x4xf32>
    %get3A_9 = arith.constant 0 : index
    %get3A_10 = arith.constant 0 : index
    %get3A_11 = vector.load %arg4[%get3A_9, %get3A_10] : memref<1000x1024xf32, #tpu.memory_space<vmem>>, vector<1000x1024xf32>
    %get3A_12 = arith.constant 0 : index
    %get3A_13 = arith.constant 0 : index
    %get3A_14 = vector.load %arg5[%get3A_12, %get3A_13] : memref<1x1024xf32, #tpu.memory_space<vmem>>, vector<1x1024xf32>
    %iota3A = tpu.iota {dimensions = array<i32: 0>} : vector<8x4xi32>
    %iota3A_15 = tpu.iota {dimensions = array<i32: 1>} : vector<8x4xi32>
    %mul3A = arith.constant 2 : i32
    %mul3A_16 = vector.broadcast %mul3A : i32 to vector<8x4xi32>
    %mul3A_17 = arith.muli %mul3A_16, %iota3A_15 : vector<8x4xi32>
    %eq3A = arith.cmpi eq, %iota3A, %mul3A_17 : vector<8x4xi32>
    %convert_element_type3A = arith.extui %eq3A : vector<8x4xi1> to vector<8x4xi32>
    %convert_element_type3A_18 = arith.sitofp %convert_element_type3A : vector<8x4xi32> to vector<8x4xf32>
    %dot_general3A = arith.constant dense<0.000000e+00> : vector<1000x4xf32>
    %dot_general3A_19 = tpu.matmul %get3A_5, %convert_element_type3A_18, %dot_general3A {dimension_numbers = #tpu.dot_dimension_numbers<[1], [0], [0], [1], [0, 0, 1, 1], [], []>, transpose_lhs_hint = false} : vector<1000x8xf32>, vector<8x4xf32>, vector<1000x4xf32> -> vector<1000x4xf32>
    %broadcast_in_dim3A = arith.constant 1.000000e+00 : f32
    %broadcast_in_dim3A_20 = vector.broadcast %broadcast_in_dim3A : f32 to vector<1x128xf32>
    %slice3A = vector.extract_strided_slice %get3A_8 {offsets = [0, 0], sizes = [1000, 1], strides = [1, 1]} : vector<1000x4xf32> to vector<1000x1xf32>
    %slice3A_21 = vector.extract_strided_slice %get3A_2 {offsets = [0, 0, 0], sizes = [1, 1000, 128], strides = [1, 1, 1]} : vector<8x1000x128xf32> to vector<1x1000x128xf32>
    %squeeze3A = vector.shape_cast %slice3A_21 : vector<1x1000x128xf32> to vector<1000x128xf32>
    %dot_general3A_22 = arith.constant dense<0.000000e+00> : vector<1000x128xf32>
    %dot_general3A_23 = tpu.matmul %slice3A, %broadcast_in_dim3A_20, %dot_general3A_22 {dimension_numbers = #tpu.dot_dimension_numbers<[1], [0], [0], [1], [0, 0, 1, 1], [], []>, transpose_lhs_hint = false} : vector<1000x1xf32>, vector<1x128xf32>, vector<1000x128xf32> -> vector<1000x128xf32>
    %slice3A_24 = vector.extract_strided_slice %get3A_11 {offsets = [0, 0], sizes = [1000, 128], strides = [1, 1]} : vector<1000x1024xf32> to vector<1000x128xf32>
    %mul3A_25 = arith.mulf %dot_general3A_23, %slice3A_24 : vector<1000x128xf32>
    %add3A = arith.addf %squeeze3A, %mul3A_25 : vector<1000x128xf32>
    %slice3A_26 = vector.extract_strided_slice %dot_general3A_19 {offsets = [0, 0], sizes = [1000, 1], strides = [1, 1]} : vector<1000x4xf32> to vector<1000x1xf32>
    %add3A_27 = arith.addf %slice3A_26, %slice3A : vector<1000x1xf32>
    %add3A_28 = arith.constant 1.000000e-16 : f32
    %add3A_29 = vector.broadcast %add3A_28 : f32 to vector<1000x1xf32>
    %add3A_30 = arith.addf %add3A_27, %add3A_29 : vector<1000x1xf32>
    %dot_general3A_31 = arith.constant dense<0.000000e+00> : vector<1000x128xf32>
    %dot_general3A_32 = tpu.matmul %add3A_30, %broadcast_in_dim3A_20, %dot_general3A_31 {dimension_numbers = #tpu.dot_dimension_numbers<[1], [0], [0], [1], [0, 0, 1, 1], [], []>, transpose_lhs_hint = false} : vector<1000x1xf32>, vector<1x128xf32>, vector<1000x128xf32> -> vector<1000x128xf32>
    %div3A = arith.divf %add3A, %dot_general3A_32 : vector<1000x128xf32>
    %slice3A_33 = vector.extract_strided_slice %get3A_8 {offsets = [0, 0], sizes = [1000, 1], strides = [1, 1]} : vector<1000x4xf32> to vector<1000x1xf32>
    %slice3A_34 = vector.extract_strided_slice %get3A_2 {offsets = [1, 0, 0], sizes = [1, 1000, 128], strides = [1, 1, 1]} : vector<8x1000x128xf32> to vector<1x1000x128xf32>
    %squeeze3A_35 = vector.shape_cast %slice3A_34 : vector<1x1000x128xf32> to vector<1000x128xf32>
    %dot_general3A_36 = arith.constant dense<0.000000e+00> : vector<1000x128xf32>
    %dot_general3A_37 = tpu.matmul %slice3A_33, %broadcast_in_dim3A_20, %dot_general3A_36 {dimension_numbers = #tpu.dot_dimension_numbers<[1], [0], [0], [1], [0, 0, 1, 1], [], []>, transpose_lhs_hint = false} : vector<1000x1xf32>, vector<1x128xf32>, vector<1000x128xf32> -> vector<1000x128xf32>
    %slice3A_38 = vector.extract_strided_slice %get3A_11 {offsets = [0, 128], sizes = [1000, 128], strides = [1, 1]} : vector<1000x1024xf32> to vector<1000x128xf32>
    %mul3A_39 = arith.mulf %dot_general3A_37, %slice3A_38 : vector<1000x128xf32>
    %add3A_40 = arith.addf %squeeze3A_35, %mul3A_39 : vector<1000x128xf32>
    %slice3A_41 = vector.extract_strided_slice %dot_general3A_19 {offsets = [0, 0], sizes = [1000, 1], strides = [1, 1]} : vector<1000x4xf32> to vector<1000x1xf32>
    %add3A_42 = arith.addf %slice3A_41, %slice3A_33 : vector<1000x1xf32>
    %add3A_43 = arith.constant 1.000000e-16 : f32
    %add3A_44 = vector.broadcast %add3A_43 : f32 to vector<1000x1xf32>
    %add3A_45 = arith.addf %add3A_42, %add3A_44 : vector<1000x1xf32>
    %dot_general3A_46 = arith.constant dense<0.000000e+00> : vector<1000x128xf32>
    %dot_general3A_47 = tpu.matmul %add3A_45, %broadcast_in_dim3A_20, %dot_general3A_46 {dimension_numbers = #tpu.dot_dimension_numbers<[1], [0], [0], [1], [0, 0, 1, 1], [], []>, transpose_lhs_hint = false} : vector<1000x1xf32>, vector<1x128xf32>, vector<1000x128xf32> -> vector<1000x128xf32>
    %div3A_48 = arith.divf %add3A_40, %dot_general3A_47 : vector<1000x128xf32>
    %slice3A_49 = vector.extract_strided_slice %get3A_8 {offsets = [0, 1], sizes = [1000, 1], strides = [1, 1]} : vector<1000x4xf32> to vector<1000x1xf32>
    %slice3A_50 = vector.extract_strided_slice %get3A_2 {offsets = [2, 0, 0], sizes = [1, 1000, 128], strides = [1, 1, 1]} : vector<8x1000x128xf32> to vector<1x1000x128xf32>
    %squeeze3A_51 = vector.shape_cast %slice3A_50 : vector<1x1000x128xf32> to vector<1000x128xf32>
    %dot_general3A_52 = arith.constant dense<0.000000e+00> : vector<1000x128xf32>
    %dot_general3A_53 = tpu.matmul %slice3A_49, %broadcast_in_dim3A_20, %dot_general3A_52 {dimension_numbers = #tpu.dot_dimension_numbers<[1], [0], [0], [1], [0, 0, 1, 1], [], []>, transpose_lhs_hint = false} : vector<1000x1xf32>, vector<1x128xf32>, vector<1000x128xf32> -> vector<1000x128xf32>
    %slice3A_54 = vector.extract_strided_slice %get3A_11 {offsets = [0, 256], sizes = [1000, 128], strides = [1, 1]} : vector<1000x1024xf32> to vector<1000x128xf32>
    %mul3A_55 = arith.mulf %dot_general3A_53, %slice3A_54 : vector<1000x128xf32>
    %add3A_56 = arith.addf %squeeze3A_51, %mul3A_55 : vector<1000x128xf32>
    %slice3A_57 = vector.extract_strided_slice %dot_general3A_19 {offsets = [0, 1], sizes = [1000, 1], strides = [1, 1]} : vector<1000x4xf32> to vector<1000x1xf32>
    %add3A_58 = arith.addf %slice3A_57, %slice3A_49 : vector<1000x1xf32>
    %add3A_59 = arith.constant 1.000000e-16 : f32
    %add3A_60 = vector.broadcast %add3A_59 : f32 to vector<1000x1xf32>
    %add3A_61 = arith.addf %add3A_58, %add3A_60 : vector<1000x1xf32>
    %dot_general3A_62 = arith.constant dense<0.000000e+00> : vector<1000x128xf32>
    %dot_general3A_63 = tpu.matmul %add3A_61, %broadcast_in_dim3A_20, %dot_general3A_62 {dimension_numbers = #tpu.dot_dimension_numbers<[1], [0], [0], [1], [0, 0, 1, 1], [], []>, transpose_lhs_hint = false} : vector<1000x1xf32>, vector<1x128xf32>, vector<1000x128xf32> -> vector<1000x128xf32>
    %div3A_64 = arith.divf %add3A_56, %dot_general3A_63 : vector<1000x128xf32>
    %slice3A_65 = vector.extract_strided_slice %get3A_8 {offsets = [0, 1], sizes = [1000, 1], strides = [1, 1]} : vector<1000x4xf32> to vector<1000x1xf32>
    %slice3A_66 = vector.extract_strided_slice %get3A_2 {offsets = [3, 0, 0], sizes = [1, 1000, 128], strides = [1, 1, 1]} : vector<8x1000x128xf32> to vector<1x1000x128xf32>
    %squeeze3A_67 = vector.shape_cast %slice3A_66 : vector<1x1000x128xf32> to vector<1000x128xf32>
    %dot_general3A_68 = arith.constant dense<0.000000e+00> : vector<1000x128xf32>
    %dot_general3A_69 = tpu.matmul %slice3A_65, %broadcast_in_dim3A_20, %dot_general3A_68 {dimension_numbers = #tpu.dot_dimension_numbers<[1], [0], [0], [1], [0, 0, 1, 1], [], []>, transpose_lhs_hint = false} : vector<1000x1xf32>, vector<1x128xf32>, vector<1000x128xf32> -> vector<1000x128xf32>
    %slice3A_70 = vector.extract_strided_slice %get3A_11 {offsets = [0, 384], sizes = [1000, 128], strides = [1, 1]} : vector<1000x1024xf32> to vector<1000x128xf32>
    %mul3A_71 = arith.mulf %dot_general3A_69, %slice3A_70 : vector<1000x128xf32>
    %add3A_72 = arith.addf %squeeze3A_67, %mul3A_71 : vector<1000x128xf32>
    %slice3A_73 = vector.extract_strided_slice %dot_general3A_19 {offsets = [0, 1], sizes = [1000, 1], strides = [1, 1]} : vector<1000x4xf32> to vector<1000x1xf32>
    %add3A_74 = arith.addf %slice3A_73, %slice3A_65 : vector<1000x1xf32>
    %add3A_75 = arith.constant 1.000000e-16 : f32
    %add3A_76 = vector.broadcast %add3A_75 : f32 to vector<1000x1xf32>
    %add3A_77 = arith.addf %add3A_74, %add3A_76 : vector<1000x1xf32>
    %dot_general3A_78 = arith.constant dense<0.000000e+00> : vector<1000x128xf32>
    %dot_general3A_79 = tpu.matmul %add3A_77, %broadcast_in_dim3A_20, %dot_general3A_78 {dimension_numbers = #tpu.dot_dimension_numbers<[1], [0], [0], [1], [0, 0, 1, 1], [], []>, transpose_lhs_hint = false} : vector<1000x1xf32>, vector<1x128xf32>, vector<1000x128xf32> -> vector<1000x128xf32>
    %div3A_80 = arith.divf %add3A_72, %dot_general3A_79 : vector<1000x128xf32>
    %slice3A_81 = vector.extract_strided_slice %get3A_8 {offsets = [0, 2], sizes = [1000, 1], strides = [1, 1]} : vector<1000x4xf32> to vector<1000x1xf32>
    %slice3A_82 = vector.extract_strided_slice %get3A_2 {offsets = [4, 0, 0], sizes = [1, 1000, 128], strides = [1, 1, 1]} : vector<8x1000x128xf32> to vector<1x1000x128xf32>
    %squeeze3A_83 = vector.shape_cast %slice3A_82 : vector<1x1000x128xf32> to vector<1000x128xf32>
    %dot_general3A_84 = arith.constant dense<0.000000e+00> : vector<1000x128xf32>
    %dot_general3A_85 = tpu.matmul %slice3A_81, %broadcast_in_dim3A_20, %dot_general3A_84 {dimension_numbers = #tpu.dot_dimension_numbers<[1], [0], [0], [1], [0, 0, 1, 1], [], []>, transpose_lhs_hint = false} : vector<1000x1xf32>, vector<1x128xf32>, vector<1000x128xf32> -> vector<1000x128xf32>
    %slice3A_86 = vector.extract_strided_slice %get3A_11 {offsets = [0, 512], sizes = [1000, 128], strides = [1, 1]} : vector<1000x1024xf32> to vector<1000x128xf32>
    %mul3A_87 = arith.mulf %dot_general3A_85, %slice3A_86 : vector<1000x128xf32>
    %add3A_88 = arith.addf %squeeze3A_83, %mul3A_87 : vector<1000x128xf32>
    %slice3A_89 = vector.extract_strided_slice %dot_general3A_19 {offsets = [0, 2], sizes = [1000, 1], strides = [1, 1]} : vector<1000x4xf32> to vector<1000x1xf32>
    %add3A_90 = arith.addf %slice3A_89, %slice3A_81 : vector<1000x1xf32>
    %add3A_91 = arith.constant 1.000000e-16 : f32
    %add3A_92 = vector.broadcast %add3A_91 : f32 to vector<1000x1xf32>
    %add3A_93 = arith.addf %add3A_90, %add3A_92 : vector<1000x1xf32>
    %dot_general3A_94 = arith.constant dense<0.000000e+00> : vector<1000x128xf32>
    %dot_general3A_95 = tpu.matmul %add3A_93, %broadcast_in_dim3A_20, %dot_general3A_94 {dimension_numbers = #tpu.dot_dimension_numbers<[1], [0], [0], [1], [0, 0, 1, 1], [], []>, transpose_lhs_hint = false} : vector<1000x1xf32>, vector<1x128xf32>, vector<1000x128xf32> -> vector<1000x128xf32>
    %div3A_96 = arith.divf %add3A_88, %dot_general3A_95 : vector<1000x128xf32>
    %slice3A_97 = vector.extract_strided_slice %get3A_8 {offsets = [0, 2], sizes = [1000, 1], strides = [1, 1]} : vector<1000x4xf32> to vector<1000x1xf32>
    %slice3A_98 = vector.extract_strided_slice %get3A_2 {offsets = [5, 0, 0], sizes = [1, 1000, 128], strides = [1, 1, 1]} : vector<8x1000x128xf32> to vector<1x1000x128xf32>
    %squeeze3A_99 = vector.shape_cast %slice3A_98 : vector<1x1000x128xf32> to vector<1000x128xf32>
    %dot_general3A_100 = arith.constant dense<0.000000e+00> : vector<1000x128xf32>
    %dot_general3A_101 = tpu.matmul %slice3A_97, %broadcast_in_dim3A_20, %dot_general3A_100 {dimension_numbers = #tpu.dot_dimension_numbers<[1], [0], [0], [1], [0, 0, 1, 1], [], []>, transpose_lhs_hint = false} : vector<1000x1xf32>, vector<1x128xf32>, vector<1000x128xf32> -> vector<1000x128xf32>
    %slice3A_102 = vector.extract_strided_slice %get3A_11 {offsets = [0, 640], sizes = [1000, 128], strides = [1, 1]} : vector<1000x1024xf32> to vector<1000x128xf32>
    %mul3A_103 = arith.mulf %dot_general3A_101, %slice3A_102 : vector<1000x128xf32>
    %add3A_104 = arith.addf %squeeze3A_99, %mul3A_103 : vector<1000x128xf32>
    %slice3A_105 = vector.extract_strided_slice %dot_general3A_19 {offsets = [0, 2], sizes = [1000, 1], strides = [1, 1]} : vector<1000x4xf32> to vector<1000x1xf32>
    %add3A_106 = arith.addf %slice3A_105, %slice3A_97 : vector<1000x1xf32>
    %add3A_107 = arith.constant 1.000000e-16 : f32
    %add3A_108 = vector.broadcast %add3A_107 : f32 to vector<1000x1xf32>
    %add3A_109 = arith.addf %add3A_106, %add3A_108 : vector<1000x1xf32>
    %dot_general3A_110 = arith.constant dense<0.000000e+00> : vector<1000x128xf32>
    %dot_general3A_111 = tpu.matmul %add3A_109, %broadcast_in_dim3A_20, %dot_general3A_110 {dimension_numbers = #tpu.dot_dimension_numbers<[1], [0], [0], [1], [0, 0, 1, 1], [], []>, transpose_lhs_hint = false} : vector<1000x1xf32>, vector<1x128xf32>, vector<1000x128xf32> -> vector<1000x128xf32>
    %div3A_112 = arith.divf %add3A_104, %dot_general3A_111 : vector<1000x128xf32>
    %slice3A_113 = vector.extract_strided_slice %get3A_8 {offsets = [0, 3], sizes = [1000, 1], strides = [1, 1]} : vector<1000x4xf32> to vector<1000x1xf32>
    %slice3A_114 = vector.extract_strided_slice %get3A_2 {offsets = [6, 0, 0], sizes = [1, 1000, 128], strides = [1, 1, 1]} : vector<8x1000x128xf32> to vector<1x1000x128xf32>
    %squeeze3A_115 = vector.shape_cast %slice3A_114 : vector<1x1000x128xf32> to vector<1000x128xf32>
    %dot_general3A_116 = arith.constant dense<0.000000e+00> : vector<1000x128xf32>
    %dot_general3A_117 = tpu.matmul %slice3A_113, %broadcast_in_dim3A_20, %dot_general3A_116 {dimension_numbers = #tpu.dot_dimension_numbers<[1], [0], [0], [1], [0, 0, 1, 1], [], []>, transpose_lhs_hint = false} : vector<1000x1xf32>, vector<1x128xf32>, vector<1000x128xf32> -> vector<1000x128xf32>
    %slice3A_118 = vector.extract_strided_slice %get3A_11 {offsets = [0, 768], sizes = [1000, 128], strides = [1, 1]} : vector<1000x1024xf32> to vector<1000x128xf32>
    %mul3A_119 = arith.mulf %dot_general3A_117, %slice3A_118 : vector<1000x128xf32>
    %add3A_120 = arith.addf %squeeze3A_115, %mul3A_119 : vector<1000x128xf32>
    %slice3A_121 = vector.extract_strided_slice %dot_general3A_19 {offsets = [0, 3], sizes = [1000, 1], strides = [1, 1]} : vector<1000x4xf32> to vector<1000x1xf32>
    %add3A_122 = arith.addf %slice3A_121, %slice3A_113 : vector<1000x1xf32>
    %add3A_123 = arith.constant 1.000000e-16 : f32
    %add3A_124 = vector.broadcast %add3A_123 : f32 to vector<1000x1xf32>
    %add3A_125 = arith.addf %add3A_122, %add3A_124 : vector<1000x1xf32>
    %dot_general3A_126 = arith.constant dense<0.000000e+00> : vector<1000x128xf32>
    %dot_general3A_127 = tpu.matmul %add3A_125, %broadcast_in_dim3A_20, %dot_general3A_126 {dimension_numbers = #tpu.dot_dimension_numbers<[1], [0], [0], [1], [0, 0, 1, 1], [], []>, transpose_lhs_hint = false} : vector<1000x1xf32>, vector<1x128xf32>, vector<1000x128xf32> -> vector<1000x128xf32>
    %div3A_128 = arith.divf %add3A_120, %dot_general3A_127 : vector<1000x128xf32>
    %slice3A_129 = vector.extract_strided_slice %get3A_8 {offsets = [0, 3], sizes = [1000, 1], strides = [1, 1]} : vector<1000x4xf32> to vector<1000x1xf32>
    %slice3A_130 = vector.extract_strided_slice %get3A_2 {offsets = [7, 0, 0], sizes = [1, 1000, 128], strides = [1, 1, 1]} : vector<8x1000x128xf32> to vector<1x1000x128xf32>
    %squeeze3A_131 = vector.shape_cast %slice3A_130 : vector<1x1000x128xf32> to vector<1000x128xf32>
    %dot_general3A_132 = arith.constant dense<0.000000e+00> : vector<1000x128xf32>
    %dot_general3A_133 = tpu.matmul %slice3A_129, %broadcast_in_dim3A_20, %dot_general3A_132 {dimension_numbers = #tpu.dot_dimension_numbers<[1], [0], [0], [1], [0, 0, 1, 1], [], []>, transpose_lhs_hint = false} : vector<1000x1xf32>, vector<1x128xf32>, vector<1000x128xf32> -> vector<1000x128xf32>
    %slice3A_134 = vector.extract_strided_slice %get3A_11 {offsets = [0, 896], sizes = [1000, 128], strides = [1, 1]} : vector<1000x1024xf32> to vector<1000x128xf32>
    %mul3A_135 = arith.mulf %dot_general3A_133, %slice3A_134 : vector<1000x128xf32>
    %add3A_136 = arith.addf %squeeze3A_131, %mul3A_135 : vector<1000x128xf32>
    %slice3A_137 = vector.extract_strided_slice %dot_general3A_19 {offsets = [0, 3], sizes = [1000, 1], strides = [1, 1]} : vector<1000x4xf32> to vector<1000x1xf32>
    %add3A_138 = arith.addf %slice3A_137, %slice3A_129 : vector<1000x1xf32>
    %add3A_139 = arith.constant 1.000000e-16 : f32
    %add3A_140 = vector.broadcast %add3A_139 : f32 to vector<1000x1xf32>
    %add3A_141 = arith.addf %add3A_138, %add3A_140 : vector<1000x1xf32>
    %dot_general3A_142 = arith.constant dense<0.000000e+00> : vector<1000x128xf32>
    %dot_general3A_143 = tpu.matmul %add3A_141, %broadcast_in_dim3A_20, %dot_general3A_142 {dimension_numbers = #tpu.dot_dimension_numbers<[1], [0], [0], [1], [0, 0, 1, 1], [], []>, transpose_lhs_hint = false} : vector<1000x1xf32>, vector<1x128xf32>, vector<1000x128xf32> -> vector<1000x128xf32>
    %div3A_144 = arith.divf %add3A_136, %dot_general3A_143 : vector<1000x128xf32>
    %concatenate3A = tpu.concatenate %div3A, %div3A_48, %div3A_64, %div3A_80, %div3A_96, %div3A_112, %div3A_128, %div3A_144 in 1 : vector<1000x128xf32>, vector<1000x128xf32>, vector<1000x128xf32>, vector<1000x128xf32>, vector<1000x128xf32>, vector<1000x128xf32>, vector<1000x128xf32>, vector<1000x128xf32> -> vector<1000x1024xf32>
    %add3A_145 = vector.broadcast %get3A_14 : vector<1x1024xf32> to vector<1000x1024xf32>
    %add3A_146 = arith.addf %concatenate3A, %add3A_145 : vector<1000x1024xf32>
    %max3A = arith.constant 0.000000e+00 : f32
    %max3A_147 = vector.broadcast %max3A : f32 to vector<1000x1024xf32>
    %max3A_148 = arith.maximumf %add3A_146, %max3A_147 : vector<1000x1024xf32>
    %iota3A_149 = tpu.iota {dimensions = array<i32: 0>} : vector<64x1000xi32>
    %get3A_150 = arith.constant 0 : index
    %get3A_151 = arith.constant 0 : index
    %get3A_152 = arith.constant 0 : index
    %get3A_153 = vector.load %arg6[%get3A_150, %get3A_151, %get3A_152] : memref<1x1x1000xi32, #tpu.memory_space<vmem>>, vector<1x1x1000xi32>
    %get3A_154 = vector.shape_cast %get3A_153 : vector<1x1x1000xi32> to vector<1x1000xi32>
    %eq3A_155 = vector.broadcast %get3A_154 : vector<1x1000xi32> to vector<64x1000xi32>
    %eq3A_156 = arith.cmpi eq, %iota3A_149, %eq3A_155 : vector<64x1000xi32>
    %convert_element_type3A_157 = arith.extui %eq3A_156 : vector<64x1000xi1> to vector<64x1000xi32>
    %convert_element_type3A_158 = arith.sitofp %convert_element_type3A_157 : vector<64x1000xi32> to vector<64x1000xf32>
    %dot_general3A_159 = arith.constant dense<0.000000e+00> : vector<64x1024xf32>
    %dot_general3A_160 = tpu.matmul %convert_element_type3A_158, %max3A_148, %dot_general3A_159 {dimension_numbers = #tpu.dot_dimension_numbers<[1], [0], [0], [1], [0, 0, 1, 1], [], []>, transpose_lhs_hint = false} : vector<64x1000xf32>, vector<1000x1024xf32>, vector<64x1024xf32> -> vector<64x1024xf32>
    %broadcast_in_dim3A_161 = arith.constant 1.000000e+00 : f32
    %broadcast_in_dim3A_162 = vector.broadcast %broadcast_in_dim3A_161 : f32 to vector<1000x128xf32>
    %dot_general3A_163 = arith.constant dense<0.000000e+00> : vector<64x128xf32>
    %dot_general3A_164 = tpu.matmul %convert_element_type3A_158, %broadcast_in_dim3A_162, %dot_general3A_163 {dimension_numbers = #tpu.dot_dimension_numbers<[1], [0], [0], [1], [0, 0, 1, 1], [], []>, transpose_lhs_hint = false} : vector<64x1000xf32>, vector<1000x128xf32>, vector<64x128xf32> -> vector<64x128xf32>
    %eq3A_165 = arith.constant 0 : i32
    %eq3A_166 = arith.cmpi eq, %arg0, %eq3A_165 : i32
    %convert_element_type3A_167 = arith.extui %eq3A_166 : i1 to i32
    %cond3A = arith.constant 0 : i32
    %cond3A_168 = arith.cmpi ne, %convert_element_type3A_167, %cond3A : i32
    scf.if %cond3A_168 {
      %swap3A = arith.constant 0 : index
      %swap3A_178 = arith.constant 0 : index
      %swap3A_179 = vector.load %arg12[%swap3A, %swap3A_178] : memref<64x1024xf32, #tpu.memory_space<vmem>>, vector<64x1024xf32>
      tpu.vector_store %arg12[%swap3A, %swap3A_178], %dot_general3A_160 {strides = array<i32>} : memref<64x1024xf32, #tpu.memory_space<vmem>>, vector<64x1024xf32>,
      %swap3A_180 = arith.constant 0 : index
      %swap3A_181 = arith.constant 0 : index
      %swap3A_182 = vector.load %arg13[%swap3A_180, %swap3A_181] : memref<64x128xf32, #tpu.memory_space<vmem>>, vector<64x128xf32>
      tpu.vector_store %arg13[%swap3A_180, %swap3A_181], %dot_general3A_164 {strides = array<i32>} : memref<64x128xf32, #tpu.memory_space<vmem>>, vector<64x128xf32>,
    } else {
    }
    %gt3A = arith.constant 0 : i32
    %gt3A_169 = arith.cmpi sgt, %arg0, %gt3A : i32
    %convert_element_type3A_170 = arith.extui %gt3A_169 : i1 to i32
    %cond3A_171 = arith.constant 0 : i32
    %cond3A_172 = arith.cmpi ne, %convert_element_type3A_170, %cond3A_171 : i32
    scf.if %cond3A_172 {
      %get3A_178 = arith.constant 0 : index
      %get3A_179 = arith.constant 0 : index
      %get3A_180 = vector.load %arg12[%get3A_178, %get3A_179] : memref<64x1024xf32, #tpu.memory_space<vmem>>, vector<64x1024xf32>
      %add3A_181 = arith.addf %get3A_180, %dot_general3A_160 : vector<64x1024xf32>
      %swap3A = arith.constant 0 : index
      %swap3A_182 = arith.constant 0 : index
      %swap3A_183 = vector.load %arg12[%swap3A, %swap3A_182] : memref<64x1024xf32, #tpu.memory_space<vmem>>, vector<64x1024xf32>
      tpu.vector_store %arg12[%swap3A, %swap3A_182], %add3A_181 {strides = array<i32>} : memref<64x1024xf32, #tpu.memory_space<vmem>>, vector<64x1024xf32>,
      %get3A_184 = arith.constant 0 : index
      %get3A_185 = arith.constant 0 : index
      %get3A_186 = vector.load %arg13[%get3A_184, %get3A_185] : memref<64x128xf32, #tpu.memory_space<vmem>>, vector<64x128xf32>
      %add3A_187 = arith.addf %get3A_186, %dot_general3A_164 : vector<64x128xf32>
      %swap3A_188 = arith.constant 0 : index
      %swap3A_189 = arith.constant 0 : index
      %swap3A_190 = vector.load %arg13[%swap3A_188, %swap3A_189] : memref<64x128xf32, #tpu.memory_space<vmem>>, vector<64x128xf32>
      tpu.vector_store %arg13[%swap3A_188, %swap3A_189], %add3A_187 {strides = array<i32>} : memref<64x128xf32, #tpu.memory_space<vmem>>, vector<64x128xf32>,
    } else {
    }
    %eq3A_173 = arith.constant 9 : i32
    %eq3A_174 = arith.cmpi eq, %arg0, %eq3A_173 : i32
    %convert_element_type3A_175 = arith.extui %eq3A_174 : i1 to i32
    %cond3A_176 = arith.constant 0 : i32
    %cond3A_177 = arith.cmpi ne, %convert_element_type3A_175, %cond3A_176 : i32
    scf.if %cond3A_177 {
      %get3A_178 = arith.constant 0 : index
      %get3A_179 = arith.constant 0 : index
      %get3A_180 = vector.load %arg13[%get3A_178, %get3A_179] : memref<64x128xf32, #tpu.memory_space<vmem>>, vector<64x1xf32>
      %max3A_181 = arith.constant 1.000000e+00 : f32
      %max3A_182 = vector.broadcast %max3A_181 : f32 to vector<64x1xf32>
      %max3A_183 = arith.maximumf %get3A_180, %max3A_182 : vector<64x1xf32>
      %broadcast_in_dim3A_184 = arith.constant 1.000000e+00 : f32
      %broadcast_in_dim3A_185 = vector.broadcast %broadcast_in_dim3A_184 : f32 to vector<1x1024xf32>
      %dot_general3A_186 = arith.constant dense<0.000000e+00> : vector<64x1024xf32>
      %dot_general3A_187 = tpu.matmul %max3A_183, %broadcast_in_dim3A_185, %dot_general3A_186 {dimension_numbers = #tpu.dot_dimension_numbers<[1], [0], [0], [1], [0, 0, 1, 1], [], []>, transpose_lhs_hint = false} : vector<64x1xf32>, vector<1x1024xf32>, vector<64x1024xf32> -> vector<64x1024xf32>
      %get3A_188 = arith.constant 0 : index
      %get3A_189 = arith.constant 0 : index
      %get3A_190 = vector.load %arg12[%get3A_188, %get3A_189] : memref<64x1024xf32, #tpu.memory_space<vmem>>, vector<64x1024xf32>
      %div3A_191 = arith.divf %get3A_190, %dot_general3A_187 : vector<64x1024xf32>
      %get3A_192 = arith.constant 0 : index
      %get3A_193 = arith.constant 0 : index
      %get3A_194 = vector.load %arg7[%get3A_192, %get3A_193] : memref<1024x256xf32, #tpu.memory_space<vmem>>, vector<1024x256xf32>
      %dot_general3A_195 = arith.constant dense<0.000000e+00> : vector<64x256xf32>
      %dot_general3A_196 = tpu.matmul %div3A_191, %get3A_194, %dot_general3A_195 {dimension_numbers = #tpu.dot_dimension_numbers<[1], [0], [0], [1], [0, 0, 1, 1], [], []>, transpose_lhs_hint = false} : vector<64x1024xf32>, vector<1024x256xf32>, vector<64x256xf32> -> vector<64x256xf32>
      %get3A_197 = arith.constant 0 : index
      %get3A_198 = arith.constant 0 : index
      %get3A_199 = vector.load %arg8[%get3A_197, %get3A_198] : memref<1x256xf32, #tpu.memory_space<vmem>>, vector<1x256xf32>
      %add3A_200 = vector.broadcast %get3A_199 : vector<1x256xf32> to vector<64x256xf32>
      %add3A_201 = arith.addf %dot_general3A_196, %add3A_200 : vector<64x256xf32>
      %max3A_202 = arith.constant 0.000000e+00 : f32
      %max3A_203 = vector.broadcast %max3A_202 : f32 to vector<64x256xf32>
      %max3A_204 = arith.maximumf %add3A_201, %max3A_203 : vector<64x256xf32>
      %get3A_205 = arith.constant 0 : index
      %get3A_206 = arith.constant 0 : index
      %get3A_207 = vector.load %arg9[%get3A_205, %get3A_206] : memref<256x10xf32, #tpu.memory_space<vmem>>, vector<256x10xf32>
      %dot_general3A_208 = arith.constant dense<0.000000e+00> : vector<64x10xf32>
      %dot_general3A_209 = tpu.matmul %max3A_204, %get3A_207, %dot_general3A_208 {dimension_numbers = #tpu.dot_dimension_numbers<[1], [0], [0], [1], [0, 0, 1, 1], [], []>, transpose_lhs_hint = false} : vector<64x256xf32>, vector<256x10xf32>, vector<64x10xf32> -> vector<64x10xf32>
      %get3A_210 = arith.constant 0 : index
      %get3A_211 = arith.constant 0 : index
      %get3A_212 = vector.load %arg10[%get3A_210, %get3A_211] : memref<1x10xf32, #tpu.memory_space<vmem>>, vector<1x10xf32>
      %add3A_213 = vector.broadcast %get3A_212 : vector<1x10xf32> to vector<64x10xf32>
      %add3A_214 = arith.addf %dot_general3A_209, %add3A_213 : vector<64x10xf32>
      %reduce_max3A = arith.constant dense<0xFF800000> : vector<64xf32>
      %reduce_max3A_215 = vector.multi_reduction <maximumf>, %add3A_214, %reduce_max3A [1] : vector<64x10xf32> to vector<64xf32>
      %broadcast_in_dim3A_216 = vector.shape_cast %reduce_max3A_215 : vector<64xf32> to vector<64x1xf32>
      %sub3A = vector.broadcast %broadcast_in_dim3A_216 : vector<64x1xf32> to vector<64x10xf32>
      %sub3A_217 = arith.subf %add3A_214, %sub3A : vector<64x10xf32>
      %exp3A = math.exp %sub3A_217 : vector<64x10xf32>
      %reduce_sum3A = arith.constant dense<0.000000e+00> : vector<64xf32>
      %reduce_sum3A_218 = vector.multi_reduction <add>, %exp3A, %reduce_sum3A [1] : vector<64x10xf32> to vector<64xf32>
      %broadcast_in_dim3A_219 = vector.shape_cast %reduce_sum3A_218 : vector<64xf32> to vector<64x1xf32>
      %log3A = math.log %broadcast_in_dim3A_219 : vector<64x1xf32>
      %sub3A_220 = vector.broadcast %log3A : vector<64x1xf32> to vector<64x10xf32>
      %sub3A_221 = arith.subf %sub3A_217, %sub3A_220 : vector<64x10xf32>
      %swap3A = arith.constant 0 : index
      %swap3A_222 = arith.constant 0 : index
      %swap3A_223 = vector.load %arg11[%swap3A, %swap3A_222] : memref<64x10xf32, #tpu.memory_space<vmem>>, vector<64x10xf32>
      tpu.vector_store %arg11[%swap3A, %swap3A_222], %sub3A_221 {strides = array<i32>} : memref<64x10xf32, #tpu.memory_space<vmem>>, vector<64x10xf32>,
    } else {
    }
    return
  }
  func.func @transform_0(%arg0: i32) -> (i32, i32, i32) {
    %c0_i32 = arith.constant 0 : i32
    %c0_i32_0 = arith.constant 0 : i32
    %c0_i32_1 = arith.constant 0 : i32
    return %c0_i32, %arg0, %c0_i32_0 : i32, i32, i32
  }
  func.func @transform_1(%arg0: i32) -> (i32, i32) {
    %c0_i32 = arith.constant 0 : i32
    %c0_i32_0 = arith.constant 0 : i32
    return %arg0, %c0_i32 : i32, i32
  }
  func.func @transform_2(%arg0: i32) -> (i32, i32) {
    %c0_i32 = arith.constant 0 : i32
    %c0_i32_0 = arith.constant 0 : i32
    return %arg0, %c0_i32 : i32, i32
  }
  func.func @transform_3(%arg0: i32) -> (i32, i32) {
    %c0_i32 = arith.constant 0 : i32
    %c0_i32_0 = arith.constant 0 : i32
    return %arg0, %c0_i32 : i32, i32
  }
  func.func @transform_4(%arg0: i32) -> (i32, i32) {
    %c0_i32 = arith.constant 0 : i32
    %c0_i32_0 = arith.constant 0 : i32
    %c0_i32_1 = arith.constant 0 : i32
    return %c0_i32, %c0_i32_0 : i32, i32
  }
  func.func @transform_5(%arg0: i32) -> (i32, i32, i32) {
    %c0_i32 = arith.constant 0 : i32
    %c0_i32_0 = arith.constant 0 : i32
    %c0_i32_1 = arith.constant 0 : i32
    return %arg0, %c0_i32, %c0_i32_0 : i32, i32, i32
  }
  func.func @transform_6(%arg0: i32) -> (i32, i32) {
    %c0_i32 = arith.constant 0 : i32
    %c0_i32_0 = arith.constant 0 : i32
    %c0_i32_1 = arith.constant 0 : i32
    return %c0_i32, %c0_i32_0 : i32, i32
  }
  func.func @transform_7(%arg0: i32) -> (i32, i32) {
    %c0_i32 = arith.constant 0 : i32
    %c0_i32_0 = arith.constant 0 : i32
    %c0_i32_1 = arith.constant 0 : i32
    return %c0_i32, %c0_i32_0 : i32, i32
  }
  func.func @transform_8(%arg0: i32) -> (i32, i32) {
    %c0_i32 = arith.constant 0 : i32
    %c0_i32_0 = arith.constant 0 : i32
    %c0_i32_1 = arith.constant 0 : i32
    return %c0_i32, %c0_i32_0 : i32, i32
  }
  func.func @transform_9(%arg0: i32) -> (i32, i32) {
    %c0_i32 = arith.constant 0 : i32
    %c0_i32_0 = arith.constant 0 : i32
    %c0_i32_1 = arith.constant 0 : i32
    return %c0_i32, %c0_i32_0 : i32, i32
  }
  func.func @transform_10(%arg0: i32) -> (i32, i32) {
    %c0_i32 = arith.constant 0 : i32
    %c0_i32_0 = arith.constant 0 : i32
    %c0_i32_1 = arith.constant 0 : i32
    return %c0_i32, %c0_i32_0 : i32, i32
  }
}

</mosaic_0001>

<sc_bundles>
// kernel: kernel.10.cloned.1.call-start
scs
__scs_entry_jumppad:
0x0: {  	(pc) =	sbr.rel $0x88, $3  }
0x1: {  	(tag) =	ssettag $0x0;
	lr =	simm.s32 $0x1  }
0x2: {  	[smem:$0x3F92] =	sst lr;
	_ =	strace $0xD0000000  }
0x3: {  	_ = 	snop  }
0x4: {  	_ = 	snop  }
0x5: {  	_ = 	snop  }
0x6: {  	_ = 	snop  }
0x7: {  	_ = 	snop  }
__scs_overlays_trampoline_lowered:
0x8: {  	[smem:$0x3FA1] =	sst s0  }
0x9: {  	[smem:$0x3FA2] =	sst s1  }
0xa: {  	[smem:$0x3FA3] =	sst s2  }
0xb: {  	[smem:$0x3FA4] =	sst s3  }
0xc: {  	[smem:$0x3FA5] =	sst s4  }
0xd: {  	[smem:$0x3FA6] =	sst s5  }
0xe: {  	[smem:$0x3FA7] =	sst s6  }
0xf: {  	[smem:$0x3FA8] =	sst s7  }
0x10: {  	[smem:$0x3FA9] =	sst s8  }
0x11: {  	[smem:$0x3FAA] =	sst s9;
	s0 =	simm.s32 @!p0 $0x0  }
0x12: {  	s1 =	sld [smem:$0x3F90];
	s0 =	simm.s32 @p0 $0x1  }
0x13: {  	[smem:$0x3FAB] =	sst s0;
	s0 =	simm.s32 @!p1 $0x0  }
0x14: {  	s2 =	sld [smem:$0x3F8F];
	s0 =	simm.s32 @p1 $0x1  }
0x15: {  	[smem:$0x3FAC] =	sst s0;
	s0 =	simm.s32 @!p2 $0x0  }
0x16: {  	s3 =	sld [smem:$0x3FDB];
	s0 =	simm.s32 @p2 $0x1  }
0x17: {  	s4 =	simm.s32 $0x1BF5;
	[smem:$0x3FAE] =	sst s0  }
0x18: {  	s0 =	sld [smem:$0x3F91];
	_ =	swait.ge [sflag:s4], $0x0  }
0x19: {  	s7 =	sld [smem:$0x3F92]  }
0x1a: {  	s8 =	sadd.s32 $0xFFFFE003, lr  }
0x1b: {  	s9 =	sadd.s32 $0xFFFFFEF7, lr;
	s5 =	simm.s32 $0xFFFFFFFF;
	p2 =	slt.u32 s8, $0xFFFFF086  }
0x1c: {  	p1 =	slt.u32 s9, $0xF7A;
	s5 =	simm.s32 @!p2 $0x0  }
0x1d: {  	s5 =	simm.s32 @p1 $0x1;
	p0 =	seq.s32 s7, s2  }
0x1e: {  	s7 =	smul.u32 @!p0 $0xF7A, s2;
	p2 =	seq.s32 @!p0 s5, $0x0  }
0x1f: {  	s9 =	smul.u32 $0xF7A, s1;
	s8 =	simm.s32 @!p0 $0x1BF5;
	p2 =	por !p2, p0  }
0x20: {  	[sflag:s8] =	ssyncset.s32 @!p0 $0xFFFFF086;
	s6 =	sadd.s32 @!p0 s3, s7;
	s7 =	simm.s32 @!p0 $0x108  }
0x21: {  	s3 =	sadd.s32 s3, s9;
	s6 =	sadd.s32 @!p0 $0x88, s6;
	s7 =	simm.s32 @p2 $0x1082  }
0x22: {  	[simem:s7], [sflag:s8] =	dma.local @!p0 [hbm:s6], $0xF7A  }
0x23: {  	s9 =	sor.u32 $0xD0000000, s2;
	s6 =	simm.s32 $0x108;
	_ =	swait.ge @!p0 [sflag:s8], $0x0  }
0x24: {  	s3 =	sadd.s32 $0x88, s3;
	s6 =	simm.s32 @!p1 $0x1082;
	[sflag:s4] =	ssyncset.s32 $0xFFFFF086  }
0x25: {  	[simem:s6], [sflag:s4] =	dma.local [hbm:s3], $0xF7A  }
0x26: {  	[smem:$0x3F92] =	sst s1;
	(tag) =	ssettag s2;
	_ =	strace s9  }
0x27: {  	s1 =	sld [smem:$0x3FA2]  }
0x28: {  	s2 =	sld [smem:$0x3FA3]  }
0x29: {  	s4 =	sld [smem:$0x3FA5]  }
0x2a: {  	p0 =	seq.s32 s5, $0x0;
	s5 =	sld [smem:$0x3FA6]  }
0x2b: {  	s6 =	sld [smem:$0x3FA7]  }
0x2c: {  	s7 =	sld [smem:$0x3FA8]  }
0x2d: {  	s3 =	simm.s32 $0x108;
	s8 =	sld [smem:$0x3FA9]  }
0x2e: {  	s3 =	simm.s32 @!p0 $0x1082;
	s9 =	sld [smem:$0x3FAA]  }
0x2f: {  	lr =	sadd.s32 s0, s3;
	s0 =	sld [smem:$0x3FA1]  }
0x30: {  	s3 =	sld [smem:$0x3FA4]  }
0x31: {  	[smem:$0x3FAD] =	sst s10  }
0x32: {  	s10 =	sld [smem:$0x3FAB];
	_ =	sdelay $0x3  }
0x33: {  	p0 =	seq.s32 s10, $0x1;
	s10 =	sld [smem:$0x3FAD];
	_ =	sdelay $0x3  }
0x34: {  	[smem:$0x3FAD] =	sst s10  }
0x35: {  	s10 =	sld [smem:$0x3FAC];
	_ =	sdelay $0x3  }
0x36: {  	p1 =	seq.s32 s10, $0x1;
	s10 =	sld [smem:$0x3FAD];
	_ =	sdelay $0x3  }
0x37: {  	[smem:$0x3FAD] =	sst s10  }
0x38: {  	s10 =	sld [smem:$0x3FAE]  }
0x39: {  	_ = 	snop;
	(pc) =	sbr.ind lr, $3  }
0x3a: {  	_ = 	snop  }
0x3b: {  	_ = 	snop  }
0x3c: {  	p2 =	seq.s32 s10, $0x1;
	s10 =	sld [smem:$0x3FAD]  }
0x3d: {  	_ =	shalt  }
0x3e: {  	_ =	shalt  }
0x3f: {  	_ =	shalt  }
0x40: {  	_ =	shalt  }
0x41: {  	_ =	shalt  }
0x42: {  	_ =	shalt  }
0x43: {  	_ =	shalt  }
0x44: {  	_ =	shalt  }
0x45: {  	_ =	shalt  }
0x46: {  	_ =	shalt  }
0x47: {  	_ =	shalt  }
0x48: {  	_ =	shalt  }
0x49: {  	_ =	shalt  }
0x4a: {  	_ =	shalt  }
0x4b: {  	_ =	shalt  }
0x4c: {  	_ =	shalt  }
0x4d: {  	_ =	shalt  }
0x4e: {  	_ =	shalt  }
0x4f: {  	_ =	shalt  }
0x50: {  	_ =	shalt  }
0x51: {  	_ =	shalt  }
0x52: {  	_ =	shalt  }
0x53: {  	_ =	shalt  }
0x54: {  	_ =	shalt  }
0x55: {  	_ =	shalt  }
0x56: {  	_ =	shalt  }
0x57: {  	_ =	shalt  }
0x58: {  	_ =	shalt  }
0x59: {  	_ =	shalt  }
0x5a: {  	_ =	shalt  }
0x5b: {  	_ =	shalt  }
0x5c: {  	_ =	shalt  }
0x5d: {  	_ =	shalt  }
0x5e: {  	_ =	shalt  }
0x5f: {  	_ =	shalt  }
0x60: {  	_ =	shalt  }
0x61: {  	_ =	shalt  }
0x62: {  	_ =	shalt  }
0x63: {  	_ =	shalt  }
0x64: {  	_ =	shalt  }
0x65: {  	_ =	shalt  }
0x66: {  	_ =	shalt  }
0x67: {  	_ =	shalt  }
0x68: {  	_ =	shalt  }
0x69: {  	_ =	shalt  }
0x6a: {  	_ =	shalt  }
0x6b: {  	_ =	shalt  }
0x6c: {  	_ =	shalt  }
0x6d: {  	_ =	shalt  }
0x6e: {  	_ =	shalt  }
0x6f: {  	_ =	shalt  }
0x70: {  	_ =	shalt  }
0x71: {  	_ =	shalt  }
0x72: {  	_ =	shalt  }
0x73: {  	_ =	shalt  }
0x74: {  	_ =	shalt  }
0x75: {  	_ =	shalt  }
0x76: {  	_ =	shalt  }
0x77: {  	_ =	shalt  }
0x78: {  	_ =	shalt  }
0x79: {  	_ =	shalt  }
0x7a: {  	_ =	shalt  }
0x7b: {  	_ =	shalt  }
0x7c: {  	_ =	shalt  }
0x7d: {  	_ =	shalt  }
0x7e: {  	_ =	shalt  }
0x7f: {  	_ =	shalt  }
0x80: {  	_ =	shalt  }
0x81: {  	_ =	shalt  }
0x82: {  	_ =	shalt  }
0x83: {  	_ =	shalt  }
0x84: {  	_ =	shalt  }
0x85: {  	_ =	shalt  }
0x86: {  	_ =	shalt  }
0x87: {  	_ =	shalt  }
.Lfunc_end0:
.L_simem_size_0:
called_computation.1_lowered:
.L_overlay_start_0:
0x88: {  	s2 =	sld [smem:$0x3FD9]  }
0x89: {  	s3 =	sld [smem:$0x3FFE];
	_ =	sdelay $0x1  }
0x8a: {  	s1 =	srdreg.scid  }
0x8b: {  	s0 =	sand.u32 $0x1, s1  }
0x8c: {  	s16 =	sshll.u32 s0, $0xA;
	s2 =	sadd.s32 s3, s2  }
0x8d: {  	s2 =	sadd.s32 s2, s16  }
0x8e: {  	[smem:$0x3FB9] =	sst s2  }
0x8f: {  	_ = 	snop  }
0x90: {  	(tm) =	ssettm $0x1  }
0x91: {  	s17 =	sld [smem:$0x3FFB];
	_ =	sdelay $0x3  }
0x92: {  	_ =	strace s17  }
0x93: {  	s2 =	sld [smem:$0x3FFC];
	_ =	sdelay $0x3  }
0x94: {  	_ =	strace s2  }
0x95: {  	s2 =	sld [smem:$0x3FFD];
	_ =	sdelay $0x3  }
0x96: {  	_ =	strace s2  }
0x97: {  	_ =	strace $0x8FFFFFFF  }
0x98: {  	s18 =	sld [smem:$0x3FDB];
	_ =	sdelay $0x1  }
0x99: {  	s19 =	simm.s32 $_scs_section_size  }
0x9a: {  	s4 =	simm.s32 $_size__tile_overlayer_lowered;
	s5 =	simm.s32 $_tile_overlayer_lowered  }
0x9b: {  	s22 =	simm.s32 $0x1BFF;
	s21 =	sshll.u32 s5, $0x1;
	s2 =	sadd.s32 s19, s18  }
0x9c: {  	s6 =	simm.s32 $0x0;
	s20 =	sshll.u32 s4, $0x1;
	s4 =	sadd.s32 s21, s2  }
0x9d: {  	[timem:s6], [sflag:s22] =	dma.local [hbm:s4], s20  }
0x9e: {  	_ =	swait.ge [sflag:s22], s20  }
0x9f: {  	s3 =	ssub.s32 $0x0, s20;
	[sflag:s22] =	ssyncset.done $0x0  }
0xa0: {  	[sflag:s22] =	ssyncadd.s32 s3;
	_ =	sdelay $0x1  }
0xa1: {  	s23 =	simm.s32 $0x1B8B  }
0xa2: {  	_ =	swait.ge [sflag:s23], $0x1  }
0xa3: {  	[sflag:s23] =	ssyncset.done $0x0  }
0xa4: {  	s25 =	simm.s32 $0x1B8E;
	s24 =	sld [smem:$0x3FFE];
	[sflag:s23] =	ssyncadd.s32 $0xFFFFFFFF  }
0xa5: {  	s26 =	simm.s32 $execute0_lowered;
	[smem:$0x3FD2] =	sst s25  }
0xa6: {  	s4 =	sshll.u32 s26, $0x1;
	_ =	strace $0x80000049;
	[dreg:$0x1] =	wrdreg $0xFFFFFFFF  }
0xa7: {  	s28 =	simm.s32 $_size_execute0_lowered;
	s2 =	sadd.s32 s2, s4;
	[dreg:$0x0] =	wrdreg $0x0  }
0xa8: {  	s4 =	sshll.u32 s28, $0x1;
	[dreg:$0x2] =	wrdreg s2  }
0xa9: {  	[dreg:$0x3] =	wrdreg s4  }
0xaa: {  	[dreg:$0x4] =	wrdreg $0xC0  }
0xab: {  	_ =	task [dreg:s6], $0x5FFFF  }
0xac: {  	[dreg:$0x1] =	wrdreg $0xFFFFFFFF  }
0xad: {  	[dreg:$0x0] =	wrdreg $0x60  }
0xae: {  	[dreg:$0x2] =	wrdreg s24  }
0xaf: {  	[dreg:$0x3] =	wrdreg $0x183800  }
0xb0: {  	[dreg:$0x4] =	wrdreg $0x194A00  }
0xb1: {  	[dreg:$0x5] =	wrdreg $0x1A5C00  }
0xb2: {  	[dreg:$0x6] =	wrdreg $0x9  }
0xb3: {  	_ =	task.clear_ibuf [dreg:s6], $0x7FFFF;
	_ =	strace $0x90000049  }
0xb4: {  	s29 =	simm.s32 $0x9;
	_ =	strace $0x8000004B  }
0xb5: {  	_ =	swait.ge [sflag:s29], $0x1  }
0xb6: {  	[sflag:s29] =	ssyncadd.s32 $0xFFFFFFFF  }
0xb7: {  	_ =	strace $0x9000004B  }
0xb8: {  	_ =	sfence  }
0xb9: {  	s30 =	sld [smem:$0x0];
	_ =	sdelay $0x2  }
0xba: {  	s31 =	sshll.u32 s1, $0xD;
	s1 =	sshrl.u32 s1, $0x2  }
0xbb: {  	s3 =	sand.u32 $0x4000, s31;
	s1 =	sadd.s32 s1, s30  }
0xbc: {  	s0 =	sor.u32 s3, s0;
	s1 =	sshll.u32 s1, $0x11  }
0xbd: {  	s0 =	sor.u32 s1, s0  }
0xbe: {  	s0 =	sadd.s32 $0x8F2B, s0  }
0xbf: {  	[sflag:s0] =	ssyncadd.remote.s32 $0x1  }
0xc0: {  	_ =	sfence.sel $0xFFFF  }
0xc1: {  	[dreg:$0x0] =	wrdreg $0xFFFFFFFF;
	(pc) =	sbr.abs _section_cstart, $3  }
0xc2: {  	[dreg:$0x1] =	wrdreg $0xFFFFFFFF  }
0xc3: {  	_ =	task.clear_ibuf [dreg:s6], $0x2FFFF;
	_ =	strace $0x9FFFFFFF  }
0xc4: {  	(tm) =	ssettm $0x7FFFFFFF  }
0xc5: {  	_ =	shalt  }
tec
execute0_lowered:
.L_overlay_start_1:
0x0: {  	(tag) =	ssettag $0x1  }
0x1: {  	s0 =	rddreg [dreg:$0x0]  }
0x2: {  	s2 =	rddreg [dreg:$0x1]  }
0x3: {  	s3 =	rddreg [dreg:$0x2]  }
0x4: {  	s9 =	rddreg [dreg:$0x3]  }
0x5: {  	s8 =	stileid.u32;
	s5 =	simm.s32 $0x0;
	s15 =	simm.s32 $0x0  }
0x6: {  	s18 =	srdreg.scid;
	s28 =	simm.s32 $0x900;
	s29 =	simm.s32 $0x1200  }
0x7: {  	s30 =	simm.s32 $0x1B00;
	s31 =	simm.s32 $0x2400;
	s10 =	simm.s32 $0x40  }
0x8: {  	s12 =	simm.s32 $0xDC80;
	s1 =	sand.u32 $0x7, s8;
	[smem:$0x7FF] =	sst s5  }
0x9: {  	v2 =	vimm.s32 $0xEDCBA987;
	s6 =	sshrl.u32 s8, $0x3;
	s14 =	sadd.s32 $0x27AE00, s0;
	s16 =	sadd.s32 $0x275E00, s0  }
0xa: {  	v5 =	vimm.s32 $0x65432100;
	s17 =	sadd.s32 $0x3B8600, s0;
	_ =	strace $0x8000004A;
	[dreg:$0x5] =	wrdreg s14  }
0xb: {  	v3 =	vimm.f32 $0.0e+00;
	v7 =	vimm.s32 $0xDCBA9876;
	s7 =	sadd.s32 $0x3B9A00, s0;
	s11 =	sadd.s32 $0x27FE00, s0;
	[dreg:$0x6] =	wrdreg s16  }
0xc: {  	v8 =	vimm.s32 $0x54321000;
	v9 =	vimm.s32 $0xBA987654;
	v10 =	vimm.s32 $0xE40000;
	s5 =	sand.u32 $0x1, s18;
	s19 =	sadd.s32 $0x2600, s0;
	[dreg:$0x7] =	wrdreg s17  }
0xd: {  	v11 =	vimm.s32 $0x32100000;
	vm0 =	vmmov $0x3;
	vm1 =	vmmov $0xf;
	s20 =	smul.u32 $0x890, s8;
	s0 =	sadd.s32 $0x3BAE00, s0;
	[dreg:$0x8] =	wrdreg s7  }
0xe: {  	vm2 =	vcmask $0x3F30;
	vm3 =	vcmask $0x300;
	vm4 =	vcmask $0x704;
	s22 =	smul.u32 $0x2710, s8;
	s26 =	sshll.u32 s8, $0x4;
	[dreg:$0xa] =	wrdreg s19  }
0xf: {  	v4 =	vunpack.c.l.s4.s8 v2;
	v5 =	vunpack.c.l.s4.s8 v5;
	v7 =	vunpack.c.l.s4.s8 v7;
	s8 =	simm.s32 $0x0;
	s4 =	sshrl.u32 s1, $0x1;
	[dreg:$0x9] =	wrdreg s5  }
0x10: {  	v8 =	vunpack.c.l.s4.s8 v8;
	v9 =	vunpack.c.l.s4.s8 v9;
	v10 =	vunpack.c.l.s2.s4 v10;
	s13 =	sshll.u32 s6, $0x8;
	s5 =	ssub.s32 $0x2, s5;
	[dreg:$0xb] =	wrdreg s0  }
0x11: {  	v11 =	vunpack.c.l.s4.s8 v11;
	v0 =	vmov s1;
	s1 =	smul.u32 $0x2800, s1;
	s14 =	simm.s32 $0xDD80;
	v1 =	vmov s4;
	s21 =	sshrl.u32 s5, $0x1  }
0x12: {  	v2 =	vmov s13;
	v6 =	vunpack.c.0.s8.s32 v4;
	v4 =	vimm.s32 $0x0;
	[dreg:$0xc] =	wrdreg s22;
	s23 =	sadd.s32 s20, s2;
	s24 =	sadd.s32 s20, s3  }
0x13: {  	v7 =	vunpack.c.0.s8.s32 v7;
	s25 =	sadd.s32 $0x8900, s20;
	v9 =	vunpack.c.0.s8.s32 v9;
	v10 =	vunpack.c.l.s4.s8 v10;
	s22 =	simm.s32 $0xDD00;
	[dreg:$0xd] =	wrdreg s23  }
0x14: {  	v5 =	vunpack.c.0.s8.s32 v5;
	v8 =	vunpack.c.0.s8.s32 v8;
	s4 =	simm.s32 $0xFE00;
	s0 =	ssub.s32 s5, s21;
	[dreg:$0xe] =	wrdreg s24;
	v6 =	vand.u32 $0xF, v6  }
0x15: {  	s7 =	sadd.s32 s25, s2;
	s5 =	sadd.s32 s25, s3;
	s21 =	sshll.u32 s6, $0x4;
	v7 =	vand.u32 $0xF, v7;
	v9 =	vand.u32 $0xF, v9;
	v10 =	vunpack.c.0.s8.s32 v10  }
0x16: {  	s1 =	sor.u32 s13, s1;
	s24 =	simm.s32 $0x3600;
	s25 =	simm.s32 $0x3;
	v5 =	vcombine.low v5, v6;
	v6 =	vlaneseq.u32;
	v7 =	vcombine.low v8, v7  }
.Ltmp0:
0x17: {  	s23 =	simm.s32 $0x1;
	[dreg:$0xf] =	wrdreg s7;
	v8 =	vunpack.c.0.s8.s32 v11;
	v11 =	vimm.s32 $0x7060504;
	v10 =	vand.u32 $0x3, v10;
	(pc) =	sbr.rel .LBB2_1-.Ltmp0, $4  }
0x18: {  	s13 =	simm.s32 $0xDE00;
	[dreg:$0x10] =	wrdreg s5;
	s5 =	sadd.s32 s26, s9;
	v12 =	vor.u32 $0x20, v6;
	v13 =	vor.u32 $0x30, v6;
	v14 =	vor.u32 $0x40, v6  }
0x19: {  	[dreg:$0x12] =	wrdreg s1;
	s0 =	smax.u32 s0, $0x1;
	s26 =	simm.s32 $0xD280;
	v15 =	vor.u32 $0x50, v6;
	v8 =	vcombine.low v8, v9;
	v9 =	vunpack.c.0.s8.s32 v11  }
0x1a: {  	s9 =	simm.s32 $0xDB80;
	s1 =	simm.s32 $0x18200;
	[dreg:$0x11] =	wrdreg s5;
	v16 =	vor.u32 $0x60, v6;
	v17 =	vor.u32 $0x70, v6;
	v11 =	vor.u32 $0x10, v6  }
0x1b: {  	[dreg:$0x13] =	wrdreg s0;
	s0 =	simm.s32 $0x2D00;
	s5 =	simm.s32 $0x2;
	v9 =	vsel vm2, v9, v10;
	vm2 =	vmmov $0xff;
	v10 =	vimm.s32 $0x100  }
.LBB2_15:
0x1c: {  	s8 =	rddreg [dreg:$0x14]  }
0x1d: {  	s7 =	rddreg [dreg:$0x13];
	s8 =	sadd.s32 $0x1, s8  }
0x1e: {  	p0 =	sne.s32 s8, s7  }
.Ltmp1:
0x1f: {  	_ = 	snop;
	(pc) =	sbr.rel @!p0 .LBB2_16-.Ltmp1, $1  }
0x20: {  	_ =	sdelay $0x3  }
.LBB2_1:
0x21: {  	[dreg:$0x14] =	wrdreg s8  }
.Ltmp2:
0x22: {  	s7 =	rddreg [dreg:$0x7];
	(pc) =	sbr.rel .LBB2_2-.Ltmp2, $4  }
0x23: {  	[tilespmem:s24], [sflag:$0x3] =	stream.linear.gather [hbm4b:s7+s15], $0x9C40, $0x38;
	[tilespmem:$0x1A5D0] =	vst v63  }
0x24: {  	_ =	swait.ge [sflag:s25], $0x9C40  }
0x25: {  	[sflag:s25] =	ssyncset.done $0x0  }
0x26: {  	s16 =	simm.s32 $0x0;
	[sflag:s25] =	ssyncadd.s32 $0xFFFF63C0  }
.LBB2_14:
0x27: {  	s7 =	rddreg [dreg:$0x12]  }
0x28: {  	s8 =	rddreg [dreg:$0x16]  }
0x29: {  	s7 =	sadd.s32 s8, s7  }
0x2a: {  	s8 =	sshll.u32 s7, $0x4  }
0x2b: {  	s15 =	rddreg [dreg:$0xa];
	s8 =	sand.u32 $0x1FFFF000, s8  }
0x2c: {  	s16 =	simm.s32 $0x0;
	s8 =	sadd.s32 s15, s8  }
0x2d: {  	[hbm4b:s8+s16] =	stream.linear.scatter [tilespmem:s4], [sflag:$0x3], $0x8000, $0x38;
	[tilespmem:$0x1A5D0] =	vst v63  }
0x2e: {  	_ =	swait.ge [sflag:s25], $0x8000  }
0x2f: {  	s7 =	sshrl.u32 s7, $0x3;
	[sflag:s25] =	ssyncset.done $0x0;
	s19 =	rddreg [dreg:$0xb]  }
0x30: {  	[sflag:s25] =	ssyncadd.s32 $0xFFFF8000;
	s7 =	sadd.s32 s19, s7  }
0x31: {  	[hbm4b:s7+s16] =	stream.linear.scatter [tilespmem:s1], [sflag:$0x3], $0x100, $0x38;
	[tilespmem:$0x1A5D0] =	vst v63  }
0x32: {  	_ =	swait.ge [sflag:s25], $0x100  }
0x33: {  	s20 =	rddreg [dreg:$0x15]  }
0x34: {  	s16 =	sadd.s32 $0x1, s20  }
0x35: {  	p0 =	sne.s32 s16, $0xA  }
.Ltmp3:
0x36: {  	_ = 	snop;
	(pc) =	sbr.rel @!p0 .LBB2_15-.Ltmp3, $3  }
0x37: {  	_ =	sdelay $0x1  }
0x38: {  	[sflag:s25] =	ssyncset.done $0x0  }
0x39: {  	s15 =	simm.s32 $0x0;
	[sflag:s25] =	ssyncadd.s32 $0xFFFFFF00  }
.LBB2_2:
0x3a: {  	s7 =	simm.s32 $0x40;
	s8 =	simm.s32 $0x0  }
.LBB2_3:
0x3b: {  	p0 =	sne.s32 s7, $0x20FC0;
	[tilespmem:s8+$0xFE00] =	vst v3;
	s8 =	smov.u32 s7;
	s7 =	sadd.s32 $0x40, s7  }
.Ltmp4:
0x3c: {  	(pc) =	sbr.rel @p0 .LBB2_3-.Ltmp4, $2  }
0x3d: {  	_ =	sdelay $0x2  }
0x3e: {  	s8 =	sshra.s32 s8, $0x2  }
0x3f: {  	[tilespmem:s8+$0xFE00] =	vst v3  }
0x40: {  	[tilespmem:$0x18200] =	vst v3  }
0x41: {  	[tilespmem:$0x18210] =	vst v3  }
0x42: {  	[tilespmem:$0x18220] =	vst v3  }
0x43: {  	[tilespmem:$0x18230] =	vst v3  }
0x44: {  	[tilespmem:$0x18240] =	vst v3  }
0x45: {  	[tilespmem:$0x18250] =	vst v3  }
0x46: {  	[tilespmem:$0x18260] =	vst v3  }
0x47: {  	[tilespmem:$0x18270] =	vst v3  }
0x48: {  	[tilespmem:$0x18280] =	vst v3  }
0x49: {  	[tilespmem:$0x18290] =	vst v3  }
0x4a: {  	[tilespmem:$0x182A0] =	vst v3  }
0x4b: {  	[tilespmem:$0x182B0] =	vst v3  }
0x4c: {  	[tilespmem:$0x182C0] =	vst v3  }
0x4d: {  	s7 =	sshll.u32 s16, $0x1;
	s20 =	rddreg [dreg:$0x9];
	[tilespmem:$0x182D0] =	vst v3  }
0x4e: {  	[dreg:$0x15] =	wrdreg s16;
	s8 =	sor.u32 s20, s7;
	[tilespmem:$0x182E0] =	vst v3  }
0x4f: {  	s15 =	rddreg [dreg:$0x8];
	[tilespmem:$0x182F0] =	vst v3;
	s7 =	sshll.u32 s8, $0x8  }
.Ltmp5:
0x50: {  	[tilespmem:$0x18300] =	vst v3;
	s15 =	sadd.s32 s15, s7;
	s7 =	simm.s32 $0x0;
	(pc) =	sbr.rel .LBB2_5-.Ltmp5, $4  }
0x51: {  	[tilespmem:s26], [sflag:$0x3] =	stream.linear.gather [hbm4b:s15+s7], $0x800, $0x38;
	[tilespmem:$0x1A5D0] =	vst v63  }
0x52: {  	_ =	swait.ge [sflag:s25], $0x800  }
0x53: {  	s8 =	sshll.u32 s8, $0x9;
	[sflag:s25] =	ssyncset.done $0x0  }
0x54: {  	v18 =	vmov s8;
	[dreg:$0x16] =	wrdreg s8;
	s8 =	simm.s32 $0x0;
	[sflag:s25] =	ssyncadd.s32 $0xFFFFF800  }
.LBB2_13:
0x55: {  	s8 =	sadd.s32 $0x1, s8  }
0x56: {  	p0 =	sne.s32 s8, $0x5  }
.Ltmp6:
0x57: {  	_ = 	snop;
	(pc) =	sbr.rel @!p0 .LBB2_14-.Ltmp6, $2  }
0x58: {  	_ =	sdelay $0x1  }
0x59: {  	[bflag:$0x0] =	sbarrier.arrive $0xFFFF;
	_ =	sdelay $0x1  }
.LBB2_5:
0x5a: {  	s15 =	smul.u32 $0x7D0, s8  }
0x5b: {  	s16 =	rddreg [dreg:$0xc]  }
0x5c: {  	s15 =	sadd.s32 s16, s15  }
0x5d: {  	s18 =	rddreg [dreg:$0x5];
	s15 =	sshrl.u32 s15, $0x3  }
0x5e: {  	s16 =	sadd.s32 s18, s15  }
0x5f: {  	[tilespmem:s7], [sflag:$0x3] =	stream.linear.gather [hbm4b:s16+s7], $0x7D0, $0x38;
	[tilespmem:$0x1A5D0] =	vst v63  }
0x60: {  	_ =	swait.ge [sflag:s25], $0x7D0  }
0x61: {  	[sflag:s25] =	ssyncset.done $0x0;
	s19 =	rddreg [dreg:$0x6]  }
0x62: {  	[sflag:s25] =	ssyncadd.s32 $0xFFFFF830;
	s15 =	sadd.s32 s19, s15  }
0x63: {  	[tilespmem:s28], [sflag:$0x3] =	stream.linear.gather [hbm4b:s15+s7], $0x7D0, $0x38;
	[tilespmem:$0x1A5D0] =	vst v63  }
0x64: {  	_ =	swait.ge [sflag:s25], $0x7D0  }
0x65: {  	[sflag:s25] =	ssyncset.done $0x0  }
0x66: {  	s20 =	simm.s32 $0x0;
	[sflag:s25] =	ssyncadd.s32 $0xFFFFF830  }
0x67: {  	v19 =	vld [tilespmem:s20+$0x900];
	_ =	sdelay $0x4  }
0x68: {  	v19 =	vsub.s32 v19, v18  }
0x69: {  	vm7 =	vlt.u32 v19, $0x100  }
0x6a: {  	v21 =	vand.u32 $0xFFFFFF00, v19;
	v20 =	vsel vm7, $0x1, v4  }
0x6b: {  	vm6 =	veq.s32 v21, $0x100;
	v22 =	vperm.xlane v20, v5  }
0x6c: {  	vm5 =	veq.s32 v6, $0x0;
	v21 =	vsel vm6, $0x1, v4  }
0x6d: {  	v23 =	vperm.xlane v21, v5;
	v22 =	vsel vm5, $0x0, v22  }
0x6e: {  	v20 =	vadd.s32 v20, v22  }
0x6f: {  	v23 =	vsel vm5, $0x0, v23;
	v22 =	vperm.xlane v20, v7  }
0x70: {  	v21 =	vadd.s32 v21, v23  }
0x71: {  	v23 =	vperm.xlane v21, v7;
	v22 =	vsel vm0, $0x0, v22  }
0x72: {  	v20 =	vadd.s32 v22, v20  }
0x73: {  	v23 =	vsel vm0, $0x0, v23;
	v22 =	vperm.xlane v20, v8  }
0x74: {  	v21 =	vadd.s32 v23, v21  }
0x75: {  	v23 =	vperm.xlane v21, v8;
	v22 =	vsel vm1, $0x0, v22  }
0x76: {  	v20 =	vadd.s32 v22, v20  }
0x77: {  	v22 =	vmov s7;
	v23 =	vsel vm1, $0x0, v23;
	v24 =	vperm.xlane v20, v9  }
0x78: {  	v22 =	vadd.s32 $0xFFFFFFFF, v22;
	v21 =	vadd.s32 v23, v21  }
0x79: {  	v22 =	vbroadcast v22, $0x0;
	v63 =	vperm.xlane v21, v9;
	v23 =	vsel vm2, $0x0, v24  }
0x7a: {  	v25 =	vadd.s32 v23, v20  }
0x7b: {  	s17 =	simm.s32 $0x40;
	v24 =	vsel vm2, $0x0, v63;
	v23 =	vadd.s32 v25, v22  }
0x7c: {  	s18 =	simm.s32 $0x80;
	s16 =	simm.s32 $0x0;
	s15 =	simm.s32 $0x0;
	v20 =	vld [tilespmem:s20+$0x0];
	v21 =	vadd.s32 v24, v21;
	(v2sf) =	vpush v25, $0xF;
	v23 =	vnsel vm7, $0x860, v23  }
.LBB2_6:
0x7d: {  	p0 =	sne.s32 s18, $0x1F00;
	v22 =	vadd.s32 v21, v22;
	(v2sf) =	vpush v21, $0xF  }
0x7e: {  	v21 =	vnsel vm6, $0x860, v22;
	_ =	sdelay $0x2  }
0x7f: {  	[tilespmem:v23+s29+$0x0] =	vst.idx.msk $0xffff, v20  }
0x80: {  	[tilespmem:v23+s30+$0x0] =	vst.idx.msk $0xffff, v19  }
0x81: {  	v19 =	vadd.s32 $0xFFFFFF00, v19;
	[tilespmem:v21+s31+$0x0] =	vst.idx.msk $0xffff, v20  }
0x82: {  	s19 =	sshra.s32 s17, $0x2;
	s17 =	smov.u32 s18;
	[tilespmem:v21+s0+$0x0] =	vst.idx.msk $0xffff, v19  }
0x83: {  	v19 =	vld [tilespmem:s19+$0x900]  }
0x84: {  	v20 =	vld [tilespmem:s19+$0x0];
	_ =	sdelay $0x3  }
0x85: {  	v19 =	vsub.s32 v19, v18  }
0x86: {  	vm7 =	vlt.u32 v19, $0x100;
	s19 =	spop (v2sf)  }
0x87: {  	v22 =	vand.u32 $0xFFFFFF00, v19;
	v21 =	vsel vm7, $0x1, v4;
	s16 =	sadd.s32 s16, s19;
	s19 =	spop (v2sf)  }
0x88: {  	vm6 =	veq.s32 v22, $0x100;
	v23 =	vperm.xlane v21, v5;
	s15 =	sadd.s32 s15, s19  }
0x89: {  	v22 =	vsel vm6, $0x1, v4  }
0x8a: {  	v24 =	vperm.xlane v22, v5;
	v23 =	vsel vm5, $0x0, v23  }
0x8b: {  	v21 =	vadd.s32 v21, v23  }
0x8c: {  	v24 =	vsel vm5, $0x0, v24;
	v23 =	vperm.xlane v21, v7  }
0x8d: {  	v22 =	vadd.s32 v22, v24  }
0x8e: {  	v24 =	vperm.xlane v22, v7;
	v23 =	vsel vm0, $0x0, v23  }
0x8f: {  	v21 =	vadd.s32 v23, v21  }
0x90: {  	v24 =	vsel vm0, $0x0, v24;
	v23 =	vperm.xlane v21, v8  }
0x91: {  	v22 =	vadd.s32 v24, v22  }
0x92: {  	v24 =	vperm.xlane v22, v8;
	v23 =	vsel vm1, $0x0, v23  }
0x93: {  	v21 =	vadd.s32 v23, v21;
	v23 =	vmov s16  }
0x94: {  	v24 =	vsel vm1, $0x0, v24;
	v25 =	vperm.xlane v21, v9;
	v23 =	vadd.s32 $0xFFFFFFFF, v23  }
.Ltmp7:
0x95: {  	v24 =	vadd.s32 v24, v22;
	v23 =	vbroadcast v23, $0x0;
	(pc) =	sbr.rel @p0 .LBB2_6-.Ltmp7, $4  }
0x96: {  	v26 =	vmov s15;
	v22 =	vsel vm2, $0x0, v25;
	v25 =	vperm.xlane v24, v9  }
0x97: {  	v27 =	vadd.s32 v22, v21;
	v21 =	vadd.s32 $0xFFFFFFFF, v26  }
0x98: {  	v23 =	vadd.s32 v27, v23;
	v25 =	vsel vm2, $0x0, v25;
	v22 =	vbroadcast v21, $0x0  }
0x99: {  	s18 =	sadd.s32 $0x40, s18;
	v23 =	vnsel vm7, $0x860, v23;
	v21 =	vadd.s32 v25, v24;
	(v2sf) =	vpush v27, $0xF  }
0x9a: {  	v22 =	vadd.s32 v21, v22  }
0x9b: {  	v22 =	vnsel vm6, $0x860, v22;
	_ =	sdelay $0x2  }
0x9c: {  	[tilespmem:v23+s29+$0x0] =	vst.idx.msk $0xffff, v20  }
0x9d: {  	[tilespmem:v23+s30+$0x0] =	vst.idx.msk $0xffff, v19  }
0x9e: {  	v19 =	vadd.s32 $0xFFFFFF00, v19;
	[tilespmem:v22+s31+$0x0] =	vst.idx.msk $0xffff, v20  }
0x9f: {  	s17 =	sshra.s32 s17, $0x2;
	[tilespmem:v22+s0+$0x0] =	vst.idx.msk $0xffff, v19  }
0xa0: {  	v19 =	vld [tilespmem:s17+$0x900];
	_ =	sdelay $0x4  }
0xa1: {  	v19 =	vsub.s32 v19, v18  }
0xa2: {  	vm5 =	vlt.u32 v19, $0x100  }
0xa3: {  	v55 =	vand.u32 $0xFFFFFF00, v19;
	v20 =	vsel vm5, $0x1, v4  }
0xa4: {  	vm6 =	veq.s32 v55, $0x100;
	v56 =	vperm.xlane v20, v5  }
0xa5: {  	vm7 =	veq.s32 v6, $0x0;
	v22 =	vsel vm6, $0x1, v4  }
0xa6: {  	v24 =	vperm.xlane v22, v5;
	v23 =	vsel vm7, $0x0, v56  }
0xa7: {  	v20 =	vadd.s32 v20, v23  }
0xa8: {  	(v2sf) =	vpush v21, $0xF;
	v58 =	vsel vm7, $0x0, v24;
	v57 =	vperm.xlane v20, v7  }
0xa9: {  	v22 =	vadd.s32 v22, v58  }
0xaa: {  	v23 =	vperm.xlane v22, v7;
	v21 =	vsel vm0, $0x0, v57  }
0xab: {  	v20 =	vadd.s32 v21, v20  }
0xac: {  	v23 =	vsel vm0, $0x0, v23;
	v21 =	vperm.xlane v20, v8  }
0xad: {  	v22 =	vadd.s32 v23, v22  }
0xae: {  	v23 =	vperm.xlane v22, v8;
	v21 =	vsel vm1, $0x0, v21  }
0xaf: {  	v20 =	vadd.s32 v21, v20  }
0xb0: {  	v23 =	vsel vm1, $0x0, v23;
	v21 =	vperm.xlane v20, v9  }
0xb1: {  	v22 =	vadd.s32 v23, v22  }
0xb2: {  	v23 =	vperm.xlane v22, v9;
	v21 =	vsel vm2, $0x0, v21  }
0xb3: {  	v20 =	vadd.s32 v21, v20  }
0xb4: {  	v59 =	vsel vm2, $0x0, v23;
	(v2sf) =	vpush v20, $0xF  }
0xb5: {  	s18 =	spop (v2sf);
	v21 =	vadd.s32 v59, v22  }
0xb6: {  	s16 =	sadd.s32 s16, s18;
	(v2sf) =	vpush v21, $0xF  }
0xb7: {  	s20 =	spop (v2sf);
	v60 =	vmov s16  }
0xb8: {  	s15 =	sadd.s32 s15, s20;
	v22 =	vadd.s32 $0xFFFFFFFF, v60  }
0xb9: {  	v61 =	vmov s15;
	v22 =	vbroadcast v22, $0x0  }
0xba: {  	v23 =	vadd.s32 $0xFFFFFFFF, v61  }
0xbb: {  	v62 =	vbroadcast v23, $0x0;
	v20 =	vadd.s32 v20, v22  }
0xbc: {  	v63 =	vld [tilespmem:s17+$0x0];
	v20 =	vnsel vm5, $0x860, v20  }
0xbd: {  	v21 =	vadd.s32 v21, v62  }
0xbe: {  	v21 =	vnsel vm6, $0x860, v21;
	_ =	sdelay $0x2  }
0xbf: {  	[tilespmem:v20+s29+$0x0] =	vst.idx.msk $0xffff, v63  }
0xc0: {  	[tilespmem:v20+s30+$0x0] =	vst.idx.msk $0xffff, v19  }
0xc1: {  	v19 =	vadd.s32 $0xFFFFFF00, v19;
	[tilespmem:v21+s31+$0x0] =	vst.idx.msk $0xffff, v63;
	s18 =	spop (v2sf)  }
0xc2: {  	[tilespmem:v21+s0+$0x0] =	vst.idx.msk $0xffff, v19;
	s16 =	sadd.s32 s16, s18  }
0xc3: {  	s19 =	spop (v2sf);
	[tilespmem:s16+$0x1200] =	vst v4  }
0xc4: {  	s15 =	sadd.s32 s15, s19;
	[tilespmem:s16+$0x1B00] =	vst v10  }
0xc5: {  	[tilespmem:s15+$0x2400] =	vst v4  }
0xc6: {  	[tilespmem:s15+$0x2D00] =	vst v10  }
0xc7: {  	[tilespmem:s16+$0x1210] =	vst v4  }
0xc8: {  	[tilespmem:s16+$0x1B10] =	vst v10  }
0xc9: {  	[tilespmem:s15+$0x2410] =	vst v4  }
0xca: {  	[tilespmem:s15+$0x2D10] =	vst v10  }
0xcb: {  	[tilespmem:s16+$0x1220] =	vst v4  }
0xcc: {  	[tilespmem:s16+$0x1B20] =	vst v10  }
0xcd: {  	[tilespmem:s15+$0x2420] =	vst v4  }
0xce: {  	[tilespmem:s15+$0x2D20] =	vst v10  }
0xcf: {  	[tilespmem:s16+$0x1230] =	vst v4  }
0xd0: {  	[tilespmem:s16+$0x1B30] =	vst v10  }
0xd1: {  	[tilespmem:s15+$0x2430] =	vst v4  }
0xd2: {  	[tilespmem:s15+$0x2D30] =	vst v10  }
0xd3: {  	[tilespmem:s16+$0x1240] =	vst v4  }
0xd4: {  	[tilespmem:s16+$0x1B40] =	vst v10  }
0xd5: {  	[tilespmem:s15+$0x2440] =	vst v4  }
0xd6: {  	[tilespmem:s15+$0x2D40] =	vst v10  }
0xd7: {  	[tilespmem:s16+$0x1250] =	vst v4  }
0xd8: {  	[tilespmem:s16+$0x1B50] =	vst v10  }
0xd9: {  	[tilespmem:s15+$0x2450] =	vst v4  }
0xda: {  	[tilespmem:s15+$0x2D50] =	vst v10  }
0xdb: {  	[tilespmem:s16+$0x1260] =	vst v4  }
0xdc: {  	[tilespmem:s16+$0x1B60] =	vst v10  }
0xdd: {  	[tilespmem:s15+$0x2460] =	vst v4  }
0xde: {  	[tilespmem:s15+$0x2D60] =	vst v10  }
0xdf: {  	[tilespmem:s16+$0x1270] =	vst v4  }
0xe0: {  	[tilespmem:s16+$0x1B70] =	vst v10  }
0xe1: {  	[tilespmem:s15+$0x2470] =	vst v4  }
0xe2: {  	s20 =	rddreg [dreg:$0xd];
	[tilespmem:s15+$0x2D70] =	vst v10  }
0xe3: {  	[spmem:s20] =	stream.linear.scatter [tilespmem:s29], [sflag:$0x3], $0x890, $0x38;
	[tilespmem:$0x1A5D0] =	vst v63  }
0xe4: {  	_ =	swait.ge [sflag:s25], $0x890  }
0xe5: {  	[sflag:s25] =	ssyncset.done $0x0  }
0xe6: {  	s18 =	rddreg [dreg:$0xe];
	[sflag:s25] =	ssyncadd.s32 $0xFFFFF770  }
0xe7: {  	[spmem:s18] =	stream.linear.scatter [tilespmem:s30], [sflag:$0x3], $0x890, $0x38;
	[tilespmem:$0x1A5D0] =	vst v63  }
0xe8: {  	_ =	swait.ge [sflag:s25], $0x890  }
0xe9: {  	[sflag:s25] =	ssyncset.done $0x0  }
0xea: {  	s19 =	rddreg [dreg:$0xf];
	[sflag:s25] =	ssyncadd.s32 $0xFFFFF770  }
0xeb: {  	[spmem:s19] =	stream.linear.scatter [tilespmem:s31], [sflag:$0x3], $0x890, $0x38;
	[tilespmem:$0x1A5D0] =	vst v63  }
0xec: {  	_ =	swait.ge [sflag:s25], $0x890  }
0xed: {  	[sflag:s25] =	ssyncset.done $0x0  }
0xee: {  	s20 =	rddreg [dreg:$0x10];
	[sflag:s25] =	ssyncadd.s32 $0xFFFFF770  }
0xef: {  	[spmem:s20] =	stream.linear.scatter [tilespmem:s0], [sflag:$0x3], $0x890, $0x38;
	[tilespmem:$0x1A5D0] =	vst v63  }
0xf0: {  	v19 =	vmov s16;
	_ =	swait.ge [sflag:s25], $0x890  }
0xf1: {  	v19 =	vnsel vm3, $0x0, v19;
	[sflag:s25] =	ssyncset.done $0x0  }
0xf2: {  	v19 =	vsel vm4, s15, v19;
	[sflag:s25] =	ssyncadd.s32 $0xFFFFF770  }
0xf3: {  	s19 =	simm.s32 $0xDB00;
	s18 =	rddreg [dreg:$0x11];
	[tilespmem:$0xDB00] =	vst v19  }
0xf4: {  	[spmem:s18] =	stream.linear.scatter [tilespmem:s19], [sflag:$0x3], $0x10, $0x38;
	[tilespmem:$0x1A5D0] =	vst v63  }
0xf5: {  	_ =	swait.ge [sflag:s25], $0x10  }
0xf6: {  	[sflag:s25] =	ssyncset.done $0x0  }
0xf7: {  	[sflag:s25] =	ssyncadd.s32 $0xFFFFFFF0  }
0xf8: {  	[bflag:$0x0] =	sbarrier.arrive $0xFFFF  }
.Ltmp8:
0xf9: {  	s20 =	rddreg [dreg:$0x3];
	(pc) =	sbr.rel .LBB2_8-.Ltmp8, $4  }
0xfa: {  	[tilespmem:s9], [sflag:$0x3] =	stream.linear.gather [spmem:s20], $0x100, $0x38;
	[tilespmem:$0x1A5D0] =	vst v63  }
0xfb: {  	_ =	swait.ge [sflag:s25], $0x100  }
0xfc: {  	[sflag:s25] =	ssyncset.done $0x0  }
0xfd: {  	s16 =	simm.s32 $0x0;
	s15 =	simm.s32 $0x0;
	[sflag:s25] =	ssyncadd.s32 $0xFFFFFF00  }
.LBB2_12:
0xfe: {  	s16 =	sadd.s32 $0x1, s16  }
0xff: {  	p0 =	sne.s32 s16, $0x10  }
.Ltmp9:
0x100: {  	_ = 	snop;
	(pc) =	sbr.rel @!p0 .LBB2_13-.Ltmp9, $1  }
0x101: {  	_ =	sdelay $0x3  }
.LBB2_8:
0x102: {  	s17 =	sshll.u32 s16, $0x4  }
0x103: {  	s17 =	sor.u32 s6, s17  }
0x104: {  	v19 =	vmov s17;
	_ =	sdelay $0x4  }
0x105: {  	v19 =	vld.idx.msk [tilespmem:v19+s9+$0x0], $0xffff;
	_ =	sdelay $0x4  }
0x106: {  	(v2sf) =	vpush v19, $0x0;
	_ =	sdelay $0x7  }
0x107: {  	s18 =	sadd.s32 s21, s16  }
0x108: {  	s17 =	smul.u32 $0x890, s18;
	_ =	sdelay $0x1  }
0x109: {  	s18 =	sadd.s32 s17, s2  }
0x10a: {  	[tilespmem:s15], [sflag:$0x1] =	stream.linear.gather [spmem:s18], $0x890, $0x38;
	[tilespmem:$0x1A5D0] =	vst v63  }
0x10b: {  	s17 =	sadd.s32 s17, s3  }
0x10c: {  	[tilespmem:s28], [sflag:$0x2] =	stream.linear.gather [spmem:s17], $0x890, $0x38;
	[tilespmem:$0x1A5D0] =	vst v63  }
0x10d: {  	s19 =	spop (v2sf)  }
0x10e: {  	s17 =	sadd.s32 $0x3F, s19  }
0x10f: {  	s18 =	sand.u32 $0x3F, s17  }
0x110: {  	s19 =	sshra.s32 s17, $0x1F;
	p0 =	slt.s32 s17, $0x1;
	p1 =	sne.s32 s18, $0x0  }
0x111: {  	s20 =	sshrl.u32 s19, $0x1A;
	p0 =	por !p0, !p1  }
0x112: {  	s18 =	simm.s32 $0x1;
	s17 =	sadd.s32 s20, s17;
	p0 =	por !p0, !p0  }
0x113: {  	s17 =	sshra.s32 s17, $0x6;
	s18 =	simm.s32 @!p0 $0x0  }
0x114: {  	s17 =	ssub.s32 s17, s18  }
0x115: {  	_ =	swait.ge [sflag:s23], $0x890;
	p0 =	slt.s32 s17, $0x1  }
.Ltmp10:
0x116: {  	[sflag:s23] =	ssyncset.done $0x0;
	(pc) =	sbr.rel @p0 .LBB2_12-.Ltmp10, $4  }
0x117: {  	[sflag:s23] =	ssyncadd.s32 $0xFFFFF770  }
0x118: {  	_ =	swait.ge [sflag:s5], $0x890  }
0x119: {  	[sflag:s5] =	ssyncset.done $0x0  }
0x11a: {  	[sflag:s5] =	ssyncadd.s32 $0xFFFFF770;
	s18 =	simm.s32 $0x0  }
.LBB2_9:
0x11b: {  	s19 =	sshll.u32 s18, $0x6  }
0x11c: {  	v19 =	vld [tilespmem:s19+$0x0]  }
0x11d: {  	v20 =	vld [tilespmem:s19+$0x900];
	_ =	sdelay $0x3  }
0x11e: {  	v19 =	vshll.u32 v19, $0x3  }
0x11f: {  	[tilespmem:$0xDD00] =	vst v20;
	v19 =	vor.u32 v0, v19  }
0x120: {  	[tilespmem:$0xDC80] =	vst v19  }
0x121: {  	v19 =	vld [tilespmem:s19+$0x10]  }
0x122: {  	v20 =	vld [tilespmem:s19+$0x910];
	_ =	sdelay $0x3  }
0x123: {  	v19 =	vshll.u32 v19, $0x3  }
0x124: {  	[tilespmem:$0xDD10] =	vst v20;
	v19 =	vor.u32 v0, v19  }
0x125: {  	[tilespmem:$0xDC90] =	vst v19  }
0x126: {  	v19 =	vld [tilespmem:s19+$0x20]  }
0x127: {  	v20 =	vld [tilespmem:s19+$0x920];
	_ =	sdelay $0x3  }
0x128: {  	v19 =	vshll.u32 v19, $0x3  }
0x129: {  	[tilespmem:$0xDD20] =	vst v20;
	v19 =	vor.u32 v0, v19  }
0x12a: {  	[tilespmem:$0xDCA0] =	vst v19  }
0x12b: {  	v19 =	vld [tilespmem:s19+$0x30]  }
0x12c: {  	v20 =	vld [tilespmem:s19+$0x930];
	_ =	sdelay $0x3  }
0x12d: {  	v19 =	vshll.u32 v19, $0x3  }
0x12e: {  	[tilespmem:$0xDD30] =	vst v20;
	v19 =	vor.u32 v0, v19  }
0x12f: {  	[tilespmem:$0xDCB0] =	vst v19  }
0x130: {  	[tilespmem:s13], [sflag:$0x1] =	stream.indirect.gather [hbm4b:s11+s10], $0x80, s12, s10, $0xb8;
	[tilespmem:$0x1A5D0] =	vst v63  }
0x131: {  	_ =	swait.ge [sflag:s23], $0x2000  }
0x132: {  	[sflag:s23] =	ssyncset.done $0x0  }
0x133: {  	[sflag:s23] =	ssyncadd.s32 $0xFFFFE000  }
0x134: {  	v19 =	vld [tilespmem:s19+$0x0]  }
0x135: {  	v20 =	vld [tilespmem:s19+$0x900];
	_ =	sdelay $0x4  }
0x136: {  	v19 =	vshll.u32 v19, $0x2;
	v20 =	vadd.s32 v2, v20  }
0x137: {  	v19 =	vor.u32 v1, v19;
	v20 =	vshll.u32 v20, $0x2  }
0x138: {  	v20 =	vor.u32 v1, v20;
	_ =	sdelay $0x3  }
0x139: {  	v19 =	vld.idx.msk [tilespmem:v19+s24+$0x0], $0xffff  }
0x13a: {  	v20 =	vld.idx.msk [tilespmem:v20+s26+$0x0], $0xffff;
	_ =	sdelay $0x4  }
0x13b: {  	v19 =	vadd.f32 v20, v19;
	_ =	sdelay $0x1  }
0x13c: {  	v20 =	vmul.f32 $2.000000030e-01, v19;
	_ =	sdelay $0x1  }
0x13d: {  	v19 =	vmax.f32 v19, v20  }
0x13e: {  	v19 =	vmul.f32 $1.442695020e+00, v19;
	_ =	sdelay $0x1  }
0x13f: {  	(erf) = vpow2.f32 v19;
	_ =	sdelay $0x8  }
0x140: {  	v19 =	vpop (erf)  }
0x141: {  	[tilespmem:$0xDD80] =	vst v19  }
0x142: {  	v19 =	vld [tilespmem:s19+$0x10]  }
0x143: {  	v20 =	vld [tilespmem:s19+$0x910];
	_ =	sdelay $0x4  }
0x144: {  	v19 =	vshll.u32 v19, $0x2;
	v20 =	vadd.s32 v2, v20  }
0x145: {  	v19 =	vor.u32 v1, v19;
	v20 =	vshll.u32 v20, $0x2  }
0x146: {  	v20 =	vor.u32 v1, v20;
	_ =	sdelay $0x3  }
0x147: {  	v19 =	vld.idx.msk [tilespmem:v19+s24+$0x0], $0xffff  }
0x148: {  	v20 =	vld.idx.msk [tilespmem:v20+s26+$0x0], $0xffff;
	_ =	sdelay $0x4  }
0x149: {  	v19 =	vadd.f32 v20, v19;
	_ =	sdelay $0x1  }
0x14a: {  	v20 =	vmul.f32 $2.000000030e-01, v19;
	_ =	sdelay $0x1  }
0x14b: {  	v19 =	vmax.f32 v19, v20  }
0x14c: {  	v19 =	vmul.f32 $1.442695020e+00, v19;
	_ =	sdelay $0x1  }
0x14d: {  	(erf) = vpow2.f32 v19;
	_ =	sdelay $0x8  }
0x14e: {  	v19 =	vpop (erf)  }
0x14f: {  	[tilespmem:$0xDD90] =	vst v19  }
0x150: {  	v19 =	vld [tilespmem:s19+$0x20]  }
0x151: {  	v20 =	vld [tilespmem:s19+$0x920];
	_ =	sdelay $0x4  }
0x152: {  	v19 =	vshll.u32 v19, $0x2;
	v20 =	vadd.s32 v2, v20  }
0x153: {  	v19 =	vor.u32 v1, v19;
	v20 =	vshll.u32 v20, $0x2  }
0x154: {  	v20 =	vor.u32 v1, v20;
	_ =	sdelay $0x3  }
0x155: {  	v19 =	vld.idx.msk [tilespmem:v19+s24+$0x0], $0xffff  }
0x156: {  	v20 =	vld.idx.msk [tilespmem:v20+s26+$0x0], $0xffff;
	_ =	sdelay $0x4  }
0x157: {  	v19 =	vadd.f32 v20, v19;
	_ =	sdelay $0x1  }
0x158: {  	v20 =	vmul.f32 $2.000000030e-01, v19;
	_ =	sdelay $0x1  }
0x159: {  	v19 =	vmax.f32 v19, v20  }
0x15a: {  	v19 =	vmul.f32 $1.442695020e+00, v19;
	_ =	sdelay $0x1  }
0x15b: {  	(erf) = vpow2.f32 v19;
	_ =	sdelay $0x8  }
0x15c: {  	v19 =	vpop (erf)  }
0x15d: {  	[tilespmem:$0xDDA0] =	vst v19  }
0x15e: {  	v19 =	vld [tilespmem:s19+$0x30]  }
0x15f: {  	v20 =	vld [tilespmem:s19+$0x930];
	_ =	sdelay $0x4  }
0x160: {  	v19 =	vshll.u32 v19, $0x2;
	v20 =	vadd.s32 v2, v20  }
0x161: {  	v19 =	vor.u32 v1, v19;
	v20 =	vshll.u32 v20, $0x2  }
0x162: {  	v20 =	vor.u32 v1, v20;
	_ =	sdelay $0x3  }
0x163: {  	v19 =	vld.idx.msk [tilespmem:v19+s24+$0x0], $0xffff  }
0x164: {  	v20 =	vld.idx.msk [tilespmem:v20+s26+$0x0], $0xffff;
	_ =	sdelay $0x4  }
0x165: {  	v19 =	vadd.f32 v20, v19;
	_ =	sdelay $0x1  }
0x166: {  	v20 =	vmul.f32 $2.000000030e-01, v19;
	_ =	sdelay $0x1  }
0x167: {  	v19 =	vmax.f32 v19, v20  }
0x168: {  	v19 =	vmul.f32 $1.442695020e+00, v19;
	_ =	sdelay $0x1  }
0x169: {  	(erf) = vpow2.f32 v19;
	_ =	sdelay $0x4  }
0x16a: {  	s20 =	simm.s32 $0x0  }
0x16b: {  	v20 =	vmov s20;
	_ =	sdelay $0x2  }
0x16c: {  	v19 =	vpop (erf)  }
0x16d: {  	[tilespmem:$0xDDB0] =	vst v19  }
0x16e: {  	v19 =	vld.idx.msk [tilespmem:v20+s22+$0x0], $0xffff;
	_ =	sdelay $0x2  }
0x16f: {  	v21 =	vshll.u32 v20, $0x7  }
0x170: {  	v22 =	vor.u32 v6, v21  }
0x171: {  	v23 =	vshll.u32 v19, $0x7  }
0x172: {  	v24 =	vor.u32 v6, v23;
	_ =	sdelay $0x1  }
0x173: {  	v25 =	vld.idx.msk [tilespmem:v20+s14+$0x0], $0xffff  }
0x174: {  	v20 =	vld.idx.msk [tilespmem:v22+s13+$0x0], $0xffff;
	_ =	sdelay $0x1  }
0x175: {  	v22 =	vld.idx.msk [tilespmem:v24+s4+$0x0], $0xffff;
	_ =	sdelay $0x2  }
0x176: {  	v26 =	vor.u32 v11, v21;
	v20 =	vmul.f32 v20, v25;
	_ =	sdelay $0x1  }
0x177: {  	v20 =	vadd.f32 v20, v22;
	v22 =	vor.u32 v11, v23;
	_ =	sdelay $0x1  }
0x178: {  	[tilespmem:v24+s4+$0x0] =	vst.idx.msk $0xffff, v20  }
0x179: {  	v20 =	vld.idx.msk [tilespmem:v26+s13+$0x0], $0xffff;
	_ =	sdelay $0x1  }
0x17a: {  	v24 =	vld.idx.msk [tilespmem:v22+s4+$0x0], $0xffff;
	_ =	sdelay $0x2  }
0x17b: {  	v57 =	vor.u32 v12, v21;
	v20 =	vmul.f32 v20, v25;
	_ =	sdelay $0x1  }
0x17c: {  	v58 =	vor.u32 v12, v23;
	v20 =	vadd.f32 v20, v24;
	_ =	sdelay $0x1  }
0x17d: {  	[tilespmem:v22+s4+$0x0] =	vst.idx.msk $0xffff, v20  }
0x17e: {  	v20 =	vld.idx.msk [tilespmem:v57+s13+$0x0], $0xffff;
	_ =	sdelay $0x1  }
0x17f: {  	v22 =	vld.idx.msk [tilespmem:v58+s4+$0x0], $0xffff;
	_ =	sdelay $0x2  }
0x180: {  	v59 =	vor.u32 v13, v21;
	v20 =	vmul.f32 v20, v25;
	_ =	sdelay $0x1  }
0x181: {  	v20 =	vadd.f32 v20, v22;
	v22 =	vor.u32 v13, v23;
	_ =	sdelay $0x1  }
0x182: {  	[tilespmem:v58+s4+$0x0] =	vst.idx.msk $0xffff, v20  }
0x183: {  	v20 =	vld.idx.msk [tilespmem:v59+s13+$0x0], $0xffff;
	_ =	sdelay $0x1  }
0x184: {  	v24 =	vld.idx.msk [tilespmem:v22+s4+$0x0], $0xffff;
	_ =	sdelay $0x2  }
0x185: {  	v60 =	vor.u32 v14, v21;
	v20 =	vmul.f32 v20, v25;
	_ =	sdelay $0x1  }
0x186: {  	v61 =	vor.u32 v14, v23;
	v20 =	vadd.f32 v20, v24;
	_ =	sdelay $0x1  }
0x187: {  	[tilespmem:v22+s4+$0x0] =	vst.idx.msk $0xffff, v20  }
0x188: {  	v20 =	vld.idx.msk [tilespmem:v60+s13+$0x0], $0xffff;
	_ =	sdelay $0x1  }
0x189: {  	v22 =	vld.idx.msk [tilespmem:v61+s4+$0x0], $0xffff;
	_ =	sdelay $0x2  }
0x18a: {  	v62 =	vor.u32 v15, v21;
	v20 =	vmul.f32 v20, v25;
	_ =	sdelay $0x1  }
0x18b: {  	v20 =	vadd.f32 v20, v22;
	v22 =	vor.u32 v15, v23;
	_ =	sdelay $0x1  }
0x18c: {  	[tilespmem:v61+s4+$0x0] =	vst.idx.msk $0xffff, v20  }
0x18d: {  	v20 =	vld.idx.msk [tilespmem:v62+s13+$0x0], $0xffff;
	_ =	sdelay $0x1  }
0x18e: {  	v24 =	vld.idx.msk [tilespmem:v22+s4+$0x0], $0xffff;
	_ =	sdelay $0x2  }
0x18f: {  	v63 =	vor.u32 v16, v21;
	v20 =	vmul.f32 v20, v25;
	_ =	sdelay $0x1  }
0x190: {  	v27 =	vor.u32 v16, v23;
	v20 =	vadd.f32 v20, v24;
	_ =	sdelay $0x1  }
0x191: {  	[tilespmem:v22+s4+$0x0] =	vst.idx.msk $0xffff, v20  }
0x192: {  	v20 =	vld.idx.msk [tilespmem:v63+s13+$0x0], $0xffff;
	_ =	sdelay $0x1  }
0x193: {  	v22 =	vld.idx.msk [tilespmem:v27+s4+$0x0], $0xffff;
	_ =	sdelay $0x2  }
0x194: {  	v21 =	vor.u32 v17, v21;
	v20 =	vmul.f32 v20, v25;
	_ =	sdelay $0x1  }
0x195: {  	v23 =	vor.u32 v17, v23;
	v20 =	vadd.f32 v20, v22;
	_ =	sdelay $0x1  }
0x196: {  	[tilespmem:v27+s4+$0x0] =	vst.idx.msk $0xffff, v20  }
0x197: {  	v20 =	vld.idx.msk [tilespmem:v21+s13+$0x0], $0xffff;
	_ =	sdelay $0x1  }
0x198: {  	v21 =	vld.idx.msk [tilespmem:v23+s4+$0x0], $0xffff;
	_ =	sdelay $0x2  }
0x199: {  	v20 =	vmul.f32 v20, v25;
	_ =	sdelay $0x1  }
0x19a: {  	v20 =	vadd.f32 v20, v21;
	_ =	sdelay $0x1  }
0x19b: {  	[tilespmem:v23+s4+$0x0] =	vst.idx.msk $0xffff, v20  }
0x19c: {  	v21 =	vld.idx.msk [tilespmem:v19+s1+$0x0], $0xffff;
	_ =	sdelay $0x1  }
0x19d: {  	s20 =	simm.s32 $0x1  }
0x19e: {  	v22 =	vmov s20  }
0x19f: {  	v20 =	vshll.u32 v22, $0x7  }
0x1a0: {  	s19 =	simm.s32 $0x2;
	v23 =	vor.u32 v6, v20;
	v21 =	vadd.f32 v21, v25  }
.LBB2_10:
0x1a1: {  	_ = 	snop  }
0x1a2: {  	p0 =	sne.s32 s19, $0x3F;
	s20 =	smov.u32 s19;
	s19 =	sadd.s32 $0x1, s19;
	[tilespmem:v19+s1+$0x0] =	vst.idx.msk $0xffff, v21  }
0x1a3: {  	v19 =	vld.idx.msk [tilespmem:v22+s22+$0x0], $0xffff;
	_ =	sdelay $0x5  }
0x1a4: {  	v24 =	vshll.u32 v19, $0x7  }
0x1a5: {  	v25 =	vor.u32 v6, v24;
	_ =	sdelay $0x1  }
0x1a6: {  	v21 =	vld.idx.msk [tilespmem:v22+s14+$0x0], $0xffff  }
0x1a7: {  	v22 =	vld.idx.msk [tilespmem:v23+s13+$0x0], $0xffff;
	_ =	sdelay $0x1  }
0x1a8: {  	v23 =	vld.idx.msk [tilespmem:v25+s4+$0x0], $0xffff;
	_ =	sdelay $0x3  }
0x1a9: {  	v26 =	vor.u32 v11, v20;
	v22 =	vmul.f32 v22, v21;
	_ =	sdelay $0x1  }
0x1aa: {  	v22 =	vadd.f32 v22, v23;
	v23 =	vor.u32 v11, v24;
	_ =	sdelay $0x1  }
0x1ab: {  	[tilespmem:v25+s4+$0x0] =	vst.idx.msk $0xffff, v22  }
0x1ac: {  	v22 =	vld.idx.msk [tilespmem:v26+s13+$0x0], $0xffff;
	_ =	sdelay $0x1  }
0x1ad: {  	v25 =	vld.idx.msk [tilespmem:v23+s4+$0x0], $0xffff;
	_ =	sdelay $0x3  }
0x1ae: {  	v26 =	vor.u32 v12, v20;
	v22 =	vmul.f32 v22, v21;
	_ =	sdelay $0x1  }
0x1af: {  	v22 =	vadd.f32 v22, v25;
	v25 =	vor.u32 v12, v24;
	_ =	sdelay $0x1  }
0x1b0: {  	[tilespmem:v23+s4+$0x0] =	vst.idx.msk $0xffff, v22  }
0x1b1: {  	v22 =	vld.idx.msk [tilespmem:v26+s13+$0x0], $0xffff;
	_ =	sdelay $0x1  }
0x1b2: {  	v23 =	vld.idx.msk [tilespmem:v25+s4+$0x0], $0xffff;
	_ =	sdelay $0x3  }
0x1b3: {  	v26 =	vor.u32 v13, v20;
	v22 =	vmul.f32 v22, v21;
	_ =	sdelay $0x1  }
0x1b4: {  	v22 =	vadd.f32 v22, v23;
	v23 =	vor.u32 v13, v24;
	_ =	sdelay $0x1  }
0x1b5: {  	[tilespmem:v25+s4+$0x0] =	vst.idx.msk $0xffff, v22  }
0x1b6: {  	v22 =	vld.idx.msk [tilespmem:v26+s13+$0x0], $0xffff;
	_ =	sdelay $0x1  }
0x1b7: {  	v25 =	vld.idx.msk [tilespmem:v23+s4+$0x0], $0xffff;
	_ =	sdelay $0x3  }
0x1b8: {  	v26 =	vor.u32 v14, v20;
	v22 =	vmul.f32 v22, v21;
	_ =	sdelay $0x1  }
0x1b9: {  	v22 =	vadd.f32 v22, v25;
	v25 =	vor.u32 v14, v24;
	_ =	sdelay $0x1  }
0x1ba: {  	[tilespmem:v23+s4+$0x0] =	vst.idx.msk $0xffff, v22  }
0x1bb: {  	v22 =	vld.idx.msk [tilespmem:v26+s13+$0x0], $0xffff;
	_ =	sdelay $0x1  }
0x1bc: {  	v23 =	vld.idx.msk [tilespmem:v25+s4+$0x0], $0xffff;
	_ =	sdelay $0x3  }
0x1bd: {  	v26 =	vor.u32 v15, v20;
	v22 =	vmul.f32 v22, v21;
	_ =	sdelay $0x1  }
0x1be: {  	v22 =	vadd.f32 v22, v23;
	v23 =	vor.u32 v15, v24;
	_ =	sdelay $0x1  }
0x1bf: {  	[tilespmem:v25+s4+$0x0] =	vst.idx.msk $0xffff, v22  }
0x1c0: {  	v22 =	vld.idx.msk [tilespmem:v26+s13+$0x0], $0xffff;
	_ =	sdelay $0x1  }
0x1c1: {  	v25 =	vld.idx.msk [tilespmem:v23+s4+$0x0], $0xffff;
	_ =	sdelay $0x3  }
0x1c2: {  	v26 =	vor.u32 v16, v20;
	v22 =	vmul.f32 v22, v21  }
0x1c3: {  	v27 =	vor.u32 v16, v24  }
0x1c4: {  	v22 =	vadd.f32 v22, v25;
	_ =	sdelay $0x1  }
0x1c5: {  	[tilespmem:v23+s4+$0x0] =	vst.idx.msk $0xffff, v22  }
0x1c6: {  	v22 =	vld.idx.msk [tilespmem:v26+s13+$0x0], $0xffff  }
0x1c7: {  	v23 =	vld.idx.msk [tilespmem:v27+s4+$0x0], $0xffff;
	_ =	sdelay $0x4  }
0x1c8: {  	v20 =	vor.u32 v17, v20;
	v22 =	vmul.f32 v22, v21  }
0x1c9: {  	v24 =	vor.u32 v17, v24  }
0x1ca: {  	v22 =	vadd.f32 v22, v23;
	_ =	sdelay $0x1  }
0x1cb: {  	[tilespmem:v27+s4+$0x0] =	vst.idx.msk $0xffff, v22  }
0x1cc: {  	v20 =	vld.idx.msk [tilespmem:v20+s13+$0x0], $0xffff  }
0x1cd: {  	v22 =	vld.idx.msk [tilespmem:v24+s4+$0x0], $0xffff;
	_ =	sdelay $0x4  }
0x1ce: {  	v20 =	vmul.f32 v20, v21;
	_ =	sdelay $0x1  }
0x1cf: {  	v20 =	vadd.f32 v20, v22;
	_ =	sdelay $0x1  }
0x1d0: {  	[tilespmem:v24+s4+$0x0] =	vst.idx.msk $0xffff, v20  }
0x1d1: {  	v24 =	vld.idx.msk [tilespmem:v19+s1+$0x0], $0xffff;
	_ =	sdelay $0x1  }
.Ltmp11:
0x1d2: {  	(pc) =	sbr.rel @p0 .LBB2_10-.Ltmp11, $4  }
0x1d3: {  	_ = 	snop  }
0x1d4: {  	v22 =	vmov s20  }
0x1d5: {  	v20 =	vshll.u32 v22, $0x7  }
0x1d6: {  	v23 =	vor.u32 v6, v20;
	v21 =	vadd.f32 v24, v21  }
0x1d7: {  	_ =	sdelay $0x3  }
0x1d8: {  	[tilespmem:v19+s1+$0x0] =	vst.idx.msk $0xffff, v21  }
0x1d9: {  	v19 =	vld.idx.msk [tilespmem:v22+s22+$0x0], $0xffff;
	_ =	sdelay $0x4  }
0x1da: {  	v51 =	vshll.u32 v19, $0x7  }
0x1db: {  	v24 =	vor.u32 v6, v51;
	_ =	sdelay $0x1  }
0x1dc: {  	v52 =	vld.idx.msk [tilespmem:v22+s14+$0x0], $0xffff  }
0x1dd: {  	v23 =	vld.idx.msk [tilespmem:v23+s13+$0x0], $0xffff;
	_ =	sdelay $0x1  }
0x1de: {  	v25 =	vld.idx.msk [tilespmem:v24+s4+$0x0], $0xffff;
	_ =	sdelay $0x2  }
0x1df: {  	v26 =	vor.u32 v11, v20;
	v23 =	vmul.f32 v23, v52;
	_ =	sdelay $0x1  }
0x1e0: {  	v53 =	vor.u32 v11, v51;
	v23 =	vadd.f32 v23, v25;
	_ =	sdelay $0x1  }
0x1e1: {  	[tilespmem:v24+s4+$0x0] =	vst.idx.msk $0xffff, v23  }
0x1e2: {  	v23 =	vld.idx.msk [tilespmem:v26+s13+$0x0], $0xffff;
	_ =	sdelay $0x1  }
0x1e3: {  	v24 =	vld.idx.msk [tilespmem:v53+s4+$0x0], $0xffff;
	_ =	sdelay $0x2  }
0x1e4: {  	v54 =	vor.u32 v12, v20;
	v23 =	vmul.f32 v23, v52;
	_ =	sdelay $0x1  }
0x1e5: {  	v55 =	vor.u32 v12, v51;
	v23 =	vadd.f32 v23, v24;
	_ =	sdelay $0x1  }
0x1e6: {  	[tilespmem:v53+s4+$0x0] =	vst.idx.msk $0xffff, v23  }
0x1e7: {  	v23 =	vld.idx.msk [tilespmem:v54+s13+$0x0], $0xffff;
	_ =	sdelay $0x1  }
0x1e8: {  	v25 =	vld.idx.msk [tilespmem:v55+s4+$0x0], $0xffff;
	_ =	sdelay $0x2  }
0x1e9: {  	v56 =	vor.u32 v13, v20;
	v23 =	vmul.f32 v23, v52;
	_ =	sdelay $0x1  }
0x1ea: {  	v57 =	vor.u32 v13, v51;
	v23 =	vadd.f32 v23, v25;
	_ =	sdelay $0x1  }
0x1eb: {  	[tilespmem:v55+s4+$0x0] =	vst.idx.msk $0xffff, v23  }
0x1ec: {  	v23 =	vld.idx.msk [tilespmem:v56+s13+$0x0], $0xffff;
	_ =	sdelay $0x1  }
0x1ed: {  	v24 =	vld.idx.msk [tilespmem:v57+s4+$0x0], $0xffff;
	_ =	sdelay $0x2  }
0x1ee: {  	v58 =	vor.u32 v14, v20;
	v23 =	vmul.f32 v23, v52;
	_ =	sdelay $0x1  }
0x1ef: {  	v59 =	vor.u32 v14, v51;
	v23 =	vadd.f32 v23, v24;
	_ =	sdelay $0x1  }
0x1f0: {  	[tilespmem:v57+s4+$0x0] =	vst.idx.msk $0xffff, v23  }
0x1f1: {  	v23 =	vld.idx.msk [tilespmem:v58+s13+$0x0], $0xffff;
	_ =	sdelay $0x1  }
0x1f2: {  	v25 =	vld.idx.msk [tilespmem:v59+s4+$0x0], $0xffff;
	_ =	sdelay $0x2  }
0x1f3: {  	v60 =	vor.u32 v15, v20;
	v23 =	vmul.f32 v23, v52;
	_ =	sdelay $0x1  }
0x1f4: {  	v61 =	vor.u32 v15, v51;
	v23 =	vadd.f32 v23, v25;
	_ =	sdelay $0x1  }
0x1f5: {  	[tilespmem:v59+s4+$0x0] =	vst.idx.msk $0xffff, v23  }
0x1f6: {  	v23 =	vld.idx.msk [tilespmem:v60+s13+$0x0], $0xffff;
	_ =	sdelay $0x1  }
0x1f7: {  	v24 =	vld.idx.msk [tilespmem:v61+s4+$0x0], $0xffff;
	_ =	sdelay $0x2  }
0x1f8: {  	v62 =	vor.u32 v16, v20;
	v23 =	vmul.f32 v23, v52;
	_ =	sdelay $0x1  }
0x1f9: {  	v27 =	vor.u32 v16, v51;
	v23 =	vadd.f32 v23, v24;
	_ =	sdelay $0x1  }
0x1fa: {  	[tilespmem:v61+s4+$0x0] =	vst.idx.msk $0xffff, v23  }
0x1fb: {  	v23 =	vld.idx.msk [tilespmem:v62+s13+$0x0], $0xffff;
	_ =	sdelay $0x1  }
0x1fc: {  	v63 =	vld.idx.msk [tilespmem:v27+s4+$0x0], $0xffff;
	_ =	sdelay $0x2  }
0x1fd: {  	v20 =	vor.u32 v17, v20;
	v23 =	vmul.f32 v23, v52;
	_ =	sdelay $0x1  }
0x1fe: {  	v21 =	vor.u32 v17, v51;
	v23 =	vadd.f32 v23, v63;
	_ =	sdelay $0x1  }
0x1ff: {  	[tilespmem:v27+s4+$0x0] =	vst.idx.msk $0xffff, v23  }
0x200: {  	v20 =	vld.idx.msk [tilespmem:v20+s13+$0x0], $0xffff;
	_ =	sdelay $0x1  }
0x201: {  	v23 =	vld.idx.msk [tilespmem:v21+s4+$0x0], $0xffff;
	_ =	sdelay $0x2  }
0x202: {  	v20 =	vmul.f32 v20, v52;
	_ =	sdelay $0x1  }
0x203: {  	v20 =	vadd.f32 v20, v23;
	_ =	sdelay $0x1  }
0x204: {  	[tilespmem:v21+s4+$0x0] =	vst.idx.msk $0xffff, v20  }
0x205: {  	v20 =	vld.idx.msk [tilespmem:v19+s1+$0x0], $0xffff  }
0x206: {  	s18 =	sadd.s32 $0x1, s18  }
0x207: {  	p0 =	sne.s32 s18, s17  }
.Ltmp12:
0x208: {  	_ = 	snop;
	(pc) =	sbr.rel @p0 .LBB2_9-.Ltmp12, $4  }
.Ltmp13:
0x209: {  	_ = 	snop;
	(pc) =	sbr.rel @!p0 .LBB2_12-.Ltmp13, $4  }
0x20a: {  	v20 =	vadd.f32 v20, v52  }
0x20b: {  	_ = 	snop  }
0x20c: {  	[tilespmem:v19+s1+$0x0] =	vst.idx.msk $0xffff, v20  }
0x20d: {  	_ = 	snop  }
.LBB2_16:
0x20e: {  	_ =	sfence.sel $0x180000  }
0x20f: {  	[bflag:$0x0] =	sbarrier.arrive $0xFFFF  }
0x210: {  	_ =	strace $0x9000004A  }
0x211: {  	s0 =	stileid.u32;
	[bflag:$0x2] =	sbarrier.arrive $0xFFFF  }
0x212: {  	p0 =	sne.s32 s0, $0x0;
	s0 =	rddreg [dreg:$0x4]  }
0x213: {  	s0 =	sadd.s32 @!p0 $0x100000, s0  }
0x214: {  	[sflag:s0] =	ssyncadd.tile.s32 @!p0 $0x1;
	_ =	shalt  }
.Lfunc_end2:
_tile_overlayer_lowered:
.L_overlay_start_2:
0x215: {  	(tag) =	ssettag $0x2  }
0x216: {  	s0 =	rddreg [dreg:$0x0];
	s2 =	stileid.u32  }
0x217: {  	s1 =	rddreg [dreg:$0x1];
	p0 =	sne.s32 s2, $0x0  }
0x218: {  	s3 =	rddreg [dreg:$0x2];
	[bflag:$0x3] =	sbarrier.arrive $0xFFFF;
	s2 =	simm.s32 @!p0 $0x1C03  }
0x219: {  	[timem:s3], [sflag:s2] =	dma.local @!p0 [hbm:s0], s1  }
0x21a: {  	s0 =	simm.s32 @!p0 $0x3  }
0x21b: {  	_ =	swait.ge @!p0 [sflag:s0], s1  }
0x21c: {  	s1 =	ssub.s32 @!p0 $0x0, s1;
	[sflag:s0] =	ssyncset.done @!p0 $0x0  }
0x21d: {  	[sflag:s0] =	ssyncadd.s32 @!p0 s1  }
0x21e: {  	[bflag:$0x3] =	sbarrier.arrive $0xFFFF  }
0x21f: {  	_ =	shalt  }

// kernel: kernel.7.cloned.1.call-start
scs
__scs_entry_jumppad:
0x0: {  	(pc) =	sbr.rel $0x88, $3  }
0x1: {  	(tag) =	ssettag $0x0;
	lr =	simm.s32 $0x1  }
0x2: {  	[smem:$0x3F92] =	sst lr;
	_ =	strace $0xD0000000  }
0x3: {  	_ = 	snop  }
0x4: {  	_ = 	snop  }
0x5: {  	_ = 	snop  }
0x6: {  	_ = 	snop  }
0x7: {  	_ = 	snop  }
__scs_overlays_trampoline_lowered:
0x8: {  	[smem:$0x3FA1] =	sst s0  }
0x9: {  	[smem:$0x3FA2] =	sst s1  }
0xa: {  	[smem:$0x3FA3] =	sst s2  }
0xb: {  	[smem:$0x3FA4] =	sst s3  }
0xc: {  	[smem:$0x3FA5] =	sst s4  }
0xd: {  	[smem:$0x3FA6] =	sst s5  }
0xe: {  	[smem:$0x3FA7] =	sst s6  }
0xf: {  	[smem:$0x3FA8] =	sst s7  }
0x10: {  	[smem:$0x3FA9] =	sst s8  }
0x11: {  	[smem:$0x3FAA] =	sst s9;
	s0 =	simm.s32 @!p0 $0x0  }
0x12: {  	s1 =	sld [smem:$0x3F90];
	s0 =	simm.s32 @p0 $0x1  }
0x13: {  	[smem:$0x3FAB] =	sst s0;
	s0 =	simm.s32 @!p1 $0x0  }
0x14: {  	s2 =	sld [smem:$0x3F8F];
	s0 =	simm.s32 @p1 $0x1  }
0x15: {  	[smem:$0x3FAC] =	sst s0;
	s0 =	simm.s32 @!p2 $0x0  }
0x16: {  	s3 =	sld [smem:$0x3FDB];
	s0 =	simm.s32 @p2 $0x1  }
0x17: {  	s4 =	simm.s32 $0x1BF5;
	[smem:$0x3FAE] =	sst s0  }
0x18: {  	s0 =	sld [smem:$0x3F91];
	_ =	swait.ge [sflag:s4], $0x0  }
0x19: {  	s7 =	sld [smem:$0x3F92]  }
0x1a: {  	s8 =	sadd.s32 $0xFFFFE003, lr  }
0x1b: {  	s9 =	sadd.s32 $0xFFFFFEF7, lr;
	s5 =	simm.s32 $0xFFFFFFFF;
	p2 =	slt.u32 s8, $0xFFFFF086  }
0x1c: {  	p1 =	slt.u32 s9, $0xF7A;
	s5 =	simm.s32 @!p2 $0x0  }
0x1d: {  	s5 =	simm.s32 @p1 $0x1;
	p0 =	seq.s32 s7, s2  }
0x1e: {  	s7 =	smul.u32 @!p0 $0xF7A, s2;
	p2 =	seq.s32 @!p0 s5, $0x0  }
0x1f: {  	s9 =	smul.u32 $0xF7A, s1;
	s8 =	simm.s32 @!p0 $0x1BF5;
	p2 =	por !p2, p0  }
0x20: {  	[sflag:s8] =	ssyncset.s32 @!p0 $0xFFFFF086;
	s6 =	sadd.s32 @!p0 s3, s7;
	s7 =	simm.s32 @!p0 $0x108  }
0x21: {  	s3 =	sadd.s32 s3, s9;
	s6 =	sadd.s32 @!p0 $0x88, s6;
	s7 =	simm.s32 @p2 $0x1082  }
0x22: {  	[simem:s7], [sflag:s8] =	dma.local @!p0 [hbm:s6], $0xF7A  }
0x23: {  	s9 =	sor.u32 $0xD0000000, s2;
	s6 =	simm.s32 $0x108;
	_ =	swait.ge @!p0 [sflag:s8], $0x0  }
0x24: {  	s3 =	sadd.s32 $0x88, s3;
	s6 =	simm.s32 @!p1 $0x1082;
	[sflag:s4] =	ssyncset.s32 $0xFFFFF086  }
0x25: {  	[simem:s6], [sflag:s4] =	dma.local [hbm:s3], $0xF7A  }
0x26: {  	[smem:$0x3F92] =	sst s1;
	(tag) =	ssettag s2;
	_ =	strace s9  }
0x27: {  	s1 =	sld [smem:$0x3FA2]  }
0x28: {  	s2 =	sld [smem:$0x3FA3]  }
0x29: {  	s4 =	sld [smem:$0x3FA5]  }
0x2a: {  	p0 =	seq.s32 s5, $0x0;
	s5 =	sld [smem:$0x3FA6]  }
0x2b: {  	s6 =	sld [smem:$0x3FA7]  }
0x2c: {  	s7 =	sld [smem:$0x3FA8]  }
0x2d: {  	s3 =	simm.s32 $0x108;
	s8 =	sld [smem:$0x3FA9]  }
0x2e: {  	s3 =	simm.s32 @!p0 $0x1082;
	s9 =	sld [smem:$0x3FAA]  }
0x2f: {  	lr =	sadd.s32 s0, s3;
	s0 =	sld [smem:$0x3FA1]  }
0x30: {  	s3 =	sld [smem:$0x3FA4]  }
0x31: {  	[smem:$0x3FAD] =	sst s10  }
0x32: {  	s10 =	sld [smem:$0x3FAB];
	_ =	sdelay $0x3  }
0x33: {  	p0 =	seq.s32 s10, $0x1;
	s10 =	sld [smem:$0x3FAD];
	_ =	sdelay $0x3  }
0x34: {  	[smem:$0x3FAD] =	sst s10  }
0x35: {  	s10 =	sld [smem:$0x3FAC];
	_ =	sdelay $0x3  }
0x36: {  	p1 =	seq.s32 s10, $0x1;
	s10 =	sld [smem:$0x3FAD];
	_ =	sdelay $0x3  }
0x37: {  	[smem:$0x3FAD] =	sst s10  }
0x38: {  	s10 =	sld [smem:$0x3FAE]  }
0x39: {  	_ = 	snop;
	(pc) =	sbr.ind lr, $3  }
0x3a: {  	_ = 	snop  }
0x3b: {  	_ = 	snop  }
0x3c: {  	p2 =	seq.s32 s10, $0x1;
	s10 =	sld [smem:$0x3FAD]  }
0x3d: {  	_ =	shalt  }
0x3e: {  	_ =	shalt  }
0x3f: {  	_ =	shalt  }
0x40: {  	_ =	shalt  }
0x41: {  	_ =	shalt  }
0x42: {  	_ =	shalt  }
0x43: {  	_ =	shalt  }
0x44: {  	_ =	shalt  }
0x45: {  	_ =	shalt  }
0x46: {  	_ =	shalt  }
0x47: {  	_ =	shalt  }
0x48: {  	_ =	shalt  }
0x49: {  	_ =	shalt  }
0x4a: {  	_ =	shalt  }
0x4b: {  	_ =	shalt  }
0x4c: {  	_ =	shalt  }
0x4d: {  	_ =	shalt  }
0x4e: {  	_ =	shalt  }
0x4f: {  	_ =	shalt  }
0x50: {  	_ =	shalt  }
0x51: {  	_ =	shalt  }
0x52: {  	_ =	shalt  }
0x53: {  	_ =	shalt  }
0x54: {  	_ =	shalt  }
0x55: {  	_ =	shalt  }
0x56: {  	_ =	shalt  }
0x57: {  	_ =	shalt  }
0x58: {  	_ =	shalt  }
0x59: {  	_ =	shalt  }
0x5a: {  	_ =	shalt  }
0x5b: {  	_ =	shalt  }
0x5c: {  	_ =	shalt  }
0x5d: {  	_ =	shalt  }
0x5e: {  	_ =	shalt  }
0x5f: {  	_ =	shalt  }
0x60: {  	_ =	shalt  }
0x61: {  	_ =	shalt  }
0x62: {  	_ =	shalt  }
0x63: {  	_ =	shalt  }
0x64: {  	_ =	shalt  }
0x65: {  	_ =	shalt  }
0x66: {  	_ =	shalt  }
0x67: {  	_ =	shalt  }
0x68: {  	_ =	shalt  }
0x69: {  	_ =	shalt  }
0x6a: {  	_ =	shalt  }
0x6b: {  	_ =	shalt  }
0x6c: {  	_ =	shalt  }
0x6d: {  	_ =	shalt  }
0x6e: {  	_ =	shalt  }
0x6f: {  	_ =	shalt  }
0x70: {  	_ =	shalt  }
0x71: {  	_ =	shalt  }
0x72: {  	_ =	shalt  }
0x73: {  	_ =	shalt  }
0x74: {  	_ =	shalt  }
0x75: {  	_ =	shalt  }
0x76: {  	_ =	shalt  }
0x77: {  	_ =	shalt  }
0x78: {  	_ =	shalt  }
0x79: {  	_ =	shalt  }
0x7a: {  	_ =	shalt  }
0x7b: {  	_ =	shalt  }
0x7c: {  	_ =	shalt  }
0x7d: {  	_ =	shalt  }
0x7e: {  	_ =	shalt  }
0x7f: {  	_ =	shalt  }
0x80: {  	_ =	shalt  }
0x81: {  	_ =	shalt  }
0x82: {  	_ =	shalt  }
0x83: {  	_ =	shalt  }
0x84: {  	_ =	shalt  }
0x85: {  	_ =	shalt  }
0x86: {  	_ =	shalt  }
0x87: {  	_ =	shalt  }
.Lfunc_end0:
.L_simem_size_0:
called_computation_lowered:
.L_overlay_start_0:
0x88: {  	s2 =	sld [smem:$0x3FD9]  }
0x89: {  	s3 =	sld [smem:$0x3FFE];
	_ =	sdelay $0x1  }
0x8a: {  	s1 =	srdreg.scid  }
0x8b: {  	s0 =	sand.u32 $0x1, s1  }
0x8c: {  	s16 =	sshll.u32 s0, $0xA;
	s2 =	sadd.s32 s3, s2  }
0x8d: {  	s2 =	sadd.s32 s2, s16  }
0x8e: {  	[smem:$0x3FB9] =	sst s2  }
0x8f: {  	_ = 	snop  }
0x90: {  	(tm) =	ssettm $0x1  }
0x91: {  	s17 =	sld [smem:$0x3FFB];
	_ =	sdelay $0x3  }
0x92: {  	_ =	strace s17  }
0x93: {  	s2 =	sld [smem:$0x3FFC];
	_ =	sdelay $0x3  }
0x94: {  	_ =	strace s2  }
0x95: {  	s2 =	sld [smem:$0x3FFD];
	_ =	sdelay $0x3  }
0x96: {  	_ =	strace s2  }
0x97: {  	_ =	strace $0x8FFFFFFF  }
0x98: {  	s18 =	sld [smem:$0x3FDB];
	_ =	sdelay $0x1  }
0x99: {  	s19 =	simm.s32 $_scs_section_size  }
0x9a: {  	s4 =	simm.s32 $_size__tile_overlayer_lowered;
	s5 =	simm.s32 $_tile_overlayer_lowered  }
0x9b: {  	s22 =	simm.s32 $0x1BFF;
	s21 =	sshll.u32 s5, $0x1;
	s2 =	sadd.s32 s19, s18  }
0x9c: {  	s6 =	simm.s32 $0x0;
	s20 =	sshll.u32 s4, $0x1;
	s4 =	sadd.s32 s21, s2  }
0x9d: {  	[timem:s6], [sflag:s22] =	dma.local [hbm:s4], s20  }
0x9e: {  	_ =	swait.ge [sflag:s22], s20  }
0x9f: {  	s3 =	ssub.s32 $0x0, s20;
	[sflag:s22] =	ssyncset.done $0x0  }
0xa0: {  	[sflag:s22] =	ssyncadd.s32 s3;
	_ =	sdelay $0x1  }
0xa1: {  	s23 =	simm.s32 $0x1B8B  }
0xa2: {  	_ =	swait.ge [sflag:s23], $0x1  }
0xa3: {  	[sflag:s23] =	ssyncset.done $0x0  }
0xa4: {  	s25 =	simm.s32 $0x1B8E;
	s24 =	sld [smem:$0x3FFE];
	[sflag:s23] =	ssyncadd.s32 $0xFFFFFFFF  }
0xa5: {  	s26 =	simm.s32 $execute0_lowered;
	[smem:$0x3FD2] =	sst s25  }
0xa6: {  	s4 =	sshll.u32 s26, $0x1;
	_ =	strace $0x80000046;
	[dreg:$0x1] =	wrdreg $0xFFFFFFFF  }
0xa7: {  	s28 =	simm.s32 $_size_execute0_lowered;
	s2 =	sadd.s32 s2, s4;
	[dreg:$0x0] =	wrdreg $0x0  }
0xa8: {  	s4 =	sshll.u32 s28, $0x1;
	[dreg:$0x2] =	wrdreg s2  }
0xa9: {  	[dreg:$0x3] =	wrdreg s4  }
0xaa: {  	[dreg:$0x4] =	wrdreg $0xC0  }
0xab: {  	_ =	task [dreg:s6], $0x5FFFF  }
0xac: {  	[dreg:$0x1] =	wrdreg $0xFFFFFFFF  }
0xad: {  	[dreg:$0x0] =	wrdreg $0x60  }
0xae: {  	[dreg:$0x2] =	wrdreg s24  }
0xaf: {  	[dreg:$0x3] =	wrdreg $0x183800  }
0xb0: {  	[dreg:$0x4] =	wrdreg $0x194A00  }
0xb1: {  	[dreg:$0x5] =	wrdreg $0x1A5C00  }
0xb2: {  	[dreg:$0x6] =	wrdreg $0x9  }
0xb3: {  	_ =	task.clear_ibuf [dreg:s6], $0x7FFFF;
	_ =	strace $0x90000046  }
0xb4: {  	s29 =	simm.s32 $0x9;
	_ =	strace $0x80000048  }
0xb5: {  	_ =	swait.ge [sflag:s29], $0x1  }
0xb6: {  	[sflag:s29] =	ssyncadd.s32 $0xFFFFFFFF  }
0xb7: {  	_ =	strace $0x90000048  }
0xb8: {  	_ =	sfence  }
0xb9: {  	s30 =	sld [smem:$0x0];
	_ =	sdelay $0x2  }
0xba: {  	s31 =	sshll.u32 s1, $0xD;
	s1 =	sshrl.u32 s1, $0x2  }
0xbb: {  	s3 =	sand.u32 $0x4000, s31;
	s1 =	sadd.s32 s1, s30  }
0xbc: {  	s0 =	sor.u32 s3, s0;
	s1 =	sshll.u32 s1, $0x11  }
0xbd: {  	s0 =	sor.u32 s1, s0  }
0xbe: {  	s0 =	sadd.s32 $0x8F2B, s0  }
0xbf: {  	[sflag:s0] =	ssyncadd.remote.s32 $0x1  }
0xc0: {  	_ =	sfence.sel $0xFFFF  }
0xc1: {  	[dreg:$0x0] =	wrdreg $0xFFFFFFFF;
	(pc) =	sbr.abs _section_cstart, $3  }
0xc2: {  	[dreg:$0x1] =	wrdreg $0xFFFFFFFF  }
0xc3: {  	_ =	task.clear_ibuf [dreg:s6], $0x2FFFF;
	_ =	strace $0x9FFFFFFF  }
0xc4: {  	(tm) =	ssettm $0x7FFFFFFF  }
0xc5: {  	_ =	shalt  }
tec
execute0_lowered:
.L_overlay_start_1:
0x0: {  	(tag) =	ssettag $0x1  }
0x1: {  	s0 =	rddreg [dreg:$0x0]  }
0x2: {  	s2 =	rddreg [dreg:$0x1]  }
0x3: {  	s3 =	rddreg [dreg:$0x2]  }
0x4: {  	s9 =	rddreg [dreg:$0x3]  }
0x5: {  	s8 =	stileid.u32;
	s5 =	simm.s32 $0x0;
	s15 =	simm.s32 $0x0  }
0x6: {  	s18 =	srdreg.scid;
	s28 =	simm.s32 $0x900;
	s29 =	simm.s32 $0x1200  }
0x7: {  	s30 =	simm.s32 $0x1B00;
	s31 =	simm.s32 $0x2400;
	s10 =	simm.s32 $0x40  }
0x8: {  	s12 =	simm.s32 $0xDC80;
	s1 =	sand.u32 $0x7, s8;
	[smem:$0x7FF] =	sst s5  }
0x9: {  	v2 =	vimm.s32 $0xEDCBA987;
	s6 =	sshrl.u32 s8, $0x3;
	s14 =	sadd.s32 $0x27AE00, s0;
	s16 =	sadd.s32 $0x275E00, s0  }
0xa: {  	v5 =	vimm.s32 $0x65432100;
	s17 =	sadd.s32 $0x273600, s0;
	_ =	strace $0x80000047;
	[dreg:$0x5] =	wrdreg s14  }
0xb: {  	v3 =	vimm.f32 $0.0e+00;
	v7 =	vimm.s32 $0xDCBA9876;
	s7 =	sadd.s32 $0x274A00, s0;
	s11 =	sadd.s32 $0x13AE00, s0;
	[dreg:$0x6] =	wrdreg s16  }
0xc: {  	v8 =	vimm.s32 $0x54321000;
	v9 =	vimm.s32 $0xBA987654;
	v10 =	vimm.s32 $0xE40000;
	s5 =	sand.u32 $0x1, s18;
	s19 =	sadd.s32 $0x282600, s0;
	[dreg:$0x7] =	wrdreg s17  }
0xd: {  	v11 =	vimm.s32 $0x32100000;
	vm0 =	vmmov $0x3;
	vm1 =	vmmov $0xf;
	s20 =	smul.u32 $0x890, s8;
	s0 =	sadd.s32 $0x27FE00, s0;
	[dreg:$0x8] =	wrdreg s7  }
0xe: {  	vm2 =	vcmask $0x3F30;
	vm3 =	vcmask $0x300;
	vm4 =	vcmask $0x704;
	s22 =	smul.u32 $0x2710, s8;
	s26 =	sshll.u32 s8, $0x4;
	[dreg:$0xa] =	wrdreg s19  }
0xf: {  	v4 =	vunpack.c.l.s4.s8 v2;
	v5 =	vunpack.c.l.s4.s8 v5;
	v7 =	vunpack.c.l.s4.s8 v7;
	s8 =	simm.s32 $0x0;
	s4 =	sshrl.u32 s1, $0x1;
	[dreg:$0x9] =	wrdreg s5  }
0x10: {  	v8 =	vunpack.c.l.s4.s8 v8;
	v9 =	vunpack.c.l.s4.s8 v9;
	v10 =	vunpack.c.l.s2.s4 v10;
	s13 =	sshll.u32 s6, $0x8;
	s5 =	ssub.s32 $0x2, s5;
	[dreg:$0xb] =	wrdreg s0  }
0x11: {  	v11 =	vunpack.c.l.s4.s8 v11;
	v0 =	vmov s1;
	s1 =	smul.u32 $0x2800, s1;
	s14 =	simm.s32 $0xDD80;
	v1 =	vmov s4;
	s21 =	sshrl.u32 s5, $0x1  }
0x12: {  	v2 =	vmov s13;
	v6 =	vunpack.c.0.s8.s32 v4;
	v4 =	vimm.s32 $0x0;
	[dreg:$0xc] =	wrdreg s22;
	s23 =	sadd.s32 s20, s2;
	s24 =	sadd.s32 s20, s3  }
0x13: {  	v7 =	vunpack.c.0.s8.s32 v7;
	s25 =	sadd.s32 $0x8900, s20;
	v9 =	vunpack.c.0.s8.s32 v9;
	v10 =	vunpack.c.l.s4.s8 v10;
	s22 =	simm.s32 $0xDD00;
	[dreg:$0xd] =	wrdreg s23  }
0x14: {  	v5 =	vunpack.c.0.s8.s32 v5;
	v8 =	vunpack.c.0.s8.s32 v8;
	s4 =	simm.s32 $0xFE00;
	s0 =	ssub.s32 s5, s21;
	[dreg:$0xe] =	wrdreg s24;
	v6 =	vand.u32 $0xF, v6  }
0x15: {  	s7 =	sadd.s32 s25, s2;
	s5 =	sadd.s32 s25, s3;
	s21 =	sshll.u32 s6, $0x4;
	v7 =	vand.u32 $0xF, v7;
	v9 =	vand.u32 $0xF, v9;
	v10 =	vunpack.c.0.s8.s32 v10  }
0x16: {  	s1 =	sor.u32 s13, s1;
	s24 =	simm.s32 $0x3600;
	s25 =	simm.s32 $0x3;
	v5 =	vcombine.low v5, v6;
	v6 =	vlaneseq.u32;
	v7 =	vcombine.low v8, v7  }
.Ltmp0:
0x17: {  	s23 =	simm.s32 $0x1;
	[dreg:$0xf] =	wrdreg s7;
	v8 =	vunpack.c.0.s8.s32 v11;
	v11 =	vimm.s32 $0x7060504;
	v10 =	vand.u32 $0x3, v10;
	(pc) =	sbr.rel .LBB2_1-.Ltmp0, $4  }
0x18: {  	s13 =	simm.s32 $0xDE00;
	[dreg:$0x10] =	wrdreg s5;
	s5 =	sadd.s32 s26, s9;
	v12 =	vor.u32 $0x20, v6;
	v13 =	vor.u32 $0x30, v6;
	v14 =	vor.u32 $0x40, v6  }
0x19: {  	[dreg:$0x12] =	wrdreg s1;
	s0 =	smax.u32 s0, $0x1;
	s26 =	simm.s32 $0xD280;
	v15 =	vor.u32 $0x50, v6;
	v8 =	vcombine.low v8, v9;
	v9 =	vunpack.c.0.s8.s32 v11  }
0x1a: {  	s9 =	simm.s32 $0xDB80;
	s1 =	simm.s32 $0x18200;
	[dreg:$0x11] =	wrdreg s5;
	v16 =	vor.u32 $0x60, v6;
	v17 =	vor.u32 $0x70, v6;
	v11 =	vor.u32 $0x10, v6  }
0x1b: {  	[dreg:$0x13] =	wrdreg s0;
	s0 =	simm.s32 $0x2D00;
	s5 =	simm.s32 $0x2;
	v9 =	vsel vm2, v9, v10;
	vm2 =	vmmov $0xff;
	v10 =	vimm.s32 $0x100  }
.LBB2_15:
0x1c: {  	s8 =	rddreg [dreg:$0x14]  }
0x1d: {  	s7 =	rddreg [dreg:$0x13];
	s8 =	sadd.s32 $0x1, s8  }
0x1e: {  	p0 =	sne.s32 s8, s7  }
.Ltmp1:
0x1f: {  	_ = 	snop;
	(pc) =	sbr.rel @!p0 .LBB2_16-.Ltmp1, $1  }
0x20: {  	_ =	sdelay $0x3  }
.LBB2_1:
0x21: {  	[dreg:$0x14] =	wrdreg s8  }
.Ltmp2:
0x22: {  	s7 =	rddreg [dreg:$0x7];
	(pc) =	sbr.rel .LBB2_2-.Ltmp2, $4  }
0x23: {  	[tilespmem:s24], [sflag:$0x3] =	stream.linear.gather [hbm4b:s7+s15], $0x9C40, $0x38;
	[tilespmem:$0x1A5D0] =	vst v63  }
0x24: {  	_ =	swait.ge [sflag:s25], $0x9C40  }
0x25: {  	[sflag:s25] =	ssyncset.done $0x0  }
0x26: {  	s16 =	simm.s32 $0x0;
	[sflag:s25] =	ssyncadd.s32 $0xFFFF63C0  }
.LBB2_14:
0x27: {  	s7 =	rddreg [dreg:$0x12]  }
0x28: {  	s8 =	rddreg [dreg:$0x16]  }
0x29: {  	s7 =	sadd.s32 s8, s7  }
0x2a: {  	s8 =	sshll.u32 s7, $0x4  }
0x2b: {  	s15 =	rddreg [dreg:$0xa];
	s8 =	sand.u32 $0x1FFFF000, s8  }
0x2c: {  	s16 =	simm.s32 $0x0;
	s8 =	sadd.s32 s15, s8  }
0x2d: {  	[hbm4b:s8+s16] =	stream.linear.scatter [tilespmem:s4], [sflag:$0x3], $0x8000, $0x38;
	[tilespmem:$0x1A5D0] =	vst v63  }
0x2e: {  	_ =	swait.ge [sflag:s25], $0x8000  }
0x2f: {  	s7 =	sshrl.u32 s7, $0x3;
	[sflag:s25] =	ssyncset.done $0x0;
	s19 =	rddreg [dreg:$0xb]  }
0x30: {  	[sflag:s25] =	ssyncadd.s32 $0xFFFF8000;
	s7 =	sadd.s32 s19, s7  }
0x31: {  	[hbm4b:s7+s16] =	stream.linear.scatter [tilespmem:s1], [sflag:$0x3], $0x100, $0x38;
	[tilespmem:$0x1A5D0] =	vst v63  }
0x32: {  	_ =	swait.ge [sflag:s25], $0x100  }
0x33: {  	s20 =	rddreg [dreg:$0x15]  }
0x34: {  	s16 =	sadd.s32 $0x1, s20  }
0x35: {  	p0 =	sne.s32 s16, $0xA  }
.Ltmp3:
0x36: {  	_ = 	snop;
	(pc) =	sbr.rel @!p0 .LBB2_15-.Ltmp3, $3  }
0x37: {  	_ =	sdelay $0x1  }
0x38: {  	[sflag:s25] =	ssyncset.done $0x0  }
0x39: {  	s15 =	simm.s32 $0x0;
	[sflag:s25] =	ssyncadd.s32 $0xFFFFFF00  }
.LBB2_2:
0x3a: {  	s7 =	simm.s32 $0x40;
	s8 =	simm.s32 $0x0  }
.LBB2_3:
0x3b: {  	p0 =	sne.s32 s7, $0x20FC0;
	[tilespmem:s8+$0xFE00] =	vst v3;
	s8 =	smov.u32 s7;
	s7 =	sadd.s32 $0x40, s7  }
.Ltmp4:
0x3c: {  	(pc) =	sbr.rel @p0 .LBB2_3-.Ltmp4, $2  }
0x3d: {  	_ =	sdelay $0x2  }
0x3e: {  	s8 =	sshra.s32 s8, $0x2  }
0x3f: {  	[tilespmem:s8+$0xFE00] =	vst v3  }
0x40: {  	[tilespmem:$0x18200] =	vst v3  }
0x41: {  	[tilespmem:$0x18210] =	vst v3  }
0x42: {  	[tilespmem:$0x18220] =	vst v3  }
0x43: {  	[tilespmem:$0x18230] =	vst v3  }
0x44: {  	[tilespmem:$0x18240] =	vst v3  }
0x45: {  	[tilespmem:$0x18250] =	vst v3  }
0x46: {  	[tilespmem:$0x18260] =	vst v3  }
0x47: {  	[tilespmem:$0x18270] =	vst v3  }
0x48: {  	[tilespmem:$0x18280] =	vst v3  }
0x49: {  	[tilespmem:$0x18290] =	vst v3  }
0x4a: {  	[tilespmem:$0x182A0] =	vst v3  }
0x4b: {  	[tilespmem:$0x182B0] =	vst v3  }
0x4c: {  	[tilespmem:$0x182C0] =	vst v3  }
0x4d: {  	s7 =	sshll.u32 s16, $0x1;
	s20 =	rddreg [dreg:$0x9];
	[tilespmem:$0x182D0] =	vst v3  }
0x4e: {  	[dreg:$0x15] =	wrdreg s16;
	s8 =	sor.u32 s20, s7;
	[tilespmem:$0x182E0] =	vst v3  }
0x4f: {  	s15 =	rddreg [dreg:$0x8];
	[tilespmem:$0x182F0] =	vst v3;
	s7 =	sshll.u32 s8, $0x8  }
.Ltmp5:
0x50: {  	[tilespmem:$0x18300] =	vst v3;
	s15 =	sadd.s32 s15, s7;
	s7 =	simm.s32 $0x0;
	(pc) =	sbr.rel .LBB2_5-.Ltmp5, $4  }
0x51: {  	[tilespmem:s26], [sflag:$0x3] =	stream.linear.gather [hbm4b:s15+s7], $0x800, $0x38;
	[tilespmem:$0x1A5D0] =	vst v63  }
0x52: {  	_ =	swait.ge [sflag:s25], $0x800  }
0x53: {  	s8 =	sshll.u32 s8, $0x9;
	[sflag:s25] =	ssyncset.done $0x0  }
0x54: {  	v18 =	vmov s8;
	[dreg:$0x16] =	wrdreg s8;
	s8 =	simm.s32 $0x0;
	[sflag:s25] =	ssyncadd.s32 $0xFFFFF800  }
.LBB2_13:
0x55: {  	s8 =	sadd.s32 $0x1, s8  }
0x56: {  	p0 =	sne.s32 s8, $0x5  }
.Ltmp6:
0x57: {  	_ = 	snop;
	(pc) =	sbr.rel @!p0 .LBB2_14-.Ltmp6, $2  }
0x58: {  	_ =	sdelay $0x1  }
0x59: {  	[bflag:$0x0] =	sbarrier.arrive $0xFFFF;
	_ =	sdelay $0x1  }
.LBB2_5:
0x5a: {  	s15 =	smul.u32 $0x7D0, s8  }
0x5b: {  	s16 =	rddreg [dreg:$0xc]  }
0x5c: {  	s15 =	sadd.s32 s16, s15  }
0x5d: {  	s18 =	rddreg [dreg:$0x5];
	s15 =	sshrl.u32 s15, $0x3  }
0x5e: {  	s16 =	sadd.s32 s18, s15  }
0x5f: {  	[tilespmem:s7], [sflag:$0x3] =	stream.linear.gather [hbm4b:s16+s7], $0x7D0, $0x38;
	[tilespmem:$0x1A5D0] =	vst v63  }
0x60: {  	_ =	swait.ge [sflag:s25], $0x7D0  }
0x61: {  	[sflag:s25] =	ssyncset.done $0x0;
	s19 =	rddreg [dreg:$0x6]  }
0x62: {  	[sflag:s25] =	ssyncadd.s32 $0xFFFFF830;
	s15 =	sadd.s32 s19, s15  }
0x63: {  	[tilespmem:s28], [sflag:$0x3] =	stream.linear.gather [hbm4b:s15+s7], $0x7D0, $0x38;
	[tilespmem:$0x1A5D0] =	vst v63  }
0x64: {  	_ =	swait.ge [sflag:s25], $0x7D0  }
0x65: {  	[sflag:s25] =	ssyncset.done $0x0  }
0x66: {  	s20 =	simm.s32 $0x0;
	[sflag:s25] =	ssyncadd.s32 $0xFFFFF830  }
0x67: {  	v19 =	vld [tilespmem:s20+$0x900];
	_ =	sdelay $0x4  }
0x68: {  	v19 =	vsub.s32 v19, v18  }
0x69: {  	vm7 =	vlt.u32 v19, $0x100  }
0x6a: {  	v21 =	vand.u32 $0xFFFFFF00, v19;
	v20 =	vsel vm7, $0x1, v4  }
0x6b: {  	vm6 =	veq.s32 v21, $0x100;
	v22 =	vperm.xlane v20, v5  }
0x6c: {  	vm5 =	veq.s32 v6, $0x0;
	v21 =	vsel vm6, $0x1, v4  }
0x6d: {  	v23 =	vperm.xlane v21, v5;
	v22 =	vsel vm5, $0x0, v22  }
0x6e: {  	v20 =	vadd.s32 v20, v22  }
0x6f: {  	v23 =	vsel vm5, $0x0, v23;
	v22 =	vperm.xlane v20, v7  }
0x70: {  	v21 =	vadd.s32 v21, v23  }
0x71: {  	v23 =	vperm.xlane v21, v7;
	v22 =	vsel vm0, $0x0, v22  }
0x72: {  	v20 =	vadd.s32 v22, v20  }
0x73: {  	v23 =	vsel vm0, $0x0, v23;
	v22 =	vperm.xlane v20, v8  }
0x74: {  	v21 =	vadd.s32 v23, v21  }
0x75: {  	v23 =	vperm.xlane v21, v8;
	v22 =	vsel vm1, $0x0, v22  }
0x76: {  	v20 =	vadd.s32 v22, v20  }
0x77: {  	v22 =	vmov s7;
	v23 =	vsel vm1, $0x0, v23;
	v24 =	vperm.xlane v20, v9  }
0x78: {  	v22 =	vadd.s32 $0xFFFFFFFF, v22;
	v21 =	vadd.s32 v23, v21  }
0x79: {  	v22 =	vbroadcast v22, $0x0;
	v63 =	vperm.xlane v21, v9;
	v23 =	vsel vm2, $0x0, v24  }
0x7a: {  	v25 =	vadd.s32 v23, v20  }
0x7b: {  	s17 =	simm.s32 $0x40;
	v24 =	vsel vm2, $0x0, v63;
	v23 =	vadd.s32 v25, v22  }
0x7c: {  	s18 =	simm.s32 $0x80;
	s16 =	simm.s32 $0x0;
	s15 =	simm.s32 $0x0;
	v20 =	vld [tilespmem:s20+$0x0];
	v21 =	vadd.s32 v24, v21;
	(v2sf) =	vpush v25, $0xF;
	v23 =	vnsel vm7, $0x860, v23  }
.LBB2_6:
0x7d: {  	p0 =	sne.s32 s18, $0x1F00;
	v22 =	vadd.s32 v21, v22;
	(v2sf) =	vpush v21, $0xF  }
0x7e: {  	v21 =	vnsel vm6, $0x860, v22;
	_ =	sdelay $0x2  }
0x7f: {  	[tilespmem:v23+s29+$0x0] =	vst.idx.msk $0xffff, v20  }
0x80: {  	[tilespmem:v23+s30+$0x0] =	vst.idx.msk $0xffff, v19  }
0x81: {  	v19 =	vadd.s32 $0xFFFFFF00, v19;
	[tilespmem:v21+s31+$0x0] =	vst.idx.msk $0xffff, v20  }
0x82: {  	s19 =	sshra.s32 s17, $0x2;
	s17 =	smov.u32 s18;
	[tilespmem:v21+s0+$0x0] =	vst.idx.msk $0xffff, v19  }
0x83: {  	v19 =	vld [tilespmem:s19+$0x900]  }
0x84: {  	v20 =	vld [tilespmem:s19+$0x0];
	_ =	sdelay $0x3  }
0x85: {  	v19 =	vsub.s32 v19, v18  }
0x86: {  	vm7 =	vlt.u32 v19, $0x100;
	s19 =	spop (v2sf)  }
0x87: {  	v22 =	vand.u32 $0xFFFFFF00, v19;
	v21 =	vsel vm7, $0x1, v4;
	s16 =	sadd.s32 s16, s19;
	s19 =	spop (v2sf)  }
0x88: {  	vm6 =	veq.s32 v22, $0x100;
	v23 =	vperm.xlane v21, v5;
	s15 =	sadd.s32 s15, s19  }
0x89: {  	v22 =	vsel vm6, $0x1, v4  }
0x8a: {  	v24 =	vperm.xlane v22, v5;
	v23 =	vsel vm5, $0x0, v23  }
0x8b: {  	v21 =	vadd.s32 v21, v23  }
0x8c: {  	v24 =	vsel vm5, $0x0, v24;
	v23 =	vperm.xlane v21, v7  }
0x8d: {  	v22 =	vadd.s32 v22, v24  }
0x8e: {  	v24 =	vperm.xlane v22, v7;
	v23 =	vsel vm0, $0x0, v23  }
0x8f: {  	v21 =	vadd.s32 v23, v21  }
0x90: {  	v24 =	vsel vm0, $0x0, v24;
	v23 =	vperm.xlane v21, v8  }
0x91: {  	v22 =	vadd.s32 v24, v22  }
0x92: {  	v24 =	vperm.xlane v22, v8;
	v23 =	vsel vm1, $0x0, v23  }
0x93: {  	v21 =	vadd.s32 v23, v21;
	v23 =	vmov s16  }
0x94: {  	v24 =	vsel vm1, $0x0, v24;
	v25 =	vperm.xlane v21, v9;
	v23 =	vadd.s32 $0xFFFFFFFF, v23  }
.Ltmp7:
0x95: {  	v24 =	vadd.s32 v24, v22;
	v23 =	vbroadcast v23, $0x0;
	(pc) =	sbr.rel @p0 .LBB2_6-.Ltmp7, $4  }
0x96: {  	v26 =	vmov s15;
	v22 =	vsel vm2, $0x0, v25;
	v25 =	vperm.xlane v24, v9  }
0x97: {  	v27 =	vadd.s32 v22, v21;
	v21 =	vadd.s32 $0xFFFFFFFF, v26  }
0x98: {  	v23 =	vadd.s32 v27, v23;
	v25 =	vsel vm2, $0x0, v25;
	v22 =	vbroadcast v21, $0x0  }
0x99: {  	s18 =	sadd.s32 $0x40, s18;
	v23 =	vnsel vm7, $0x860, v23;
	v21 =	vadd.s32 v25, v24;
	(v2sf) =	vpush v27, $0xF  }
0x9a: {  	v22 =	vadd.s32 v21, v22  }
0x9b: {  	v22 =	vnsel vm6, $0x860, v22;
	_ =	sdelay $0x2  }
0x9c: {  	[tilespmem:v23+s29+$0x0] =	vst.idx.msk $0xffff, v20  }
0x9d: {  	[tilespmem:v23+s30+$0x0] =	vst.idx.msk $0xffff, v19  }
0x9e: {  	v19 =	vadd.s32 $0xFFFFFF00, v19;
	[tilespmem:v22+s31+$0x0] =	vst.idx.msk $0xffff, v20  }
0x9f: {  	s17 =	sshra.s32 s17, $0x2;
	[tilespmem:v22+s0+$0x0] =	vst.idx.msk $0xffff, v19  }
0xa0: {  	v19 =	vld [tilespmem:s17+$0x900];
	_ =	sdelay $0x4  }
0xa1: {  	v19 =	vsub.s32 v19, v18  }
0xa2: {  	vm5 =	vlt.u32 v19, $0x100  }
0xa3: {  	v55 =	vand.u32 $0xFFFFFF00, v19;
	v20 =	vsel vm5, $0x1, v4  }
0xa4: {  	vm6 =	veq.s32 v55, $0x100;
	v56 =	vperm.xlane v20, v5  }
0xa5: {  	vm7 =	veq.s32 v6, $0x0;
	v22 =	vsel vm6, $0x1, v4  }
0xa6: {  	v24 =	vperm.xlane v22, v5;
	v23 =	vsel vm7, $0x0, v56  }
0xa7: {  	v20 =	vadd.s32 v20, v23  }
0xa8: {  	(v2sf) =	vpush v21, $0xF;
	v58 =	vsel vm7, $0x0, v24;
	v57 =	vperm.xlane v20, v7  }
0xa9: {  	v22 =	vadd.s32 v22, v58  }
0xaa: {  	v23 =	vperm.xlane v22, v7;
	v21 =	vsel vm0, $0x0, v57  }
0xab: {  	v20 =	vadd.s32 v21, v20  }
0xac: {  	v23 =	vsel vm0, $0x0, v23;
	v21 =	vperm.xlane v20, v8  }
0xad: {  	v22 =	vadd.s32 v23, v22  }
0xae: {  	v23 =	vperm.xlane v22, v8;
	v21 =	vsel vm1, $0x0, v21  }
0xaf: {  	v20 =	vadd.s32 v21, v20  }
0xb0: {  	v23 =	vsel vm1, $0x0, v23;
	v21 =	vperm.xlane v20, v9  }
0xb1: {  	v22 =	vadd.s32 v23, v22  }
0xb2: {  	v23 =	vperm.xlane v22, v9;
	v21 =	vsel vm2, $0x0, v21  }
0xb3: {  	v20 =	vadd.s32 v21, v20  }
0xb4: {  	v59 =	vsel vm2, $0x0, v23;
	(v2sf) =	vpush v20, $0xF  }
0xb5: {  	s18 =	spop (v2sf);
	v21 =	vadd.s32 v59, v22  }
0xb6: {  	s16 =	sadd.s32 s16, s18;
	(v2sf) =	vpush v21, $0xF  }
0xb7: {  	s20 =	spop (v2sf);
	v60 =	vmov s16  }
0xb8: {  	s15 =	sadd.s32 s15, s20;
	v22 =	vadd.s32 $0xFFFFFFFF, v60  }
0xb9: {  	v61 =	vmov s15;
	v22 =	vbroadcast v22, $0x0  }
0xba: {  	v23 =	vadd.s32 $0xFFFFFFFF, v61  }
0xbb: {  	v62 =	vbroadcast v23, $0x0;
	v20 =	vadd.s32 v20, v22  }
0xbc: {  	v63 =	vld [tilespmem:s17+$0x0];
	v20 =	vnsel vm5, $0x860, v20  }
0xbd: {  	v21 =	vadd.s32 v21, v62  }
0xbe: {  	v21 =	vnsel vm6, $0x860, v21;
	_ =	sdelay $0x2  }
0xbf: {  	[tilespmem:v20+s29+$0x0] =	vst.idx.msk $0xffff, v63  }
0xc0: {  	[tilespmem:v20+s30+$0x0] =	vst.idx.msk $0xffff, v19  }
0xc1: {  	v19 =	vadd.s32 $0xFFFFFF00, v19;
	[tilespmem:v21+s31+$0x0] =	vst.idx.msk $0xffff, v63;
	s18 =	spop (v2sf)  }
0xc2: {  	[tilespmem:v21+s0+$0x0] =	vst.idx.msk $0xffff, v19;
	s16 =	sadd.s32 s16, s18  }
0xc3: {  	s19 =	spop (v2sf);
	[tilespmem:s16+$0x1200] =	vst v4  }
0xc4: {  	s15 =	sadd.s32 s15, s19;
	[tilespmem:s16+$0x1B00] =	vst v10  }
0xc5: {  	[tilespmem:s15+$0x2400] =	vst v4  }
0xc6: {  	[tilespmem:s15+$0x2D00] =	vst v10  }
0xc7: {  	[tilespmem:s16+$0x1210] =	vst v4  }
0xc8: {  	[tilespmem:s16+$0x1B10] =	vst v10  }
0xc9: {  	[tilespmem:s15+$0x2410] =	vst v4  }
0xca: {  	[tilespmem:s15+$0x2D10] =	vst v10  }
0xcb: {  	[tilespmem:s16+$0x1220] =	vst v4  }
0xcc: {  	[tilespmem:s16+$0x1B20] =	vst v10  }
0xcd: {  	[tilespmem:s15+$0x2420] =	vst v4  }
0xce: {  	[tilespmem:s15+$0x2D20] =	vst v10  }
0xcf: {  	[tilespmem:s16+$0x1230] =	vst v4  }
0xd0: {  	[tilespmem:s16+$0x1B30] =	vst v10  }
0xd1: {  	[tilespmem:s15+$0x2430] =	vst v4  }
0xd2: {  	[tilespmem:s15+$0x2D30] =	vst v10  }
0xd3: {  	[tilespmem:s16+$0x1240] =	vst v4  }
0xd4: {  	[tilespmem:s16+$0x1B40] =	vst v10  }
0xd5: {  	[tilespmem:s15+$0x2440] =	vst v4  }
0xd6: {  	[tilespmem:s15+$0x2D40] =	vst v10  }
0xd7: {  	[tilespmem:s16+$0x1250] =	vst v4  }
0xd8: {  	[tilespmem:s16+$0x1B50] =	vst v10  }
0xd9: {  	[tilespmem:s15+$0x2450] =	vst v4  }
0xda: {  	[tilespmem:s15+$0x2D50] =	vst v10  }
0xdb: {  	[tilespmem:s16+$0x1260] =	vst v4  }
0xdc: {  	[tilespmem:s16+$0x1B60] =	vst v10  }
0xdd: {  	[tilespmem:s15+$0x2460] =	vst v4  }
0xde: {  	[tilespmem:s15+$0x2D60] =	vst v10  }
0xdf: {  	[tilespmem:s16+$0x1270] =	vst v4  }
0xe0: {  	[tilespmem:s16+$0x1B70] =	vst v10  }
0xe1: {  	[tilespmem:s15+$0x2470] =	vst v4  }
0xe2: {  	s20 =	rddreg [dreg:$0xd];
	[tilespmem:s15+$0x2D70] =	vst v10  }
0xe3: {  	[spmem:s20] =	stream.linear.scatter [tilespmem:s29], [sflag:$0x3], $0x890, $0x38;
	[tilespmem:$0x1A5D0] =	vst v63  }
0xe4: {  	_ =	swait.ge [sflag:s25], $0x890  }
0xe5: {  	[sflag:s25] =	ssyncset.done $0x0  }
0xe6: {  	s18 =	rddreg [dreg:$0xe];
	[sflag:s25] =	ssyncadd.s32 $0xFFFFF770  }
0xe7: {  	[spmem:s18] =	stream.linear.scatter [tilespmem:s30], [sflag:$0x3], $0x890, $0x38;
	[tilespmem:$0x1A5D0] =	vst v63  }
0xe8: {  	_ =	swait.ge [sflag:s25], $0x890  }
0xe9: {  	[sflag:s25] =	ssyncset.done $0x0  }
0xea: {  	s19 =	rddreg [dreg:$0xf];
	[sflag:s25] =	ssyncadd.s32 $0xFFFFF770  }
0xeb: {  	[spmem:s19] =	stream.linear.scatter [tilespmem:s31], [sflag:$0x3], $0x890, $0x38;
	[tilespmem:$0x1A5D0] =	vst v63  }
0xec: {  	_ =	swait.ge [sflag:s25], $0x890  }
0xed: {  	[sflag:s25] =	ssyncset.done $0x0  }
0xee: {  	s20 =	rddreg [dreg:$0x10];
	[sflag:s25] =	ssyncadd.s32 $0xFFFFF770  }
0xef: {  	[spmem:s20] =	stream.linear.scatter [tilespmem:s0], [sflag:$0x3], $0x890, $0x38;
	[tilespmem:$0x1A5D0] =	vst v63  }
0xf0: {  	v19 =	vmov s16;
	_ =	swait.ge [sflag:s25], $0x890  }
0xf1: {  	v19 =	vnsel vm3, $0x0, v19;
	[sflag:s25] =	ssyncset.done $0x0  }
0xf2: {  	v19 =	vsel vm4, s15, v19;
	[sflag:s25] =	ssyncadd.s32 $0xFFFFF770  }
0xf3: {  	s19 =	simm.s32 $0xDB00;
	s18 =	rddreg [dreg:$0x11];
	[tilespmem:$0xDB00] =	vst v19  }
0xf4: {  	[spmem:s18] =	stream.linear.scatter [tilespmem:s19], [sflag:$0x3], $0x10, $0x38;
	[tilespmem:$0x1A5D0] =	vst v63  }
0xf5: {  	_ =	swait.ge [sflag:s25], $0x10  }
0xf6: {  	[sflag:s25] =	ssyncset.done $0x0  }
0xf7: {  	[sflag:s25] =	ssyncadd.s32 $0xFFFFFFF0  }
0xf8: {  	[bflag:$0x0] =	sbarrier.arrive $0xFFFF  }
.Ltmp8:
0xf9: {  	s20 =	rddreg [dreg:$0x3];
	(pc) =	sbr.rel .LBB2_8-.Ltmp8, $4  }
0xfa: {  	[tilespmem:s9], [sflag:$0x3] =	stream.linear.gather [spmem:s20], $0x100, $0x38;
	[tilespmem:$0x1A5D0] =	vst v63  }
0xfb: {  	_ =	swait.ge [sflag:s25], $0x100  }
0xfc: {  	[sflag:s25] =	ssyncset.done $0x0  }
0xfd: {  	s16 =	simm.s32 $0x0;
	s15 =	simm.s32 $0x0;
	[sflag:s25] =	ssyncadd.s32 $0xFFFFFF00  }
.LBB2_12:
0xfe: {  	s16 =	sadd.s32 $0x1, s16  }
0xff: {  	p0 =	sne.s32 s16, $0x10  }
.Ltmp9:
0x100: {  	_ = 	snop;
	(pc) =	sbr.rel @!p0 .LBB2_13-.Ltmp9, $1  }
0x101: {  	_ =	sdelay $0x3  }
.LBB2_8:
0x102: {  	s17 =	sshll.u32 s16, $0x4  }
0x103: {  	s17 =	sor.u32 s6, s17  }
0x104: {  	v19 =	vmov s17;
	_ =	sdelay $0x4  }
0x105: {  	v19 =	vld.idx.msk [tilespmem:v19+s9+$0x0], $0xffff;
	_ =	sdelay $0x4  }
0x106: {  	(v2sf) =	vpush v19, $0x0;
	_ =	sdelay $0x7  }
0x107: {  	s18 =	sadd.s32 s21, s16  }
0x108: {  	s17 =	smul.u32 $0x890, s18;
	_ =	sdelay $0x1  }
0x109: {  	s18 =	sadd.s32 s17, s2  }
0x10a: {  	[tilespmem:s15], [sflag:$0x1] =	stream.linear.gather [spmem:s18], $0x890, $0x38;
	[tilespmem:$0x1A5D0] =	vst v63  }
0x10b: {  	s17 =	sadd.s32 s17, s3  }
0x10c: {  	[tilespmem:s28], [sflag:$0x2] =	stream.linear.gather [spmem:s17], $0x890, $0x38;
	[tilespmem:$0x1A5D0] =	vst v63  }
0x10d: {  	s19 =	spop (v2sf)  }
0x10e: {  	s17 =	sadd.s32 $0x3F, s19  }
0x10f: {  	s18 =	sand.u32 $0x3F, s17  }
0x110: {  	s19 =	sshra.s32 s17, $0x1F;
	p0 =	slt.s32 s17, $0x1;
	p1 =	sne.s32 s18, $0x0  }
0x111: {  	s20 =	sshrl.u32 s19, $0x1A;
	p0 =	por !p0, !p1  }
0x112: {  	s18 =	simm.s32 $0x1;
	s17 =	sadd.s32 s20, s17;
	p0 =	por !p0, !p0  }
0x113: {  	s17 =	sshra.s32 s17, $0x6;
	s18 =	simm.s32 @!p0 $0x0  }
0x114: {  	s17 =	ssub.s32 s17, s18  }
0x115: {  	_ =	swait.ge [sflag:s23], $0x890;
	p0 =	slt.s32 s17, $0x1  }
.Ltmp10:
0x116: {  	[sflag:s23] =	ssyncset.done $0x0;
	(pc) =	sbr.rel @p0 .LBB2_12-.Ltmp10, $4  }
0x117: {  	[sflag:s23] =	ssyncadd.s32 $0xFFFFF770  }
0x118: {  	_ =	swait.ge [sflag:s5], $0x890  }
0x119: {  	[sflag:s5] =	ssyncset.done $0x0  }
0x11a: {  	[sflag:s5] =	ssyncadd.s32 $0xFFFFF770;
	s18 =	simm.s32 $0x0  }
.LBB2_9:
0x11b: {  	s19 =	sshll.u32 s18, $0x6  }
0x11c: {  	v19 =	vld [tilespmem:s19+$0x0]  }
0x11d: {  	v20 =	vld [tilespmem:s19+$0x900];
	_ =	sdelay $0x3  }
0x11e: {  	v19 =	vshll.u32 v19, $0x3  }
0x11f: {  	[tilespmem:$0xDD00] =	vst v20;
	v19 =	vor.u32 v0, v19  }
0x120: {  	[tilespmem:$0xDC80] =	vst v19  }
0x121: {  	v19 =	vld [tilespmem:s19+$0x10]  }
0x122: {  	v20 =	vld [tilespmem:s19+$0x910];
	_ =	sdelay $0x3  }
0x123: {  	v19 =	vshll.u32 v19, $0x3  }
0x124: {  	[tilespmem:$0xDD10] =	vst v20;
	v19 =	vor.u32 v0, v19  }
0x125: {  	[tilespmem:$0xDC90] =	vst v19  }
0x126: {  	v19 =	vld [tilespmem:s19+$0x20]  }
0x127: {  	v20 =	vld [tilespmem:s19+$0x920];
	_ =	sdelay $0x3  }
0x128: {  	v19 =	vshll.u32 v19, $0x3  }
0x129: {  	[tilespmem:$0xDD20] =	vst v20;
	v19 =	vor.u32 v0, v19  }
0x12a: {  	[tilespmem:$0xDCA0] =	vst v19  }
0x12b: {  	v19 =	vld [tilespmem:s19+$0x30]  }
0x12c: {  	v20 =	vld [tilespmem:s19+$0x930];
	_ =	sdelay $0x3  }
0x12d: {  	v19 =	vshll.u32 v19, $0x3  }
0x12e: {  	[tilespmem:$0xDD30] =	vst v20;
	v19 =	vor.u32 v0, v19  }
0x12f: {  	[tilespmem:$0xDCB0] =	vst v19  }
0x130: {  	[tilespmem:s13], [sflag:$0x1] =	stream.indirect.gather [hbm4b:s11+s10], $0x80, s12, s10, $0xb8;
	[tilespmem:$0x1A5D0] =	vst v63  }
0x131: {  	_ =	swait.ge [sflag:s23], $0x2000  }
0x132: {  	[sflag:s23] =	ssyncset.done $0x0  }
0x133: {  	[sflag:s23] =	ssyncadd.s32 $0xFFFFE000  }
0x134: {  	v19 =	vld [tilespmem:s19+$0x0]  }
0x135: {  	v20 =	vld [tilespmem:s19+$0x900];
	_ =	sdelay $0x4  }
0x136: {  	v19 =	vshll.u32 v19, $0x2;
	v20 =	vadd.s32 v2, v20  }
0x137: {  	v19 =	vor.u32 v1, v19;
	v20 =	vshll.u32 v20, $0x2  }
0x138: {  	v20 =	vor.u32 v1, v20;
	_ =	sdelay $0x3  }
0x139: {  	v19 =	vld.idx.msk [tilespmem:v19+s24+$0x0], $0xffff  }
0x13a: {  	v20 =	vld.idx.msk [tilespmem:v20+s26+$0x0], $0xffff;
	_ =	sdelay $0x4  }
0x13b: {  	v19 =	vadd.f32 v20, v19;
	_ =	sdelay $0x1  }
0x13c: {  	v20 =	vmul.f32 $2.000000030e-01, v19;
	_ =	sdelay $0x1  }
0x13d: {  	v19 =	vmax.f32 v19, v20  }
0x13e: {  	v19 =	vmul.f32 $1.442695020e+00, v19;
	_ =	sdelay $0x1  }
0x13f: {  	(erf) = vpow2.f32 v19;
	_ =	sdelay $0x8  }
0x140: {  	v19 =	vpop (erf)  }
0x141: {  	[tilespmem:$0xDD80] =	vst v19  }
0x142: {  	v19 =	vld [tilespmem:s19+$0x10]  }
0x143: {  	v20 =	vld [tilespmem:s19+$0x910];
	_ =	sdelay $0x4  }
0x144: {  	v19 =	vshll.u32 v19, $0x2;
	v20 =	vadd.s32 v2, v20  }
0x145: {  	v19 =	vor.u32 v1, v19;
	v20 =	vshll.u32 v20, $0x2  }
0x146: {  	v20 =	vor.u32 v1, v20;
	_ =	sdelay $0x3  }
0x147: {  	v19 =	vld.idx.msk [tilespmem:v19+s24+$0x0], $0xffff  }
0x148: {  	v20 =	vld.idx.msk [tilespmem:v20+s26+$0x0], $0xffff;
	_ =	sdelay $0x4  }
0x149: {  	v19 =	vadd.f32 v20, v19;
	_ =	sdelay $0x1  }
0x14a: {  	v20 =	vmul.f32 $2.000000030e-01, v19;
	_ =	sdelay $0x1  }
0x14b: {  	v19 =	vmax.f32 v19, v20  }
0x14c: {  	v19 =	vmul.f32 $1.442695020e+00, v19;
	_ =	sdelay $0x1  }
0x14d: {  	(erf) = vpow2.f32 v19;
	_ =	sdelay $0x8  }
0x14e: {  	v19 =	vpop (erf)  }
0x14f: {  	[tilespmem:$0xDD90] =	vst v19  }
0x150: {  	v19 =	vld [tilespmem:s19+$0x20]  }
0x151: {  	v20 =	vld [tilespmem:s19+$0x920];
	_ =	sdelay $0x4  }
0x152: {  	v19 =	vshll.u32 v19, $0x2;
	v20 =	vadd.s32 v2, v20  }
0x153: {  	v19 =	vor.u32 v1, v19;
	v20 =	vshll.u32 v20, $0x2  }
0x154: {  	v20 =	vor.u32 v1, v20;
	_ =	sdelay $0x3  }
0x155: {  	v19 =	vld.idx.msk [tilespmem:v19+s24+$0x0], $0xffff  }
0x156: {  	v20 =	vld.idx.msk [tilespmem:v20+s26+$0x0], $0xffff;
	_ =	sdelay $0x4  }
0x157: {  	v19 =	vadd.f32 v20, v19;
	_ =	sdelay $0x1  }
0x158: {  	v20 =	vmul.f32 $2.000000030e-01, v19;
	_ =	sdelay $0x1  }
0x159: {  	v19 =	vmax.f32 v19, v20  }
0x15a: {  	v19 =	vmul.f32 $1.442695020e+00, v19;
	_ =	sdelay $0x1  }
0x15b: {  	(erf) = vpow2.f32 v19;
	_ =	sdelay $0x8  }
0x15c: {  	v19 =	vpop (erf)  }
0x15d: {  	[tilespmem:$0xDDA0] =	vst v19  }
0x15e: {  	v19 =	vld [tilespmem:s19+$0x30]  }
0x15f: {  	v20 =	vld [tilespmem:s19+$0x930];
	_ =	sdelay $0x4  }
0x160: {  	v19 =	vshll.u32 v19, $0x2;
	v20 =	vadd.s32 v2, v20  }
0x161: {  	v19 =	vor.u32 v1, v19;
	v20 =	vshll.u32 v20, $0x2  }
0x162: {  	v20 =	vor.u32 v1, v20;
	_ =	sdelay $0x3  }
0x163: {  	v19 =	vld.idx.msk [tilespmem:v19+s24+$0x0], $0xffff  }
0x164: {  	v20 =	vld.idx.msk [tilespmem:v20+s26+$0x0], $0xffff;
	_ =	sdelay $0x4  }
0x165: {  	v19 =	vadd.f32 v20, v19;
	_ =	sdelay $0x1  }
0x166: {  	v20 =	vmul.f32 $2.000000030e-01, v19;
	_ =	sdelay $0x1  }
0x167: {  	v19 =	vmax.f32 v19, v20  }
0x168: {  	v19 =	vmul.f32 $1.442695020e+00, v19;
	_ =	sdelay $0x1  }
0x169: {  	(erf) = vpow2.f32 v19;
	_ =	sdelay $0x4  }
0x16a: {  	s20 =	simm.s32 $0x0  }
0x16b: {  	v20 =	vmov s20;
	_ =	sdelay $0x2  }
0x16c: {  	v19 =	vpop (erf)  }
0x16d: {  	[tilespmem:$0xDDB0] =	vst v19  }
0x16e: {  	v19 =	vld.idx.msk [tilespmem:v20+s22+$0x0], $0xffff;
	_ =	sdelay $0x2  }
0x16f: {  	v21 =	vshll.u32 v20, $0x7  }
0x170: {  	v22 =	vor.u32 v6, v21  }
0x171: {  	v23 =	vshll.u32 v19, $0x7  }
0x172: {  	v24 =	vor.u32 v6, v23;
	_ =	sdelay $0x1  }
0x173: {  	v25 =	vld.idx.msk [tilespmem:v20+s14+$0x0], $0xffff  }
0x174: {  	v20 =	vld.idx.msk [tilespmem:v22+s13+$0x0], $0xffff;
	_ =	sdelay $0x1  }
0x175: {  	v22 =	vld.idx.msk [tilespmem:v24+s4+$0x0], $0xffff;
	_ =	sdelay $0x2  }
0x176: {  	v26 =	vor.u32 v11, v21;
	v20 =	vmul.f32 v20, v25;
	_ =	sdelay $0x1  }
0x177: {  	v20 =	vadd.f32 v20, v22;
	v22 =	vor.u32 v11, v23;
	_ =	sdelay $0x1  }
0x178: {  	[tilespmem:v24+s4+$0x0] =	vst.idx.msk $0xffff, v20  }
0x179: {  	v20 =	vld.idx.msk [tilespmem:v26+s13+$0x0], $0xffff;
	_ =	sdelay $0x1  }
0x17a: {  	v24 =	vld.idx.msk [tilespmem:v22+s4+$0x0], $0xffff;
	_ =	sdelay $0x2  }
0x17b: {  	v57 =	vor.u32 v12, v21;
	v20 =	vmul.f32 v20, v25;
	_ =	sdelay $0x1  }
0x17c: {  	v58 =	vor.u32 v12, v23;
	v20 =	vadd.f32 v20, v24;
	_ =	sdelay $0x1  }
0x17d: {  	[tilespmem:v22+s4+$0x0] =	vst.idx.msk $0xffff, v20  }
0x17e: {  	v20 =	vld.idx.msk [tilespmem:v57+s13+$0x0], $0xffff;
	_ =	sdelay $0x1  }
0x17f: {  	v22 =	vld.idx.msk [tilespmem:v58+s4+$0x0], $0xffff;
	_ =	sdelay $0x2  }
0x180: {  	v59 =	vor.u32 v13, v21;
	v20 =	vmul.f32 v20, v25;
	_ =	sdelay $0x1  }
0x181: {  	v20 =	vadd.f32 v20, v22;
	v22 =	vor.u32 v13, v23;
	_ =	sdelay $0x1  }
0x182: {  	[tilespmem:v58+s4+$0x0] =	vst.idx.msk $0xffff, v20  }
0x183: {  	v20 =	vld.idx.msk [tilespmem:v59+s13+$0x0], $0xffff;
	_ =	sdelay $0x1  }
0x184: {  	v24 =	vld.idx.msk [tilespmem:v22+s4+$0x0], $0xffff;
	_ =	sdelay $0x2  }
0x185: {  	v60 =	vor.u32 v14, v21;
	v20 =	vmul.f32 v20, v25;
	_ =	sdelay $0x1  }
0x186: {  	v61 =	vor.u32 v14, v23;
	v20 =	vadd.f32 v20, v24;
	_ =	sdelay $0x1  }
0x187: {  	[tilespmem:v22+s4+$0x0] =	vst.idx.msk $0xffff, v20  }
0x188: {  	v20 =	vld.idx.msk [tilespmem:v60+s13+$0x0], $0xffff;
	_ =	sdelay $0x1  }
0x189: {  	v22 =	vld.idx.msk [tilespmem:v61+s4+$0x0], $0xffff;
	_ =	sdelay $0x2  }
0x18a: {  	v62 =	vor.u32 v15, v21;
	v20 =	vmul.f32 v20, v25;
	_ =	sdelay $0x1  }
0x18b: {  	v20 =	vadd.f32 v20, v22;
	v22 =	vor.u32 v15, v23;
	_ =	sdelay $0x1  }
0x18c: {  	[tilespmem:v61+s4+$0x0] =	vst.idx.msk $0xffff, v20  }
0x18d: {  	v20 =	vld.idx.msk [tilespmem:v62+s13+$0x0], $0xffff;
	_ =	sdelay $0x1  }
0x18e: {  	v24 =	vld.idx.msk [tilespmem:v22+s4+$0x0], $0xffff;
	_ =	sdelay $0x2  }
0x18f: {  	v63 =	vor.u32 v16, v21;
	v20 =	vmul.f32 v20, v25;
	_ =	sdelay $0x1  }
0x190: {  	v27 =	vor.u32 v16, v23;
	v20 =	vadd.f32 v20, v24;
	_ =	sdelay $0x1  }
0x191: {  	[tilespmem:v22+s4+$0x0] =	vst.idx.msk $0xffff, v20  }
0x192: {  	v20 =	vld.idx.msk [tilespmem:v63+s13+$0x0], $0xffff;
	_ =	sdelay $0x1  }
0x193: {  	v22 =	vld.idx.msk [tilespmem:v27+s4+$0x0], $0xffff;
	_ =	sdelay $0x2  }
0x194: {  	v21 =	vor.u32 v17, v21;
	v20 =	vmul.f32 v20, v25;
	_ =	sdelay $0x1  }
0x195: {  	v23 =	vor.u32 v17, v23;
	v20 =	vadd.f32 v20, v22;
	_ =	sdelay $0x1  }
0x196: {  	[tilespmem:v27+s4+$0x0] =	vst.idx.msk $0xffff, v20  }
0x197: {  	v20 =	vld.idx.msk [tilespmem:v21+s13+$0x0], $0xffff;
	_ =	sdelay $0x1  }
0x198: {  	v21 =	vld.idx.msk [tilespmem:v23+s4+$0x0], $0xffff;
	_ =	sdelay $0x2  }
0x199: {  	v20 =	vmul.f32 v20, v25;
	_ =	sdelay $0x1  }
0x19a: {  	v20 =	vadd.f32 v20, v21;
	_ =	sdelay $0x1  }
0x19b: {  	[tilespmem:v23+s4+$0x0] =	vst.idx.msk $0xffff, v20  }
0x19c: {  	v21 =	vld.idx.msk [tilespmem:v19+s1+$0x0], $0xffff;
	_ =	sdelay $0x1  }
0x19d: {  	s20 =	simm.s32 $0x1  }
0x19e: {  	v22 =	vmov s20  }
0x19f: {  	v20 =	vshll.u32 v22, $0x7  }
0x1a0: {  	s19 =	simm.s32 $0x2;
	v23 =	vor.u32 v6, v20;
	v21 =	vadd.f32 v21, v25  }
.LBB2_10:
0x1a1: {  	_ = 	snop  }
0x1a2: {  	p0 =	sne.s32 s19, $0x3F;
	s20 =	smov.u32 s19;
	s19 =	sadd.s32 $0x1, s19;
	[tilespmem:v19+s1+$0x0] =	vst.idx.msk $0xffff, v21  }
0x1a3: {  	v19 =	vld.idx.msk [tilespmem:v22+s22+$0x0], $0xffff;
	_ =	sdelay $0x5  }
0x1a4: {  	v24 =	vshll.u32 v19, $0x7  }
0x1a5: {  	v25 =	vor.u32 v6, v24;
	_ =	sdelay $0x1  }
0x1a6: {  	v21 =	vld.idx.msk [tilespmem:v22+s14+$0x0], $0xffff  }
0x1a7: {  	v22 =	vld.idx.msk [tilespmem:v23+s13+$0x0], $0xffff;
	_ =	sdelay $0x1  }
0x1a8: {  	v23 =	vld.idx.msk [tilespmem:v25+s4+$0x0], $0xffff;
	_ =	sdelay $0x3  }
0x1a9: {  	v26 =	vor.u32 v11, v20;
	v22 =	vmul.f32 v22, v21;
	_ =	sdelay $0x1  }
0x1aa: {  	v22 =	vadd.f32 v22, v23;
	v23 =	vor.u32 v11, v24;
	_ =	sdelay $0x1  }
0x1ab: {  	[tilespmem:v25+s4+$0x0] =	vst.idx.msk $0xffff, v22  }
0x1ac: {  	v22 =	vld.idx.msk [tilespmem:v26+s13+$0x0], $0xffff;
	_ =	sdelay $0x1  }
0x1ad: {  	v25 =	vld.idx.msk [tilespmem:v23+s4+$0x0], $0xffff;
	_ =	sdelay $0x3  }
0x1ae: {  	v26 =	vor.u32 v12, v20;
	v22 =	vmul.f32 v22, v21;
	_ =	sdelay $0x1  }
0x1af: {  	v22 =	vadd.f32 v22, v25;
	v25 =	vor.u32 v12, v24;
	_ =	sdelay $0x1  }
0x1b0: {  	[tilespmem:v23+s4+$0x0] =	vst.idx.msk $0xffff, v22  }
0x1b1: {  	v22 =	vld.idx.msk [tilespmem:v26+s13+$0x0], $0xffff;
	_ =	sdelay $0x1  }
0x1b2: {  	v23 =	vld.idx.msk [tilespmem:v25+s4+$0x0], $0xffff;
	_ =	sdelay $0x3  }
0x1b3: {  	v26 =	vor.u32 v13, v20;
	v22 =	vmul.f32 v22, v21;
	_ =	sdelay $0x1  }
0x1b4: {  	v22 =	vadd.f32 v22, v23;
	v23 =	vor.u32 v13, v24;
	_ =	sdelay $0x1  }
0x1b5: {  	[tilespmem:v25+s4+$0x0] =	vst.idx.msk $0xffff, v22  }
0x1b6: {  	v22 =	vld.idx.msk [tilespmem:v26+s13+$0x0], $0xffff;
	_ =	sdelay $0x1  }
0x1b7: {  	v25 =	vld.idx.msk [tilespmem:v23+s4+$0x0], $0xffff;
	_ =	sdelay $0x3  }
0x1b8: {  	v26 =	vor.u32 v14, v20;
	v22 =	vmul.f32 v22, v21;
	_ =	sdelay $0x1  }
0x1b9: {  	v22 =	vadd.f32 v22, v25;
	v25 =	vor.u32 v14, v24;
	_ =	sdelay $0x1  }
0x1ba: {  	[tilespmem:v23+s4+$0x0] =	vst.idx.msk $0xffff, v22  }
0x1bb: {  	v22 =	vld.idx.msk [tilespmem:v26+s13+$0x0], $0xffff;
	_ =	sdelay $0x1  }
0x1bc: {  	v23 =	vld.idx.msk [tilespmem:v25+s4+$0x0], $0xffff;
	_ =	sdelay $0x3  }
0x1bd: {  	v26 =	vor.u32 v15, v20;
	v22 =	vmul.f32 v22, v21;
	_ =	sdelay $0x1  }
0x1be: {  	v22 =	vadd.f32 v22, v23;
	v23 =	vor.u32 v15, v24;
	_ =	sdelay $0x1  }
0x1bf: {  	[tilespmem:v25+s4+$0x0] =	vst.idx.msk $0xffff, v22  }
0x1c0: {  	v22 =	vld.idx.msk [tilespmem:v26+s13+$0x0], $0xffff;
	_ =	sdelay $0x1  }
0x1c1: {  	v25 =	vld.idx.msk [tilespmem:v23+s4+$0x0], $0xffff;
	_ =	sdelay $0x3  }
0x1c2: {  	v26 =	vor.u32 v16, v20;
	v22 =	vmul.f32 v22, v21  }
0x1c3: {  	v27 =	vor.u32 v16, v24  }
0x1c4: {  	v22 =	vadd.f32 v22, v25;
	_ =	sdelay $0x1  }
0x1c5: {  	[tilespmem:v23+s4+$0x0] =	vst.idx.msk $0xffff, v22  }
0x1c6: {  	v22 =	vld.idx.msk [tilespmem:v26+s13+$0x0], $0xffff  }
0x1c7: {  	v23 =	vld.idx.msk [tilespmem:v27+s4+$0x0], $0xffff;
	_ =	sdelay $0x4  }
0x1c8: {  	v20 =	vor.u32 v17, v20;
	v22 =	vmul.f32 v22, v21  }
0x1c9: {  	v24 =	vor.u32 v17, v24  }
0x1ca: {  	v22 =	vadd.f32 v22, v23;
	_ =	sdelay $0x1  }
0x1cb: {  	[tilespmem:v27+s4+$0x0] =	vst.idx.msk $0xffff, v22  }
0x1cc: {  	v20 =	vld.idx.msk [tilespmem:v20+s13+$0x0], $0xffff  }
0x1cd: {  	v22 =	vld.idx.msk [tilespmem:v24+s4+$0x0], $0xffff;
	_ =	sdelay $0x4  }
0x1ce: {  	v20 =	vmul.f32 v20, v21;
	_ =	sdelay $0x1  }
0x1cf: {  	v20 =	vadd.f32 v20, v22;
	_ =	sdelay $0x1  }
0x1d0: {  	[tilespmem:v24+s4+$0x0] =	vst.idx.msk $0xffff, v20  }
0x1d1: {  	v24 =	vld.idx.msk [tilespmem:v19+s1+$0x0], $0xffff;
	_ =	sdelay $0x1  }
.Ltmp11:
0x1d2: {  	(pc) =	sbr.rel @p0 .LBB2_10-.Ltmp11, $4  }
0x1d3: {  	_ = 	snop  }
0x1d4: {  	v22 =	vmov s20  }
0x1d5: {  	v20 =	vshll.u32 v22, $0x7  }
0x1d6: {  	v23 =	vor.u32 v6, v20;
	v21 =	vadd.f32 v24, v21  }
0x1d7: {  	_ =	sdelay $0x3  }
0x1d8: {  	[tilespmem:v19+s1+$0x0] =	vst.idx.msk $0xffff, v21  }
0x1d9: {  	v19 =	vld.idx.msk [tilespmem:v22+s22+$0x0], $0xffff;
	_ =	sdelay $0x4  }
0x1da: {  	v51 =	vshll.u32 v19, $0x7  }
0x1db: {  	v24 =	vor.u32 v6, v51;
	_ =	sdelay $0x1  }
0x1dc: {  	v52 =	vld.idx.msk [tilespmem:v22+s14+$0x0], $0xffff  }
0x1dd: {  	v23 =	vld.idx.msk [tilespmem:v23+s13+$0x0], $0xffff;
	_ =	sdelay $0x1  }
0x1de: {  	v25 =	vld.idx.msk [tilespmem:v24+s4+$0x0], $0xffff;
	_ =	sdelay $0x2  }
0x1df: {  	v26 =	vor.u32 v11, v20;
	v23 =	vmul.f32 v23, v52;
	_ =	sdelay $0x1  }
0x1e0: {  	v53 =	vor.u32 v11, v51;
	v23 =	vadd.f32 v23, v25;
	_ =	sdelay $0x1  }
0x1e1: {  	[tilespmem:v24+s4+$0x0] =	vst.idx.msk $0xffff, v23  }
0x1e2: {  	v23 =	vld.idx.msk [tilespmem:v26+s13+$0x0], $0xffff;
	_ =	sdelay $0x1  }
0x1e3: {  	v24 =	vld.idx.msk [tilespmem:v53+s4+$0x0], $0xffff;
	_ =	sdelay $0x2  }
0x1e4: {  	v54 =	vor.u32 v12, v20;
	v23 =	vmul.f32 v23, v52;
	_ =	sdelay $0x1  }
0x1e5: {  	v55 =	vor.u32 v12, v51;
	v23 =	vadd.f32 v23, v24;
	_ =	sdelay $0x1  }
0x1e6: {  	[tilespmem:v53+s4+$0x0] =	vst.idx.msk $0xffff, v23  }
0x1e7: {  	v23 =	vld.idx.msk [tilespmem:v54+s13+$0x0], $0xffff;
	_ =	sdelay $0x1  }
0x1e8: {  	v25 =	vld.idx.msk [tilespmem:v55+s4+$0x0], $0xffff;
	_ =	sdelay $0x2  }
0x1e9: {  	v56 =	vor.u32 v13, v20;
	v23 =	vmul.f32 v23, v52;
	_ =	sdelay $0x1  }
0x1ea: {  	v57 =	vor.u32 v13, v51;
	v23 =	vadd.f32 v23, v25;
	_ =	sdelay $0x1  }
0x1eb: {  	[tilespmem:v55+s4+$0x0] =	vst.idx.msk $0xffff, v23  }
0x1ec: {  	v23 =	vld.idx.msk [tilespmem:v56+s13+$0x0], $0xffff;
	_ =	sdelay $0x1  }
0x1ed: {  	v24 =	vld.idx.msk [tilespmem:v57+s4+$0x0], $0xffff;
	_ =	sdelay $0x2  }
0x1ee: {  	v58 =	vor.u32 v14, v20;
	v23 =	vmul.f32 v23, v52;
	_ =	sdelay $0x1  }
0x1ef: {  	v59 =	vor.u32 v14, v51;
	v23 =	vadd.f32 v23, v24;
	_ =	sdelay $0x1  }
0x1f0: {  	[tilespmem:v57+s4+$0x0] =	vst.idx.msk $0xffff, v23  }
0x1f1: {  	v23 =	vld.idx.msk [tilespmem:v58+s13+$0x0], $0xffff;
	_ =	sdelay $0x1  }
0x1f2: {  	v25 =	vld.idx.msk [tilespmem:v59+s4+$0x0], $0xffff;
	_ =	sdelay $0x2  }
0x1f3: {  	v60 =	vor.u32 v15, v20;
	v23 =	vmul.f32 v23, v52;
	_ =	sdelay $0x1  }
0x1f4: {  	v61 =	vor.u32 v15, v51;
	v23 =	vadd.f32 v23, v25;
	_ =	sdelay $0x1  }
0x1f5: {  	[tilespmem:v59+s4+$0x0] =	vst.idx.msk $0xffff, v23  }
0x1f6: {  	v23 =	vld.idx.msk [tilespmem:v60+s13+$0x0], $0xffff;
	_ =	sdelay $0x1  }
0x1f7: {  	v24 =	vld.idx.msk [tilespmem:v61+s4+$0x0], $0xffff;
	_ =	sdelay $0x2  }
0x1f8: {  	v62 =	vor.u32 v16, v20;
	v23 =	vmul.f32 v23, v52;
	_ =	sdelay $0x1  }
0x1f9: {  	v27 =	vor.u32 v16, v51;
	v23 =	vadd.f32 v23, v24;
	_ =	sdelay $0x1  }
0x1fa: {  	[tilespmem:v61+s4+$0x0] =	vst.idx.msk $0xffff, v23  }
0x1fb: {  	v23 =	vld.idx.msk [tilespmem:v62+s13+$0x0], $0xffff;
	_ =	sdelay $0x1  }
0x1fc: {  	v63 =	vld.idx.msk [tilespmem:v27+s4+$0x0], $0xffff;
	_ =	sdelay $0x2  }
0x1fd: {  	v20 =	vor.u32 v17, v20;
	v23 =	vmul.f32 v23, v52;
	_ =	sdelay $0x1  }
0x1fe: {  	v21 =	vor.u32 v17, v51;
	v23 =	vadd.f32 v23, v63;
	_ =	sdelay $0x1  }
0x1ff: {  	[tilespmem:v27+s4+$0x0] =	vst.idx.msk $0xffff, v23  }
0x200: {  	v20 =	vld.idx.msk [tilespmem:v20+s13+$0x0], $0xffff;
	_ =	sdelay $0x1  }
0x201: {  	v23 =	vld.idx.msk [tilespmem:v21+s4+$0x0], $0xffff;
	_ =	sdelay $0x2  }
0x202: {  	v20 =	vmul.f32 v20, v52;
	_ =	sdelay $0x1  }
0x203: {  	v20 =	vadd.f32 v20, v23;
	_ =	sdelay $0x1  }
0x204: {  	[tilespmem:v21+s4+$0x0] =	vst.idx.msk $0xffff, v20  }
0x205: {  	v20 =	vld.idx.msk [tilespmem:v19+s1+$0x0], $0xffff  }
0x206: {  	s18 =	sadd.s32 $0x1, s18  }
0x207: {  	p0 =	sne.s32 s18, s17  }
.Ltmp12:
0x208: {  	_ = 	snop;
	(pc) =	sbr.rel @p0 .LBB2_9-.Ltmp12, $4  }
.Ltmp13:
0x209: {  	_ = 	snop;
	(pc) =	sbr.rel @!p0 .LBB2_12-.Ltmp13, $4  }
0x20a: {  	v20 =	vadd.f32 v20, v52  }
0x20b: {  	_ = 	snop  }
0x20c: {  	[tilespmem:v19+s1+$0x0] =	vst.idx.msk $0xffff, v20  }
0x20d: {  	_ = 	snop  }
.LBB2_16:
0x20e: {  	_ =	sfence.sel $0x180000  }
0x20f: {  	[bflag:$0x0] =	sbarrier.arrive $0xFFFF  }
0x210: {  	_ =	strace $0x90000047  }
0x211: {  	s0 =	stileid.u32;
	[bflag:$0x2] =	sbarrier.arrive $0xFFFF  }
0x212: {  	p0 =	sne.s32 s0, $0x0;
	s0 =	rddreg [dreg:$0x4]  }
0x213: {  	s0 =	sadd.s32 @!p0 $0x100000, s0  }
0x214: {  	[sflag:s0] =	ssyncadd.tile.s32 @!p0 $0x1;
	_ =	shalt  }
.Lfunc_end2:
_tile_overlayer_lowered:
.L_overlay_start_2:
0x215: {  	(tag) =	ssettag $0x2  }
0x216: {  	s0 =	rddreg [dreg:$0x0];
	s2 =	stileid.u32  }
0x217: {  	s1 =	rddreg [dreg:$0x1];
	p0 =	sne.s32 s2, $0x0  }
0x218: {  	s3 =	rddreg [dreg:$0x2];
	[bflag:$0x3] =	sbarrier.arrive $0xFFFF;
	s2 =	simm.s32 @!p0 $0x1C03  }
0x219: {  	[timem:s3], [sflag:s2] =	dma.local @!p0 [hbm:s0], s1  }
0x21a: {  	s0 =	simm.s32 @!p0 $0x3  }
0x21b: {  	_ =	swait.ge @!p0 [sflag:s0], s1  }
0x21c: {  	s1 =	ssub.s32 @!p0 $0x0, s1;
	[sflag:s0] =	ssyncset.done @!p0 $0x0  }
0x21d: {  	[sflag:s0] =	ssyncadd.s32 @!p0 s1  }
0x21e: {  	[bflag:$0x3] =	sbarrier.arrive $0xFFFF  }
0x21f: {  	_ =	shalt  }

</sc_bundles>
